<compile_context>
chip_gen: v7x
topology: tpu7x:2x2x1
jax: 0.10.2.dev20260603
libtpu: 0.0.44.dev20260713+nightly
codegen_flags: <defaults>
</compile_context>

<pallas_src>
import functools

import jax
import jax.numpy as jnp
from jax import lax
from jax.experimental import pallas as pl
from jax.experimental.pallas import tpu as pltpu
from jax.experimental.pallas import tpu_sc as plsc

K = 90
MU = 3.5
BATCH = 16384

NC = 2
NS = 16
L = 16
NW = NC * NS
B_PER_W = BATCH // NW
IDX_CHUNK = 128
N_IDX_CHUNKS = B_PER_W // IDX_CHUNK
N_GROUPS = B_PER_W // L


def _lfm_body(uidx_hbm, iidx_hbm, p_hbm, q_hbm, bu_hbm, bi_hbm, out_hbm,
              uidx_v, iidx_v, p_rows, q_rows, bu_v, bi_v, out_v,
              sem_p, sem_q, sem_b):
    wid = lax.axis_index("s") * NC + lax.axis_index("c")
    base = wid * B_PER_W

    for c in range(N_IDX_CHUNKS):
        src = pl.ds(base + c * IDX_CHUNK, IDX_CHUNK)
        pltpu.sync_copy(uidx_hbm.at[src], uidx_v.at[c])
        pltpu.sync_copy(iidx_hbm.at[src], iidx_v.at[c])

    bias_copies = []
    for c in range(N_IDX_CHUNKS):
        sl = pl.ds(c * IDX_CHUNK, IDX_CHUNK)
        bias_copies.append(pltpu.async_copy(bu_hbm.at[uidx_v.at[c]], bu_v.at[sl], sem_b))
        bias_copies.append(pltpu.async_copy(bi_hbm.at[iidx_v.at[c]], bi_v.at[sl], sem_b))

    lane = lax.iota(jnp.int32, L)
    tail_mask = lane >= (80 - (K - L))

    def group_step(g, _):
        c = g // (IDX_CHUNK // L)
        o = (g % (IDX_CHUNK // L)) * L
        uvec = uidx_v[c, pl.ds(o, L)]
        ivec = iidx_v[c, pl.ds(o, L)]
        cps = []
        for j in range(L):
            cps.append(pltpu.async_copy(p_hbm.at[uvec[j]], p_rows.at[j], sem_p))
            cps.append(pltpu.async_copy(q_hbm.at[ivec[j]], q_rows.at[j], sem_q))
        for cp in cps:
            cp.wait()
        vec = jnp.zeros((L,), jnp.float32)
        for j in range(L):
            acc = p_rows[j, pl.ds(0, L)] * q_rows[j, pl.ds(0, L)]
            for c0 in (16, 32, 48, 64):
                acc = acc + p_rows[j, pl.ds(c0, L)] * q_rows[j, pl.ds(c0, L)]
            tail = p_rows[j, pl.ds(K - L, L)] * q_rows[j, pl.ds(K - L, L)]
            acc = acc + jnp.where(tail_mask, tail, 0.0)
            for k in (8, 4, 2, 1):
                acc = acc + jnp.take(acc, lane ^ k)
            vec = jnp.where(lane == j, acc, vec)
        out_v[pl.ds(g * L, L)] = vec
        return 0

    lax.fori_loop(0, N_GROUPS, group_step, 0)

    for cp in bias_copies:
        cp.wait()

    def bias_add(c, _):
        sl = pl.ds(c * L, L)
        out_v[sl] = out_v[sl] + bu_v[sl] + bi_v[sl] + MU
        return 0

    lax.fori_loop(0, B_PER_W // L, bias_add, 0, unroll=4)

    pltpu.sync_copy(out_v, out_hbm.at[pl.ds(base, B_PER_W)])


@jax.jit
def _lfm(user_idx, item_idx, P, Q, bu_flat, bi_flat):
    mesh = plsc.VectorSubcoreMesh(core_axis_name="c", subcore_axis_name="s")
    kern = functools.partial(
        pl.kernel,
        out_type=jax.ShapeDtypeStruct((BATCH,), jnp.float32),
        mesh=mesh,
        scratch_types=[
            pltpu.VMEM((N_IDX_CHUNKS, IDX_CHUNK), jnp.int32),
            pltpu.VMEM((N_IDX_CHUNKS, IDX_CHUNK), jnp.int32),
            pltpu.VMEM((L, K), jnp.float32),
            pltpu.VMEM((L, K), jnp.float32),
            pltpu.VMEM((B_PER_W,), jnp.float32),
            pltpu.VMEM((B_PER_W,), jnp.float32),
            pltpu.VMEM((B_PER_W,), jnp.float32),
            pltpu.SemaphoreType.DMA,
            pltpu.SemaphoreType.DMA,
            pltpu.SemaphoreType.DMA,
        ],
    )(_lfm_body)
    return kern(user_idx, item_idx, P, Q, bu_flat, bi_flat)


def kernel(user_idx, item_idx, P, Q, b_u, b_i):
    return _lfm(user_idx.astype(jnp.int32), item_idx.astype(jnp.int32),
                P, Q, b_u.reshape(-1), b_i.reshape(-1))

# --- scband reference (transcript-rebuilt; emitter-appended) ---
"""Pipeline reference for scband-latent-factor-model-54417235640866 (READ-ONLY COPY).

The authoritative reference and input builder live on the scoring server;
editing this copy changes nothing except your own understanding.
"""

import jax, jax.numpy as jnp
import numpy as np

N_USERS = 1000000
N_ITEMS = 100000
K = 90
MU = 3.5
BATCH = 16384


def setup_inputs(seed: int = 0) -> dict:
    key = jax.random.key(seed)
    k1, k2, k3, k4 = jax.random.split(key, 4)
    # xavier_uniform-like init for embedding tables
    limit_p = float(np.sqrt(6.0 / (N_USERS + K)))
    limit_q = float(np.sqrt(6.0 / (N_ITEMS + K)))
    P = jax.random.uniform(k1, (N_USERS, K), dtype=jnp.float32, minval=-limit_p, maxval=limit_p)
    Q = jax.random.uniform(k2, (N_ITEMS, K), dtype=jnp.float32, minval=-limit_q, maxval=limit_q)
    b_u = jnp.zeros((N_USERS, 1), dtype=jnp.float32)
    b_i = jnp.zeros((N_ITEMS, 1), dtype=jnp.float32)
    user_idx = jax.random.randint(k3, (BATCH,), 0, N_USERS, dtype=jnp.int64 if jax.config.jax_enable_x64 else jnp.int32)
    item_idx = jax.random.randint(k4, (BATCH,), 0, N_ITEMS, dtype=jnp.int64 if jax.config.jax_enable_x64 else jnp.int32)
    return {"user_idx": user_idx, "item_idx": item_idx, "P": P, "Q": Q, "b_u": b_u, "b_i": b_i}


def reference(user_idx, item_idx, P, Q, b_u, b_i):
    # Faithful translation of ReviewRatingModel.forward
    p_u = jnp.take(P, user_idx, axis=0)          # [B, K] embedding gather
    q_i = jnp.take(Q, item_idx, axis=0)          # [B, K]
    bu = jnp.take(b_u, user_idx, axis=0)[:, 0]   # [B] (squeeze(-1))
    bi = jnp.take(b_i, item_idx, axis=0)[:, 0]   # [B]
    dot_product = jnp.sum(p_u * q_i, axis=1)     # [B]
    return MU + bu + bi + dot_product

if __name__ == "__main__":
    import jax
    _d = setup_inputs()
    print(jax.jit(kernel)(*tuple(_d.values())))

</pallas_src>

<mosaic_0001>
#map = affine_map<(d0, d1) -> (0)>
#map1 = affine_map<(d0, d1) -> (0, 0)>
module attributes {stable_mosaic.version = 14 : i64} {
  func.func @_lfm_body(%arg0: i32, %arg1: i32, %arg2: memref<16384xi32, #tpu.memory_space<hbm>>, %arg3: memref<16384xi32, #tpu.memory_space<hbm>>, %arg4: memref<1000000x90xf32, #tpu.memory_space<hbm>>, %arg5: memref<100000x90xf32, #tpu.memory_space<hbm>>, %arg6: memref<1000000xf32, #tpu.memory_space<hbm>>, %arg7: memref<100000xf32, #tpu.memory_space<hbm>>, %arg8: memref<16384xf32, #tpu.memory_space<hbm>>, %arg9: memref<4x128xi32, #tpu.memory_space<vmem>>, %arg10: memref<4x128xi32, #tpu.memory_space<vmem>>, %arg11: memref<16x90xf32, #tpu.memory_space<vmem>>, %arg12: memref<16x90xf32, #tpu.memory_space<vmem>>, %arg13: memref<512xf32, #tpu.memory_space<vmem>>, %arg14: memref<512xf32, #tpu.memory_space<vmem>>, %arg15: memref<512xf32, #tpu.memory_space<vmem>>, %arg16: memref<!tpu.dma_semaphore, #tpu.memory_space<semaphore_mem>>, %arg17: memref<!tpu.dma_semaphore, #tpu.memory_space<semaphore_mem>>, %arg18: memref<!tpu.dma_semaphore, #tpu.memory_space<semaphore_mem>>) attributes {dimension_semantics = [#tpu.dimension_semantics<core_parallel>, #tpu.dimension_semantics<subcore_parallel>], iteration_bounds = array<i64: 2, 16>, scalar_prefetch = 0 : i64, scratch_operands = 10 : i64, tpu.core_type = #tpu.core_type<sc_vector_subcore>, window_params = [{transform_indices = #map}, {transform_indices = #map}, {transform_indices = #map1}, {transform_indices = #map1}, {transform_indices = #map}, {transform_indices = #map}, {transform_indices = #map}]} {
    %mul3A = arith.constant 2 : i32
    %mul3A_0 = arith.muli %arg1, %mul3A : i32
    %add3A = arith.addi %mul3A_0, %arg0 : i32
    %mul3A_1 = arith.constant 512 : i32
    %mul3A_2 = arith.muli %add3A, %mul3A_1 : i32
    %add3A_3 = arith.constant 0 : i32
    %add3A_4 = arith.addi %mul3A_2, %add3A_3 : i32
    %run_scoped3A = arith.constant 0 : i32
    "tpu.region"() ({
      %run_scoped3A_159 = tpu.sem_alloc : memref<!tpu.dma_semaphore, #tpu.memory_space<semaphore_mem>>
      %dma_start3A_160 = arith.constant 0 : i32
      %dma_start3A_161 = tpu.memref_slice %arg9[%run_scoped3A, %dma_start3A_160] : memref<4x128xi32, #tpu.memory_space<vmem>> -> memref<1x128xi32, #tpu.memory_space<vmem>>
      %dma_start3A_162 = tpu.memref_squeeze %dma_start3A_161 : memref<1x128xi32, #tpu.memory_space<vmem>> -> memref<128xi32, #tpu.memory_space<vmem>>
      %dma_start3A_163 = tpu.memref_slice %arg2[%add3A_4] : memref<16384xi32, #tpu.memory_space<hbm>> -> memref<128xi32, #tpu.memory_space<hbm>>
      %dma_start3A_164 = arith.constant 0 : i32
      %dma_start3A_165 = tpu.memref_slice %arg9[%run_scoped3A, %dma_start3A_164] : memref<4x128xi32, #tpu.memory_space<vmem>> -> memref<1x128xi32, #tpu.memory_space<vmem>>
      %dma_start3A_166 = tpu.memref_squeeze %dma_start3A_165 : memref<1x128xi32, #tpu.memory_space<vmem>> -> memref<128xi32, #tpu.memory_space<vmem>>
      %dma_start3A_167 = tpu.memref_slice %arg2[%add3A_4] : memref<16384xi32, #tpu.memory_space<hbm>> -> memref<128xi32, #tpu.memory_space<hbm>>
      tpu.enqueue_dma source(%dma_start3A_167 : memref<128xi32, #tpu.memory_space<hbm>>) target(%dma_start3A_166 : memref<128xi32, #tpu.memory_space<vmem>>) target_semaphore(%run_scoped3A_159 : memref<!tpu.dma_semaphore, #tpu.memory_space<semaphore_mem>>)
      %dma_wait3A_168 = arith.constant 0 : i32
      %dma_wait3A_169 = tpu.memref_slice %arg9[%run_scoped3A, %dma_wait3A_168] : memref<4x128xi32, #tpu.memory_space<vmem>> -> memref<1x128xi32, #tpu.memory_space<vmem>>
      %dma_wait3A_170 = tpu.memref_squeeze %dma_wait3A_169 : memref<1x128xi32, #tpu.memory_space<vmem>> -> memref<128xi32, #tpu.memory_space<vmem>>
      %dma_wait3A_171 = tpu.memref_slice %arg2[%add3A_4] : memref<16384xi32, #tpu.memory_space<hbm>> -> memref<128xi32, #tpu.memory_space<hbm>>
      %dma_wait3A_172 = arith.constant 0 : i32
      %dma_wait3A_173 = tpu.memref_slice %arg9[%run_scoped3A, %dma_wait3A_172] : memref<4x128xi32, #tpu.memory_space<vmem>> -> memref<1x128xi32, #tpu.memory_space<vmem>>
      %dma_wait3A_174 = tpu.memref_squeeze %dma_wait3A_173 : memref<1x128xi32, #tpu.memory_space<vmem>> -> memref<128xi32, #tpu.memory_space<vmem>>
      %dma_wait3A_175 = tpu.memref_slice %arg2[%add3A_4] : memref<16384xi32, #tpu.memory_space<hbm>> -> memref<128xi32, #tpu.memory_space<hbm>>
      tpu.wait_dma2 semaphore(%run_scoped3A_159 : memref<!tpu.dma_semaphore, #tpu.memory_space<semaphore_mem>>) src(%dma_wait3A_175 : memref<128xi32, #tpu.memory_space<hbm>>) dst(%dma_wait3A_174 : memref<128xi32, #tpu.memory_space<vmem>>)
      tpu.yield
    }) : () -> ()
    %run_scoped3A_5 = arith.constant 0 : i32
    "tpu.region"() ({
      %run_scoped3A_159 = tpu.sem_alloc : memref<!tpu.dma_semaphore, #tpu.memory_space<semaphore_mem>>
      %dma_start3A_160 = arith.constant 0 : i32
      %dma_start3A_161 = tpu.memref_slice %arg10[%run_scoped3A_5, %dma_start3A_160] : memref<4x128xi32, #tpu.memory_space<vmem>> -> memref<1x128xi32, #tpu.memory_space<vmem>>
      %dma_start3A_162 = tpu.memref_squeeze %dma_start3A_161 : memref<1x128xi32, #tpu.memory_space<vmem>> -> memref<128xi32, #tpu.memory_space<vmem>>
      %dma_start3A_163 = tpu.memref_slice %arg3[%add3A_4] : memref<16384xi32, #tpu.memory_space<hbm>> -> memref<128xi32, #tpu.memory_space<hbm>>
      %dma_start3A_164 = arith.constant 0 : i32
      %dma_start3A_165 = tpu.memref_slice %arg10[%run_scoped3A_5, %dma_start3A_164] : memref<4x128xi32, #tpu.memory_space<vmem>> -> memref<1x128xi32, #tpu.memory_space<vmem>>
      %dma_start3A_166 = tpu.memref_squeeze %dma_start3A_165 : memref<1x128xi32, #tpu.memory_space<vmem>> -> memref<128xi32, #tpu.memory_space<vmem>>
      %dma_start3A_167 = tpu.memref_slice %arg3[%add3A_4] : memref<16384xi32, #tpu.memory_space<hbm>> -> memref<128xi32, #tpu.memory_space<hbm>>
      tpu.enqueue_dma source(%dma_start3A_167 : memref<128xi32, #tpu.memory_space<hbm>>) target(%dma_start3A_166 : memref<128xi32, #tpu.memory_space<vmem>>) target_semaphore(%run_scoped3A_159 : memref<!tpu.dma_semaphore, #tpu.memory_space<semaphore_mem>>)
      %dma_wait3A_168 = arith.constant 0 : i32
      %dma_wait3A_169 = tpu.memref_slice %arg10[%run_scoped3A_5, %dma_wait3A_168] : memref<4x128xi32, #tpu.memory_space<vmem>> -> memref<1x128xi32, #tpu.memory_space<vmem>>
      %dma_wait3A_170 = tpu.memref_squeeze %dma_wait3A_169 : memref<1x128xi32, #tpu.memory_space<vmem>> -> memref<128xi32, #tpu.memory_space<vmem>>
      %dma_wait3A_171 = tpu.memref_slice %arg3[%add3A_4] : memref<16384xi32, #tpu.memory_space<hbm>> -> memref<128xi32, #tpu.memory_space<hbm>>
      %dma_wait3A_172 = arith.constant 0 : i32
      %dma_wait3A_173 = tpu.memref_slice %arg10[%run_scoped3A_5, %dma_wait3A_172] : memref<4x128xi32, #tpu.memory_space<vmem>> -> memref<1x128xi32, #tpu.memory_space<vmem>>
      %dma_wait3A_174 = tpu.memref_squeeze %dma_wait3A_173 : memref<1x128xi32, #tpu.memory_space<vmem>> -> memref<128xi32, #tpu.memory_space<vmem>>
      %dma_wait3A_175 = tpu.memref_slice %arg3[%add3A_4] : memref<16384xi32, #tpu.memory_space<hbm>> -> memref<128xi32, #tpu.memory_space<hbm>>
      tpu.wait_dma2 semaphore(%run_scoped3A_159 : memref<!tpu.dma_semaphore, #tpu.memory_space<semaphore_mem>>) src(%dma_wait3A_175 : memref<128xi32, #tpu.memory_space<hbm>>) dst(%dma_wait3A_174 : memref<128xi32, #tpu.memory_space<vmem>>)
      tpu.yield
    }) : () -> ()
    %add3A_6 = arith.constant 128 : i32
    %add3A_7 = arith.addi %mul3A_2, %add3A_6 : i32
    %run_scoped3A_8 = arith.constant 1 : i32
    "tpu.region"() ({
      %run_scoped3A_159 = tpu.sem_alloc : memref<!tpu.dma_semaphore, #tpu.memory_space<semaphore_mem>>
      %dma_start3A_160 = arith.constant 0 : i32
      %dma_start3A_161 = tpu.memref_slice %arg9[%run_scoped3A_8, %dma_start3A_160] : memref<4x128xi32, #tpu.memory_space<vmem>> -> memref<1x128xi32, #tpu.memory_space<vmem>>
      %dma_start3A_162 = tpu.memref_squeeze %dma_start3A_161 : memref<1x128xi32, #tpu.memory_space<vmem>> -> memref<128xi32, #tpu.memory_space<vmem>>
      %dma_start3A_163 = tpu.memref_slice %arg2[%add3A_7] : memref<16384xi32, #tpu.memory_space<hbm>> -> memref<128xi32, #tpu.memory_space<hbm>>
      %dma_start3A_164 = arith.constant 0 : i32
      %dma_start3A_165 = tpu.memref_slice %arg9[%run_scoped3A_8, %dma_start3A_164] : memref<4x128xi32, #tpu.memory_space<vmem>> -> memref<1x128xi32, #tpu.memory_space<vmem>>
      %dma_start3A_166 = tpu.memref_squeeze %dma_start3A_165 : memref<1x128xi32, #tpu.memory_space<vmem>> -> memref<128xi32, #tpu.memory_space<vmem>>
      %dma_start3A_167 = tpu.memref_slice %arg2[%add3A_7] : memref<16384xi32, #tpu.memory_space<hbm>> -> memref<128xi32, #tpu.memory_space<hbm>>
      tpu.enqueue_dma source(%dma_start3A_167 : memref<128xi32, #tpu.memory_space<hbm>>) target(%dma_start3A_166 : memref<128xi32, #tpu.memory_space<vmem>>) target_semaphore(%run_scoped3A_159 : memref<!tpu.dma_semaphore, #tpu.memory_space<semaphore_mem>>)
      %dma_wait3A_168 = arith.constant 0 : i32
      %dma_wait3A_169 = tpu.memref_slice %arg9[%run_scoped3A_8, %dma_wait3A_168] : memref<4x128xi32, #tpu.memory_space<vmem>> -> memref<1x128xi32, #tpu.memory_space<vmem>>
      %dma_wait3A_170 = tpu.memref_squeeze %dma_wait3A_169 : memref<1x128xi32, #tpu.memory_space<vmem>> -> memref<128xi32, #tpu.memory_space<vmem>>
      %dma_wait3A_171 = tpu.memref_slice %arg2[%add3A_7] : memref<16384xi32, #tpu.memory_space<hbm>> -> memref<128xi32, #tpu.memory_space<hbm>>
      %dma_wait3A_172 = arith.constant 0 : i32
      %dma_wait3A_173 = tpu.memref_slice %arg9[%run_scoped3A_8, %dma_wait3A_172] : memref<4x128xi32, #tpu.memory_space<vmem>> -> memref<1x128xi32, #tpu.memory_space<vmem>>
      %dma_wait3A_174 = tpu.memref_squeeze %dma_wait3A_173 : memref<1x128xi32, #tpu.memory_space<vmem>> -> memref<128xi32, #tpu.memory_space<vmem>>
      %dma_wait3A_175 = tpu.memref_slice %arg2[%add3A_7] : memref<16384xi32, #tpu.memory_space<hbm>> -> memref<128xi32, #tpu.memory_space<hbm>>
      tpu.wait_dma2 semaphore(%run_scoped3A_159 : memref<!tpu.dma_semaphore, #tpu.memory_space<semaphore_mem>>) src(%dma_wait3A_175 : memref<128xi32, #tpu.memory_space<hbm>>) dst(%dma_wait3A_174 : memref<128xi32, #tpu.memory_space<vmem>>)
      tpu.yield
    }) : () -> ()
    %run_scoped3A_9 = arith.constant 1 : i32
    "tpu.region"() ({
      %run_scoped3A_159 = tpu.sem_alloc : memref<!tpu.dma_semaphore, #tpu.memory_space<semaphore_mem>>
      %dma_start3A_160 = arith.constant 0 : i32
      %dma_start3A_161 = tpu.memref_slice %arg10[%run_scoped3A_9, %dma_start3A_160] : memref<4x128xi32, #tpu.memory_space<vmem>> -> memref<1x128xi32, #tpu.memory_space<vmem>>
      %dma_start3A_162 = tpu.memref_squeeze %dma_start3A_161 : memref<1x128xi32, #tpu.memory_space<vmem>> -> memref<128xi32, #tpu.memory_space<vmem>>
      %dma_start3A_163 = tpu.memref_slice %arg3[%add3A_7] : memref<16384xi32, #tpu.memory_space<hbm>> -> memref<128xi32, #tpu.memory_space<hbm>>
      %dma_start3A_164 = arith.constant 0 : i32
      %dma_start3A_165 = tpu.memref_slice %arg10[%run_scoped3A_9, %dma_start3A_164] : memref<4x128xi32, #tpu.memory_space<vmem>> -> memref<1x128xi32, #tpu.memory_space<vmem>>
      %dma_start3A_166 = tpu.memref_squeeze %dma_start3A_165 : memref<1x128xi32, #tpu.memory_space<vmem>> -> memref<128xi32, #tpu.memory_space<vmem>>
      %dma_start3A_167 = tpu.memref_slice %arg3[%add3A_7] : memref<16384xi32, #tpu.memory_space<hbm>> -> memref<128xi32, #tpu.memory_space<hbm>>
      tpu.enqueue_dma source(%dma_start3A_167 : memref<128xi32, #tpu.memory_space<hbm>>) target(%dma_start3A_166 : memref<128xi32, #tpu.memory_space<vmem>>) target_semaphore(%run_scoped3A_159 : memref<!tpu.dma_semaphore, #tpu.memory_space<semaphore_mem>>)
      %dma_wait3A_168 = arith.constant 0 : i32
      %dma_wait3A_169 = tpu.memref_slice %arg10[%run_scoped3A_9, %dma_wait3A_168] : memref<4x128xi32, #tpu.memory_space<vmem>> -> memref<1x128xi32, #tpu.memory_space<vmem>>
      %dma_wait3A_170 = tpu.memref_squeeze %dma_wait3A_169 : memref<1x128xi32, #tpu.memory_space<vmem>> -> memref<128xi32, #tpu.memory_space<vmem>>
      %dma_wait3A_171 = tpu.memref_slice %arg3[%add3A_7] : memref<16384xi32, #tpu.memory_space<hbm>> -> memref<128xi32, #tpu.memory_space<hbm>>
      %dma_wait3A_172 = arith.constant 0 : i32
      %dma_wait3A_173 = tpu.memref_slice %arg10[%run_scoped3A_9, %dma_wait3A_172] : memref<4x128xi32, #tpu.memory_space<vmem>> -> memref<1x128xi32, #tpu.memory_space<vmem>>
      %dma_wait3A_174 = tpu.memref_squeeze %dma_wait3A_173 : memref<1x128xi32, #tpu.memory_space<vmem>> -> memref<128xi32, #tpu.memory_space<vmem>>
      %dma_wait3A_175 = tpu.memref_slice %arg3[%add3A_7] : memref<16384xi32, #tpu.memory_space<hbm>> -> memref<128xi32, #tpu.memory_space<hbm>>
      tpu.wait_dma2 semaphore(%run_scoped3A_159 : memref<!tpu.dma_semaphore, #tpu.memory_space<semaphore_mem>>) src(%dma_wait3A_175 : memref<128xi32, #tpu.memory_space<hbm>>) dst(%dma_wait3A_174 : memref<128xi32, #tpu.memory_space<vmem>>)
      tpu.yield
    }) : () -> ()
    %add3A_10 = arith.constant 256 : i32
    %add3A_11 = arith.addi %mul3A_2, %add3A_10 : i32
    %run_scoped3A_12 = arith.constant 2 : i32
    "tpu.region"() ({
      %run_scoped3A_159 = tpu.sem_alloc : memref<!tpu.dma_semaphore, #tpu.memory_space<semaphore_mem>>
      %dma_start3A_160 = arith.constant 0 : i32
      %dma_start3A_161 = tpu.memref_slice %arg9[%run_scoped3A_12, %dma_start3A_160] : memref<4x128xi32, #tpu.memory_space<vmem>> -> memref<1x128xi32, #tpu.memory_space<vmem>>
      %dma_start3A_162 = tpu.memref_squeeze %dma_start3A_161 : memref<1x128xi32, #tpu.memory_space<vmem>> -> memref<128xi32, #tpu.memory_space<vmem>>
      %dma_start3A_163 = tpu.memref_slice %arg2[%add3A_11] : memref<16384xi32, #tpu.memory_space<hbm>> -> memref<128xi32, #tpu.memory_space<hbm>>
      %dma_start3A_164 = arith.constant 0 : i32
      %dma_start3A_165 = tpu.memref_slice %arg9[%run_scoped3A_12, %dma_start3A_164] : memref<4x128xi32, #tpu.memory_space<vmem>> -> memref<1x128xi32, #tpu.memory_space<vmem>>
      %dma_start3A_166 = tpu.memref_squeeze %dma_start3A_165 : memref<1x128xi32, #tpu.memory_space<vmem>> -> memref<128xi32, #tpu.memory_space<vmem>>
      %dma_start3A_167 = tpu.memref_slice %arg2[%add3A_11] : memref<16384xi32, #tpu.memory_space<hbm>> -> memref<128xi32, #tpu.memory_space<hbm>>
      tpu.enqueue_dma source(%dma_start3A_167 : memref<128xi32, #tpu.memory_space<hbm>>) target(%dma_start3A_166 : memref<128xi32, #tpu.memory_space<vmem>>) target_semaphore(%run_scoped3A_159 : memref<!tpu.dma_semaphore, #tpu.memory_space<semaphore_mem>>)
      %dma_wait3A_168 = arith.constant 0 : i32
      %dma_wait3A_169 = tpu.memref_slice %arg9[%run_scoped3A_12, %dma_wait3A_168] : memref<4x128xi32, #tpu.memory_space<vmem>> -> memref<1x128xi32, #tpu.memory_space<vmem>>
      %dma_wait3A_170 = tpu.memref_squeeze %dma_wait3A_169 : memref<1x128xi32, #tpu.memory_space<vmem>> -> memref<128xi32, #tpu.memory_space<vmem>>
      %dma_wait3A_171 = tpu.memref_slice %arg2[%add3A_11] : memref<16384xi32, #tpu.memory_space<hbm>> -> memref<128xi32, #tpu.memory_space<hbm>>
      %dma_wait3A_172 = arith.constant 0 : i32
      %dma_wait3A_173 = tpu.memref_slice %arg9[%run_scoped3A_12, %dma_wait3A_172] : memref<4x128xi32, #tpu.memory_space<vmem>> -> memref<1x128xi32, #tpu.memory_space<vmem>>
      %dma_wait3A_174 = tpu.memref_squeeze %dma_wait3A_173 : memref<1x128xi32, #tpu.memory_space<vmem>> -> memref<128xi32, #tpu.memory_space<vmem>>
      %dma_wait3A_175 = tpu.memref_slice %arg2[%add3A_11] : memref<16384xi32, #tpu.memory_space<hbm>> -> memref<128xi32, #tpu.memory_space<hbm>>
      tpu.wait_dma2 semaphore(%run_scoped3A_159 : memref<!tpu.dma_semaphore, #tpu.memory_space<semaphore_mem>>) src(%dma_wait3A_175 : memref<128xi32, #tpu.memory_space<hbm>>) dst(%dma_wait3A_174 : memref<128xi32, #tpu.memory_space<vmem>>)
      tpu.yield
    }) : () -> ()
    %run_scoped3A_13 = arith.constant 2 : i32
    "tpu.region"() ({
      %run_scoped3A_159 = tpu.sem_alloc : memref<!tpu.dma_semaphore, #tpu.memory_space<semaphore_mem>>
      %dma_start3A_160 = arith.constant 0 : i32
      %dma_start3A_161 = tpu.memref_slice %arg10[%run_scoped3A_13, %dma_start3A_160] : memref<4x128xi32, #tpu.memory_space<vmem>> -> memref<1x128xi32, #tpu.memory_space<vmem>>
      %dma_start3A_162 = tpu.memref_squeeze %dma_start3A_161 : memref<1x128xi32, #tpu.memory_space<vmem>> -> memref<128xi32, #tpu.memory_space<vmem>>
      %dma_start3A_163 = tpu.memref_slice %arg3[%add3A_11] : memref<16384xi32, #tpu.memory_space<hbm>> -> memref<128xi32, #tpu.memory_space<hbm>>
      %dma_start3A_164 = arith.constant 0 : i32
      %dma_start3A_165 = tpu.memref_slice %arg10[%run_scoped3A_13, %dma_start3A_164] : memref<4x128xi32, #tpu.memory_space<vmem>> -> memref<1x128xi32, #tpu.memory_space<vmem>>
      %dma_start3A_166 = tpu.memref_squeeze %dma_start3A_165 : memref<1x128xi32, #tpu.memory_space<vmem>> -> memref<128xi32, #tpu.memory_space<vmem>>
      %dma_start3A_167 = tpu.memref_slice %arg3[%add3A_11] : memref<16384xi32, #tpu.memory_space<hbm>> -> memref<128xi32, #tpu.memory_space<hbm>>
      tpu.enqueue_dma source(%dma_start3A_167 : memref<128xi32, #tpu.memory_space<hbm>>) target(%dma_start3A_166 : memref<128xi32, #tpu.memory_space<vmem>>) target_semaphore(%run_scoped3A_159 : memref<!tpu.dma_semaphore, #tpu.memory_space<semaphore_mem>>)
      %dma_wait3A_168 = arith.constant 0 : i32
      %dma_wait3A_169 = tpu.memref_slice %arg10[%run_scoped3A_13, %dma_wait3A_168] : memref<4x128xi32, #tpu.memory_space<vmem>> -> memref<1x128xi32, #tpu.memory_space<vmem>>
      %dma_wait3A_170 = tpu.memref_squeeze %dma_wait3A_169 : memref<1x128xi32, #tpu.memory_space<vmem>> -> memref<128xi32, #tpu.memory_space<vmem>>
      %dma_wait3A_171 = tpu.memref_slice %arg3[%add3A_11] : memref<16384xi32, #tpu.memory_space<hbm>> -> memref<128xi32, #tpu.memory_space<hbm>>
      %dma_wait3A_172 = arith.constant 0 : i32
      %dma_wait3A_173 = tpu.memref_slice %arg10[%run_scoped3A_13, %dma_wait3A_172] : memref<4x128xi32, #tpu.memory_space<vmem>> -> memref<1x128xi32, #tpu.memory_space<vmem>>
      %dma_wait3A_174 = tpu.memref_squeeze %dma_wait3A_173 : memref<1x128xi32, #tpu.memory_space<vmem>> -> memref<128xi32, #tpu.memory_space<vmem>>
      %dma_wait3A_175 = tpu.memref_slice %arg3[%add3A_11] : memref<16384xi32, #tpu.memory_space<hbm>> -> memref<128xi32, #tpu.memory_space<hbm>>
      tpu.wait_dma2 semaphore(%run_scoped3A_159 : memref<!tpu.dma_semaphore, #tpu.memory_space<semaphore_mem>>) src(%dma_wait3A_175 : memref<128xi32, #tpu.memory_space<hbm>>) dst(%dma_wait3A_174 : memref<128xi32, #tpu.memory_space<vmem>>)
      tpu.yield
    }) : () -> ()
    %add3A_14 = arith.constant 384 : i32
    %add3A_15 = arith.addi %mul3A_2, %add3A_14 : i32
    %run_scoped3A_16 = arith.constant 3 : i32
    "tpu.region"() ({
      %run_scoped3A_159 = tpu.sem_alloc : memref<!tpu.dma_semaphore, #tpu.memory_space<semaphore_mem>>
      %dma_start3A_160 = arith.constant 0 : i32
      %dma_start3A_161 = tpu.memref_slice %arg9[%run_scoped3A_16, %dma_start3A_160] : memref<4x128xi32, #tpu.memory_space<vmem>> -> memref<1x128xi32, #tpu.memory_space<vmem>>
      %dma_start3A_162 = tpu.memref_squeeze %dma_start3A_161 : memref<1x128xi32, #tpu.memory_space<vmem>> -> memref<128xi32, #tpu.memory_space<vmem>>
      %dma_start3A_163 = tpu.memref_slice %arg2[%add3A_15] : memref<16384xi32, #tpu.memory_space<hbm>> -> memref<128xi32, #tpu.memory_space<hbm>>
      %dma_start3A_164 = arith.constant 0 : i32
      %dma_start3A_165 = tpu.memref_slice %arg9[%run_scoped3A_16, %dma_start3A_164] : memref<4x128xi32, #tpu.memory_space<vmem>> -> memref<1x128xi32, #tpu.memory_space<vmem>>
      %dma_start3A_166 = tpu.memref_squeeze %dma_start3A_165 : memref<1x128xi32, #tpu.memory_space<vmem>> -> memref<128xi32, #tpu.memory_space<vmem>>
      %dma_start3A_167 = tpu.memref_slice %arg2[%add3A_15] : memref<16384xi32, #tpu.memory_space<hbm>> -> memref<128xi32, #tpu.memory_space<hbm>>
      tpu.enqueue_dma source(%dma_start3A_167 : memref<128xi32, #tpu.memory_space<hbm>>) target(%dma_start3A_166 : memref<128xi32, #tpu.memory_space<vmem>>) target_semaphore(%run_scoped3A_159 : memref<!tpu.dma_semaphore, #tpu.memory_space<semaphore_mem>>)
      %dma_wait3A_168 = arith.constant 0 : i32
      %dma_wait3A_169 = tpu.memref_slice %arg9[%run_scoped3A_16, %dma_wait3A_168] : memref<4x128xi32, #tpu.memory_space<vmem>> -> memref<1x128xi32, #tpu.memory_space<vmem>>
      %dma_wait3A_170 = tpu.memref_squeeze %dma_wait3A_169 : memref<1x128xi32, #tpu.memory_space<vmem>> -> memref<128xi32, #tpu.memory_space<vmem>>
      %dma_wait3A_171 = tpu.memref_slice %arg2[%add3A_15] : memref<16384xi32, #tpu.memory_space<hbm>> -> memref<128xi32, #tpu.memory_space<hbm>>
      %dma_wait3A_172 = arith.constant 0 : i32
      %dma_wait3A_173 = tpu.memref_slice %arg9[%run_scoped3A_16, %dma_wait3A_172] : memref<4x128xi32, #tpu.memory_space<vmem>> -> memref<1x128xi32, #tpu.memory_space<vmem>>
      %dma_wait3A_174 = tpu.memref_squeeze %dma_wait3A_173 : memref<1x128xi32, #tpu.memory_space<vmem>> -> memref<128xi32, #tpu.memory_space<vmem>>
      %dma_wait3A_175 = tpu.memref_slice %arg2[%add3A_15] : memref<16384xi32, #tpu.memory_space<hbm>> -> memref<128xi32, #tpu.memory_space<hbm>>
      tpu.wait_dma2 semaphore(%run_scoped3A_159 : memref<!tpu.dma_semaphore, #tpu.memory_space<semaphore_mem>>) src(%dma_wait3A_175 : memref<128xi32, #tpu.memory_space<hbm>>) dst(%dma_wait3A_174 : memref<128xi32, #tpu.memory_space<vmem>>)
      tpu.yield
    }) : () -> ()
    %run_scoped3A_17 = arith.constant 3 : i32
    "tpu.region"() ({
      %run_scoped3A_159 = tpu.sem_alloc : memref<!tpu.dma_semaphore, #tpu.memory_space<semaphore_mem>>
      %dma_start3A_160 = arith.constant 0 : i32
      %dma_start3A_161 = tpu.memref_slice %arg10[%run_scoped3A_17, %dma_start3A_160] : memref<4x128xi32, #tpu.memory_space<vmem>> -> memref<1x128xi32, #tpu.memory_space<vmem>>
      %dma_start3A_162 = tpu.memref_squeeze %dma_start3A_161 : memref<1x128xi32, #tpu.memory_space<vmem>> -> memref<128xi32, #tpu.memory_space<vmem>>
      %dma_start3A_163 = tpu.memref_slice %arg3[%add3A_15] : memref<16384xi32, #tpu.memory_space<hbm>> -> memref<128xi32, #tpu.memory_space<hbm>>
      %dma_start3A_164 = arith.constant 0 : i32
      %dma_start3A_165 = tpu.memref_slice %arg10[%run_scoped3A_17, %dma_start3A_164] : memref<4x128xi32, #tpu.memory_space<vmem>> -> memref<1x128xi32, #tpu.memory_space<vmem>>
      %dma_start3A_166 = tpu.memref_squeeze %dma_start3A_165 : memref<1x128xi32, #tpu.memory_space<vmem>> -> memref<128xi32, #tpu.memory_space<vmem>>
      %dma_start3A_167 = tpu.memref_slice %arg3[%add3A_15] : memref<16384xi32, #tpu.memory_space<hbm>> -> memref<128xi32, #tpu.memory_space<hbm>>
      tpu.enqueue_dma source(%dma_start3A_167 : memref<128xi32, #tpu.memory_space<hbm>>) target(%dma_start3A_166 : memref<128xi32, #tpu.memory_space<vmem>>) target_semaphore(%run_scoped3A_159 : memref<!tpu.dma_semaphore, #tpu.memory_space<semaphore_mem>>)
      %dma_wait3A_168 = arith.constant 0 : i32
      %dma_wait3A_169 = tpu.memref_slice %arg10[%run_scoped3A_17, %dma_wait3A_168] : memref<4x128xi32, #tpu.memory_space<vmem>> -> memref<1x128xi32, #tpu.memory_space<vmem>>
      %dma_wait3A_170 = tpu.memref_squeeze %dma_wait3A_169 : memref<1x128xi32, #tpu.memory_space<vmem>> -> memref<128xi32, #tpu.memory_space<vmem>>
      %dma_wait3A_171 = tpu.memref_slice %arg3[%add3A_15] : memref<16384xi32, #tpu.memory_space<hbm>> -> memref<128xi32, #tpu.memory_space<hbm>>
      %dma_wait3A_172 = arith.constant 0 : i32
      %dma_wait3A_173 = tpu.memref_slice %arg10[%run_scoped3A_17, %dma_wait3A_172] : memref<4x128xi32, #tpu.memory_space<vmem>> -> memref<1x128xi32, #tpu.memory_space<vmem>>
      %dma_wait3A_174 = tpu.memref_squeeze %dma_wait3A_173 : memref<1x128xi32, #tpu.memory_space<vmem>> -> memref<128xi32, #tpu.memory_space<vmem>>
      %dma_wait3A_175 = tpu.memref_slice %arg3[%add3A_15] : memref<16384xi32, #tpu.memory_space<hbm>> -> memref<128xi32, #tpu.memory_space<hbm>>
      tpu.wait_dma2 semaphore(%run_scoped3A_159 : memref<!tpu.dma_semaphore, #tpu.memory_space<semaphore_mem>>) src(%dma_wait3A_175 : memref<128xi32, #tpu.memory_space<hbm>>) dst(%dma_wait3A_174 : memref<128xi32, #tpu.memory_space<vmem>>)
      tpu.yield
    }) : () -> ()
    %dma_start3A = arith.constant 0 : i32
    %dma_start3A_18 = arith.constant 0 : i32
    %dma_start3A_19 = tpu.memref_slice %arg13[%dma_start3A_18] : memref<512xf32, #tpu.memory_space<vmem>> -> memref<128xf32, #tpu.memory_space<vmem>>
    %dma_start3A_20 = arith.constant 0 : i32
    %dma_start3A_21 = tpu.memref_slice %arg9[%dma_start3A, %dma_start3A_20] : memref<4x128xi32, #tpu.memory_space<vmem>> -> memref<1x128xi32, #tpu.memory_space<vmem>>
    %dma_start3A_22 = tpu.memref_squeeze %dma_start3A_21 : memref<1x128xi32, #tpu.memory_space<vmem>> -> memref<128xi32, #tpu.memory_space<vmem>>
    %dma_start3A_23 = arith.constant 0 : i32
    %dma_start3A_24 = tpu.memref_slice %arg6[%dma_start3A_23] : memref<1000000xf32, #tpu.memory_space<hbm>> -> memref<1000000xf32, #tpu.memory_space<hbm>>
    tpu.enqueue_indirect_dma source(%dma_start3A_24 : memref<1000000xf32, #tpu.memory_space<hbm>>) target(%dma_start3A_19 : memref<128xf32, #tpu.memory_space<vmem>>) offsets(%dma_start3A_22 : memref<128xi32, #tpu.memory_space<vmem>>) semaphore(%arg18 : memref<!tpu.dma_semaphore, #tpu.memory_space<semaphore_mem>>)
    %dma_start3A_25 = arith.constant 0 : i32
    %dma_start3A_26 = arith.constant 0 : i32
    %dma_start3A_27 = tpu.memref_slice %arg14[%dma_start3A_26] : memref<512xf32, #tpu.memory_space<vmem>> -> memref<128xf32, #tpu.memory_space<vmem>>
    %dma_start3A_28 = arith.constant 0 : i32
    %dma_start3A_29 = tpu.memref_slice %arg10[%dma_start3A_25, %dma_start3A_28] : memref<4x128xi32, #tpu.memory_space<vmem>> -> memref<1x128xi32, #tpu.memory_space<vmem>>
    %dma_start3A_30 = tpu.memref_squeeze %dma_start3A_29 : memref<1x128xi32, #tpu.memory_space<vmem>> -> memref<128xi32, #tpu.memory_space<vmem>>
    %dma_start3A_31 = arith.constant 0 : i32
    %dma_start3A_32 = tpu.memref_slice %arg7[%dma_start3A_31] : memref<100000xf32, #tpu.memory_space<hbm>> -> memref<100000xf32, #tpu.memory_space<hbm>>
    tpu.enqueue_indirect_dma source(%dma_start3A_32 : memref<100000xf32, #tpu.memory_space<hbm>>) target(%dma_start3A_27 : memref<128xf32, #tpu.memory_space<vmem>>) offsets(%dma_start3A_30 : memref<128xi32, #tpu.memory_space<vmem>>) semaphore(%arg18 : memref<!tpu.dma_semaphore, #tpu.memory_space<semaphore_mem>>)
    %dma_start3A_33 = arith.constant 1 : i32
    %dma_start3A_34 = arith.constant 128 : i32
    %dma_start3A_35 = tpu.memref_slice %arg13[%dma_start3A_34] : memref<512xf32, #tpu.memory_space<vmem>> -> memref<128xf32, #tpu.memory_space<vmem>>
    %dma_start3A_36 = arith.constant 0 : i32
    %dma_start3A_37 = tpu.memref_slice %arg9[%dma_start3A_33, %dma_start3A_36] : memref<4x128xi32, #tpu.memory_space<vmem>> -> memref<1x128xi32, #tpu.memory_space<vmem>>
    %dma_start3A_38 = tpu.memref_squeeze %dma_start3A_37 : memref<1x128xi32, #tpu.memory_space<vmem>> -> memref<128xi32, #tpu.memory_space<vmem>>
    %dma_start3A_39 = arith.constant 0 : i32
    %dma_start3A_40 = tpu.memref_slice %arg6[%dma_start3A_39] : memref<1000000xf32, #tpu.memory_space<hbm>> -> memref<1000000xf32, #tpu.memory_space<hbm>>
    tpu.enqueue_indirect_dma source(%dma_start3A_40 : memref<1000000xf32, #tpu.memory_space<hbm>>) target(%dma_start3A_35 : memref<128xf32, #tpu.memory_space<vmem>>) offsets(%dma_start3A_38 : memref<128xi32, #tpu.memory_space<vmem>>) semaphore(%arg18 : memref<!tpu.dma_semaphore, #tpu.memory_space<semaphore_mem>>)
    %dma_start3A_41 = arith.constant 1 : i32
    %dma_start3A_42 = arith.constant 128 : i32
    %dma_start3A_43 = tpu.memref_slice %arg14[%dma_start3A_42] : memref<512xf32, #tpu.memory_space<vmem>> -> memref<128xf32, #tpu.memory_space<vmem>>
    %dma_start3A_44 = arith.constant 0 : i32
    %dma_start3A_45 = tpu.memref_slice %arg10[%dma_start3A_41, %dma_start3A_44] : memref<4x128xi32, #tpu.memory_space<vmem>> -> memref<1x128xi32, #tpu.memory_space<vmem>>
    %dma_start3A_46 = tpu.memref_squeeze %dma_start3A_45 : memref<1x128xi32, #tpu.memory_space<vmem>> -> memref<128xi32, #tpu.memory_space<vmem>>
    %dma_start3A_47 = arith.constant 0 : i32
    %dma_start3A_48 = tpu.memref_slice %arg7[%dma_start3A_47] : memref<100000xf32, #tpu.memory_space<hbm>> -> memref<100000xf32, #tpu.memory_space<hbm>>
    tpu.enqueue_indirect_dma source(%dma_start3A_48 : memref<100000xf32, #tpu.memory_space<hbm>>) target(%dma_start3A_43 : memref<128xf32, #tpu.memory_space<vmem>>) offsets(%dma_start3A_46 : memref<128xi32, #tpu.memory_space<vmem>>) semaphore(%arg18 : memref<!tpu.dma_semaphore, #tpu.memory_space<semaphore_mem>>)
    %dma_start3A_49 = arith.constant 2 : i32
    %dma_start3A_50 = arith.constant 256 : i32
    %dma_start3A_51 = tpu.memref_slice %arg13[%dma_start3A_50] : memref<512xf32, #tpu.memory_space<vmem>> -> memref<128xf32, #tpu.memory_space<vmem>>
    %dma_start3A_52 = arith.constant 0 : i32
    %dma_start3A_53 = tpu.memref_slice %arg9[%dma_start3A_49, %dma_start3A_52] : memref<4x128xi32, #tpu.memory_space<vmem>> -> memref<1x128xi32, #tpu.memory_space<vmem>>
    %dma_start3A_54 = tpu.memref_squeeze %dma_start3A_53 : memref<1x128xi32, #tpu.memory_space<vmem>> -> memref<128xi32, #tpu.memory_space<vmem>>
    %dma_start3A_55 = arith.constant 0 : i32
    %dma_start3A_56 = tpu.memref_slice %arg6[%dma_start3A_55] : memref<1000000xf32, #tpu.memory_space<hbm>> -> memref<1000000xf32, #tpu.memory_space<hbm>>
    tpu.enqueue_indirect_dma source(%dma_start3A_56 : memref<1000000xf32, #tpu.memory_space<hbm>>) target(%dma_start3A_51 : memref<128xf32, #tpu.memory_space<vmem>>) offsets(%dma_start3A_54 : memref<128xi32, #tpu.memory_space<vmem>>) semaphore(%arg18 : memref<!tpu.dma_semaphore, #tpu.memory_space<semaphore_mem>>)
    %dma_start3A_57 = arith.constant 2 : i32
    %dma_start3A_58 = arith.constant 256 : i32
    %dma_start3A_59 = tpu.memref_slice %arg14[%dma_start3A_58] : memref<512xf32, #tpu.memory_space<vmem>> -> memref<128xf32, #tpu.memory_space<vmem>>
    %dma_start3A_60 = arith.constant 0 : i32
    %dma_start3A_61 = tpu.memref_slice %arg10[%dma_start3A_57, %dma_start3A_60] : memref<4x128xi32, #tpu.memory_space<vmem>> -> memref<1x128xi32, #tpu.memory_space<vmem>>
    %dma_start3A_62 = tpu.memref_squeeze %dma_start3A_61 : memref<1x128xi32, #tpu.memory_space<vmem>> -> memref<128xi32, #tpu.memory_space<vmem>>
    %dma_start3A_63 = arith.constant 0 : i32
    %dma_start3A_64 = tpu.memref_slice %arg7[%dma_start3A_63] : memref<100000xf32, #tpu.memory_space<hbm>> -> memref<100000xf32, #tpu.memory_space<hbm>>
    tpu.enqueue_indirect_dma source(%dma_start3A_64 : memref<100000xf32, #tpu.memory_space<hbm>>) target(%dma_start3A_59 : memref<128xf32, #tpu.memory_space<vmem>>) offsets(%dma_start3A_62 : memref<128xi32, #tpu.memory_space<vmem>>) semaphore(%arg18 : memref<!tpu.dma_semaphore, #tpu.memory_space<semaphore_mem>>)
    %dma_start3A_65 = arith.constant 3 : i32
    %dma_start3A_66 = arith.constant 384 : i32
    %dma_start3A_67 = tpu.memref_slice %arg13[%dma_start3A_66] : memref<512xf32, #tpu.memory_space<vmem>> -> memref<128xf32, #tpu.memory_space<vmem>>
    %dma_start3A_68 = arith.constant 0 : i32
    %dma_start3A_69 = tpu.memref_slice %arg9[%dma_start3A_65, %dma_start3A_68] : memref<4x128xi32, #tpu.memory_space<vmem>> -> memref<1x128xi32, #tpu.memory_space<vmem>>
    %dma_start3A_70 = tpu.memref_squeeze %dma_start3A_69 : memref<1x128xi32, #tpu.memory_space<vmem>> -> memref<128xi32, #tpu.memory_space<vmem>>
    %dma_start3A_71 = arith.constant 0 : i32
    %dma_start3A_72 = tpu.memref_slice %arg6[%dma_start3A_71] : memref<1000000xf32, #tpu.memory_space<hbm>> -> memref<1000000xf32, #tpu.memory_space<hbm>>
    tpu.enqueue_indirect_dma source(%dma_start3A_72 : memref<1000000xf32, #tpu.memory_space<hbm>>) target(%dma_start3A_67 : memref<128xf32, #tpu.memory_space<vmem>>) offsets(%dma_start3A_70 : memref<128xi32, #tpu.memory_space<vmem>>) semaphore(%arg18 : memref<!tpu.dma_semaphore, #tpu.memory_space<semaphore_mem>>)
    %dma_start3A_73 = arith.constant 3 : i32
    %dma_start3A_74 = arith.constant 384 : i32
    %dma_start3A_75 = tpu.memref_slice %arg14[%dma_start3A_74] : memref<512xf32, #tpu.memory_space<vmem>> -> memref<128xf32, #tpu.memory_space<vmem>>
    %dma_start3A_76 = arith.constant 0 : i32
    %dma_start3A_77 = tpu.memref_slice %arg10[%dma_start3A_73, %dma_start3A_76] : memref<4x128xi32, #tpu.memory_space<vmem>> -> memref<1x128xi32, #tpu.memory_space<vmem>>
    %dma_start3A_78 = tpu.memref_squeeze %dma_start3A_77 : memref<1x128xi32, #tpu.memory_space<vmem>> -> memref<128xi32, #tpu.memory_space<vmem>>
    %dma_start3A_79 = arith.constant 0 : i32
    %dma_start3A_80 = tpu.memref_slice %arg7[%dma_start3A_79] : memref<100000xf32, #tpu.memory_space<hbm>> -> memref<100000xf32, #tpu.memory_space<hbm>>
    tpu.enqueue_indirect_dma source(%dma_start3A_80 : memref<100000xf32, #tpu.memory_space<hbm>>) target(%dma_start3A_75 : memref<128xf32, #tpu.memory_space<vmem>>) offsets(%dma_start3A_78 : memref<128xi32, #tpu.memory_space<vmem>>) semaphore(%arg18 : memref<!tpu.dma_semaphore, #tpu.memory_space<semaphore_mem>>)
    %iota3A = tpu.iota {dimensions = array<i32: 0>} : vector<16xi32>
    %ge3A = arith.constant 6 : i32
    %ge3A_81 = vector.broadcast %ge3A : i32 to vector<16xi32>
    %ge3A_82 = arith.cmpi sge, %iota3A, %ge3A_81 : vector<16xi32>
    %scan3A = arith.constant 0 : i32
    %scan3A_83 = arith.constant 0 : i32
    %scan3A_84 = arith.constant 32 : i32
    %scan3A_85 = arith.addi %scan3A_83, %scan3A_84 : i32
    %scan3A_86 = arith.constant 1 : i32
    %scan3A_87 = scf.for %scan3A_159 = %scan3A_83 to %scan3A_85 step %scan3A_86 iter_args(%scan3A_160 = %scan3A) -> (i32)  : i32 {
      %jit3A = arith.constant 8 : i32
      %div3A = arith.divsi %scan3A_159, %jit3A : i32
      %sign3A = arith.constant 0 : i32
      %sign3A_161 = arith.cmpi sgt, %scan3A_159, %sign3A : i32
      %sign3A_162 = arith.extui %sign3A_161 : i1 to i32
      %sign3A_163 = arith.constant 0 : i32
      %sign3A_164 = arith.cmpi slt, %scan3A_159, %sign3A_163 : i32
      %sign3A_165 = arith.extui %sign3A_164 : i1 to i32
      %sign3A_166 = arith.subi %sign3A_162, %sign3A_165 : i32
      %sign3A_167 = arith.constant 0 : i32
      %sign3A_168 = arith.cmpi sgt, %jit3A, %sign3A_167 : i32
      %sign3A_169 = arith.extui %sign3A_168 : i1 to i32
      %sign3A_170 = arith.constant 0 : i32
      %sign3A_171 = arith.cmpi slt, %jit3A, %sign3A_170 : i32
      %sign3A_172 = arith.extui %sign3A_171 : i1 to i32
      %sign3A_173 = arith.subi %sign3A_169, %sign3A_172 : i32
      %ne3A = arith.cmpi ne, %sign3A_166, %sign3A_173 : i32
      %rem3A = arith.remsi %scan3A_159, %jit3A : i32
      %ne3A_174 = arith.constant 0 : i32
      %ne3A_175 = arith.cmpi ne, %rem3A, %ne3A_174 : i32
      %and3A = arith.andi %ne3A, %ne3A_175 : i1
      %sub3A = arith.constant 1 : i32
      %sub3A_176 = arith.subi %div3A, %sub3A : i32
      %select_n3A = arith.select %and3A, %sub3A_176, %div3A : i32
      %jit3A_177 = arith.constant 8 : i32
      %eq3A = arith.constant 0 : i32
      %eq3A_178 = arith.cmpi eq, %jit3A_177, %eq3A : i32
      %jit3A_179 = arith.constant 1 : i32
      %select_n3A_180 = arith.select %eq3A_178, %jit3A_179, %jit3A_177 : i32
      %rem3A_181 = arith.remsi %scan3A_159, %select_n3A_180 : i32
      %ne3A_182 = arith.constant 0 : i32
      %ne3A_183 = arith.cmpi ne, %rem3A_181, %ne3A_182 : i32
      %lt3A = arith.constant 0 : i32
      %lt3A_184 = arith.cmpi slt, %rem3A_181, %lt3A : i32
      %lt3A_185 = arith.constant 0 : i32
      %lt3A_186 = arith.cmpi slt, %select_n3A_180, %lt3A_185 : i32
      %ne3A_187 = arith.xori %lt3A_184, %lt3A_186 : i1
      %and3A_188 = arith.andi %ne3A_187, %ne3A_183 : i1
      %add3A_189 = arith.addi %rem3A_181, %select_n3A_180 : i32
      %select_n3A_190 = arith.select %and3A_188, %add3A_189, %rem3A_181 : i32
      %mul3A_191 = arith.constant 16 : i32
      %mul3A_192 = arith.muli %select_n3A_190, %mul3A_191 : i32
      %get3A = arith.index_cast %select_n3A : i32 to index
      %get3A_193 = arith.index_cast %mul3A_192 : i32 to index
      %get3A_194 = tpu.vector_load %arg9[%get3A, %get3A_193] {strides = array<i32>} : memref<4x128xi32, #tpu.memory_space<vmem>>, vector<1x16xi32>,
      %get3A_195 = vector.shape_cast %get3A_194 : vector<1x16xi32> to vector<16xi32>
      %get3A_196 = arith.index_cast %select_n3A : i32 to index
      %get3A_197 = arith.index_cast %mul3A_192 : i32 to index
      %get3A_198 = tpu.vector_load %arg10[%get3A_196, %get3A_197] {strides = array<i32>} : memref<4x128xi32, #tpu.memory_space<vmem>>, vector<1x16xi32>,
      %get3A_199 = vector.shape_cast %get3A_198 : vector<1x16xi32> to vector<16xi32>
      %slice3A = vector.extract_strided_slice %get3A_195 {offsets = [0], sizes = [1], strides = [1]} : vector<16xi32> to vector<1xi32>
      %squeeze3A = vector.extract %slice3A[0] : i32 from vector<1xi32>
      %dma_start3A_200 = arith.constant 0 : i32
      %dma_start3A_201 = arith.constant 0 : i32
      %dma_start3A_202 = tpu.memref_slice %arg11[%dma_start3A_200, %dma_start3A_201] : memref<16x90xf32, #tpu.memory_space<vmem>> -> memref<1x90xf32, #tpu.memory_space<vmem>>
      %dma_start3A_203 = tpu.memref_squeeze %dma_start3A_202 : memref<1x90xf32, #tpu.memory_space<vmem>> -> memref<90xf32, #tpu.memory_space<vmem>>
      %dma_start3A_204 = arith.constant 0 : i32
      %dma_start3A_205 = tpu.memref_slice %arg4[%squeeze3A, %dma_start3A_204] : memref<1000000x90xf32, #tpu.memory_space<hbm>> -> memref<1x90xf32, #tpu.memory_space<hbm>>
      %dma_start3A_206 = tpu.memref_squeeze %dma_start3A_205 : memref<1x90xf32, #tpu.memory_space<hbm>> -> memref<90xf32, #tpu.memory_space<hbm>>
      %dma_start3A_207 = arith.constant 0 : i32
      %dma_start3A_208 = tpu.memref_slice %arg11[%dma_start3A_200, %dma_start3A_207] : memref<16x90xf32, #tpu.memory_space<vmem>> -> memref<1x90xf32, #tpu.memory_space<vmem>>
      %dma_start3A_209 = tpu.memref_squeeze %dma_start3A_208 : memref<1x90xf32, #tpu.memory_space<vmem>> -> memref<90xf32, #tpu.memory_space<vmem>>
      %dma_start3A_210 = arith.constant 0 : i32
      %dma_start3A_211 = tpu.memref_slice %arg4[%squeeze3A, %dma_start3A_210] : memref<1000000x90xf32, #tpu.memory_space<hbm>> -> memref<1x90xf32, #tpu.memory_space<hbm>>
      %dma_start3A_212 = tpu.memref_squeeze %dma_start3A_211 : memref<1x90xf32, #tpu.memory_space<hbm>> -> memref<90xf32, #tpu.memory_space<hbm>>
      tpu.enqueue_dma source(%dma_start3A_212 : memref<90xf32, #tpu.memory_space<hbm>>) target(%dma_start3A_209 : memref<90xf32, #tpu.memory_space<vmem>>) target_semaphore(%arg16 : memref<!tpu.dma_semaphore, #tpu.memory_space<semaphore_mem>>)
      %slice3A_213 = vector.extract_strided_slice %get3A_199 {offsets = [0], sizes = [1], strides = [1]} : vector<16xi32> to vector<1xi32>
      %squeeze3A_214 = vector.extract %slice3A_213[0] : i32 from vector<1xi32>
      %dma_start3A_215 = arith.constant 0 : i32
      %dma_start3A_216 = arith.constant 0 : i32
      %dma_start3A_217 = tpu.memref_slice %arg12[%dma_start3A_215, %dma_start3A_216] : memref<16x90xf32, #tpu.memory_space<vmem>> -> memref<1x90xf32, #tpu.memory_space<vmem>>
      %dma_start3A_218 = tpu.memref_squeeze %dma_start3A_217 : memref<1x90xf32, #tpu.memory_space<vmem>> -> memref<90xf32, #tpu.memory_space<vmem>>
      %dma_start3A_219 = arith.constant 0 : i32
      %dma_start3A_220 = tpu.memref_slice %arg5[%squeeze3A_214, %dma_start3A_219] : memref<100000x90xf32, #tpu.memory_space<hbm>> -> memref<1x90xf32, #tpu.memory_space<hbm>>
      %dma_start3A_221 = tpu.memref_squeeze %dma_start3A_220 : memref<1x90xf32, #tpu.memory_space<hbm>> -> memref<90xf32, #tpu.memory_space<hbm>>
      %dma_start3A_222 = arith.constant 0 : i32
      %dma_start3A_223 = tpu.memref_slice %arg12[%dma_start3A_215, %dma_start3A_222] : memref<16x90xf32, #tpu.memory_space<vmem>> -> memref<1x90xf32, #tpu.memory_space<vmem>>
      %dma_start3A_224 = tpu.memref_squeeze %dma_start3A_223 : memref<1x90xf32, #tpu.memory_space<vmem>> -> memref<90xf32, #tpu.memory_space<vmem>>
      %dma_start3A_225 = arith.constant 0 : i32
      %dma_start3A_226 = tpu.memref_slice %arg5[%squeeze3A_214, %dma_start3A_225] : memref<100000x90xf32, #tpu.memory_space<hbm>> -> memref<1x90xf32, #tpu.memory_space<hbm>>
      %dma_start3A_227 = tpu.memref_squeeze %dma_start3A_226 : memref<1x90xf32, #tpu.memory_space<hbm>> -> memref<90xf32, #tpu.memory_space<hbm>>
      tpu.enqueue_dma source(%dma_start3A_227 : memref<90xf32, #tpu.memory_space<hbm>>) target(%dma_start3A_224 : memref<90xf32, #tpu.memory_space<vmem>>) target_semaphore(%arg17 : memref<!tpu.dma_semaphore, #tpu.memory_space<semaphore_mem>>)
      %slice3A_228 = vector.extract_strided_slice %get3A_195 {offsets = [1], sizes = [1], strides = [1]} : vector<16xi32> to vector<1xi32>
      %squeeze3A_229 = vector.extract %slice3A_228[0] : i32 from vector<1xi32>
      %dma_start3A_230 = arith.constant 1 : i32
      %dma_start3A_231 = arith.constant 0 : i32
      %dma_start3A_232 = tpu.memref_slice %arg11[%dma_start3A_230, %dma_start3A_231] : memref<16x90xf32, #tpu.memory_space<vmem>> -> memref<1x90xf32, #tpu.memory_space<vmem>>
      %dma_start3A_233 = tpu.memref_squeeze %dma_start3A_232 : memref<1x90xf32, #tpu.memory_space<vmem>> -> memref<90xf32, #tpu.memory_space<vmem>>
      %dma_start3A_234 = arith.constant 0 : i32
      %dma_start3A_235 = tpu.memref_slice %arg4[%squeeze3A_229, %dma_start3A_234] : memref<1000000x90xf32, #tpu.memory_space<hbm>> -> memref<1x90xf32, #tpu.memory_space<hbm>>
      %dma_start3A_236 = tpu.memref_squeeze %dma_start3A_235 : memref<1x90xf32, #tpu.memory_space<hbm>> -> memref<90xf32, #tpu.memory_space<hbm>>
      %dma_start3A_237 = arith.constant 0 : i32
      %dma_start3A_238 = tpu.memref_slice %arg11[%dma_start3A_230, %dma_start3A_237] : memref<16x90xf32, #tpu.memory_space<vmem>> -> memref<1x90xf32, #tpu.memory_space<vmem>>
      %dma_start3A_239 = tpu.memref_squeeze %dma_start3A_238 : memref<1x90xf32, #tpu.memory_space<vmem>> -> memref<90xf32, #tpu.memory_space<vmem>>
      %dma_start3A_240 = arith.constant 0 : i32
      %dma_start3A_241 = tpu.memref_slice %arg4[%squeeze3A_229, %dma_start3A_240] : memref<1000000x90xf32, #tpu.memory_space<hbm>> -> memref<1x90xf32, #tpu.memory_space<hbm>>
      %dma_start3A_242 = tpu.memref_squeeze %dma_start3A_241 : memref<1x90xf32, #tpu.memory_space<hbm>> -> memref<90xf32, #tpu.memory_space<hbm>>
      tpu.enqueue_dma source(%dma_start3A_242 : memref<90xf32, #tpu.memory_space<hbm>>) target(%dma_start3A_239 : memref<90xf32, #tpu.memory_space<vmem>>) target_semaphore(%arg16 : memref<!tpu.dma_semaphore, #tpu.memory_space<semaphore_mem>>)
      %slice3A_243 = vector.extract_strided_slice %get3A_199 {offsets = [1], sizes = [1], strides = [1]} : vector<16xi32> to vector<1xi32>
      %squeeze3A_244 = vector.extract %slice3A_243[0] : i32 from vector<1xi32>
      %dma_start3A_245 = arith.constant 1 : i32
      %dma_start3A_246 = arith.constant 0 : i32
      %dma_start3A_247 = tpu.memref_slice %arg12[%dma_start3A_245, %dma_start3A_246] : memref<16x90xf32, #tpu.memory_space<vmem>> -> memref<1x90xf32, #tpu.memory_space<vmem>>
      %dma_start3A_248 = tpu.memref_squeeze %dma_start3A_247 : memref<1x90xf32, #tpu.memory_space<vmem>> -> memref<90xf32, #tpu.memory_space<vmem>>
      %dma_start3A_249 = arith.constant 0 : i32
      %dma_start3A_250 = tpu.memref_slice %arg5[%squeeze3A_244, %dma_start3A_249] : memref<100000x90xf32, #tpu.memory_space<hbm>> -> memref<1x90xf32, #tpu.memory_space<hbm>>
      %dma_start3A_251 = tpu.memref_squeeze %dma_start3A_250 : memref<1x90xf32, #tpu.memory_space<hbm>> -> memref<90xf32, #tpu.memory_space<hbm>>
      %dma_start3A_252 = arith.constant 0 : i32
      %dma_start3A_253 = tpu.memref_slice %arg12[%dma_start3A_245, %dma_start3A_252] : memref<16x90xf32, #tpu.memory_space<vmem>> -> memref<1x90xf32, #tpu.memory_space<vmem>>
      %dma_start3A_254 = tpu.memref_squeeze %dma_start3A_253 : memref<1x90xf32, #tpu.memory_space<vmem>> -> memref<90xf32, #tpu.memory_space<vmem>>
      %dma_start3A_255 = arith.constant 0 : i32
      %dma_start3A_256 = tpu.memref_slice %arg5[%squeeze3A_244, %dma_start3A_255] : memref<100000x90xf32, #tpu.memory_space<hbm>> -> memref<1x90xf32, #tpu.memory_space<hbm>>
      %dma_start3A_257 = tpu.memref_squeeze %dma_start3A_256 : memref<1x90xf32, #tpu.memory_space<hbm>> -> memref<90xf32, #tpu.memory_space<hbm>>
      tpu.enqueue_dma source(%dma_start3A_257 : memref<90xf32, #tpu.memory_space<hbm>>) target(%dma_start3A_254 : memref<90xf32, #tpu.memory_space<vmem>>) target_semaphore(%arg17 : memref<!tpu.dma_semaphore, #tpu.memory_space<semaphore_mem>>)
      %slice3A_258 = vector.extract_strided_slice %get3A_195 {offsets = [2], sizes = [1], strides = [1]} : vector<16xi32> to vector<1xi32>
      %squeeze3A_259 = vector.extract %slice3A_258[0] : i32 from vector<1xi32>
      %dma_start3A_260 = arith.constant 2 : i32
      %dma_start3A_261 = arith.constant 0 : i32
      %dma_start3A_262 = tpu.memref_slice %arg11[%dma_start3A_260, %dma_start3A_261] : memref<16x90xf32, #tpu.memory_space<vmem>> -> memref<1x90xf32, #tpu.memory_space<vmem>>
      %dma_start3A_263 = tpu.memref_squeeze %dma_start3A_262 : memref<1x90xf32, #tpu.memory_space<vmem>> -> memref<90xf32, #tpu.memory_space<vmem>>
      %dma_start3A_264 = arith.constant 0 : i32
      %dma_start3A_265 = tpu.memref_slice %arg4[%squeeze3A_259, %dma_start3A_264] : memref<1000000x90xf32, #tpu.memory_space<hbm>> -> memref<1x90xf32, #tpu.memory_space<hbm>>
      %dma_start3A_266 = tpu.memref_squeeze %dma_start3A_265 : memref<1x90xf32, #tpu.memory_space<hbm>> -> memref<90xf32, #tpu.memory_space<hbm>>
      %dma_start3A_267 = arith.constant 0 : i32
      %dma_start3A_268 = tpu.memref_slice %arg11[%dma_start3A_260, %dma_start3A_267] : memref<16x90xf32, #tpu.memory_space<vmem>> -> memref<1x90xf32, #tpu.memory_space<vmem>>
      %dma_start3A_269 = tpu.memref_squeeze %dma_start3A_268 : memref<1x90xf32, #tpu.memory_space<vmem>> -> memref<90xf32, #tpu.memory_space<vmem>>
      %dma_start3A_270 = arith.constant 0 : i32
      %dma_start3A_271 = tpu.memref_slice %arg4[%squeeze3A_259, %dma_start3A_270] : memref<1000000x90xf32, #tpu.memory_space<hbm>> -> memref<1x90xf32, #tpu.memory_space<hbm>>
      %dma_start3A_272 = tpu.memref_squeeze %dma_start3A_271 : memref<1x90xf32, #tpu.memory_space<hbm>> -> memref<90xf32, #tpu.memory_space<hbm>>
      tpu.enqueue_dma source(%dma_start3A_272 : memref<90xf32, #tpu.memory_space<hbm>>) target(%dma_start3A_269 : memref<90xf32, #tpu.memory_space<vmem>>) target_semaphore(%arg16 : memref<!tpu.dma_semaphore, #tpu.memory_space<semaphore_mem>>)
      %slice3A_273 = vector.extract_strided_slice %get3A_199 {offsets = [2], sizes = [1], strides = [1]} : vector<16xi32> to vector<1xi32>
      %squeeze3A_274 = vector.extract %slice3A_273[0] : i32 from vector<1xi32>
      %dma_start3A_275 = arith.constant 2 : i32
      %dma_start3A_276 = arith.constant 0 : i32
      %dma_start3A_277 = tpu.memref_slice %arg12[%dma_start3A_275, %dma_start3A_276] : memref<16x90xf32, #tpu.memory_space<vmem>> -> memref<1x90xf32, #tpu.memory_space<vmem>>
      %dma_start3A_278 = tpu.memref_squeeze %dma_start3A_277 : memref<1x90xf32, #tpu.memory_space<vmem>> -> memref<90xf32, #tpu.memory_space<vmem>>
      %dma_start3A_279 = arith.constant 0 : i32
      %dma_start3A_280 = tpu.memref_slice %arg5[%squeeze3A_274, %dma_start3A_279] : memref<100000x90xf32, #tpu.memory_space<hbm>> -> memref<1x90xf32, #tpu.memory_space<hbm>>
      %dma_start3A_281 = tpu.memref_squeeze %dma_start3A_280 : memref<1x90xf32, #tpu.memory_space<hbm>> -> memref<90xf32, #tpu.memory_space<hbm>>
      %dma_start3A_282 = arith.constant 0 : i32
      %dma_start3A_283 = tpu.memref_slice %arg12[%dma_start3A_275, %dma_start3A_282] : memref<16x90xf32, #tpu.memory_space<vmem>> -> memref<1x90xf32, #tpu.memory_space<vmem>>
      %dma_start3A_284 = tpu.memref_squeeze %dma_start3A_283 : memref<1x90xf32, #tpu.memory_space<vmem>> -> memref<90xf32, #tpu.memory_space<vmem>>
      %dma_start3A_285 = arith.constant 0 : i32
      %dma_start3A_286 = tpu.memref_slice %arg5[%squeeze3A_274, %dma_start3A_285] : memref<100000x90xf32, #tpu.memory_space<hbm>> -> memref<1x90xf32, #tpu.memory_space<hbm>>
      %dma_start3A_287 = tpu.memref_squeeze %dma_start3A_286 : memref<1x90xf32, #tpu.memory_space<hbm>> -> memref<90xf32, #tpu.memory_space<hbm>>
      tpu.enqueue_dma source(%dma_start3A_287 : memref<90xf32, #tpu.memory_space<hbm>>) target(%dma_start3A_284 : memref<90xf32, #tpu.memory_space<vmem>>) target_semaphore(%arg17 : memref<!tpu.dma_semaphore, #tpu.memory_space<semaphore_mem>>)
      %slice3A_288 = vector.extract_strided_slice %get3A_195 {offsets = [3], sizes = [1], strides = [1]} : vector<16xi32> to vector<1xi32>
      %squeeze3A_289 = vector.extract %slice3A_288[0] : i32 from vector<1xi32>
      %dma_start3A_290 = arith.constant 3 : i32
      %dma_start3A_291 = arith.constant 0 : i32
      %dma_start3A_292 = tpu.memref_slice %arg11[%dma_start3A_290, %dma_start3A_291] : memref<16x90xf32, #tpu.memory_space<vmem>> -> memref<1x90xf32, #tpu.memory_space<vmem>>
      %dma_start3A_293 = tpu.memref_squeeze %dma_start3A_292 : memref<1x90xf32, #tpu.memory_space<vmem>> -> memref<90xf32, #tpu.memory_space<vmem>>
      %dma_start3A_294 = arith.constant 0 : i32
      %dma_start3A_295 = tpu.memref_slice %arg4[%squeeze3A_289, %dma_start3A_294] : memref<1000000x90xf32, #tpu.memory_space<hbm>> -> memref<1x90xf32, #tpu.memory_space<hbm>>
      %dma_start3A_296 = tpu.memref_squeeze %dma_start3A_295 : memref<1x90xf32, #tpu.memory_space<hbm>> -> memref<90xf32, #tpu.memory_space<hbm>>
      %dma_start3A_297 = arith.constant 0 : i32
      %dma_start3A_298 = tpu.memref_slice %arg11[%dma_start3A_290, %dma_start3A_297] : memref<16x90xf32, #tpu.memory_space<vmem>> -> memref<1x90xf32, #tpu.memory_space<vmem>>
      %dma_start3A_299 = tpu.memref_squeeze %dma_start3A_298 : memref<1x90xf32, #tpu.memory_space<vmem>> -> memref<90xf32, #tpu.memory_space<vmem>>
      %dma_start3A_300 = arith.constant 0 : i32
      %dma_start3A_301 = tpu.memref_slice %arg4[%squeeze3A_289, %dma_start3A_300] : memref<1000000x90xf32, #tpu.memory_space<hbm>> -> memref<1x90xf32, #tpu.memory_space<hbm>>
      %dma_start3A_302 = tpu.memref_squeeze %dma_start3A_301 : memref<1x90xf32, #tpu.memory_space<hbm>> -> memref<90xf32, #tpu.memory_space<hbm>>
      tpu.enqueue_dma source(%dma_start3A_302 : memref<90xf32, #tpu.memory_space<hbm>>) target(%dma_start3A_299 : memref<90xf32, #tpu.memory_space<vmem>>) target_semaphore(%arg16 : memref<!tpu.dma_semaphore, #tpu.memory_space<semaphore_mem>>)
      %slice3A_303 = vector.extract_strided_slice %get3A_199 {offsets = [3], sizes = [1], strides = [1]} : vector<16xi32> to vector<1xi32>
      %squeeze3A_304 = vector.extract %slice3A_303[0] : i32 from vector<1xi32>
      %dma_start3A_305 = arith.constant 3 : i32
      %dma_start3A_306 = arith.constant 0 : i32
      %dma_start3A_307 = tpu.memref_slice %arg12[%dma_start3A_305, %dma_start3A_306] : memref<16x90xf32, #tpu.memory_space<vmem>> -> memref<1x90xf32, #tpu.memory_space<vmem>>
      %dma_start3A_308 = tpu.memref_squeeze %dma_start3A_307 : memref<1x90xf32, #tpu.memory_space<vmem>> -> memref<90xf32, #tpu.memory_space<vmem>>
      %dma_start3A_309 = arith.constant 0 : i32
      %dma_start3A_310 = tpu.memref_slice %arg5[%squeeze3A_304, %dma_start3A_309] : memref<100000x90xf32, #tpu.memory_space<hbm>> -> memref<1x90xf32, #tpu.memory_space<hbm>>
      %dma_start3A_311 = tpu.memref_squeeze %dma_start3A_310 : memref<1x90xf32, #tpu.memory_space<hbm>> -> memref<90xf32, #tpu.memory_space<hbm>>
      %dma_start3A_312 = arith.constant 0 : i32
      %dma_start3A_313 = tpu.memref_slice %arg12[%dma_start3A_305, %dma_start3A_312] : memref<16x90xf32, #tpu.memory_space<vmem>> -> memref<1x90xf32, #tpu.memory_space<vmem>>
      %dma_start3A_314 = tpu.memref_squeeze %dma_start3A_313 : memref<1x90xf32, #tpu.memory_space<vmem>> -> memref<90xf32, #tpu.memory_space<vmem>>
      %dma_start3A_315 = arith.constant 0 : i32
      %dma_start3A_316 = tpu.memref_slice %arg5[%squeeze3A_304, %dma_start3A_315] : memref<100000x90xf32, #tpu.memory_space<hbm>> -> memref<1x90xf32, #tpu.memory_space<hbm>>
      %dma_start3A_317 = tpu.memref_squeeze %dma_start3A_316 : memref<1x90xf32, #tpu.memory_space<hbm>> -> memref<90xf32, #tpu.memory_space<hbm>>
      tpu.enqueue_dma source(%dma_start3A_317 : memref<90xf32, #tpu.memory_space<hbm>>) target(%dma_start3A_314 : memref<90xf32, #tpu.memory_space<vmem>>) target_semaphore(%arg17 : memref<!tpu.dma_semaphore, #tpu.memory_space<semaphore_mem>>)
      %slice3A_318 = vector.extract_strided_slice %get3A_195 {offsets = [4], sizes = [1], strides = [1]} : vector<16xi32> to vector<1xi32>
      %squeeze3A_319 = vector.extract %slice3A_318[0] : i32 from vector<1xi32>
      %dma_start3A_320 = arith.constant 4 : i32
      %dma_start3A_321 = arith.constant 0 : i32
      %dma_start3A_322 = tpu.memref_slice %arg11[%dma_start3A_320, %dma_start3A_321] : memref<16x90xf32, #tpu.memory_space<vmem>> -> memref<1x90xf32, #tpu.memory_space<vmem>>
      %dma_start3A_323 = tpu.memref_squeeze %dma_start3A_322 : memref<1x90xf32, #tpu.memory_space<vmem>> -> memref<90xf32, #tpu.memory_space<vmem>>
      %dma_start3A_324 = arith.constant 0 : i32
      %dma_start3A_325 = tpu.memref_slice %arg4[%squeeze3A_319, %dma_start3A_324] : memref<1000000x90xf32, #tpu.memory_space<hbm>> -> memref<1x90xf32, #tpu.memory_space<hbm>>
      %dma_start3A_326 = tpu.memref_squeeze %dma_start3A_325 : memref<1x90xf32, #tpu.memory_space<hbm>> -> memref<90xf32, #tpu.memory_space<hbm>>
      %dma_start3A_327 = arith.constant 0 : i32
      %dma_start3A_328 = tpu.memref_slice %arg11[%dma_start3A_320, %dma_start3A_327] : memref<16x90xf32, #tpu.memory_space<vmem>> -> memref<1x90xf32, #tpu.memory_space<vmem>>
      %dma_start3A_329 = tpu.memref_squeeze %dma_start3A_328 : memref<1x90xf32, #tpu.memory_space<vmem>> -> memref<90xf32, #tpu.memory_space<vmem>>
      %dma_start3A_330 = arith.constant 0 : i32
      %dma_start3A_331 = tpu.memref_slice %arg4[%squeeze3A_319, %dma_start3A_330] : memref<1000000x90xf32, #tpu.memory_space<hbm>> -> memref<1x90xf32, #tpu.memory_space<hbm>>
      %dma_start3A_332 = tpu.memref_squeeze %dma_start3A_331 : memref<1x90xf32, #tpu.memory_space<hbm>> -> memref<90xf32, #tpu.memory_space<hbm>>
      tpu.enqueue_dma source(%dma_start3A_332 : memref<90xf32, #tpu.memory_space<hbm>>) target(%dma_start3A_329 : memref<90xf32, #tpu.memory_space<vmem>>) target_semaphore(%arg16 : memref<!tpu.dma_semaphore, #tpu.memory_space<semaphore_mem>>)
      %slice3A_333 = vector.extract_strided_slice %get3A_199 {offsets = [4], sizes = [1], strides = [1]} : vector<16xi32> to vector<1xi32>
      %squeeze3A_334 = vector.extract %slice3A_333[0] : i32 from vector<1xi32>
      %dma_start3A_335 = arith.constant 4 : i32
      %dma_start3A_336 = arith.constant 0 : i32
      %dma_start3A_337 = tpu.memref_slice %arg12[%dma_start3A_335, %dma_start3A_336] : memref<16x90xf32, #tpu.memory_space<vmem>> -> memref<1x90xf32, #tpu.memory_space<vmem>>
      %dma_start3A_338 = tpu.memref_squeeze %dma_start3A_337 : memref<1x90xf32, #tpu.memory_space<vmem>> -> memref<90xf32, #tpu.memory_space<vmem>>
      %dma_start3A_339 = arith.constant 0 : i32
      %dma_start3A_340 = tpu.memref_slice %arg5[%squeeze3A_334, %dma_start3A_339] : memref<100000x90xf32, #tpu.memory_space<hbm>> -> memref<1x90xf32, #tpu.memory_space<hbm>>
      %dma_start3A_341 = tpu.memref_squeeze %dma_start3A_340 : memref<1x90xf32, #tpu.memory_space<hbm>> -> memref<90xf32, #tpu.memory_space<hbm>>
      %dma_start3A_342 = arith.constant 0 : i32
      %dma_start3A_343 = tpu.memref_slice %arg12[%dma_start3A_335, %dma_start3A_342] : memref<16x90xf32, #tpu.memory_space<vmem>> -> memref<1x90xf32, #tpu.memory_space<vmem>>
      %dma_start3A_344 = tpu.memref_squeeze %dma_start3A_343 : memref<1x90xf32, #tpu.memory_space<vmem>> -> memref<90xf32, #tpu.memory_space<vmem>>
      %dma_start3A_345 = arith.constant 0 : i32
      %dma_start3A_346 = tpu.memref_slice %arg5[%squeeze3A_334, %dma_start3A_345] : memref<100000x90xf32, #tpu.memory_space<hbm>> -> memref<1x90xf32, #tpu.memory_space<hbm>>
      %dma_start3A_347 = tpu.memref_squeeze %dma_start3A_346 : memref<1x90xf32, #tpu.memory_space<hbm>> -> memref<90xf32, #tpu.memory_space<hbm>>
      tpu.enqueue_dma source(%dma_start3A_347 : memref<90xf32, #tpu.memory_space<hbm>>) target(%dma_start3A_344 : memref<90xf32, #tpu.memory_space<vmem>>) target_semaphore(%arg17 : memref<!tpu.dma_semaphore, #tpu.memory_space<semaphore_mem>>)
      %slice3A_348 = vector.extract_strided_slice %get3A_195 {offsets = [5], sizes = [1], strides = [1]} : vector<16xi32> to vector<1xi32>
      %squeeze3A_349 = vector.extract %slice3A_348[0] : i32 from vector<1xi32>
      %dma_start3A_350 = arith.constant 5 : i32
      %dma_start3A_351 = arith.constant 0 : i32
      %dma_start3A_352 = tpu.memref_slice %arg11[%dma_start3A_350, %dma_start3A_351] : memref<16x90xf32, #tpu.memory_space<vmem>> -> memref<1x90xf32, #tpu.memory_space<vmem>>
      %dma_start3A_353 = tpu.memref_squeeze %dma_start3A_352 : memref<1x90xf32, #tpu.memory_space<vmem>> -> memref<90xf32, #tpu.memory_space<vmem>>
      %dma_start3A_354 = arith.constant 0 : i32
      %dma_start3A_355 = tpu.memref_slice %arg4[%squeeze3A_349, %dma_start3A_354] : memref<1000000x90xf32, #tpu.memory_space<hbm>> -> memref<1x90xf32, #tpu.memory_space<hbm>>
      %dma_start3A_356 = tpu.memref_squeeze %dma_start3A_355 : memref<1x90xf32, #tpu.memory_space<hbm>> -> memref<90xf32, #tpu.memory_space<hbm>>
      %dma_start3A_357 = arith.constant 0 : i32
      %dma_start3A_358 = tpu.memref_slice %arg11[%dma_start3A_350, %dma_start3A_357] : memref<16x90xf32, #tpu.memory_space<vmem>> -> memref<1x90xf32, #tpu.memory_space<vmem>>
      %dma_start3A_359 = tpu.memref_squeeze %dma_start3A_358 : memref<1x90xf32, #tpu.memory_space<vmem>> -> memref<90xf32, #tpu.memory_space<vmem>>
      %dma_start3A_360 = arith.constant 0 : i32
      %dma_start3A_361 = tpu.memref_slice %arg4[%squeeze3A_349, %dma_start3A_360] : memref<1000000x90xf32, #tpu.memory_space<hbm>> -> memref<1x90xf32, #tpu.memory_space<hbm>>
      %dma_start3A_362 = tpu.memref_squeeze %dma_start3A_361 : memref<1x90xf32, #tpu.memory_space<hbm>> -> memref<90xf32, #tpu.memory_space<hbm>>
      tpu.enqueue_dma source(%dma_start3A_362 : memref<90xf32, #tpu.memory_space<hbm>>) target(%dma_start3A_359 : memref<90xf32, #tpu.memory_space<vmem>>) target_semaphore(%arg16 : memref<!tpu.dma_semaphore, #tpu.memory_space<semaphore_mem>>)
      %slice3A_363 = vector.extract_strided_slice %get3A_199 {offsets = [5], sizes = [1], strides = [1]} : vector<16xi32> to vector<1xi32>
      %squeeze3A_364 = vector.extract %slice3A_363[0] : i32 from vector<1xi32>
      %dma_start3A_365 = arith.constant 5 : i32
      %dma_start3A_366 = arith.constant 0 : i32
      %dma_start3A_367 = tpu.memref_slice %arg12[%dma_start3A_365, %dma_start3A_366] : memref<16x90xf32, #tpu.memory_space<vmem>> -> memref<1x90xf32, #tpu.memory_space<vmem>>
      %dma_start3A_368 = tpu.memref_squeeze %dma_start3A_367 : memref<1x90xf32, #tpu.memory_space<vmem>> -> memref<90xf32, #tpu.memory_space<vmem>>
      %dma_start3A_369 = arith.constant 0 : i32
      %dma_start3A_370 = tpu.memref_slice %arg5[%squeeze3A_364, %dma_start3A_369] : memref<100000x90xf32, #tpu.memory_space<hbm>> -> memref<1x90xf32, #tpu.memory_space<hbm>>
      %dma_start3A_371 = tpu.memref_squeeze %dma_start3A_370 : memref<1x90xf32, #tpu.memory_space<hbm>> -> memref<90xf32, #tpu.memory_space<hbm>>
      %dma_start3A_372 = arith.constant 0 : i32
      %dma_start3A_373 = tpu.memref_slice %arg12[%dma_start3A_365, %dma_start3A_372] : memref<16x90xf32, #tpu.memory_space<vmem>> -> memref<1x90xf32, #tpu.memory_space<vmem>>
      %dma_start3A_374 = tpu.memref_squeeze %dma_start3A_373 : memref<1x90xf32, #tpu.memory_space<vmem>> -> memref<90xf32, #tpu.memory_space<vmem>>
      %dma_start3A_375 = arith.constant 0 : i32
      %dma_start3A_376 = tpu.memref_slice %arg5[%squeeze3A_364, %dma_start3A_375] : memref<100000x90xf32, #tpu.memory_space<hbm>> -> memref<1x90xf32, #tpu.memory_space<hbm>>
      %dma_start3A_377 = tpu.memref_squeeze %dma_start3A_376 : memref<1x90xf32, #tpu.memory_space<hbm>> -> memref<90xf32, #tpu.memory_space<hbm>>
      tpu.enqueue_dma source(%dma_start3A_377 : memref<90xf32, #tpu.memory_space<hbm>>) target(%dma_start3A_374 : memref<90xf32, #tpu.memory_space<vmem>>) target_semaphore(%arg17 : memref<!tpu.dma_semaphore, #tpu.memory_space<semaphore_mem>>)
      %slice3A_378 = vector.extract_strided_slice %get3A_195 {offsets = [6], sizes = [1], strides = [1]} : vector<16xi32> to vector<1xi32>
      %squeeze3A_379 = vector.extract %slice3A_378[0] : i32 from vector<1xi32>
      %dma_start3A_380 = arith.constant 6 : i32
      %dma_start3A_381 = arith.constant 0 : i32
      %dma_start3A_382 = tpu.memref_slice %arg11[%dma_start3A_380, %dma_start3A_381] : memref<16x90xf32, #tpu.memory_space<vmem>> -> memref<1x90xf32, #tpu.memory_space<vmem>>
      %dma_start3A_383 = tpu.memref_squeeze %dma_start3A_382 : memref<1x90xf32, #tpu.memory_space<vmem>> -> memref<90xf32, #tpu.memory_space<vmem>>
      %dma_start3A_384 = arith.constant 0 : i32
      %dma_start3A_385 = tpu.memref_slice %arg4[%squeeze3A_379, %dma_start3A_384] : memref<1000000x90xf32, #tpu.memory_space<hbm>> -> memref<1x90xf32, #tpu.memory_space<hbm>>
      %dma_start3A_386 = tpu.memref_squeeze %dma_start3A_385 : memref<1x90xf32, #tpu.memory_space<hbm>> -> memref<90xf32, #tpu.memory_space<hbm>>
      %dma_start3A_387 = arith.constant 0 : i32
      %dma_start3A_388 = tpu.memref_slice %arg11[%dma_start3A_380, %dma_start3A_387] : memref<16x90xf32, #tpu.memory_space<vmem>> -> memref<1x90xf32, #tpu.memory_space<vmem>>
      %dma_start3A_389 = tpu.memref_squeeze %dma_start3A_388 : memref<1x90xf32, #tpu.memory_space<vmem>> -> memref<90xf32, #tpu.memory_space<vmem>>
      %dma_start3A_390 = arith.constant 0 : i32
      %dma_start3A_391 = tpu.memref_slice %arg4[%squeeze3A_379, %dma_start3A_390] : memref<1000000x90xf32, #tpu.memory_space<hbm>> -> memref<1x90xf32, #tpu.memory_space<hbm>>
      %dma_start3A_392 = tpu.memref_squeeze %dma_start3A_391 : memref<1x90xf32, #tpu.memory_space<hbm>> -> memref<90xf32, #tpu.memory_space<hbm>>
      tpu.enqueue_dma source(%dma_start3A_392 : memref<90xf32, #tpu.memory_space<hbm>>) target(%dma_start3A_389 : memref<90xf32, #tpu.memory_space<vmem>>) target_semaphore(%arg16 : memref<!tpu.dma_semaphore, #tpu.memory_space<semaphore_mem>>)
      %slice3A_393 = vector.extract_strided_slice %get3A_199 {offsets = [6], sizes = [1], strides = [1]} : vector<16xi32> to vector<1xi32>
      %squeeze3A_394 = vector.extract %slice3A_393[0] : i32 from vector<1xi32>
      %dma_start3A_395 = arith.constant 6 : i32
      %dma_start3A_396 = arith.constant 0 : i32
      %dma_start3A_397 = tpu.memref_slice %arg12[%dma_start3A_395, %dma_start3A_396] : memref<16x90xf32, #tpu.memory_space<vmem>> -> memref<1x90xf32, #tpu.memory_space<vmem>>
      %dma_start3A_398 = tpu.memref_squeeze %dma_start3A_397 : memref<1x90xf32, #tpu.memory_space<vmem>> -> memref<90xf32, #tpu.memory_space<vmem>>
      %dma_start3A_399 = arith.constant 0 : i32
      %dma_start3A_400 = tpu.memref_slice %arg5[%squeeze3A_394, %dma_start3A_399] : memref<100000x90xf32, #tpu.memory_space<hbm>> -> memref<1x90xf32, #tpu.memory_space<hbm>>
      %dma_start3A_401 = tpu.memref_squeeze %dma_start3A_400 : memref<1x90xf32, #tpu.memory_space<hbm>> -> memref<90xf32, #tpu.memory_space<hbm>>
      %dma_start3A_402 = arith.constant 0 : i32
      %dma_start3A_403 = tpu.memref_slice %arg12[%dma_start3A_395, %dma_start3A_402] : memref<16x90xf32, #tpu.memory_space<vmem>> -> memref<1x90xf32, #tpu.memory_space<vmem>>
      %dma_start3A_404 = tpu.memref_squeeze %dma_start3A_403 : memref<1x90xf32, #tpu.memory_space<vmem>> -> memref<90xf32, #tpu.memory_space<vmem>>
      %dma_start3A_405 = arith.constant 0 : i32
      %dma_start3A_406 = tpu.memref_slice %arg5[%squeeze3A_394, %dma_start3A_405] : memref<100000x90xf32, #tpu.memory_space<hbm>> -> memref<1x90xf32, #tpu.memory_space<hbm>>
      %dma_start3A_407 = tpu.memref_squeeze %dma_start3A_406 : memref<1x90xf32, #tpu.memory_space<hbm>> -> memref<90xf32, #tpu.memory_space<hbm>>
      tpu.enqueue_dma source(%dma_start3A_407 : memref<90xf32, #tpu.memory_space<hbm>>) target(%dma_start3A_404 : memref<90xf32, #tpu.memory_space<vmem>>) target_semaphore(%arg17 : memref<!tpu.dma_semaphore, #tpu.memory_space<semaphore_mem>>)
      %slice3A_408 = vector.extract_strided_slice %get3A_195 {offsets = [7], sizes = [1], strides = [1]} : vector<16xi32> to vector<1xi32>
      %squeeze3A_409 = vector.extract %slice3A_408[0] : i32 from vector<1xi32>
      %dma_start3A_410 = arith.constant 7 : i32
      %dma_start3A_411 = arith.constant 0 : i32
      %dma_start3A_412 = tpu.memref_slice %arg11[%dma_start3A_410, %dma_start3A_411] : memref<16x90xf32, #tpu.memory_space<vmem>> -> memref<1x90xf32, #tpu.memory_space<vmem>>
      %dma_start3A_413 = tpu.memref_squeeze %dma_start3A_412 : memref<1x90xf32, #tpu.memory_space<vmem>> -> memref<90xf32, #tpu.memory_space<vmem>>
      %dma_start3A_414 = arith.constant 0 : i32
      %dma_start3A_415 = tpu.memref_slice %arg4[%squeeze3A_409, %dma_start3A_414] : memref<1000000x90xf32, #tpu.memory_space<hbm>> -> memref<1x90xf32, #tpu.memory_space<hbm>>
      %dma_start3A_416 = tpu.memref_squeeze %dma_start3A_415 : memref<1x90xf32, #tpu.memory_space<hbm>> -> memref<90xf32, #tpu.memory_space<hbm>>
      %dma_start3A_417 = arith.constant 0 : i32
      %dma_start3A_418 = tpu.memref_slice %arg11[%dma_start3A_410, %dma_start3A_417] : memref<16x90xf32, #tpu.memory_space<vmem>> -> memref<1x90xf32, #tpu.memory_space<vmem>>
      %dma_start3A_419 = tpu.memref_squeeze %dma_start3A_418 : memref<1x90xf32, #tpu.memory_space<vmem>> -> memref<90xf32, #tpu.memory_space<vmem>>
      %dma_start3A_420 = arith.constant 0 : i32
      %dma_start3A_421 = tpu.memref_slice %arg4[%squeeze3A_409, %dma_start3A_420] : memref<1000000x90xf32, #tpu.memory_space<hbm>> -> memref<1x90xf32, #tpu.memory_space<hbm>>
      %dma_start3A_422 = tpu.memref_squeeze %dma_start3A_421 : memref<1x90xf32, #tpu.memory_space<hbm>> -> memref<90xf32, #tpu.memory_space<hbm>>
      tpu.enqueue_dma source(%dma_start3A_422 : memref<90xf32, #tpu.memory_space<hbm>>) target(%dma_start3A_419 : memref<90xf32, #tpu.memory_space<vmem>>) target_semaphore(%arg16 : memref<!tpu.dma_semaphore, #tpu.memory_space<semaphore_mem>>)
      %slice3A_423 = vector.extract_strided_slice %get3A_199 {offsets = [7], sizes = [1], strides = [1]} : vector<16xi32> to vector<1xi32>
      %squeeze3A_424 = vector.extract %slice3A_423[0] : i32 from vector<1xi32>
      %dma_start3A_425 = arith.constant 7 : i32
      %dma_start3A_426 = arith.constant 0 : i32
      %dma_start3A_427 = tpu.memref_slice %arg12[%dma_start3A_425, %dma_start3A_426] : memref<16x90xf32, #tpu.memory_space<vmem>> -> memref<1x90xf32, #tpu.memory_space<vmem>>
      %dma_start3A_428 = tpu.memref_squeeze %dma_start3A_427 : memref<1x90xf32, #tpu.memory_space<vmem>> -> memref<90xf32, #tpu.memory_space<vmem>>
      %dma_start3A_429 = arith.constant 0 : i32
      %dma_start3A_430 = tpu.memref_slice %arg5[%squeeze3A_424, %dma_start3A_429] : memref<100000x90xf32, #tpu.memory_space<hbm>> -> memref<1x90xf32, #tpu.memory_space<hbm>>
      %dma_start3A_431 = tpu.memref_squeeze %dma_start3A_430 : memref<1x90xf32, #tpu.memory_space<hbm>> -> memref<90xf32, #tpu.memory_space<hbm>>
      %dma_start3A_432 = arith.constant 0 : i32
      %dma_start3A_433 = tpu.memref_slice %arg12[%dma_start3A_425, %dma_start3A_432] : memref<16x90xf32, #tpu.memory_space<vmem>> -> memref<1x90xf32, #tpu.memory_space<vmem>>
      %dma_start3A_434 = tpu.memref_squeeze %dma_start3A_433 : memref<1x90xf32, #tpu.memory_space<vmem>> -> memref<90xf32, #tpu.memory_space<vmem>>
      %dma_start3A_435 = arith.constant 0 : i32
      %dma_start3A_436 = tpu.memref_slice %arg5[%squeeze3A_424, %dma_start3A_435] : memref<100000x90xf32, #tpu.memory_space<hbm>> -> memref<1x90xf32, #tpu.memory_space<hbm>>
      %dma_start3A_437 = tpu.memref_squeeze %dma_start3A_436 : memref<1x90xf32, #tpu.memory_space<hbm>> -> memref<90xf32, #tpu.memory_space<hbm>>
      tpu.enqueue_dma source(%dma_start3A_437 : memref<90xf32, #tpu.memory_space<hbm>>) target(%dma_start3A_434 : memref<90xf32, #tpu.memory_space<vmem>>) target_semaphore(%arg17 : memref<!tpu.dma_semaphore, #tpu.memory_space<semaphore_mem>>)
      %slice3A_438 = vector.extract_strided_slice %get3A_195 {offsets = [8], sizes = [1], strides = [1]} : vector<16xi32> to vector<1xi32>
      %squeeze3A_439 = vector.extract %slice3A_438[0] : i32 from vector<1xi32>
      %dma_start3A_440 = arith.constant 8 : i32
      %dma_start3A_441 = arith.constant 0 : i32
      %dma_start3A_442 = tpu.memref_slice %arg11[%dma_start3A_440, %dma_start3A_441] : memref<16x90xf32, #tpu.memory_space<vmem>> -> memref<1x90xf32, #tpu.memory_space<vmem>>
      %dma_start3A_443 = tpu.memref_squeeze %dma_start3A_442 : memref<1x90xf32, #tpu.memory_space<vmem>> -> memref<90xf32, #tpu.memory_space<vmem>>
      %dma_start3A_444 = arith.constant 0 : i32
      %dma_start3A_445 = tpu.memref_slice %arg4[%squeeze3A_439, %dma_start3A_444] : memref<1000000x90xf32, #tpu.memory_space<hbm>> -> memref<1x90xf32, #tpu.memory_space<hbm>>
      %dma_start3A_446 = tpu.memref_squeeze %dma_start3A_445 : memref<1x90xf32, #tpu.memory_space<hbm>> -> memref<90xf32, #tpu.memory_space<hbm>>
      %dma_start3A_447 = arith.constant 0 : i32
      %dma_start3A_448 = tpu.memref_slice %arg11[%dma_start3A_440, %dma_start3A_447] : memref<16x90xf32, #tpu.memory_space<vmem>> -> memref<1x90xf32, #tpu.memory_space<vmem>>
      %dma_start3A_449 = tpu.memref_squeeze %dma_start3A_448 : memref<1x90xf32, #tpu.memory_space<vmem>> -> memref<90xf32, #tpu.memory_space<vmem>>
      %dma_start3A_450 = arith.constant 0 : i32
      %dma_start3A_451 = tpu.memref_slice %arg4[%squeeze3A_439, %dma_start3A_450] : memref<1000000x90xf32, #tpu.memory_space<hbm>> -> memref<1x90xf32, #tpu.memory_space<hbm>>
      %dma_start3A_452 = tpu.memref_squeeze %dma_start3A_451 : memref<1x90xf32, #tpu.memory_space<hbm>> -> memref<90xf32, #tpu.memory_space<hbm>>
      tpu.enqueue_dma source(%dma_start3A_452 : memref<90xf32, #tpu.memory_space<hbm>>) target(%dma_start3A_449 : memref<90xf32, #tpu.memory_space<vmem>>) target_semaphore(%arg16 : memref<!tpu.dma_semaphore, #tpu.memory_space<semaphore_mem>>)
      %slice3A_453 = vector.extract_strided_slice %get3A_199 {offsets = [8], sizes = [1], strides = [1]} : vector<16xi32> to vector<1xi32>
      %squeeze3A_454 = vector.extract %slice3A_453[0] : i32 from vector<1xi32>
      %dma_start3A_455 = arith.constant 8 : i32
      %dma_start3A_456 = arith.constant 0 : i32
      %dma_start3A_457 = tpu.memref_slice %arg12[%dma_start3A_455, %dma_start3A_456] : memref<16x90xf32, #tpu.memory_space<vmem>> -> memref<1x90xf32, #tpu.memory_space<vmem>>
      %dma_start3A_458 = tpu.memref_squeeze %dma_start3A_457 : memref<1x90xf32, #tpu.memory_space<vmem>> -> memref<90xf32, #tpu.memory_space<vmem>>
      %dma_start3A_459 = arith.constant 0 : i32
      %dma_start3A_460 = tpu.memref_slice %arg5[%squeeze3A_454, %dma_start3A_459] : memref<100000x90xf32, #tpu.memory_space<hbm>> -> memref<1x90xf32, #tpu.memory_space<hbm>>
      %dma_start3A_461 = tpu.memref_squeeze %dma_start3A_460 : memref<1x90xf32, #tpu.memory_space<hbm>> -> memref<90xf32, #tpu.memory_space<hbm>>
      %dma_start3A_462 = arith.constant 0 : i32
      %dma_start3A_463 = tpu.memref_slice %arg12[%dma_start3A_455, %dma_start3A_462] : memref<16x90xf32, #tpu.memory_space<vmem>> -> memref<1x90xf32, #tpu.memory_space<vmem>>
      %dma_start3A_464 = tpu.memref_squeeze %dma_start3A_463 : memref<1x90xf32, #tpu.memory_space<vmem>> -> memref<90xf32, #tpu.memory_space<vmem>>
      %dma_start3A_465 = arith.constant 0 : i32
      %dma_start3A_466 = tpu.memref_slice %arg5[%squeeze3A_454, %dma_start3A_465] : memref<100000x90xf32, #tpu.memory_space<hbm>> -> memref<1x90xf32, #tpu.memory_space<hbm>>
      %dma_start3A_467 = tpu.memref_squeeze %dma_start3A_466 : memref<1x90xf32, #tpu.memory_space<hbm>> -> memref<90xf32, #tpu.memory_space<hbm>>
      tpu.enqueue_dma source(%dma_start3A_467 : memref<90xf32, #tpu.memory_space<hbm>>) target(%dma_start3A_464 : memref<90xf32, #tpu.memory_space<vmem>>) target_semaphore(%arg17 : memref<!tpu.dma_semaphore, #tpu.memory_space<semaphore_mem>>)
      %slice3A_468 = vector.extract_strided_slice %get3A_195 {offsets = [9], sizes = [1], strides = [1]} : vector<16xi32> to vector<1xi32>
      %squeeze3A_469 = vector.extract %slice3A_468[0] : i32 from vector<1xi32>
      %dma_start3A_470 = arith.constant 9 : i32
      %dma_start3A_471 = arith.constant 0 : i32
      %dma_start3A_472 = tpu.memref_slice %arg11[%dma_start3A_470, %dma_start3A_471] : memref<16x90xf32, #tpu.memory_space<vmem>> -> memref<1x90xf32, #tpu.memory_space<vmem>>
      %dma_start3A_473 = tpu.memref_squeeze %dma_start3A_472 : memref<1x90xf32, #tpu.memory_space<vmem>> -> memref<90xf32, #tpu.memory_space<vmem>>
      %dma_start3A_474 = arith.constant 0 : i32
      %dma_start3A_475 = tpu.memref_slice %arg4[%squeeze3A_469, %dma_start3A_474] : memref<1000000x90xf32, #tpu.memory_space<hbm>> -> memref<1x90xf32, #tpu.memory_space<hbm>>
      %dma_start3A_476 = tpu.memref_squeeze %dma_start3A_475 : memref<1x90xf32, #tpu.memory_space<hbm>> -> memref<90xf32, #tpu.memory_space<hbm>>
      %dma_start3A_477 = arith.constant 0 : i32
      %dma_start3A_478 = tpu.memref_slice %arg11[%dma_start3A_470, %dma_start3A_477] : memref<16x90xf32, #tpu.memory_space<vmem>> -> memref<1x90xf32, #tpu.memory_space<vmem>>
      %dma_start3A_479 = tpu.memref_squeeze %dma_start3A_478 : memref<1x90xf32, #tpu.memory_space<vmem>> -> memref<90xf32, #tpu.memory_space<vmem>>
      %dma_start3A_480 = arith.constant 0 : i32
      %dma_start3A_481 = tpu.memref_slice %arg4[%squeeze3A_469, %dma_start3A_480] : memref<1000000x90xf32, #tpu.memory_space<hbm>> -> memref<1x90xf32, #tpu.memory_space<hbm>>
      %dma_start3A_482 = tpu.memref_squeeze %dma_start3A_481 : memref<1x90xf32, #tpu.memory_space<hbm>> -> memref<90xf32, #tpu.memory_space<hbm>>
      tpu.enqueue_dma source(%dma_start3A_482 : memref<90xf32, #tpu.memory_space<hbm>>) target(%dma_start3A_479 : memref<90xf32, #tpu.memory_space<vmem>>) target_semaphore(%arg16 : memref<!tpu.dma_semaphore, #tpu.memory_space<semaphore_mem>>)
      %slice3A_483 = vector.extract_strided_slice %get3A_199 {offsets = [9], sizes = [1], strides = [1]} : vector<16xi32> to vector<1xi32>
      %squeeze3A_484 = vector.extract %slice3A_483[0] : i32 from vector<1xi32>
      %dma_start3A_485 = arith.constant 9 : i32
      %dma_start3A_486 = arith.constant 0 : i32
      %dma_start3A_487 = tpu.memref_slice %arg12[%dma_start3A_485, %dma_start3A_486] : memref<16x90xf32, #tpu.memory_space<vmem>> -> memref<1x90xf32, #tpu.memory_space<vmem>>
      %dma_start3A_488 = tpu.memref_squeeze %dma_start3A_487 : memref<1x90xf32, #tpu.memory_space<vmem>> -> memref<90xf32, #tpu.memory_space<vmem>>
      %dma_start3A_489 = arith.constant 0 : i32
      %dma_start3A_490 = tpu.memref_slice %arg5[%squeeze3A_484, %dma_start3A_489] : memref<100000x90xf32, #tpu.memory_space<hbm>> -> memref<1x90xf32, #tpu.memory_space<hbm>>
      %dma_start3A_491 = tpu.memref_squeeze %dma_start3A_490 : memref<1x90xf32, #tpu.memory_space<hbm>> -> memref<90xf32, #tpu.memory_space<hbm>>
      %dma_start3A_492 = arith.constant 0 : i32
      %dma_start3A_493 = tpu.memref_slice %arg12[%dma_start3A_485, %dma_start3A_492] : memref<16x90xf32, #tpu.memory_space<vmem>> -> memref<1x90xf32, #tpu.memory_space<vmem>>
      %dma_start3A_494 = tpu.memref_squeeze %dma_start3A_493 : memref<1x90xf32, #tpu.memory_space<vmem>> -> memref<90xf32, #tpu.memory_space<vmem>>
      %dma_start3A_495 = arith.constant 0 : i32
      %dma_start3A_496 = tpu.memref_slice %arg5[%squeeze3A_484, %dma_start3A_495] : memref<100000x90xf32, #tpu.memory_space<hbm>> -> memref<1x90xf32, #tpu.memory_space<hbm>>
      %dma_start3A_497 = tpu.memref_squeeze %dma_start3A_496 : memref<1x90xf32, #tpu.memory_space<hbm>> -> memref<90xf32, #tpu.memory_space<hbm>>
      tpu.enqueue_dma source(%dma_start3A_497 : memref<90xf32, #tpu.memory_space<hbm>>) target(%dma_start3A_494 : memref<90xf32, #tpu.memory_space<vmem>>) target_semaphore(%arg17 : memref<!tpu.dma_semaphore, #tpu.memory_space<semaphore_mem>>)
      %slice3A_498 = vector.extract_strided_slice %get3A_195 {offsets = [10], sizes = [1], strides = [1]} : vector<16xi32> to vector<1xi32>
      %squeeze3A_499 = vector.extract %slice3A_498[0] : i32 from vector<1xi32>
      %dma_start3A_500 = arith.constant 10 : i32
      %dma_start3A_501 = arith.constant 0 : i32
      %dma_start3A_502 = tpu.memref_slice %arg11[%dma_start3A_500, %dma_start3A_501] : memref<16x90xf32, #tpu.memory_space<vmem>> -> memref<1x90xf32, #tpu.memory_space<vmem>>
      %dma_start3A_503 = tpu.memref_squeeze %dma_start3A_502 : memref<1x90xf32, #tpu.memory_space<vmem>> -> memref<90xf32, #tpu.memory_space<vmem>>
      %dma_start3A_504 = arith.constant 0 : i32
      %dma_start3A_505 = tpu.memref_slice %arg4[%squeeze3A_499, %dma_start3A_504] : memref<1000000x90xf32, #tpu.memory_space<hbm>> -> memref<1x90xf32, #tpu.memory_space<hbm>>
      %dma_start3A_506 = tpu.memref_squeeze %dma_start3A_505 : memref<1x90xf32, #tpu.memory_space<hbm>> -> memref<90xf32, #tpu.memory_space<hbm>>
      %dma_start3A_507 = arith.constant 0 : i32
      %dma_start3A_508 = tpu.memref_slice %arg11[%dma_start3A_500, %dma_start3A_507] : memref<16x90xf32, #tpu.memory_space<vmem>> -> memref<1x90xf32, #tpu.memory_space<vmem>>
      %dma_start3A_509 = tpu.memref_squeeze %dma_start3A_508 : memref<1x90xf32, #tpu.memory_space<vmem>> -> memref<90xf32, #tpu.memory_space<vmem>>
      %dma_start3A_510 = arith.constant 0 : i32
      %dma_start3A_511 = tpu.memref_slice %arg4[%squeeze3A_499, %dma_start3A_510] : memref<1000000x90xf32, #tpu.memory_space<hbm>> -> memref<1x90xf32, #tpu.memory_space<hbm>>
      %dma_start3A_512 = tpu.memref_squeeze %dma_start3A_511 : memref<1x90xf32, #tpu.memory_space<hbm>> -> memref<90xf32, #tpu.memory_space<hbm>>
      tpu.enqueue_dma source(%dma_start3A_512 : memref<90xf32, #tpu.memory_space<hbm>>) target(%dma_start3A_509 : memref<90xf32, #tpu.memory_space<vmem>>) target_semaphore(%arg16 : memref<!tpu.dma_semaphore, #tpu.memory_space<semaphore_mem>>)
      %slice3A_513 = vector.extract_strided_slice %get3A_199 {offsets = [10], sizes = [1], strides = [1]} : vector<16xi32> to vector<1xi32>
      %squeeze3A_514 = vector.extract %slice3A_513[0] : i32 from vector<1xi32>
      %dma_start3A_515 = arith.constant 10 : i32
      %dma_start3A_516 = arith.constant 0 : i32
      %dma_start3A_517 = tpu.memref_slice %arg12[%dma_start3A_515, %dma_start3A_516] : memref<16x90xf32, #tpu.memory_space<vmem>> -> memref<1x90xf32, #tpu.memory_space<vmem>>
      %dma_start3A_518 = tpu.memref_squeeze %dma_start3A_517 : memref<1x90xf32, #tpu.memory_space<vmem>> -> memref<90xf32, #tpu.memory_space<vmem>>
      %dma_start3A_519 = arith.constant 0 : i32
      %dma_start3A_520 = tpu.memref_slice %arg5[%squeeze3A_514, %dma_start3A_519] : memref<100000x90xf32, #tpu.memory_space<hbm>> -> memref<1x90xf32, #tpu.memory_space<hbm>>
      %dma_start3A_521 = tpu.memref_squeeze %dma_start3A_520 : memref<1x90xf32, #tpu.memory_space<hbm>> -> memref<90xf32, #tpu.memory_space<hbm>>
      %dma_start3A_522 = arith.constant 0 : i32
      %dma_start3A_523 = tpu.memref_slice %arg12[%dma_start3A_515, %dma_start3A_522] : memref<16x90xf32, #tpu.memory_space<vmem>> -> memref<1x90xf32, #tpu.memory_space<vmem>>
      %dma_start3A_524 = tpu.memref_squeeze %dma_start3A_523 : memref<1x90xf32, #tpu.memory_space<vmem>> -> memref<90xf32, #tpu.memory_space<vmem>>
      %dma_start3A_525 = arith.constant 0 : i32
      %dma_start3A_526 = tpu.memref_slice %arg5[%squeeze3A_514, %dma_start3A_525] : memref<100000x90xf32, #tpu.memory_space<hbm>> -> memref<1x90xf32, #tpu.memory_space<hbm>>
      %dma_start3A_527 = tpu.memref_squeeze %dma_start3A_526 : memref<1x90xf32, #tpu.memory_space<hbm>> -> memref<90xf32, #tpu.memory_space<hbm>>
      tpu.enqueue_dma source(%dma_start3A_527 : memref<90xf32, #tpu.memory_space<hbm>>) target(%dma_start3A_524 : memref<90xf32, #tpu.memory_space<vmem>>) target_semaphore(%arg17 : memref<!tpu.dma_semaphore, #tpu.memory_space<semaphore_mem>>)
      %slice3A_528 = vector.extract_strided_slice %get3A_195 {offsets = [11], sizes = [1], strides = [1]} : vector<16xi32> to vector<1xi32>
      %squeeze3A_529 = vector.extract %slice3A_528[0] : i32 from vector<1xi32>
      %dma_start3A_530 = arith.constant 11 : i32
      %dma_start3A_531 = arith.constant 0 : i32
      %dma_start3A_532 = tpu.memref_slice %arg11[%dma_start3A_530, %dma_start3A_531] : memref<16x90xf32, #tpu.memory_space<vmem>> -> memref<1x90xf32, #tpu.memory_space<vmem>>
      %dma_start3A_533 = tpu.memref_squeeze %dma_start3A_532 : memref<1x90xf32, #tpu.memory_space<vmem>> -> memref<90xf32, #tpu.memory_space<vmem>>
      %dma_start3A_534 = arith.constant 0 : i32
      %dma_start3A_535 = tpu.memref_slice %arg4[%squeeze3A_529, %dma_start3A_534] : memref<1000000x90xf32, #tpu.memory_space<hbm>> -> memref<1x90xf32, #tpu.memory_space<hbm>>
      %dma_start3A_536 = tpu.memref_squeeze %dma_start3A_535 : memref<1x90xf32, #tpu.memory_space<hbm>> -> memref<90xf32, #tpu.memory_space<hbm>>
      %dma_start3A_537 = arith.constant 0 : i32
      %dma_start3A_538 = tpu.memref_slice %arg11[%dma_start3A_530, %dma_start3A_537] : memref<16x90xf32, #tpu.memory_space<vmem>> -> memref<1x90xf32, #tpu.memory_space<vmem>>
      %dma_start3A_539 = tpu.memref_squeeze %dma_start3A_538 : memref<1x90xf32, #tpu.memory_space<vmem>> -> memref<90xf32, #tpu.memory_space<vmem>>
      %dma_start3A_540 = arith.constant 0 : i32
      %dma_start3A_541 = tpu.memref_slice %arg4[%squeeze3A_529, %dma_start3A_540] : memref<1000000x90xf32, #tpu.memory_space<hbm>> -> memref<1x90xf32, #tpu.memory_space<hbm>>
      %dma_start3A_542 = tpu.memref_squeeze %dma_start3A_541 : memref<1x90xf32, #tpu.memory_space<hbm>> -> memref<90xf32, #tpu.memory_space<hbm>>
      tpu.enqueue_dma source(%dma_start3A_542 : memref<90xf32, #tpu.memory_space<hbm>>) target(%dma_start3A_539 : memref<90xf32, #tpu.memory_space<vmem>>) target_semaphore(%arg16 : memref<!tpu.dma_semaphore, #tpu.memory_space<semaphore_mem>>)
      %slice3A_543 = vector.extract_strided_slice %get3A_199 {offsets = [11], sizes = [1], strides = [1]} : vector<16xi32> to vector<1xi32>
      %squeeze3A_544 = vector.extract %slice3A_543[0] : i32 from vector<1xi32>
      %dma_start3A_545 = arith.constant 11 : i32
      %dma_start3A_546 = arith.constant 0 : i32
      %dma_start3A_547 = tpu.memref_slice %arg12[%dma_start3A_545, %dma_start3A_546] : memref<16x90xf32, #tpu.memory_space<vmem>> -> memref<1x90xf32, #tpu.memory_space<vmem>>
      %dma_start3A_548 = tpu.memref_squeeze %dma_start3A_547 : memref<1x90xf32, #tpu.memory_space<vmem>> -> memref<90xf32, #tpu.memory_space<vmem>>
      %dma_start3A_549 = arith.constant 0 : i32
      %dma_start3A_550 = tpu.memref_slice %arg5[%squeeze3A_544, %dma_start3A_549] : memref<100000x90xf32, #tpu.memory_space<hbm>> -> memref<1x90xf32, #tpu.memory_space<hbm>>
      %dma_start3A_551 = tpu.memref_squeeze %dma_start3A_550 : memref<1x90xf32, #tpu.memory_space<hbm>> -> memref<90xf32, #tpu.memory_space<hbm>>
      %dma_start3A_552 = arith.constant 0 : i32
      %dma_start3A_553 = tpu.memref_slice %arg12[%dma_start3A_545, %dma_start3A_552] : memref<16x90xf32, #tpu.memory_space<vmem>> -> memref<1x90xf32, #tpu.memory_space<vmem>>
      %dma_start3A_554 = tpu.memref_squeeze %dma_start3A_553 : memref<1x90xf32, #tpu.memory_space<vmem>> -> memref<90xf32, #tpu.memory_space<vmem>>
      %dma_start3A_555 = arith.constant 0 : i32
      %dma_start3A_556 = tpu.memref_slice %arg5[%squeeze3A_544, %dma_start3A_555] : memref<100000x90xf32, #tpu.memory_space<hbm>> -> memref<1x90xf32, #tpu.memory_space<hbm>>
      %dma_start3A_557 = tpu.memref_squeeze %dma_start3A_556 : memref<1x90xf32, #tpu.memory_space<hbm>> -> memref<90xf32, #tpu.memory_space<hbm>>
      tpu.enqueue_dma source(%dma_start3A_557 : memref<90xf32, #tpu.memory_space<hbm>>) target(%dma_start3A_554 : memref<90xf32, #tpu.memory_space<vmem>>) target_semaphore(%arg17 : memref<!tpu.dma_semaphore, #tpu.memory_space<semaphore_mem>>)
      %slice3A_558 = vector.extract_strided_slice %get3A_195 {offsets = [12], sizes = [1], strides = [1]} : vector<16xi32> to vector<1xi32>
      %squeeze3A_559 = vector.extract %slice3A_558[0] : i32 from vector<1xi32>
      %dma_start3A_560 = arith.constant 12 : i32
      %dma_start3A_561 = arith.constant 0 : i32
      %dma_start3A_562 = tpu.memref_slice %arg11[%dma_start3A_560, %dma_start3A_561] : memref<16x90xf32, #tpu.memory_space<vmem>> -> memref<1x90xf32, #tpu.memory_space<vmem>>
      %dma_start3A_563 = tpu.memref_squeeze %dma_start3A_562 : memref<1x90xf32, #tpu.memory_space<vmem>> -> memref<90xf32, #tpu.memory_space<vmem>>
      %dma_start3A_564 = arith.constant 0 : i32
      %dma_start3A_565 = tpu.memref_slice %arg4[%squeeze3A_559, %dma_start3A_564] : memref<1000000x90xf32, #tpu.memory_space<hbm>> -> memref<1x90xf32, #tpu.memory_space<hbm>>
      %dma_start3A_566 = tpu.memref_squeeze %dma_start3A_565 : memref<1x90xf32, #tpu.memory_space<hbm>> -> memref<90xf32, #tpu.memory_space<hbm>>
      %dma_start3A_567 = arith.constant 0 : i32
      %dma_start3A_568 = tpu.memref_slice %arg11[%dma_start3A_560, %dma_start3A_567] : memref<16x90xf32, #tpu.memory_space<vmem>> -> memref<1x90xf32, #tpu.memory_space<vmem>>
      %dma_start3A_569 = tpu.memref_squeeze %dma_start3A_568 : memref<1x90xf32, #tpu.memory_space<vmem>> -> memref<90xf32, #tpu.memory_space<vmem>>
      %dma_start3A_570 = arith.constant 0 : i32
      %dma_start3A_571 = tpu.memref_slice %arg4[%squeeze3A_559, %dma_start3A_570] : memref<1000000x90xf32, #tpu.memory_space<hbm>> -> memref<1x90xf32, #tpu.memory_space<hbm>>
      %dma_start3A_572 = tpu.memref_squeeze %dma_start3A_571 : memref<1x90xf32, #tpu.memory_space<hbm>> -> memref<90xf32, #tpu.memory_space<hbm>>
      tpu.enqueue_dma source(%dma_start3A_572 : memref<90xf32, #tpu.memory_space<hbm>>) target(%dma_start3A_569 : memref<90xf32, #tpu.memory_space<vmem>>) target_semaphore(%arg16 : memref<!tpu.dma_semaphore, #tpu.memory_space<semaphore_mem>>)
      %slice3A_573 = vector.extract_strided_slice %get3A_199 {offsets = [12], sizes = [1], strides = [1]} : vector<16xi32> to vector<1xi32>
      %squeeze3A_574 = vector.extract %slice3A_573[0] : i32 from vector<1xi32>
      %dma_start3A_575 = arith.constant 12 : i32
      %dma_start3A_576 = arith.constant 0 : i32
      %dma_start3A_577 = tpu.memref_slice %arg12[%dma_start3A_575, %dma_start3A_576] : memref<16x90xf32, #tpu.memory_space<vmem>> -> memref<1x90xf32, #tpu.memory_space<vmem>>
      %dma_start3A_578 = tpu.memref_squeeze %dma_start3A_577 : memref<1x90xf32, #tpu.memory_space<vmem>> -> memref<90xf32, #tpu.memory_space<vmem>>
      %dma_start3A_579 = arith.constant 0 : i32
      %dma_start3A_580 = tpu.memref_slice %arg5[%squeeze3A_574, %dma_start3A_579] : memref<100000x90xf32, #tpu.memory_space<hbm>> -> memref<1x90xf32, #tpu.memory_space<hbm>>
      %dma_start3A_581 = tpu.memref_squeeze %dma_start3A_580 : memref<1x90xf32, #tpu.memory_space<hbm>> -> memref<90xf32, #tpu.memory_space<hbm>>
      %dma_start3A_582 = arith.constant 0 : i32
      %dma_start3A_583 = tpu.memref_slice %arg12[%dma_start3A_575, %dma_start3A_582] : memref<16x90xf32, #tpu.memory_space<vmem>> -> memref<1x90xf32, #tpu.memory_space<vmem>>
      %dma_start3A_584 = tpu.memref_squeeze %dma_start3A_583 : memref<1x90xf32, #tpu.memory_space<vmem>> -> memref<90xf32, #tpu.memory_space<vmem>>
      %dma_start3A_585 = arith.constant 0 : i32
      %dma_start3A_586 = tpu.memref_slice %arg5[%squeeze3A_574, %dma_start3A_585] : memref<100000x90xf32, #tpu.memory_space<hbm>> -> memref<1x90xf32, #tpu.memory_space<hbm>>
      %dma_start3A_587 = tpu.memref_squeeze %dma_start3A_586 : memref<1x90xf32, #tpu.memory_space<hbm>> -> memref<90xf32, #tpu.memory_space<hbm>>
      tpu.enqueue_dma source(%dma_start3A_587 : memref<90xf32, #tpu.memory_space<hbm>>) target(%dma_start3A_584 : memref<90xf32, #tpu.memory_space<vmem>>) target_semaphore(%arg17 : memref<!tpu.dma_semaphore, #tpu.memory_space<semaphore_mem>>)
      %slice3A_588 = vector.extract_strided_slice %get3A_195 {offsets = [13], sizes = [1], strides = [1]} : vector<16xi32> to vector<1xi32>
      %squeeze3A_589 = vector.extract %slice3A_588[0] : i32 from vector<1xi32>
      %dma_start3A_590 = arith.constant 13 : i32
      %dma_start3A_591 = arith.constant 0 : i32
      %dma_start3A_592 = tpu.memref_slice %arg11[%dma_start3A_590, %dma_start3A_591] : memref<16x90xf32, #tpu.memory_space<vmem>> -> memref<1x90xf32, #tpu.memory_space<vmem>>
      %dma_start3A_593 = tpu.memref_squeeze %dma_start3A_592 : memref<1x90xf32, #tpu.memory_space<vmem>> -> memref<90xf32, #tpu.memory_space<vmem>>
      %dma_start3A_594 = arith.constant 0 : i32
      %dma_start3A_595 = tpu.memref_slice %arg4[%squeeze3A_589, %dma_start3A_594] : memref<1000000x90xf32, #tpu.memory_space<hbm>> -> memref<1x90xf32, #tpu.memory_space<hbm>>
      %dma_start3A_596 = tpu.memref_squeeze %dma_start3A_595 : memref<1x90xf32, #tpu.memory_space<hbm>> -> memref<90xf32, #tpu.memory_space<hbm>>
      %dma_start3A_597 = arith.constant 0 : i32
      %dma_start3A_598 = tpu.memref_slice %arg11[%dma_start3A_590, %dma_start3A_597] : memref<16x90xf32, #tpu.memory_space<vmem>> -> memref<1x90xf32, #tpu.memory_space<vmem>>
      %dma_start3A_599 = tpu.memref_squeeze %dma_start3A_598 : memref<1x90xf32, #tpu.memory_space<vmem>> -> memref<90xf32, #tpu.memory_space<vmem>>
      %dma_start3A_600 = arith.constant 0 : i32
      %dma_start3A_601 = tpu.memref_slice %arg4[%squeeze3A_589, %dma_start3A_600] : memref<1000000x90xf32, #tpu.memory_space<hbm>> -> memref<1x90xf32, #tpu.memory_space<hbm>>
      %dma_start3A_602 = tpu.memref_squeeze %dma_start3A_601 : memref<1x90xf32, #tpu.memory_space<hbm>> -> memref<90xf32, #tpu.memory_space<hbm>>
      tpu.enqueue_dma source(%dma_start3A_602 : memref<90xf32, #tpu.memory_space<hbm>>) target(%dma_start3A_599 : memref<90xf32, #tpu.memory_space<vmem>>) target_semaphore(%arg16 : memref<!tpu.dma_semaphore, #tpu.memory_space<semaphore_mem>>)
      %slice3A_603 = vector.extract_strided_slice %get3A_199 {offsets = [13], sizes = [1], strides = [1]} : vector<16xi32> to vector<1xi32>
      %squeeze3A_604 = vector.extract %slice3A_603[0] : i32 from vector<1xi32>
      %dma_start3A_605 = arith.constant 13 : i32
      %dma_start3A_606 = arith.constant 0 : i32
      %dma_start3A_607 = tpu.memref_slice %arg12[%dma_start3A_605, %dma_start3A_606] : memref<16x90xf32, #tpu.memory_space<vmem>> -> memref<1x90xf32, #tpu.memory_space<vmem>>
      %dma_start3A_608 = tpu.memref_squeeze %dma_start3A_607 : memref<1x90xf32, #tpu.memory_space<vmem>> -> memref<90xf32, #tpu.memory_space<vmem>>
      %dma_start3A_609 = arith.constant 0 : i32
      %dma_start3A_610 = tpu.memref_slice %arg5[%squeeze3A_604, %dma_start3A_609] : memref<100000x90xf32, #tpu.memory_space<hbm>> -> memref<1x90xf32, #tpu.memory_space<hbm>>
      %dma_start3A_611 = tpu.memref_squeeze %dma_start3A_610 : memref<1x90xf32, #tpu.memory_space<hbm>> -> memref<90xf32, #tpu.memory_space<hbm>>
      %dma_start3A_612 = arith.constant 0 : i32
      %dma_start3A_613 = tpu.memref_slice %arg12[%dma_start3A_605, %dma_start3A_612] : memref<16x90xf32, #tpu.memory_space<vmem>> -> memref<1x90xf32, #tpu.memory_space<vmem>>
      %dma_start3A_614 = tpu.memref_squeeze %dma_start3A_613 : memref<1x90xf32, #tpu.memory_space<vmem>> -> memref<90xf32, #tpu.memory_space<vmem>>
      %dma_start3A_615 = arith.constant 0 : i32
      %dma_start3A_616 = tpu.memref_slice %arg5[%squeeze3A_604, %dma_start3A_615] : memref<100000x90xf32, #tpu.memory_space<hbm>> -> memref<1x90xf32, #tpu.memory_space<hbm>>
      %dma_start3A_617 = tpu.memref_squeeze %dma_start3A_616 : memref<1x90xf32, #tpu.memory_space<hbm>> -> memref<90xf32, #tpu.memory_space<hbm>>
      tpu.enqueue_dma source(%dma_start3A_617 : memref<90xf32, #tpu.memory_space<hbm>>) target(%dma_start3A_614 : memref<90xf32, #tpu.memory_space<vmem>>) target_semaphore(%arg17 : memref<!tpu.dma_semaphore, #tpu.memory_space<semaphore_mem>>)
      %slice3A_618 = vector.extract_strided_slice %get3A_195 {offsets = [14], sizes = [1], strides = [1]} : vector<16xi32> to vector<1xi32>
      %squeeze3A_619 = vector.extract %slice3A_618[0] : i32 from vector<1xi32>
      %dma_start3A_620 = arith.constant 14 : i32
      %dma_start3A_621 = arith.constant 0 : i32
      %dma_start3A_622 = tpu.memref_slice %arg11[%dma_start3A_620, %dma_start3A_621] : memref<16x90xf32, #tpu.memory_space<vmem>> -> memref<1x90xf32, #tpu.memory_space<vmem>>
      %dma_start3A_623 = tpu.memref_squeeze %dma_start3A_622 : memref<1x90xf32, #tpu.memory_space<vmem>> -> memref<90xf32, #tpu.memory_space<vmem>>
      %dma_start3A_624 = arith.constant 0 : i32
      %dma_start3A_625 = tpu.memref_slice %arg4[%squeeze3A_619, %dma_start3A_624] : memref<1000000x90xf32, #tpu.memory_space<hbm>> -> memref<1x90xf32, #tpu.memory_space<hbm>>
      %dma_start3A_626 = tpu.memref_squeeze %dma_start3A_625 : memref<1x90xf32, #tpu.memory_space<hbm>> -> memref<90xf32, #tpu.memory_space<hbm>>
      %dma_start3A_627 = arith.constant 0 : i32
      %dma_start3A_628 = tpu.memref_slice %arg11[%dma_start3A_620, %dma_start3A_627] : memref<16x90xf32, #tpu.memory_space<vmem>> -> memref<1x90xf32, #tpu.memory_space<vmem>>
      %dma_start3A_629 = tpu.memref_squeeze %dma_start3A_628 : memref<1x90xf32, #tpu.memory_space<vmem>> -> memref<90xf32, #tpu.memory_space<vmem>>
      %dma_start3A_630 = arith.constant 0 : i32
      %dma_start3A_631 = tpu.memref_slice %arg4[%squeeze3A_619, %dma_start3A_630] : memref<1000000x90xf32, #tpu.memory_space<hbm>> -> memref<1x90xf32, #tpu.memory_space<hbm>>
      %dma_start3A_632 = tpu.memref_squeeze %dma_start3A_631 : memref<1x90xf32, #tpu.memory_space<hbm>> -> memref<90xf32, #tpu.memory_space<hbm>>
      tpu.enqueue_dma source(%dma_start3A_632 : memref<90xf32, #tpu.memory_space<hbm>>) target(%dma_start3A_629 : memref<90xf32, #tpu.memory_space<vmem>>) target_semaphore(%arg16 : memref<!tpu.dma_semaphore, #tpu.memory_space<semaphore_mem>>)
      %slice3A_633 = vector.extract_strided_slice %get3A_199 {offsets = [14], sizes = [1], strides = [1]} : vector<16xi32> to vector<1xi32>
      %squeeze3A_634 = vector.extract %slice3A_633[0] : i32 from vector<1xi32>
      %dma_start3A_635 = arith.constant 14 : i32
      %dma_start3A_636 = arith.constant 0 : i32
      %dma_start3A_637 = tpu.memref_slice %arg12[%dma_start3A_635, %dma_start3A_636] : memref<16x90xf32, #tpu.memory_space<vmem>> -> memref<1x90xf32, #tpu.memory_space<vmem>>
      %dma_start3A_638 = tpu.memref_squeeze %dma_start3A_637 : memref<1x90xf32, #tpu.memory_space<vmem>> -> memref<90xf32, #tpu.memory_space<vmem>>
      %dma_start3A_639 = arith.constant 0 : i32
      %dma_start3A_640 = tpu.memref_slice %arg5[%squeeze3A_634, %dma_start3A_639] : memref<100000x90xf32, #tpu.memory_space<hbm>> -> memref<1x90xf32, #tpu.memory_space<hbm>>
      %dma_start3A_641 = tpu.memref_squeeze %dma_start3A_640 : memref<1x90xf32, #tpu.memory_space<hbm>> -> memref<90xf32, #tpu.memory_space<hbm>>
      %dma_start3A_642 = arith.constant 0 : i32
      %dma_start3A_643 = tpu.memref_slice %arg12[%dma_start3A_635, %dma_start3A_642] : memref<16x90xf32, #tpu.memory_space<vmem>> -> memref<1x90xf32, #tpu.memory_space<vmem>>
      %dma_start3A_644 = tpu.memref_squeeze %dma_start3A_643 : memref<1x90xf32, #tpu.memory_space<vmem>> -> memref<90xf32, #tpu.memory_space<vmem>>
      %dma_start3A_645 = arith.constant 0 : i32
      %dma_start3A_646 = tpu.memref_slice %arg5[%squeeze3A_634, %dma_start3A_645] : memref<100000x90xf32, #tpu.memory_space<hbm>> -> memref<1x90xf32, #tpu.memory_space<hbm>>
      %dma_start3A_647 = tpu.memref_squeeze %dma_start3A_646 : memref<1x90xf32, #tpu.memory_space<hbm>> -> memref<90xf32, #tpu.memory_space<hbm>>
      tpu.enqueue_dma source(%dma_start3A_647 : memref<90xf32, #tpu.memory_space<hbm>>) target(%dma_start3A_644 : memref<90xf32, #tpu.memory_space<vmem>>) target_semaphore(%arg17 : memref<!tpu.dma_semaphore, #tpu.memory_space<semaphore_mem>>)
      %slice3A_648 = vector.extract_strided_slice %get3A_195 {offsets = [15], sizes = [1], strides = [1]} : vector<16xi32> to vector<1xi32>
      %squeeze3A_649 = vector.extract %slice3A_648[0] : i32 from vector<1xi32>
      %dma_start3A_650 = arith.constant 15 : i32
      %dma_start3A_651 = arith.constant 0 : i32
      %dma_start3A_652 = tpu.memref_slice %arg11[%dma_start3A_650, %dma_start3A_651] : memref<16x90xf32, #tpu.memory_space<vmem>> -> memref<1x90xf32, #tpu.memory_space<vmem>>
      %dma_start3A_653 = tpu.memref_squeeze %dma_start3A_652 : memref<1x90xf32, #tpu.memory_space<vmem>> -> memref<90xf32, #tpu.memory_space<vmem>>
      %dma_start3A_654 = arith.constant 0 : i32
      %dma_start3A_655 = tpu.memref_slice %arg4[%squeeze3A_649, %dma_start3A_654] : memref<1000000x90xf32, #tpu.memory_space<hbm>> -> memref<1x90xf32, #tpu.memory_space<hbm>>
      %dma_start3A_656 = tpu.memref_squeeze %dma_start3A_655 : memref<1x90xf32, #tpu.memory_space<hbm>> -> memref<90xf32, #tpu.memory_space<hbm>>
      %dma_start3A_657 = arith.constant 0 : i32
      %dma_start3A_658 = tpu.memref_slice %arg11[%dma_start3A_650, %dma_start3A_657] : memref<16x90xf32, #tpu.memory_space<vmem>> -> memref<1x90xf32, #tpu.memory_space<vmem>>
      %dma_start3A_659 = tpu.memref_squeeze %dma_start3A_658 : memref<1x90xf32, #tpu.memory_space<vmem>> -> memref<90xf32, #tpu.memory_space<vmem>>
      %dma_start3A_660 = arith.constant 0 : i32
      %dma_start3A_661 = tpu.memref_slice %arg4[%squeeze3A_649, %dma_start3A_660] : memref<1000000x90xf32, #tpu.memory_space<hbm>> -> memref<1x90xf32, #tpu.memory_space<hbm>>
      %dma_start3A_662 = tpu.memref_squeeze %dma_start3A_661 : memref<1x90xf32, #tpu.memory_space<hbm>> -> memref<90xf32, #tpu.memory_space<hbm>>
      tpu.enqueue_dma source(%dma_start3A_662 : memref<90xf32, #tpu.memory_space<hbm>>) target(%dma_start3A_659 : memref<90xf32, #tpu.memory_space<vmem>>) target_semaphore(%arg16 : memref<!tpu.dma_semaphore, #tpu.memory_space<semaphore_mem>>)
      %slice3A_663 = vector.extract_strided_slice %get3A_199 {offsets = [15], sizes = [1], strides = [1]} : vector<16xi32> to vector<1xi32>
      %squeeze3A_664 = vector.extract %slice3A_663[0] : i32 from vector<1xi32>
      %dma_start3A_665 = arith.constant 15 : i32
      %dma_start3A_666 = arith.constant 0 : i32
      %dma_start3A_667 = tpu.memref_slice %arg12[%dma_start3A_665, %dma_start3A_666] : memref<16x90xf32, #tpu.memory_space<vmem>> -> memref<1x90xf32, #tpu.memory_space<vmem>>
      %dma_start3A_668 = tpu.memref_squeeze %dma_start3A_667 : memref<1x90xf32, #tpu.memory_space<vmem>> -> memref<90xf32, #tpu.memory_space<vmem>>
      %dma_start3A_669 = arith.constant 0 : i32
      %dma_start3A_670 = tpu.memref_slice %arg5[%squeeze3A_664, %dma_start3A_669] : memref<100000x90xf32, #tpu.memory_space<hbm>> -> memref<1x90xf32, #tpu.memory_space<hbm>>
      %dma_start3A_671 = tpu.memref_squeeze %dma_start3A_670 : memref<1x90xf32, #tpu.memory_space<hbm>> -> memref<90xf32, #tpu.memory_space<hbm>>
      %dma_start3A_672 = arith.constant 0 : i32
      %dma_start3A_673 = tpu.memref_slice %arg12[%dma_start3A_665, %dma_start3A_672] : memref<16x90xf32, #tpu.memory_space<vmem>> -> memref<1x90xf32, #tpu.memory_space<vmem>>
      %dma_start3A_674 = tpu.memref_squeeze %dma_start3A_673 : memref<1x90xf32, #tpu.memory_space<vmem>> -> memref<90xf32, #tpu.memory_space<vmem>>
      %dma_start3A_675 = arith.constant 0 : i32
      %dma_start3A_676 = tpu.memref_slice %arg5[%squeeze3A_664, %dma_start3A_675] : memref<100000x90xf32, #tpu.memory_space<hbm>> -> memref<1x90xf32, #tpu.memory_space<hbm>>
      %dma_start3A_677 = tpu.memref_squeeze %dma_start3A_676 : memref<1x90xf32, #tpu.memory_space<hbm>> -> memref<90xf32, #tpu.memory_space<hbm>>
      tpu.enqueue_dma source(%dma_start3A_677 : memref<90xf32, #tpu.memory_space<hbm>>) target(%dma_start3A_674 : memref<90xf32, #tpu.memory_space<vmem>>) target_semaphore(%arg17 : memref<!tpu.dma_semaphore, #tpu.memory_space<semaphore_mem>>)
      %dma_wait3A_678 = arith.constant 0 : i32
      %dma_wait3A_679 = arith.constant 0 : i32
      %dma_wait3A_680 = tpu.memref_slice %arg11[%dma_wait3A_678, %dma_wait3A_679] : memref<16x90xf32, #tpu.memory_space<vmem>> -> memref<1x90xf32, #tpu.memory_space<vmem>>
      %dma_wait3A_681 = tpu.memref_squeeze %dma_wait3A_680 : memref<1x90xf32, #tpu.memory_space<vmem>> -> memref<90xf32, #tpu.memory_space<vmem>>
      %dma_wait3A_682 = arith.constant 0 : i32
      %dma_wait3A_683 = tpu.memref_slice %arg4[%squeeze3A, %dma_wait3A_682] : memref<1000000x90xf32, #tpu.memory_space<hbm>> -> memref<1x90xf32, #tpu.memory_space<hbm>>
      %dma_wait3A_684 = tpu.memref_squeeze %dma_wait3A_683 : memref<1x90xf32, #tpu.memory_space<hbm>> -> memref<90xf32, #tpu.memory_space<hbm>>
      %dma_wait3A_685 = arith.constant 0 : i32
      %dma_wait3A_686 = tpu.memref_slice %arg11[%dma_wait3A_678, %dma_wait3A_685] : memref<16x90xf32, #tpu.memory_space<vmem>> -> memref<1x90xf32, #tpu.memory_space<vmem>>
      %dma_wait3A_687 = tpu.memref_squeeze %dma_wait3A_686 : memref<1x90xf32, #tpu.memory_space<vmem>> -> memref<90xf32, #tpu.memory_space<vmem>>
      %dma_wait3A_688 = arith.constant 0 : i32
      %dma_wait3A_689 = tpu.memref_slice %arg4[%squeeze3A, %dma_wait3A_688] : memref<1000000x90xf32, #tpu.memory_space<hbm>> -> memref<1x90xf32, #tpu.memory_space<hbm>>
      %dma_wait3A_690 = tpu.memref_squeeze %dma_wait3A_689 : memref<1x90xf32, #tpu.memory_space<hbm>> -> memref<90xf32, #tpu.memory_space<hbm>>
      tpu.wait_dma2 semaphore(%arg16 : memref<!tpu.dma_semaphore, #tpu.memory_space<semaphore_mem>>) src(%dma_wait3A_690 : memref<90xf32, #tpu.memory_space<hbm>>) dst(%dma_wait3A_687 : memref<90xf32, #tpu.memory_space<vmem>>)
      %dma_wait3A_691 = arith.constant 0 : i32
      %dma_wait3A_692 = arith.constant 0 : i32
      %dma_wait3A_693 = tpu.memref_slice %arg12[%dma_wait3A_691, %dma_wait3A_692] : memref<16x90xf32, #tpu.memory_space<vmem>> -> memref<1x90xf32, #tpu.memory_space<vmem>>
      %dma_wait3A_694 = tpu.memref_squeeze %dma_wait3A_693 : memref<1x90xf32, #tpu.memory_space<vmem>> -> memref<90xf32, #tpu.memory_space<vmem>>
      %dma_wait3A_695 = arith.constant 0 : i32
      %dma_wait3A_696 = tpu.memref_slice %arg5[%squeeze3A_214, %dma_wait3A_695] : memref<100000x90xf32, #tpu.memory_space<hbm>> -> memref<1x90xf32, #tpu.memory_space<hbm>>
      %dma_wait3A_697 = tpu.memref_squeeze %dma_wait3A_696 : memref<1x90xf32, #tpu.memory_space<hbm>> -> memref<90xf32, #tpu.memory_space<hbm>>
      %dma_wait3A_698 = arith.constant 0 : i32
      %dma_wait3A_699 = tpu.memref_slice %arg12[%dma_wait3A_691, %dma_wait3A_698] : memref<16x90xf32, #tpu.memory_space<vmem>> -> memref<1x90xf32, #tpu.memory_space<vmem>>
      %dma_wait3A_700 = tpu.memref_squeeze %dma_wait3A_699 : memref<1x90xf32, #tpu.memory_space<vmem>> -> memref<90xf32, #tpu.memory_space<vmem>>
      %dma_wait3A_701 = arith.constant 0 : i32
      %dma_wait3A_702 = tpu.memref_slice %arg5[%squeeze3A_214, %dma_wait3A_701] : memref<100000x90xf32, #tpu.memory_space<hbm>> -> memref<1x90xf32, #tpu.memory_space<hbm>>
      %dma_wait3A_703 = tpu.memref_squeeze %dma_wait3A_702 : memref<1x90xf32, #tpu.memory_space<hbm>> -> memref<90xf32, #tpu.memory_space<hbm>>
      tpu.wait_dma2 semaphore(%arg17 : memref<!tpu.dma_semaphore, #tpu.memory_space<semaphore_mem>>) src(%dma_wait3A_703 : memref<90xf32, #tpu.memory_space<hbm>>) dst(%dma_wait3A_700 : memref<90xf32, #tpu.memory_space<vmem>>)
      %dma_wait3A_704 = arith.constant 1 : i32
      %dma_wait3A_705 = arith.constant 0 : i32
      %dma_wait3A_706 = tpu.memref_slice %arg11[%dma_wait3A_704, %dma_wait3A_705] : memref<16x90xf32, #tpu.memory_space<vmem>> -> memref<1x90xf32, #tpu.memory_space<vmem>>
      %dma_wait3A_707 = tpu.memref_squeeze %dma_wait3A_706 : memref<1x90xf32, #tpu.memory_space<vmem>> -> memref<90xf32, #tpu.memory_space<vmem>>
      %dma_wait3A_708 = arith.constant 0 : i32
      %dma_wait3A_709 = tpu.memref_slice %arg4[%squeeze3A_229, %dma_wait3A_708] : memref<1000000x90xf32, #tpu.memory_space<hbm>> -> memref<1x90xf32, #tpu.memory_space<hbm>>
      %dma_wait3A_710 = tpu.memref_squeeze %dma_wait3A_709 : memref<1x90xf32, #tpu.memory_space<hbm>> -> memref<90xf32, #tpu.memory_space<hbm>>
      %dma_wait3A_711 = arith.constant 0 : i32
      %dma_wait3A_712 = tpu.memref_slice %arg11[%dma_wait3A_704, %dma_wait3A_711] : memref<16x90xf32, #tpu.memory_space<vmem>> -> memref<1x90xf32, #tpu.memory_space<vmem>>
      %dma_wait3A_713 = tpu.memref_squeeze %dma_wait3A_712 : memref<1x90xf32, #tpu.memory_space<vmem>> -> memref<90xf32, #tpu.memory_space<vmem>>
      %dma_wait3A_714 = arith.constant 0 : i32
      %dma_wait3A_715 = tpu.memref_slice %arg4[%squeeze3A_229, %dma_wait3A_714] : memref<1000000x90xf32, #tpu.memory_space<hbm>> -> memref<1x90xf32, #tpu.memory_space<hbm>>
      %dma_wait3A_716 = tpu.memref_squeeze %dma_wait3A_715 : memref<1x90xf32, #tpu.memory_space<hbm>> -> memref<90xf32, #tpu.memory_space<hbm>>
      tpu.wait_dma2 semaphore(%arg16 : memref<!tpu.dma_semaphore, #tpu.memory_space<semaphore_mem>>) src(%dma_wait3A_716 : memref<90xf32, #tpu.memory_space<hbm>>) dst(%dma_wait3A_713 : memref<90xf32, #tpu.memory_space<vmem>>)
      %dma_wait3A_717 = arith.constant 1 : i32
      %dma_wait3A_718 = arith.constant 0 : i32
      %dma_wait3A_719 = tpu.memref_slice %arg12[%dma_wait3A_717, %dma_wait3A_718] : memref<16x90xf32, #tpu.memory_space<vmem>> -> memref<1x90xf32, #tpu.memory_space<vmem>>
      %dma_wait3A_720 = tpu.memref_squeeze %dma_wait3A_719 : memref<1x90xf32, #tpu.memory_space<vmem>> -> memref<90xf32, #tpu.memory_space<vmem>>
      %dma_wait3A_721 = arith.constant 0 : i32
      %dma_wait3A_722 = tpu.memref_slice %arg5[%squeeze3A_244, %dma_wait3A_721] : memref<100000x90xf32, #tpu.memory_space<hbm>> -> memref<1x90xf32, #tpu.memory_space<hbm>>
      %dma_wait3A_723 = tpu.memref_squeeze %dma_wait3A_722 : memref<1x90xf32, #tpu.memory_space<hbm>> -> memref<90xf32, #tpu.memory_space<hbm>>
      %dma_wait3A_724 = arith.constant 0 : i32
      %dma_wait3A_725 = tpu.memref_slice %arg12[%dma_wait3A_717, %dma_wait3A_724] : memref<16x90xf32, #tpu.memory_space<vmem>> -> memref<1x90xf32, #tpu.memory_space<vmem>>
      %dma_wait3A_726 = tpu.memref_squeeze %dma_wait3A_725 : memref<1x90xf32, #tpu.memory_space<vmem>> -> memref<90xf32, #tpu.memory_space<vmem>>
      %dma_wait3A_727 = arith.constant 0 : i32
      %dma_wait3A_728 = tpu.memref_slice %arg5[%squeeze3A_244, %dma_wait3A_727] : memref<100000x90xf32, #tpu.memory_space<hbm>> -> memref<1x90xf32, #tpu.memory_space<hbm>>
      %dma_wait3A_729 = tpu.memref_squeeze %dma_wait3A_728 : memref<1x90xf32, #tpu.memory_space<hbm>> -> memref<90xf32, #tpu.memory_space<hbm>>
      tpu.wait_dma2 semaphore(%arg17 : memref<!tpu.dma_semaphore, #tpu.memory_space<semaphore_mem>>) src(%dma_wait3A_729 : memref<90xf32, #tpu.memory_space<hbm>>) dst(%dma_wait3A_726 : memref<90xf32, #tpu.memory_space<vmem>>)
      %dma_wait3A_730 = arith.constant 2 : i32
      %dma_wait3A_731 = arith.constant 0 : i32
      %dma_wait3A_732 = tpu.memref_slice %arg11[%dma_wait3A_730, %dma_wait3A_731] : memref<16x90xf32, #tpu.memory_space<vmem>> -> memref<1x90xf32, #tpu.memory_space<vmem>>
      %dma_wait3A_733 = tpu.memref_squeeze %dma_wait3A_732 : memref<1x90xf32, #tpu.memory_space<vmem>> -> memref<90xf32, #tpu.memory_space<vmem>>
      %dma_wait3A_734 = arith.constant 0 : i32
      %dma_wait3A_735 = tpu.memref_slice %arg4[%squeeze3A_259, %dma_wait3A_734] : memref<1000000x90xf32, #tpu.memory_space<hbm>> -> memref<1x90xf32, #tpu.memory_space<hbm>>
      %dma_wait3A_736 = tpu.memref_squeeze %dma_wait3A_735 : memref<1x90xf32, #tpu.memory_space<hbm>> -> memref<90xf32, #tpu.memory_space<hbm>>
      %dma_wait3A_737 = arith.constant 0 : i32
      %dma_wait3A_738 = tpu.memref_slice %arg11[%dma_wait3A_730, %dma_wait3A_737] : memref<16x90xf32, #tpu.memory_space<vmem>> -> memref<1x90xf32, #tpu.memory_space<vmem>>
      %dma_wait3A_739 = tpu.memref_squeeze %dma_wait3A_738 : memref<1x90xf32, #tpu.memory_space<vmem>> -> memref<90xf32, #tpu.memory_space<vmem>>
      %dma_wait3A_740 = arith.constant 0 : i32
      %dma_wait3A_741 = tpu.memref_slice %arg4[%squeeze3A_259, %dma_wait3A_740] : memref<1000000x90xf32, #tpu.memory_space<hbm>> -> memref<1x90xf32, #tpu.memory_space<hbm>>
      %dma_wait3A_742 = tpu.memref_squeeze %dma_wait3A_741 : memref<1x90xf32, #tpu.memory_space<hbm>> -> memref<90xf32, #tpu.memory_space<hbm>>
      tpu.wait_dma2 semaphore(%arg16 : memref<!tpu.dma_semaphore, #tpu.memory_space<semaphore_mem>>) src(%dma_wait3A_742 : memref<90xf32, #tpu.memory_space<hbm>>) dst(%dma_wait3A_739 : memref<90xf32, #tpu.memory_space<vmem>>)
      %dma_wait3A_743 = arith.constant 2 : i32
      %dma_wait3A_744 = arith.constant 0 : i32
      %dma_wait3A_745 = tpu.memref_slice %arg12[%dma_wait3A_743, %dma_wait3A_744] : memref<16x90xf32, #tpu.memory_space<vmem>> -> memref<1x90xf32, #tpu.memory_space<vmem>>
      %dma_wait3A_746 = tpu.memref_squeeze %dma_wait3A_745 : memref<1x90xf32, #tpu.memory_space<vmem>> -> memref<90xf32, #tpu.memory_space<vmem>>
      %dma_wait3A_747 = arith.constant 0 : i32
      %dma_wait3A_748 = tpu.memref_slice %arg5[%squeeze3A_274, %dma_wait3A_747] : memref<100000x90xf32, #tpu.memory_space<hbm>> -> memref<1x90xf32, #tpu.memory_space<hbm>>
      %dma_wait3A_749 = tpu.memref_squeeze %dma_wait3A_748 : memref<1x90xf32, #tpu.memory_space<hbm>> -> memref<90xf32, #tpu.memory_space<hbm>>
      %dma_wait3A_750 = arith.constant 0 : i32
      %dma_wait3A_751 = tpu.memref_slice %arg12[%dma_wait3A_743, %dma_wait3A_750] : memref<16x90xf32, #tpu.memory_space<vmem>> -> memref<1x90xf32, #tpu.memory_space<vmem>>
      %dma_wait3A_752 = tpu.memref_squeeze %dma_wait3A_751 : memref<1x90xf32, #tpu.memory_space<vmem>> -> memref<90xf32, #tpu.memory_space<vmem>>
      %dma_wait3A_753 = arith.constant 0 : i32
      %dma_wait3A_754 = tpu.memref_slice %arg5[%squeeze3A_274, %dma_wait3A_753] : memref<100000x90xf32, #tpu.memory_space<hbm>> -> memref<1x90xf32, #tpu.memory_space<hbm>>
      %dma_wait3A_755 = tpu.memref_squeeze %dma_wait3A_754 : memref<1x90xf32, #tpu.memory_space<hbm>> -> memref<90xf32, #tpu.memory_space<hbm>>
      tpu.wait_dma2 semaphore(%arg17 : memref<!tpu.dma_semaphore, #tpu.memory_space<semaphore_mem>>) src(%dma_wait3A_755 : memref<90xf32, #tpu.memory_space<hbm>>) dst(%dma_wait3A_752 : memref<90xf32, #tpu.memory_space<vmem>>)
      %dma_wait3A_756 = arith.constant 3 : i32
      %dma_wait3A_757 = arith.constant 0 : i32
      %dma_wait3A_758 = tpu.memref_slice %arg11[%dma_wait3A_756, %dma_wait3A_757] : memref<16x90xf32, #tpu.memory_space<vmem>> -> memref<1x90xf32, #tpu.memory_space<vmem>>
      %dma_wait3A_759 = tpu.memref_squeeze %dma_wait3A_758 : memref<1x90xf32, #tpu.memory_space<vmem>> -> memref<90xf32, #tpu.memory_space<vmem>>
      %dma_wait3A_760 = arith.constant 0 : i32
      %dma_wait3A_761 = tpu.memref_slice %arg4[%squeeze3A_289, %dma_wait3A_760] : memref<1000000x90xf32, #tpu.memory_space<hbm>> -> memref<1x90xf32, #tpu.memory_space<hbm>>
      %dma_wait3A_762 = tpu.memref_squeeze %dma_wait3A_761 : memref<1x90xf32, #tpu.memory_space<hbm>> -> memref<90xf32, #tpu.memory_space<hbm>>
      %dma_wait3A_763 = arith.constant 0 : i32
      %dma_wait3A_764 = tpu.memref_slice %arg11[%dma_wait3A_756, %dma_wait3A_763] : memref<16x90xf32, #tpu.memory_space<vmem>> -> memref<1x90xf32, #tpu.memory_space<vmem>>
      %dma_wait3A_765 = tpu.memref_squeeze %dma_wait3A_764 : memref<1x90xf32, #tpu.memory_space<vmem>> -> memref<90xf32, #tpu.memory_space<vmem>>
      %dma_wait3A_766 = arith.constant 0 : i32
      %dma_wait3A_767 = tpu.memref_slice %arg4[%squeeze3A_289, %dma_wait3A_766] : memref<1000000x90xf32, #tpu.memory_space<hbm>> -> memref<1x90xf32, #tpu.memory_space<hbm>>
      %dma_wait3A_768 = tpu.memref_squeeze %dma_wait3A_767 : memref<1x90xf32, #tpu.memory_space<hbm>> -> memref<90xf32, #tpu.memory_space<hbm>>
      tpu.wait_dma2 semaphore(%arg16 : memref<!tpu.dma_semaphore, #tpu.memory_space<semaphore_mem>>) src(%dma_wait3A_768 : memref<90xf32, #tpu.memory_space<hbm>>) dst(%dma_wait3A_765 : memref<90xf32, #tpu.memory_space<vmem>>)
      %dma_wait3A_769 = arith.constant 3 : i32
      %dma_wait3A_770 = arith.constant 0 : i32
      %dma_wait3A_771 = tpu.memref_slice %arg12[%dma_wait3A_769, %dma_wait3A_770] : memref<16x90xf32, #tpu.memory_space<vmem>> -> memref<1x90xf32, #tpu.memory_space<vmem>>
      %dma_wait3A_772 = tpu.memref_squeeze %dma_wait3A_771 : memref<1x90xf32, #tpu.memory_space<vmem>> -> memref<90xf32, #tpu.memory_space<vmem>>
      %dma_wait3A_773 = arith.constant 0 : i32
      %dma_wait3A_774 = tpu.memref_slice %arg5[%squeeze3A_304, %dma_wait3A_773] : memref<100000x90xf32, #tpu.memory_space<hbm>> -> memref<1x90xf32, #tpu.memory_space<hbm>>
      %dma_wait3A_775 = tpu.memref_squeeze %dma_wait3A_774 : memref<1x90xf32, #tpu.memory_space<hbm>> -> memref<90xf32, #tpu.memory_space<hbm>>
      %dma_wait3A_776 = arith.constant 0 : i32
      %dma_wait3A_777 = tpu.memref_slice %arg12[%dma_wait3A_769, %dma_wait3A_776] : memref<16x90xf32, #tpu.memory_space<vmem>> -> memref<1x90xf32, #tpu.memory_space<vmem>>
      %dma_wait3A_778 = tpu.memref_squeeze %dma_wait3A_777 : memref<1x90xf32, #tpu.memory_space<vmem>> -> memref<90xf32, #tpu.memory_space<vmem>>
      %dma_wait3A_779 = arith.constant 0 : i32
      %dma_wait3A_780 = tpu.memref_slice %arg5[%squeeze3A_304, %dma_wait3A_779] : memref<100000x90xf32, #tpu.memory_space<hbm>> -> memref<1x90xf32, #tpu.memory_space<hbm>>
      %dma_wait3A_781 = tpu.memref_squeeze %dma_wait3A_780 : memref<1x90xf32, #tpu.memory_space<hbm>> -> memref<90xf32, #tpu.memory_space<hbm>>
      tpu.wait_dma2 semaphore(%arg17 : memref<!tpu.dma_semaphore, #tpu.memory_space<semaphore_mem>>) src(%dma_wait3A_781 : memref<90xf32, #tpu.memory_space<hbm>>) dst(%dma_wait3A_778 : memref<90xf32, #tpu.memory_space<vmem>>)
      %dma_wait3A_782 = arith.constant 4 : i32
      %dma_wait3A_783 = arith.constant 0 : i32
      %dma_wait3A_784 = tpu.memref_slice %arg11[%dma_wait3A_782, %dma_wait3A_783] : memref<16x90xf32, #tpu.memory_space<vmem>> -> memref<1x90xf32, #tpu.memory_space<vmem>>
      %dma_wait3A_785 = tpu.memref_squeeze %dma_wait3A_784 : memref<1x90xf32, #tpu.memory_space<vmem>> -> memref<90xf32, #tpu.memory_space<vmem>>
      %dma_wait3A_786 = arith.constant 0 : i32
      %dma_wait3A_787 = tpu.memref_slice %arg4[%squeeze3A_319, %dma_wait3A_786] : memref<1000000x90xf32, #tpu.memory_space<hbm>> -> memref<1x90xf32, #tpu.memory_space<hbm>>
      %dma_wait3A_788 = tpu.memref_squeeze %dma_wait3A_787 : memref<1x90xf32, #tpu.memory_space<hbm>> -> memref<90xf32, #tpu.memory_space<hbm>>
      %dma_wait3A_789 = arith.constant 0 : i32
      %dma_wait3A_790 = tpu.memref_slice %arg11[%dma_wait3A_782, %dma_wait3A_789] : memref<16x90xf32, #tpu.memory_space<vmem>> -> memref<1x90xf32, #tpu.memory_space<vmem>>
      %dma_wait3A_791 = tpu.memref_squeeze %dma_wait3A_790 : memref<1x90xf32, #tpu.memory_space<vmem>> -> memref<90xf32, #tpu.memory_space<vmem>>
      %dma_wait3A_792 = arith.constant 0 : i32
      %dma_wait3A_793 = tpu.memref_slice %arg4[%squeeze3A_319, %dma_wait3A_792] : memref<1000000x90xf32, #tpu.memory_space<hbm>> -> memref<1x90xf32, #tpu.memory_space<hbm>>
      %dma_wait3A_794 = tpu.memref_squeeze %dma_wait3A_793 : memref<1x90xf32, #tpu.memory_space<hbm>> -> memref<90xf32, #tpu.memory_space<hbm>>
      tpu.wait_dma2 semaphore(%arg16 : memref<!tpu.dma_semaphore, #tpu.memory_space<semaphore_mem>>) src(%dma_wait3A_794 : memref<90xf32, #tpu.memory_space<hbm>>) dst(%dma_wait3A_791 : memref<90xf32, #tpu.memory_space<vmem>>)
      %dma_wait3A_795 = arith.constant 4 : i32
      %dma_wait3A_796 = arith.constant 0 : i32
      %dma_wait3A_797 = tpu.memref_slice %arg12[%dma_wait3A_795, %dma_wait3A_796] : memref<16x90xf32, #tpu.memory_space<vmem>> -> memref<1x90xf32, #tpu.memory_space<vmem>>
      %dma_wait3A_798 = tpu.memref_squeeze %dma_wait3A_797 : memref<1x90xf32, #tpu.memory_space<vmem>> -> memref<90xf32, #tpu.memory_space<vmem>>
      %dma_wait3A_799 = arith.constant 0 : i32
      %dma_wait3A_800 = tpu.memref_slice %arg5[%squeeze3A_334, %dma_wait3A_799] : memref<100000x90xf32, #tpu.memory_space<hbm>> -> memref<1x90xf32, #tpu.memory_space<hbm>>
      %dma_wait3A_801 = tpu.memref_squeeze %dma_wait3A_800 : memref<1x90xf32, #tpu.memory_space<hbm>> -> memref<90xf32, #tpu.memory_space<hbm>>
      %dma_wait3A_802 = arith.constant 0 : i32
      %dma_wait3A_803 = tpu.memref_slice %arg12[%dma_wait3A_795, %dma_wait3A_802] : memref<16x90xf32, #tpu.memory_space<vmem>> -> memref<1x90xf32, #tpu.memory_space<vmem>>
      %dma_wait3A_804 = tpu.memref_squeeze %dma_wait3A_803 : memref<1x90xf32, #tpu.memory_space<vmem>> -> memref<90xf32, #tpu.memory_space<vmem>>
      %dma_wait3A_805 = arith.constant 0 : i32
      %dma_wait3A_806 = tpu.memref_slice %arg5[%squeeze3A_334, %dma_wait3A_805] : memref<100000x90xf32, #tpu.memory_space<hbm>> -> memref<1x90xf32, #tpu.memory_space<hbm>>
      %dma_wait3A_807 = tpu.memref_squeeze %dma_wait3A_806 : memref<1x90xf32, #tpu.memory_space<hbm>> -> memref<90xf32, #tpu.memory_space<hbm>>
      tpu.wait_dma2 semaphore(%arg17 : memref<!tpu.dma_semaphore, #tpu.memory_space<semaphore_mem>>) src(%dma_wait3A_807 : memref<90xf32, #tpu.memory_space<hbm>>) dst(%dma_wait3A_804 : memref<90xf32, #tpu.memory_space<vmem>>)
      %dma_wait3A_808 = arith.constant 5 : i32
      %dma_wait3A_809 = arith.constant 0 : i32
      %dma_wait3A_810 = tpu.memref_slice %arg11[%dma_wait3A_808, %dma_wait3A_809] : memref<16x90xf32, #tpu.memory_space<vmem>> -> memref<1x90xf32, #tpu.memory_space<vmem>>
      %dma_wait3A_811 = tpu.memref_squeeze %dma_wait3A_810 : memref<1x90xf32, #tpu.memory_space<vmem>> -> memref<90xf32, #tpu.memory_space<vmem>>
      %dma_wait3A_812 = arith.constant 0 : i32
      %dma_wait3A_813 = tpu.memref_slice %arg4[%squeeze3A_349, %dma_wait3A_812] : memref<1000000x90xf32, #tpu.memory_space<hbm>> -> memref<1x90xf32, #tpu.memory_space<hbm>>
      %dma_wait3A_814 = tpu.memref_squeeze %dma_wait3A_813 : memref<1x90xf32, #tpu.memory_space<hbm>> -> memref<90xf32, #tpu.memory_space<hbm>>
      %dma_wait3A_815 = arith.constant 0 : i32
      %dma_wait3A_816 = tpu.memref_slice %arg11[%dma_wait3A_808, %dma_wait3A_815] : memref<16x90xf32, #tpu.memory_space<vmem>> -> memref<1x90xf32, #tpu.memory_space<vmem>>
      %dma_wait3A_817 = tpu.memref_squeeze %dma_wait3A_816 : memref<1x90xf32, #tpu.memory_space<vmem>> -> memref<90xf32, #tpu.memory_space<vmem>>
      %dma_wait3A_818 = arith.constant 0 : i32
      %dma_wait3A_819 = tpu.memref_slice %arg4[%squeeze3A_349, %dma_wait3A_818] : memref<1000000x90xf32, #tpu.memory_space<hbm>> -> memref<1x90xf32, #tpu.memory_space<hbm>>
      %dma_wait3A_820 = tpu.memref_squeeze %dma_wait3A_819 : memref<1x90xf32, #tpu.memory_space<hbm>> -> memref<90xf32, #tpu.memory_space<hbm>>
      tpu.wait_dma2 semaphore(%arg16 : memref<!tpu.dma_semaphore, #tpu.memory_space<semaphore_mem>>) src(%dma_wait3A_820 : memref<90xf32, #tpu.memory_space<hbm>>) dst(%dma_wait3A_817 : memref<90xf32, #tpu.memory_space<vmem>>)
      %dma_wait3A_821 = arith.constant 5 : i32
      %dma_wait3A_822 = arith.constant 0 : i32
      %dma_wait3A_823 = tpu.memref_slice %arg12[%dma_wait3A_821, %dma_wait3A_822] : memref<16x90xf32, #tpu.memory_space<vmem>> -> memref<1x90xf32, #tpu.memory_space<vmem>>
      %dma_wait3A_824 = tpu.memref_squeeze %dma_wait3A_823 : memref<1x90xf32, #tpu.memory_space<vmem>> -> memref<90xf32, #tpu.memory_space<vmem>>
      %dma_wait3A_825 = arith.constant 0 : i32
      %dma_wait3A_826 = tpu.memref_slice %arg5[%squeeze3A_364, %dma_wait3A_825] : memref<100000x90xf32, #tpu.memory_space<hbm>> -> memref<1x90xf32, #tpu.memory_space<hbm>>
      %dma_wait3A_827 = tpu.memref_squeeze %dma_wait3A_826 : memref<1x90xf32, #tpu.memory_space<hbm>> -> memref<90xf32, #tpu.memory_space<hbm>>
      %dma_wait3A_828 = arith.constant 0 : i32
      %dma_wait3A_829 = tpu.memref_slice %arg12[%dma_wait3A_821, %dma_wait3A_828] : memref<16x90xf32, #tpu.memory_space<vmem>> -> memref<1x90xf32, #tpu.memory_space<vmem>>
      %dma_wait3A_830 = tpu.memref_squeeze %dma_wait3A_829 : memref<1x90xf32, #tpu.memory_space<vmem>> -> memref<90xf32, #tpu.memory_space<vmem>>
      %dma_wait3A_831 = arith.constant 0 : i32
      %dma_wait3A_832 = tpu.memref_slice %arg5[%squeeze3A_364, %dma_wait3A_831] : memref<100000x90xf32, #tpu.memory_space<hbm>> -> memref<1x90xf32, #tpu.memory_space<hbm>>
      %dma_wait3A_833 = tpu.memref_squeeze %dma_wait3A_832 : memref<1x90xf32, #tpu.memory_space<hbm>> -> memref<90xf32, #tpu.memory_space<hbm>>
      tpu.wait_dma2 semaphore(%arg17 : memref<!tpu.dma_semaphore, #tpu.memory_space<semaphore_mem>>) src(%dma_wait3A_833 : memref<90xf32, #tpu.memory_space<hbm>>) dst(%dma_wait3A_830 : memref<90xf32, #tpu.memory_space<vmem>>)
      %dma_wait3A_834 = arith.constant 6 : i32
      %dma_wait3A_835 = arith.constant 0 : i32
      %dma_wait3A_836 = tpu.memref_slice %arg11[%dma_wait3A_834, %dma_wait3A_835] : memref<16x90xf32, #tpu.memory_space<vmem>> -> memref<1x90xf32, #tpu.memory_space<vmem>>
      %dma_wait3A_837 = tpu.memref_squeeze %dma_wait3A_836 : memref<1x90xf32, #tpu.memory_space<vmem>> -> memref<90xf32, #tpu.memory_space<vmem>>
      %dma_wait3A_838 = arith.constant 0 : i32
      %dma_wait3A_839 = tpu.memref_slice %arg4[%squeeze3A_379, %dma_wait3A_838] : memref<1000000x90xf32, #tpu.memory_space<hbm>> -> memref<1x90xf32, #tpu.memory_space<hbm>>
      %dma_wait3A_840 = tpu.memref_squeeze %dma_wait3A_839 : memref<1x90xf32, #tpu.memory_space<hbm>> -> memref<90xf32, #tpu.memory_space<hbm>>
      %dma_wait3A_841 = arith.constant 0 : i32
      %dma_wait3A_842 = tpu.memref_slice %arg11[%dma_wait3A_834, %dma_wait3A_841] : memref<16x90xf32, #tpu.memory_space<vmem>> -> memref<1x90xf32, #tpu.memory_space<vmem>>
      %dma_wait3A_843 = tpu.memref_squeeze %dma_wait3A_842 : memref<1x90xf32, #tpu.memory_space<vmem>> -> memref<90xf32, #tpu.memory_space<vmem>>
      %dma_wait3A_844 = arith.constant 0 : i32
      %dma_wait3A_845 = tpu.memref_slice %arg4[%squeeze3A_379, %dma_wait3A_844] : memref<1000000x90xf32, #tpu.memory_space<hbm>> -> memref<1x90xf32, #tpu.memory_space<hbm>>
      %dma_wait3A_846 = tpu.memref_squeeze %dma_wait3A_845 : memref<1x90xf32, #tpu.memory_space<hbm>> -> memref<90xf32, #tpu.memory_space<hbm>>
      tpu.wait_dma2 semaphore(%arg16 : memref<!tpu.dma_semaphore, #tpu.memory_space<semaphore_mem>>) src(%dma_wait3A_846 : memref<90xf32, #tpu.memory_space<hbm>>) dst(%dma_wait3A_843 : memref<90xf32, #tpu.memory_space<vmem>>)
      %dma_wait3A_847 = arith.constant 6 : i32
      %dma_wait3A_848 = arith.constant 0 : i32
      %dma_wait3A_849 = tpu.memref_slice %arg12[%dma_wait3A_847, %dma_wait3A_848] : memref<16x90xf32, #tpu.memory_space<vmem>> -> memref<1x90xf32, #tpu.memory_space<vmem>>
      %dma_wait3A_850 = tpu.memref_squeeze %dma_wait3A_849 : memref<1x90xf32, #tpu.memory_space<vmem>> -> memref<90xf32, #tpu.memory_space<vmem>>
      %dma_wait3A_851 = arith.constant 0 : i32
      %dma_wait3A_852 = tpu.memref_slice %arg5[%squeeze3A_394, %dma_wait3A_851] : memref<100000x90xf32, #tpu.memory_space<hbm>> -> memref<1x90xf32, #tpu.memory_space<hbm>>
      %dma_wait3A_853 = tpu.memref_squeeze %dma_wait3A_852 : memref<1x90xf32, #tpu.memory_space<hbm>> -> memref<90xf32, #tpu.memory_space<hbm>>
      %dma_wait3A_854 = arith.constant 0 : i32
      %dma_wait3A_855 = tpu.memref_slice %arg12[%dma_wait3A_847, %dma_wait3A_854] : memref<16x90xf32, #tpu.memory_space<vmem>> -> memref<1x90xf32, #tpu.memory_space<vmem>>
      %dma_wait3A_856 = tpu.memref_squeeze %dma_wait3A_855 : memref<1x90xf32, #tpu.memory_space<vmem>> -> memref<90xf32, #tpu.memory_space<vmem>>
      %dma_wait3A_857 = arith.constant 0 : i32
      %dma_wait3A_858 = tpu.memref_slice %arg5[%squeeze3A_394, %dma_wait3A_857] : memref<100000x90xf32, #tpu.memory_space<hbm>> -> memref<1x90xf32, #tpu.memory_space<hbm>>
      %dma_wait3A_859 = tpu.memref_squeeze %dma_wait3A_858 : memref<1x90xf32, #tpu.memory_space<hbm>> -> memref<90xf32, #tpu.memory_space<hbm>>
      tpu.wait_dma2 semaphore(%arg17 : memref<!tpu.dma_semaphore, #tpu.memory_space<semaphore_mem>>) src(%dma_wait3A_859 : memref<90xf32, #tpu.memory_space<hbm>>) dst(%dma_wait3A_856 : memref<90xf32, #tpu.memory_space<vmem>>)
      %dma_wait3A_860 = arith.constant 7 : i32
      %dma_wait3A_861 = arith.constant 0 : i32
      %dma_wait3A_862 = tpu.memref_slice %arg11[%dma_wait3A_860, %dma_wait3A_861] : memref<16x90xf32, #tpu.memory_space<vmem>> -> memref<1x90xf32, #tpu.memory_space<vmem>>
      %dma_wait3A_863 = tpu.memref_squeeze %dma_wait3A_862 : memref<1x90xf32, #tpu.memory_space<vmem>> -> memref<90xf32, #tpu.memory_space<vmem>>
      %dma_wait3A_864 = arith.constant 0 : i32
      %dma_wait3A_865 = tpu.memref_slice %arg4[%squeeze3A_409, %dma_wait3A_864] : memref<1000000x90xf32, #tpu.memory_space<hbm>> -> memref<1x90xf32, #tpu.memory_space<hbm>>
      %dma_wait3A_866 = tpu.memref_squeeze %dma_wait3A_865 : memref<1x90xf32, #tpu.memory_space<hbm>> -> memref<90xf32, #tpu.memory_space<hbm>>
      %dma_wait3A_867 = arith.constant 0 : i32
      %dma_wait3A_868 = tpu.memref_slice %arg11[%dma_wait3A_860, %dma_wait3A_867] : memref<16x90xf32, #tpu.memory_space<vmem>> -> memref<1x90xf32, #tpu.memory_space<vmem>>
      %dma_wait3A_869 = tpu.memref_squeeze %dma_wait3A_868 : memref<1x90xf32, #tpu.memory_space<vmem>> -> memref<90xf32, #tpu.memory_space<vmem>>
      %dma_wait3A_870 = arith.constant 0 : i32
      %dma_wait3A_871 = tpu.memref_slice %arg4[%squeeze3A_409, %dma_wait3A_870] : memref<1000000x90xf32, #tpu.memory_space<hbm>> -> memref<1x90xf32, #tpu.memory_space<hbm>>
      %dma_wait3A_872 = tpu.memref_squeeze %dma_wait3A_871 : memref<1x90xf32, #tpu.memory_space<hbm>> -> memref<90xf32, #tpu.memory_space<hbm>>
      tpu.wait_dma2 semaphore(%arg16 : memref<!tpu.dma_semaphore, #tpu.memory_space<semaphore_mem>>) src(%dma_wait3A_872 : memref<90xf32, #tpu.memory_space<hbm>>) dst(%dma_wait3A_869 : memref<90xf32, #tpu.memory_space<vmem>>)
      %dma_wait3A_873 = arith.constant 7 : i32
      %dma_wait3A_874 = arith.constant 0 : i32
      %dma_wait3A_875 = tpu.memref_slice %arg12[%dma_wait3A_873, %dma_wait3A_874] : memref<16x90xf32, #tpu.memory_space<vmem>> -> memref<1x90xf32, #tpu.memory_space<vmem>>
      %dma_wait3A_876 = tpu.memref_squeeze %dma_wait3A_875 : memref<1x90xf32, #tpu.memory_space<vmem>> -> memref<90xf32, #tpu.memory_space<vmem>>
      %dma_wait3A_877 = arith.constant 0 : i32
      %dma_wait3A_878 = tpu.memref_slice %arg5[%squeeze3A_424, %dma_wait3A_877] : memref<100000x90xf32, #tpu.memory_space<hbm>> -> memref<1x90xf32, #tpu.memory_space<hbm>>
      %dma_wait3A_879 = tpu.memref_squeeze %dma_wait3A_878 : memref<1x90xf32, #tpu.memory_space<hbm>> -> memref<90xf32, #tpu.memory_space<hbm>>
      %dma_wait3A_880 = arith.constant 0 : i32
      %dma_wait3A_881 = tpu.memref_slice %arg12[%dma_wait3A_873, %dma_wait3A_880] : memref<16x90xf32, #tpu.memory_space<vmem>> -> memref<1x90xf32, #tpu.memory_space<vmem>>
      %dma_wait3A_882 = tpu.memref_squeeze %dma_wait3A_881 : memref<1x90xf32, #tpu.memory_space<vmem>> -> memref<90xf32, #tpu.memory_space<vmem>>
      %dma_wait3A_883 = arith.constant 0 : i32
      %dma_wait3A_884 = tpu.memref_slice %arg5[%squeeze3A_424, %dma_wait3A_883] : memref<100000x90xf32, #tpu.memory_space<hbm>> -> memref<1x90xf32, #tpu.memory_space<hbm>>
      %dma_wait3A_885 = tpu.memref_squeeze %dma_wait3A_884 : memref<1x90xf32, #tpu.memory_space<hbm>> -> memref<90xf32, #tpu.memory_space<hbm>>
      tpu.wait_dma2 semaphore(%arg17 : memref<!tpu.dma_semaphore, #tpu.memory_space<semaphore_mem>>) src(%dma_wait3A_885 : memref<90xf32, #tpu.memory_space<hbm>>) dst(%dma_wait3A_882 : memref<90xf32, #tpu.memory_space<vmem>>)
      %dma_wait3A_886 = arith.constant 8 : i32
      %dma_wait3A_887 = arith.constant 0 : i32
      %dma_wait3A_888 = tpu.memref_slice %arg11[%dma_wait3A_886, %dma_wait3A_887] : memref<16x90xf32, #tpu.memory_space<vmem>> -> memref<1x90xf32, #tpu.memory_space<vmem>>
      %dma_wait3A_889 = tpu.memref_squeeze %dma_wait3A_888 : memref<1x90xf32, #tpu.memory_space<vmem>> -> memref<90xf32, #tpu.memory_space<vmem>>
      %dma_wait3A_890 = arith.constant 0 : i32
      %dma_wait3A_891 = tpu.memref_slice %arg4[%squeeze3A_439, %dma_wait3A_890] : memref<1000000x90xf32, #tpu.memory_space<hbm>> -> memref<1x90xf32, #tpu.memory_space<hbm>>
      %dma_wait3A_892 = tpu.memref_squeeze %dma_wait3A_891 : memref<1x90xf32, #tpu.memory_space<hbm>> -> memref<90xf32, #tpu.memory_space<hbm>>
      %dma_wait3A_893 = arith.constant 0 : i32
      %dma_wait3A_894 = tpu.memref_slice %arg11[%dma_wait3A_886, %dma_wait3A_893] : memref<16x90xf32, #tpu.memory_space<vmem>> -> memref<1x90xf32, #tpu.memory_space<vmem>>
      %dma_wait3A_895 = tpu.memref_squeeze %dma_wait3A_894 : memref<1x90xf32, #tpu.memory_space<vmem>> -> memref<90xf32, #tpu.memory_space<vmem>>
      %dma_wait3A_896 = arith.constant 0 : i32
      %dma_wait3A_897 = tpu.memref_slice %arg4[%squeeze3A_439, %dma_wait3A_896] : memref<1000000x90xf32, #tpu.memory_space<hbm>> -> memref<1x90xf32, #tpu.memory_space<hbm>>
      %dma_wait3A_898 = tpu.memref_squeeze %dma_wait3A_897 : memref<1x90xf32, #tpu.memory_space<hbm>> -> memref<90xf32, #tpu.memory_space<hbm>>
      tpu.wait_dma2 semaphore(%arg16 : memref<!tpu.dma_semaphore, #tpu.memory_space<semaphore_mem>>) src(%dma_wait3A_898 : memref<90xf32, #tpu.memory_space<hbm>>) dst(%dma_wait3A_895 : memref<90xf32, #tpu.memory_space<vmem>>)
      %dma_wait3A_899 = arith.constant 8 : i32
      %dma_wait3A_900 = arith.constant 0 : i32
      %dma_wait3A_901 = tpu.memref_slice %arg12[%dma_wait3A_899, %dma_wait3A_900] : memref<16x90xf32, #tpu.memory_space<vmem>> -> memref<1x90xf32, #tpu.memory_space<vmem>>
      %dma_wait3A_902 = tpu.memref_squeeze %dma_wait3A_901 : memref<1x90xf32, #tpu.memory_space<vmem>> -> memref<90xf32, #tpu.memory_space<vmem>>
      %dma_wait3A_903 = arith.constant 0 : i32
      %dma_wait3A_904 = tpu.memref_slice %arg5[%squeeze3A_454, %dma_wait3A_903] : memref<100000x90xf32, #tpu.memory_space<hbm>> -> memref<1x90xf32, #tpu.memory_space<hbm>>
      %dma_wait3A_905 = tpu.memref_squeeze %dma_wait3A_904 : memref<1x90xf32, #tpu.memory_space<hbm>> -> memref<90xf32, #tpu.memory_space<hbm>>
      %dma_wait3A_906 = arith.constant 0 : i32
      %dma_wait3A_907 = tpu.memref_slice %arg12[%dma_wait3A_899, %dma_wait3A_906] : memref<16x90xf32, #tpu.memory_space<vmem>> -> memref<1x90xf32, #tpu.memory_space<vmem>>
      %dma_wait3A_908 = tpu.memref_squeeze %dma_wait3A_907 : memref<1x90xf32, #tpu.memory_space<vmem>> -> memref<90xf32, #tpu.memory_space<vmem>>
      %dma_wait3A_909 = arith.constant 0 : i32
      %dma_wait3A_910 = tpu.memref_slice %arg5[%squeeze3A_454, %dma_wait3A_909] : memref<100000x90xf32, #tpu.memory_space<hbm>> -> memref<1x90xf32, #tpu.memory_space<hbm>>
      %dma_wait3A_911 = tpu.memref_squeeze %dma_wait3A_910 : memref<1x90xf32, #tpu.memory_space<hbm>> -> memref<90xf32, #tpu.memory_space<hbm>>
      tpu.wait_dma2 semaphore(%arg17 : memref<!tpu.dma_semaphore, #tpu.memory_space<semaphore_mem>>) src(%dma_wait3A_911 : memref<90xf32, #tpu.memory_space<hbm>>) dst(%dma_wait3A_908 : memref<90xf32, #tpu.memory_space<vmem>>)
      %dma_wait3A_912 = arith.constant 9 : i32
      %dma_wait3A_913 = arith.constant 0 : i32
      %dma_wait3A_914 = tpu.memref_slice %arg11[%dma_wait3A_912, %dma_wait3A_913] : memref<16x90xf32, #tpu.memory_space<vmem>> -> memref<1x90xf32, #tpu.memory_space<vmem>>
      %dma_wait3A_915 = tpu.memref_squeeze %dma_wait3A_914 : memref<1x90xf32, #tpu.memory_space<vmem>> -> memref<90xf32, #tpu.memory_space<vmem>>
      %dma_wait3A_916 = arith.constant 0 : i32
      %dma_wait3A_917 = tpu.memref_slice %arg4[%squeeze3A_469, %dma_wait3A_916] : memref<1000000x90xf32, #tpu.memory_space<hbm>> -> memref<1x90xf32, #tpu.memory_space<hbm>>
      %dma_wait3A_918 = tpu.memref_squeeze %dma_wait3A_917 : memref<1x90xf32, #tpu.memory_space<hbm>> -> memref<90xf32, #tpu.memory_space<hbm>>
      %dma_wait3A_919 = arith.constant 0 : i32
      %dma_wait3A_920 = tpu.memref_slice %arg11[%dma_wait3A_912, %dma_wait3A_919] : memref<16x90xf32, #tpu.memory_space<vmem>> -> memref<1x90xf32, #tpu.memory_space<vmem>>
      %dma_wait3A_921 = tpu.memref_squeeze %dma_wait3A_920 : memref<1x90xf32, #tpu.memory_space<vmem>> -> memref<90xf32, #tpu.memory_space<vmem>>
      %dma_wait3A_922 = arith.constant 0 : i32
      %dma_wait3A_923 = tpu.memref_slice %arg4[%squeeze3A_469, %dma_wait3A_922] : memref<1000000x90xf32, #tpu.memory_space<hbm>> -> memref<1x90xf32, #tpu.memory_space<hbm>>
      %dma_wait3A_924 = tpu.memref_squeeze %dma_wait3A_923 : memref<1x90xf32, #tpu.memory_space<hbm>> -> memref<90xf32, #tpu.memory_space<hbm>>
      tpu.wait_dma2 semaphore(%arg16 : memref<!tpu.dma_semaphore, #tpu.memory_space<semaphore_mem>>) src(%dma_wait3A_924 : memref<90xf32, #tpu.memory_space<hbm>>) dst(%dma_wait3A_921 : memref<90xf32, #tpu.memory_space<vmem>>)
      %dma_wait3A_925 = arith.constant 9 : i32
      %dma_wait3A_926 = arith.constant 0 : i32
      %dma_wait3A_927 = tpu.memref_slice %arg12[%dma_wait3A_925, %dma_wait3A_926] : memref<16x90xf32, #tpu.memory_space<vmem>> -> memref<1x90xf32, #tpu.memory_space<vmem>>
      %dma_wait3A_928 = tpu.memref_squeeze %dma_wait3A_927 : memref<1x90xf32, #tpu.memory_space<vmem>> -> memref<90xf32, #tpu.memory_space<vmem>>
      %dma_wait3A_929 = arith.constant 0 : i32
      %dma_wait3A_930 = tpu.memref_slice %arg5[%squeeze3A_484, %dma_wait3A_929] : memref<100000x90xf32, #tpu.memory_space<hbm>> -> memref<1x90xf32, #tpu.memory_space<hbm>>
      %dma_wait3A_931 = tpu.memref_squeeze %dma_wait3A_930 : memref<1x90xf32, #tpu.memory_space<hbm>> -> memref<90xf32, #tpu.memory_space<hbm>>
      %dma_wait3A_932 = arith.constant 0 : i32
      %dma_wait3A_933 = tpu.memref_slice %arg12[%dma_wait3A_925, %dma_wait3A_932] : memref<16x90xf32, #tpu.memory_space<vmem>> -> memref<1x90xf32, #tpu.memory_space<vmem>>
      %dma_wait3A_934 = tpu.memref_squeeze %dma_wait3A_933 : memref<1x90xf32, #tpu.memory_space<vmem>> -> memref<90xf32, #tpu.memory_space<vmem>>
      %dma_wait3A_935 = arith.constant 0 : i32
      %dma_wait3A_936 = tpu.memref_slice %arg5[%squeeze3A_484, %dma_wait3A_935] : memref<100000x90xf32, #tpu.memory_space<hbm>> -> memref<1x90xf32, #tpu.memory_space<hbm>>
      %dma_wait3A_937 = tpu.memref_squeeze %dma_wait3A_936 : memref<1x90xf32, #tpu.memory_space<hbm>> -> memref<90xf32, #tpu.memory_space<hbm>>
      tpu.wait_dma2 semaphore(%arg17 : memref<!tpu.dma_semaphore, #tpu.memory_space<semaphore_mem>>) src(%dma_wait3A_937 : memref<90xf32, #tpu.memory_space<hbm>>) dst(%dma_wait3A_934 : memref<90xf32, #tpu.memory_space<vmem>>)
      %dma_wait3A_938 = arith.constant 10 : i32
      %dma_wait3A_939 = arith.constant 0 : i32
      %dma_wait3A_940 = tpu.memref_slice %arg11[%dma_wait3A_938, %dma_wait3A_939] : memref<16x90xf32, #tpu.memory_space<vmem>> -> memref<1x90xf32, #tpu.memory_space<vmem>>
      %dma_wait3A_941 = tpu.memref_squeeze %dma_wait3A_940 : memref<1x90xf32, #tpu.memory_space<vmem>> -> memref<90xf32, #tpu.memory_space<vmem>>
      %dma_wait3A_942 = arith.constant 0 : i32
      %dma_wait3A_943 = tpu.memref_slice %arg4[%squeeze3A_499, %dma_wait3A_942] : memref<1000000x90xf32, #tpu.memory_space<hbm>> -> memref<1x90xf32, #tpu.memory_space<hbm>>
      %dma_wait3A_944 = tpu.memref_squeeze %dma_wait3A_943 : memref<1x90xf32, #tpu.memory_space<hbm>> -> memref<90xf32, #tpu.memory_space<hbm>>
      %dma_wait3A_945 = arith.constant 0 : i32
      %dma_wait3A_946 = tpu.memref_slice %arg11[%dma_wait3A_938, %dma_wait3A_945] : memref<16x90xf32, #tpu.memory_space<vmem>> -> memref<1x90xf32, #tpu.memory_space<vmem>>
      %dma_wait3A_947 = tpu.memref_squeeze %dma_wait3A_946 : memref<1x90xf32, #tpu.memory_space<vmem>> -> memref<90xf32, #tpu.memory_space<vmem>>
      %dma_wait3A_948 = arith.constant 0 : i32
      %dma_wait3A_949 = tpu.memref_slice %arg4[%squeeze3A_499, %dma_wait3A_948] : memref<1000000x90xf32, #tpu.memory_space<hbm>> -> memref<1x90xf32, #tpu.memory_space<hbm>>
      %dma_wait3A_950 = tpu.memref_squeeze %dma_wait3A_949 : memref<1x90xf32, #tpu.memory_space<hbm>> -> memref<90xf32, #tpu.memory_space<hbm>>
      tpu.wait_dma2 semaphore(%arg16 : memref<!tpu.dma_semaphore, #tpu.memory_space<semaphore_mem>>) src(%dma_wait3A_950 : memref<90xf32, #tpu.memory_space<hbm>>) dst(%dma_wait3A_947 : memref<90xf32, #tpu.memory_space<vmem>>)
      %dma_wait3A_951 = arith.constant 10 : i32
      %dma_wait3A_952 = arith.constant 0 : i32
      %dma_wait3A_953 = tpu.memref_slice %arg12[%dma_wait3A_951, %dma_wait3A_952] : memref<16x90xf32, #tpu.memory_space<vmem>> -> memref<1x90xf32, #tpu.memory_space<vmem>>
      %dma_wait3A_954 = tpu.memref_squeeze %dma_wait3A_953 : memref<1x90xf32, #tpu.memory_space<vmem>> -> memref<90xf32, #tpu.memory_space<vmem>>
      %dma_wait3A_955 = arith.constant 0 : i32
      %dma_wait3A_956 = tpu.memref_slice %arg5[%squeeze3A_514, %dma_wait3A_955] : memref<100000x90xf32, #tpu.memory_space<hbm>> -> memref<1x90xf32, #tpu.memory_space<hbm>>
      %dma_wait3A_957 = tpu.memref_squeeze %dma_wait3A_956 : memref<1x90xf32, #tpu.memory_space<hbm>> -> memref<90xf32, #tpu.memory_space<hbm>>
      %dma_wait3A_958 = arith.constant 0 : i32
      %dma_wait3A_959 = tpu.memref_slice %arg12[%dma_wait3A_951, %dma_wait3A_958] : memref<16x90xf32, #tpu.memory_space<vmem>> -> memref<1x90xf32, #tpu.memory_space<vmem>>
      %dma_wait3A_960 = tpu.memref_squeeze %dma_wait3A_959 : memref<1x90xf32, #tpu.memory_space<vmem>> -> memref<90xf32, #tpu.memory_space<vmem>>
      %dma_wait3A_961 = arith.constant 0 : i32
      %dma_wait3A_962 = tpu.memref_slice %arg5[%squeeze3A_514, %dma_wait3A_961] : memref<100000x90xf32, #tpu.memory_space<hbm>> -> memref<1x90xf32, #tpu.memory_space<hbm>>
      %dma_wait3A_963 = tpu.memref_squeeze %dma_wait3A_962 : memref<1x90xf32, #tpu.memory_space<hbm>> -> memref<90xf32, #tpu.memory_space<hbm>>
      tpu.wait_dma2 semaphore(%arg17 : memref<!tpu.dma_semaphore, #tpu.memory_space<semaphore_mem>>) src(%dma_wait3A_963 : memref<90xf32, #tpu.memory_space<hbm>>) dst(%dma_wait3A_960 : memref<90xf32, #tpu.memory_space<vmem>>)
      %dma_wait3A_964 = arith.constant 11 : i32
      %dma_wait3A_965 = arith.constant 0 : i32
      %dma_wait3A_966 = tpu.memref_slice %arg11[%dma_wait3A_964, %dma_wait3A_965] : memref<16x90xf32, #tpu.memory_space<vmem>> -> memref<1x90xf32, #tpu.memory_space<vmem>>
      %dma_wait3A_967 = tpu.memref_squeeze %dma_wait3A_966 : memref<1x90xf32, #tpu.memory_space<vmem>> -> memref<90xf32, #tpu.memory_space<vmem>>
      %dma_wait3A_968 = arith.constant 0 : i32
      %dma_wait3A_969 = tpu.memref_slice %arg4[%squeeze3A_529, %dma_wait3A_968] : memref<1000000x90xf32, #tpu.memory_space<hbm>> -> memref<1x90xf32, #tpu.memory_space<hbm>>
      %dma_wait3A_970 = tpu.memref_squeeze %dma_wait3A_969 : memref<1x90xf32, #tpu.memory_space<hbm>> -> memref<90xf32, #tpu.memory_space<hbm>>
      %dma_wait3A_971 = arith.constant 0 : i32
      %dma_wait3A_972 = tpu.memref_slice %arg11[%dma_wait3A_964, %dma_wait3A_971] : memref<16x90xf32, #tpu.memory_space<vmem>> -> memref<1x90xf32, #tpu.memory_space<vmem>>
      %dma_wait3A_973 = tpu.memref_squeeze %dma_wait3A_972 : memref<1x90xf32, #tpu.memory_space<vmem>> -> memref<90xf32, #tpu.memory_space<vmem>>
      %dma_wait3A_974 = arith.constant 0 : i32
      %dma_wait3A_975 = tpu.memref_slice %arg4[%squeeze3A_529, %dma_wait3A_974] : memref<1000000x90xf32, #tpu.memory_space<hbm>> -> memref<1x90xf32, #tpu.memory_space<hbm>>
      %dma_wait3A_976 = tpu.memref_squeeze %dma_wait3A_975 : memref<1x90xf32, #tpu.memory_space<hbm>> -> memref<90xf32, #tpu.memory_space<hbm>>
      tpu.wait_dma2 semaphore(%arg16 : memref<!tpu.dma_semaphore, #tpu.memory_space<semaphore_mem>>) src(%dma_wait3A_976 : memref<90xf32, #tpu.memory_space<hbm>>) dst(%dma_wait3A_973 : memref<90xf32, #tpu.memory_space<vmem>>)
      %dma_wait3A_977 = arith.constant 11 : i32
      %dma_wait3A_978 = arith.constant 0 : i32
      %dma_wait3A_979 = tpu.memref_slice %arg12[%dma_wait3A_977, %dma_wait3A_978] : memref<16x90xf32, #tpu.memory_space<vmem>> -> memref<1x90xf32, #tpu.memory_space<vmem>>
      %dma_wait3A_980 = tpu.memref_squeeze %dma_wait3A_979 : memref<1x90xf32, #tpu.memory_space<vmem>> -> memref<90xf32, #tpu.memory_space<vmem>>
      %dma_wait3A_981 = arith.constant 0 : i32
      %dma_wait3A_982 = tpu.memref_slice %arg5[%squeeze3A_544, %dma_wait3A_981] : memref<100000x90xf32, #tpu.memory_space<hbm>> -> memref<1x90xf32, #tpu.memory_space<hbm>>
      %dma_wait3A_983 = tpu.memref_squeeze %dma_wait3A_982 : memref<1x90xf32, #tpu.memory_space<hbm>> -> memref<90xf32, #tpu.memory_space<hbm>>
      %dma_wait3A_984 = arith.constant 0 : i32
      %dma_wait3A_985 = tpu.memref_slice %arg12[%dma_wait3A_977, %dma_wait3A_984] : memref<16x90xf32, #tpu.memory_space<vmem>> -> memref<1x90xf32, #tpu.memory_space<vmem>>
      %dma_wait3A_986 = tpu.memref_squeeze %dma_wait3A_985 : memref<1x90xf32, #tpu.memory_space<vmem>> -> memref<90xf32, #tpu.memory_space<vmem>>
      %dma_wait3A_987 = arith.constant 0 : i32
      %dma_wait3A_988 = tpu.memref_slice %arg5[%squeeze3A_544, %dma_wait3A_987] : memref<100000x90xf32, #tpu.memory_space<hbm>> -> memref<1x90xf32, #tpu.memory_space<hbm>>
      %dma_wait3A_989 = tpu.memref_squeeze %dma_wait3A_988 : memref<1x90xf32, #tpu.memory_space<hbm>> -> memref<90xf32, #tpu.memory_space<hbm>>
      tpu.wait_dma2 semaphore(%arg17 : memref<!tpu.dma_semaphore, #tpu.memory_space<semaphore_mem>>) src(%dma_wait3A_989 : memref<90xf32, #tpu.memory_space<hbm>>) dst(%dma_wait3A_986 : memref<90xf32, #tpu.memory_space<vmem>>)
      %dma_wait3A_990 = arith.constant 12 : i32
      %dma_wait3A_991 = arith.constant 0 : i32
      %dma_wait3A_992 = tpu.memref_slice %arg11[%dma_wait3A_990, %dma_wait3A_991] : memref<16x90xf32, #tpu.memory_space<vmem>> -> memref<1x90xf32, #tpu.memory_space<vmem>>
      %dma_wait3A_993 = tpu.memref_squeeze %dma_wait3A_992 : memref<1x90xf32, #tpu.memory_space<vmem>> -> memref<90xf32, #tpu.memory_space<vmem>>
      %dma_wait3A_994 = arith.constant 0 : i32
      %dma_wait3A_995 = tpu.memref_slice %arg4[%squeeze3A_559, %dma_wait3A_994] : memref<1000000x90xf32, #tpu.memory_space<hbm>> -> memref<1x90xf32, #tpu.memory_space<hbm>>
      %dma_wait3A_996 = tpu.memref_squeeze %dma_wait3A_995 : memref<1x90xf32, #tpu.memory_space<hbm>> -> memref<90xf32, #tpu.memory_space<hbm>>
      %dma_wait3A_997 = arith.constant 0 : i32
      %dma_wait3A_998 = tpu.memref_slice %arg11[%dma_wait3A_990, %dma_wait3A_997] : memref<16x90xf32, #tpu.memory_space<vmem>> -> memref<1x90xf32, #tpu.memory_space<vmem>>
      %dma_wait3A_999 = tpu.memref_squeeze %dma_wait3A_998 : memref<1x90xf32, #tpu.memory_space<vmem>> -> memref<90xf32, #tpu.memory_space<vmem>>
      %dma_wait3A_1000 = arith.constant 0 : i32
      %dma_wait3A_1001 = tpu.memref_slice %arg4[%squeeze3A_559, %dma_wait3A_1000] : memref<1000000x90xf32, #tpu.memory_space<hbm>> -> memref<1x90xf32, #tpu.memory_space<hbm>>
      %dma_wait3A_1002 = tpu.memref_squeeze %dma_wait3A_1001 : memref<1x90xf32, #tpu.memory_space<hbm>> -> memref<90xf32, #tpu.memory_space<hbm>>
      tpu.wait_dma2 semaphore(%arg16 : memref<!tpu.dma_semaphore, #tpu.memory_space<semaphore_mem>>) src(%dma_wait3A_1002 : memref<90xf32, #tpu.memory_space<hbm>>) dst(%dma_wait3A_999 : memref<90xf32, #tpu.memory_space<vmem>>)
      %dma_wait3A_1003 = arith.constant 12 : i32
      %dma_wait3A_1004 = arith.constant 0 : i32
      %dma_wait3A_1005 = tpu.memref_slice %arg12[%dma_wait3A_1003, %dma_wait3A_1004] : memref<16x90xf32, #tpu.memory_space<vmem>> -> memref<1x90xf32, #tpu.memory_space<vmem>>
      %dma_wait3A_1006 = tpu.memref_squeeze %dma_wait3A_1005 : memref<1x90xf32, #tpu.memory_space<vmem>> -> memref<90xf32, #tpu.memory_space<vmem>>
      %dma_wait3A_1007 = arith.constant 0 : i32
      %dma_wait3A_1008 = tpu.memref_slice %arg5[%squeeze3A_574, %dma_wait3A_1007] : memref<100000x90xf32, #tpu.memory_space<hbm>> -> memref<1x90xf32, #tpu.memory_space<hbm>>
      %dma_wait3A_1009 = tpu.memref_squeeze %dma_wait3A_1008 : memref<1x90xf32, #tpu.memory_space<hbm>> -> memref<90xf32, #tpu.memory_space<hbm>>
      %dma_wait3A_1010 = arith.constant 0 : i32
      %dma_wait3A_1011 = tpu.memref_slice %arg12[%dma_wait3A_1003, %dma_wait3A_1010] : memref<16x90xf32, #tpu.memory_space<vmem>> -> memref<1x90xf32, #tpu.memory_space<vmem>>
      %dma_wait3A_1012 = tpu.memref_squeeze %dma_wait3A_1011 : memref<1x90xf32, #tpu.memory_space<vmem>> -> memref<90xf32, #tpu.memory_space<vmem>>
      %dma_wait3A_1013 = arith.constant 0 : i32
      %dma_wait3A_1014 = tpu.memref_slice %arg5[%squeeze3A_574, %dma_wait3A_1013] : memref<100000x90xf32, #tpu.memory_space<hbm>> -> memref<1x90xf32, #tpu.memory_space<hbm>>
      %dma_wait3A_1015 = tpu.memref_squeeze %dma_wait3A_1014 : memref<1x90xf32, #tpu.memory_space<hbm>> -> memref<90xf32, #tpu.memory_space<hbm>>
      tpu.wait_dma2 semaphore(%arg17 : memref<!tpu.dma_semaphore, #tpu.memory_space<semaphore_mem>>) src(%dma_wait3A_1015 : memref<90xf32, #tpu.memory_space<hbm>>) dst(%dma_wait3A_1012 : memref<90xf32, #tpu.memory_space<vmem>>)
      %dma_wait3A_1016 = arith.constant 13 : i32
      %dma_wait3A_1017 = arith.constant 0 : i32
      %dma_wait3A_1018 = tpu.memref_slice %arg11[%dma_wait3A_1016, %dma_wait3A_1017] : memref<16x90xf32, #tpu.memory_space<vmem>> -> memref<1x90xf32, #tpu.memory_space<vmem>>
      %dma_wait3A_1019 = tpu.memref_squeeze %dma_wait3A_1018 : memref<1x90xf32, #tpu.memory_space<vmem>> -> memref<90xf32, #tpu.memory_space<vmem>>
      %dma_wait3A_1020 = arith.constant 0 : i32
      %dma_wait3A_1021 = tpu.memref_slice %arg4[%squeeze3A_589, %dma_wait3A_1020] : memref<1000000x90xf32, #tpu.memory_space<hbm>> -> memref<1x90xf32, #tpu.memory_space<hbm>>
      %dma_wait3A_1022 = tpu.memref_squeeze %dma_wait3A_1021 : memref<1x90xf32, #tpu.memory_space<hbm>> -> memref<90xf32, #tpu.memory_space<hbm>>
      %dma_wait3A_1023 = arith.constant 0 : i32
      %dma_wait3A_1024 = tpu.memref_slice %arg11[%dma_wait3A_1016, %dma_wait3A_1023] : memref<16x90xf32, #tpu.memory_space<vmem>> -> memref<1x90xf32, #tpu.memory_space<vmem>>
      %dma_wait3A_1025 = tpu.memref_squeeze %dma_wait3A_1024 : memref<1x90xf32, #tpu.memory_space<vmem>> -> memref<90xf32, #tpu.memory_space<vmem>>
      %dma_wait3A_1026 = arith.constant 0 : i32
      %dma_wait3A_1027 = tpu.memref_slice %arg4[%squeeze3A_589, %dma_wait3A_1026] : memref<1000000x90xf32, #tpu.memory_space<hbm>> -> memref<1x90xf32, #tpu.memory_space<hbm>>
      %dma_wait3A_1028 = tpu.memref_squeeze %dma_wait3A_1027 : memref<1x90xf32, #tpu.memory_space<hbm>> -> memref<90xf32, #tpu.memory_space<hbm>>
      tpu.wait_dma2 semaphore(%arg16 : memref<!tpu.dma_semaphore, #tpu.memory_space<semaphore_mem>>) src(%dma_wait3A_1028 : memref<90xf32, #tpu.memory_space<hbm>>) dst(%dma_wait3A_1025 : memref<90xf32, #tpu.memory_space<vmem>>)
      %dma_wait3A_1029 = arith.constant 13 : i32
      %dma_wait3A_1030 = arith.constant 0 : i32
      %dma_wait3A_1031 = tpu.memref_slice %arg12[%dma_wait3A_1029, %dma_wait3A_1030] : memref<16x90xf32, #tpu.memory_space<vmem>> -> memref<1x90xf32, #tpu.memory_space<vmem>>
      %dma_wait3A_1032 = tpu.memref_squeeze %dma_wait3A_1031 : memref<1x90xf32, #tpu.memory_space<vmem>> -> memref<90xf32, #tpu.memory_space<vmem>>
      %dma_wait3A_1033 = arith.constant 0 : i32
      %dma_wait3A_1034 = tpu.memref_slice %arg5[%squeeze3A_604, %dma_wait3A_1033] : memref<100000x90xf32, #tpu.memory_space<hbm>> -> memref<1x90xf32, #tpu.memory_space<hbm>>
      %dma_wait3A_1035 = tpu.memref_squeeze %dma_wait3A_1034 : memref<1x90xf32, #tpu.memory_space<hbm>> -> memref<90xf32, #tpu.memory_space<hbm>>
      %dma_wait3A_1036 = arith.constant 0 : i32
      %dma_wait3A_1037 = tpu.memref_slice %arg12[%dma_wait3A_1029, %dma_wait3A_1036] : memref<16x90xf32, #tpu.memory_space<vmem>> -> memref<1x90xf32, #tpu.memory_space<vmem>>
      %dma_wait3A_1038 = tpu.memref_squeeze %dma_wait3A_1037 : memref<1x90xf32, #tpu.memory_space<vmem>> -> memref<90xf32, #tpu.memory_space<vmem>>
      %dma_wait3A_1039 = arith.constant 0 : i32
      %dma_wait3A_1040 = tpu.memref_slice %arg5[%squeeze3A_604, %dma_wait3A_1039] : memref<100000x90xf32, #tpu.memory_space<hbm>> -> memref<1x90xf32, #tpu.memory_space<hbm>>
      %dma_wait3A_1041 = tpu.memref_squeeze %dma_wait3A_1040 : memref<1x90xf32, #tpu.memory_space<hbm>> -> memref<90xf32, #tpu.memory_space<hbm>>
      tpu.wait_dma2 semaphore(%arg17 : memref<!tpu.dma_semaphore, #tpu.memory_space<semaphore_mem>>) src(%dma_wait3A_1041 : memref<90xf32, #tpu.memory_space<hbm>>) dst(%dma_wait3A_1038 : memref<90xf32, #tpu.memory_space<vmem>>)
      %dma_wait3A_1042 = arith.constant 14 : i32
      %dma_wait3A_1043 = arith.constant 0 : i32
      %dma_wait3A_1044 = tpu.memref_slice %arg11[%dma_wait3A_1042, %dma_wait3A_1043] : memref<16x90xf32, #tpu.memory_space<vmem>> -> memref<1x90xf32, #tpu.memory_space<vmem>>
      %dma_wait3A_1045 = tpu.memref_squeeze %dma_wait3A_1044 : memref<1x90xf32, #tpu.memory_space<vmem>> -> memref<90xf32, #tpu.memory_space<vmem>>
      %dma_wait3A_1046 = arith.constant 0 : i32
      %dma_wait3A_1047 = tpu.memref_slice %arg4[%squeeze3A_619, %dma_wait3A_1046] : memref<1000000x90xf32, #tpu.memory_space<hbm>> -> memref<1x90xf32, #tpu.memory_space<hbm>>
      %dma_wait3A_1048 = tpu.memref_squeeze %dma_wait3A_1047 : memref<1x90xf32, #tpu.memory_space<hbm>> -> memref<90xf32, #tpu.memory_space<hbm>>
      %dma_wait3A_1049 = arith.constant 0 : i32
      %dma_wait3A_1050 = tpu.memref_slice %arg11[%dma_wait3A_1042, %dma_wait3A_1049] : memref<16x90xf32, #tpu.memory_space<vmem>> -> memref<1x90xf32, #tpu.memory_space<vmem>>
      %dma_wait3A_1051 = tpu.memref_squeeze %dma_wait3A_1050 : memref<1x90xf32, #tpu.memory_space<vmem>> -> memref<90xf32, #tpu.memory_space<vmem>>
      %dma_wait3A_1052 = arith.constant 0 : i32
      %dma_wait3A_1053 = tpu.memref_slice %arg4[%squeeze3A_619, %dma_wait3A_1052] : memref<1000000x90xf32, #tpu.memory_space<hbm>> -> memref<1x90xf32, #tpu.memory_space<hbm>>
      %dma_wait3A_1054 = tpu.memref_squeeze %dma_wait3A_1053 : memref<1x90xf32, #tpu.memory_space<hbm>> -> memref<90xf32, #tpu.memory_space<hbm>>
      tpu.wait_dma2 semaphore(%arg16 : memref<!tpu.dma_semaphore, #tpu.memory_space<semaphore_mem>>) src(%dma_wait3A_1054 : memref<90xf32, #tpu.memory_space<hbm>>) dst(%dma_wait3A_1051 : memref<90xf32, #tpu.memory_space<vmem>>)
      %dma_wait3A_1055 = arith.constant 14 : i32
      %dma_wait3A_1056 = arith.constant 0 : i32
      %dma_wait3A_1057 = tpu.memref_slice %arg12[%dma_wait3A_1055, %dma_wait3A_1056] : memref<16x90xf32, #tpu.memory_space<vmem>> -> memref<1x90xf32, #tpu.memory_space<vmem>>
      %dma_wait3A_1058 = tpu.memref_squeeze %dma_wait3A_1057 : memref<1x90xf32, #tpu.memory_space<vmem>> -> memref<90xf32, #tpu.memory_space<vmem>>
      %dma_wait3A_1059 = arith.constant 0 : i32
      %dma_wait3A_1060 = tpu.memref_slice %arg5[%squeeze3A_634, %dma_wait3A_1059] : memref<100000x90xf32, #tpu.memory_space<hbm>> -> memref<1x90xf32, #tpu.memory_space<hbm>>
      %dma_wait3A_1061 = tpu.memref_squeeze %dma_wait3A_1060 : memref<1x90xf32, #tpu.memory_space<hbm>> -> memref<90xf32, #tpu.memory_space<hbm>>
      %dma_wait3A_1062 = arith.constant 0 : i32
      %dma_wait3A_1063 = tpu.memref_slice %arg12[%dma_wait3A_1055, %dma_wait3A_1062] : memref<16x90xf32, #tpu.memory_space<vmem>> -> memref<1x90xf32, #tpu.memory_space<vmem>>
      %dma_wait3A_1064 = tpu.memref_squeeze %dma_wait3A_1063 : memref<1x90xf32, #tpu.memory_space<vmem>> -> memref<90xf32, #tpu.memory_space<vmem>>
      %dma_wait3A_1065 = arith.constant 0 : i32
      %dma_wait3A_1066 = tpu.memref_slice %arg5[%squeeze3A_634, %dma_wait3A_1065] : memref<100000x90xf32, #tpu.memory_space<hbm>> -> memref<1x90xf32, #tpu.memory_space<hbm>>
      %dma_wait3A_1067 = tpu.memref_squeeze %dma_wait3A_1066 : memref<1x90xf32, #tpu.memory_space<hbm>> -> memref<90xf32, #tpu.memory_space<hbm>>
      tpu.wait_dma2 semaphore(%arg17 : memref<!tpu.dma_semaphore, #tpu.memory_space<semaphore_mem>>) src(%dma_wait3A_1067 : memref<90xf32, #tpu.memory_space<hbm>>) dst(%dma_wait3A_1064 : memref<90xf32, #tpu.memory_space<vmem>>)
      %dma_wait3A_1068 = arith.constant 15 : i32
      %dma_wait3A_1069 = arith.constant 0 : i32
      %dma_wait3A_1070 = tpu.memref_slice %arg11[%dma_wait3A_1068, %dma_wait3A_1069] : memref<16x90xf32, #tpu.memory_space<vmem>> -> memref<1x90xf32, #tpu.memory_space<vmem>>
      %dma_wait3A_1071 = tpu.memref_squeeze %dma_wait3A_1070 : memref<1x90xf32, #tpu.memory_space<vmem>> -> memref<90xf32, #tpu.memory_space<vmem>>
      %dma_wait3A_1072 = arith.constant 0 : i32
      %dma_wait3A_1073 = tpu.memref_slice %arg4[%squeeze3A_649, %dma_wait3A_1072] : memref<1000000x90xf32, #tpu.memory_space<hbm>> -> memref<1x90xf32, #tpu.memory_space<hbm>>
      %dma_wait3A_1074 = tpu.memref_squeeze %dma_wait3A_1073 : memref<1x90xf32, #tpu.memory_space<hbm>> -> memref<90xf32, #tpu.memory_space<hbm>>
      %dma_wait3A_1075 = arith.constant 0 : i32
      %dma_wait3A_1076 = tpu.memref_slice %arg11[%dma_wait3A_1068, %dma_wait3A_1075] : memref<16x90xf32, #tpu.memory_space<vmem>> -> memref<1x90xf32, #tpu.memory_space<vmem>>
      %dma_wait3A_1077 = tpu.memref_squeeze %dma_wait3A_1076 : memref<1x90xf32, #tpu.memory_space<vmem>> -> memref<90xf32, #tpu.memory_space<vmem>>
      %dma_wait3A_1078 = arith.constant 0 : i32
      %dma_wait3A_1079 = tpu.memref_slice %arg4[%squeeze3A_649, %dma_wait3A_1078] : memref<1000000x90xf32, #tpu.memory_space<hbm>> -> memref<1x90xf32, #tpu.memory_space<hbm>>
      %dma_wait3A_1080 = tpu.memref_squeeze %dma_wait3A_1079 : memref<1x90xf32, #tpu.memory_space<hbm>> -> memref<90xf32, #tpu.memory_space<hbm>>
      tpu.wait_dma2 semaphore(%arg16 : memref<!tpu.dma_semaphore, #tpu.memory_space<semaphore_mem>>) src(%dma_wait3A_1080 : memref<90xf32, #tpu.memory_space<hbm>>) dst(%dma_wait3A_1077 : memref<90xf32, #tpu.memory_space<vmem>>)
      %dma_wait3A_1081 = arith.constant 15 : i32
      %dma_wait3A_1082 = arith.constant 0 : i32
      %dma_wait3A_1083 = tpu.memref_slice %arg12[%dma_wait3A_1081, %dma_wait3A_1082] : memref<16x90xf32, #tpu.memory_space<vmem>> -> memref<1x90xf32, #tpu.memory_space<vmem>>
      %dma_wait3A_1084 = tpu.memref_squeeze %dma_wait3A_1083 : memref<1x90xf32, #tpu.memory_space<vmem>> -> memref<90xf32, #tpu.memory_space<vmem>>
      %dma_wait3A_1085 = arith.constant 0 : i32
      %dma_wait3A_1086 = tpu.memref_slice %arg5[%squeeze3A_664, %dma_wait3A_1085] : memref<100000x90xf32, #tpu.memory_space<hbm>> -> memref<1x90xf32, #tpu.memory_space<hbm>>
      %dma_wait3A_1087 = tpu.memref_squeeze %dma_wait3A_1086 : memref<1x90xf32, #tpu.memory_space<hbm>> -> memref<90xf32, #tpu.memory_space<hbm>>
      %dma_wait3A_1088 = arith.constant 0 : i32
      %dma_wait3A_1089 = tpu.memref_slice %arg12[%dma_wait3A_1081, %dma_wait3A_1088] : memref<16x90xf32, #tpu.memory_space<vmem>> -> memref<1x90xf32, #tpu.memory_space<vmem>>
      %dma_wait3A_1090 = tpu.memref_squeeze %dma_wait3A_1089 : memref<1x90xf32, #tpu.memory_space<vmem>> -> memref<90xf32, #tpu.memory_space<vmem>>
      %dma_wait3A_1091 = arith.constant 0 : i32
      %dma_wait3A_1092 = tpu.memref_slice %arg5[%squeeze3A_664, %dma_wait3A_1091] : memref<100000x90xf32, #tpu.memory_space<hbm>> -> memref<1x90xf32, #tpu.memory_space<hbm>>
      %dma_wait3A_1093 = tpu.memref_squeeze %dma_wait3A_1092 : memref<1x90xf32, #tpu.memory_space<hbm>> -> memref<90xf32, #tpu.memory_space<hbm>>
      tpu.wait_dma2 semaphore(%arg17 : memref<!tpu.dma_semaphore, #tpu.memory_space<semaphore_mem>>) src(%dma_wait3A_1093 : memref<90xf32, #tpu.memory_space<hbm>>) dst(%dma_wait3A_1090 : memref<90xf32, #tpu.memory_space<vmem>>)
      %broadcast_in_dim3A = arith.constant 0.000000e+00 : f32
      %broadcast_in_dim3A_1094 = vector.broadcast %broadcast_in_dim3A : f32 to vector<16xf32>
      %get3A_1095 = arith.constant 0 : i32
      %get3A_1096 = arith.index_cast %get3A_1095 : i32 to index
      %get3A_1097 = arith.constant 0 : index
      %get3A_1098 = tpu.vector_load %arg11[%get3A_1096, %get3A_1097] {strides = array<i32>} : memref<16x90xf32, #tpu.memory_space<vmem>>, vector<1x16xf32>,
      %get3A_1099 = vector.shape_cast %get3A_1098 : vector<1x16xf32> to vector<16xf32>
      %get3A_1100 = arith.constant 0 : i32
      %get3A_1101 = arith.index_cast %get3A_1100 : i32 to index
      %get3A_1102 = arith.constant 0 : index
      %get3A_1103 = tpu.vector_load %arg12[%get3A_1101, %get3A_1102] {strides = array<i32>} : memref<16x90xf32, #tpu.memory_space<vmem>>, vector<1x16xf32>,
      %get3A_1104 = vector.shape_cast %get3A_1103 : vector<1x16xf32> to vector<16xf32>
      %mul3A_1105 = arith.mulf %get3A_1099, %get3A_1104 : vector<16xf32>
      %get3A_1106 = arith.constant 0 : i32
      %get3A_1107 = arith.index_cast %get3A_1106 : i32 to index
      %get3A_1108 = arith.constant 16 : index
      %get3A_1109 = tpu.vector_load %arg11[%get3A_1107, %get3A_1108] {strides = array<i32>} : memref<16x90xf32, #tpu.memory_space<vmem>>, vector<1x16xf32>,
      %get3A_1110 = vector.shape_cast %get3A_1109 : vector<1x16xf32> to vector<16xf32>
      %get3A_1111 = arith.constant 0 : i32
      %get3A_1112 = arith.index_cast %get3A_1111 : i32 to index
      %get3A_1113 = arith.constant 16 : index
      %get3A_1114 = tpu.vector_load %arg12[%get3A_1112, %get3A_1113] {strides = array<i32>} : memref<16x90xf32, #tpu.memory_space<vmem>>, vector<1x16xf32>,
      %get3A_1115 = vector.shape_cast %get3A_1114 : vector<1x16xf32> to vector<16xf32>
      %mul3A_1116 = arith.mulf %get3A_1110, %get3A_1115 : vector<16xf32>
      %add3A_1117 = arith.addf %mul3A_1105, %mul3A_1116 : vector<16xf32>
      %get3A_1118 = arith.constant 0 : i32
      %get3A_1119 = arith.index_cast %get3A_1118 : i32 to index
      %get3A_1120 = arith.constant 32 : index
      %get3A_1121 = tpu.vector_load %arg11[%get3A_1119, %get3A_1120] {strides = array<i32>} : memref<16x90xf32, #tpu.memory_space<vmem>>, vector<1x16xf32>,
      %get3A_1122 = vector.shape_cast %get3A_1121 : vector<1x16xf32> to vector<16xf32>
      %get3A_1123 = arith.constant 0 : i32
      %get3A_1124 = arith.index_cast %get3A_1123 : i32 to index
      %get3A_1125 = arith.constant 32 : index
      %get3A_1126 = tpu.vector_load %arg12[%get3A_1124, %get3A_1125] {strides = array<i32>} : memref<16x90xf32, #tpu.memory_space<vmem>>, vector<1x16xf32>,
      %get3A_1127 = vector.shape_cast %get3A_1126 : vector<1x16xf32> to vector<16xf32>
      %mul3A_1128 = arith.mulf %get3A_1122, %get3A_1127 : vector<16xf32>
      %add3A_1129 = arith.addf %add3A_1117, %mul3A_1128 : vector<16xf32>
      %get3A_1130 = arith.constant 0 : i32
      %get3A_1131 = arith.index_cast %get3A_1130 : i32 to index
      %get3A_1132 = arith.constant 48 : index
      %get3A_1133 = tpu.vector_load %arg11[%get3A_1131, %get3A_1132] {strides = array<i32>} : memref<16x90xf32, #tpu.memory_space<vmem>>, vector<1x16xf32>,
      %get3A_1134 = vector.shape_cast %get3A_1133 : vector<1x16xf32> to vector<16xf32>
      %get3A_1135 = arith.constant 0 : i32
      %get3A_1136 = arith.index_cast %get3A_1135 : i32 to index
      %get3A_1137 = arith.constant 48 : index
      %get3A_1138 = tpu.vector_load %arg12[%get3A_1136, %get3A_1137] {strides = array<i32>} : memref<16x90xf32, #tpu.memory_space<vmem>>, vector<1x16xf32>,
      %get3A_1139 = vector.shape_cast %get3A_1138 : vector<1x16xf32> to vector<16xf32>
      %mul3A_1140 = arith.mulf %get3A_1134, %get3A_1139 : vector<16xf32>
      %add3A_1141 = arith.addf %add3A_1129, %mul3A_1140 : vector<16xf32>
      %get3A_1142 = arith.constant 0 : i32
      %get3A_1143 = arith.index_cast %get3A_1142 : i32 to index
      %get3A_1144 = arith.constant 64 : index
      %get3A_1145 = tpu.vector_load %arg11[%get3A_1143, %get3A_1144] {strides = array<i32>} : memref<16x90xf32, #tpu.memory_space<vmem>>, vector<1x16xf32>,
      %get3A_1146 = vector.shape_cast %get3A_1145 : vector<1x16xf32> to vector<16xf32>
      %get3A_1147 = arith.constant 0 : i32
      %get3A_1148 = arith.index_cast %get3A_1147 : i32 to index
      %get3A_1149 = arith.constant 64 : index
      %get3A_1150 = tpu.vector_load %arg12[%get3A_1148, %get3A_1149] {strides = array<i32>} : memref<16x90xf32, #tpu.memory_space<vmem>>, vector<1x16xf32>,
      %get3A_1151 = vector.shape_cast %get3A_1150 : vector<1x16xf32> to vector<16xf32>
      %mul3A_1152 = arith.mulf %get3A_1146, %get3A_1151 : vector<16xf32>
      %add3A_1153 = arith.addf %add3A_1141, %mul3A_1152 : vector<16xf32>
      %get3A_1154 = arith.constant 0 : i32
      %get3A_1155 = arith.index_cast %get3A_1154 : i32 to index
      %get3A_1156 = arith.constant 74 : index
      %get3A_1157 = tpu.vector_load %arg11[%get3A_1155, %get3A_1156] {strides = array<i32>} : memref<16x90xf32, #tpu.memory_space<vmem>>, vector<1x16xf32>,
      %get3A_1158 = vector.shape_cast %get3A_1157 : vector<1x16xf32> to vector<16xf32>
      %get3A_1159 = arith.constant 0 : i32
      %get3A_1160 = arith.index_cast %get3A_1159 : i32 to index
      %get3A_1161 = arith.constant 74 : index
      %get3A_1162 = tpu.vector_load %arg12[%get3A_1160, %get3A_1161] {strides = array<i32>} : memref<16x90xf32, #tpu.memory_space<vmem>>, vector<1x16xf32>,
      %get3A_1163 = vector.shape_cast %get3A_1162 : vector<1x16xf32> to vector<16xf32>
      %mul3A_1164 = arith.mulf %get3A_1158, %get3A_1163 : vector<16xf32>
      %jit3A_1165 = arith.constant 0.000000e+00 : f32
      %broadcast_in_dim3A_1166 = vector.broadcast %jit3A_1165 : f32 to vector<16xf32>
      %select_n3A_1167 = arith.select %ge3A_82, %mul3A_1164, %broadcast_in_dim3A_1166 : vector<16xi1>, vector<16xf32>
      %add3A_1168 = arith.addf %add3A_1153, %select_n3A_1167 : vector<16xf32>
      %xor3A = arith.constant 8 : i32
      %xor3A_1169 = vector.broadcast %xor3A : i32 to vector<16xi32>
      %xor3A_1170 = arith.xori %iota3A, %xor3A_1169 : vector<16xi32>
      %lt3A_1171 = arith.constant 0 : i32
      %lt3A_1172 = vector.broadcast %lt3A_1171 : i32 to vector<16xi32>
      %lt3A_1173 = arith.cmpi slt, %xor3A_1170, %lt3A_1172 : vector<16xi32>
      %add3A_1174 = arith.constant 16 : i32
      %add3A_1175 = vector.broadcast %add3A_1174 : i32 to vector<16xi32>
      %add3A_1176 = arith.addi %xor3A_1170, %add3A_1175 : vector<16xi32>
      %select_n3A_1177 = arith.select %lt3A_1173, %add3A_1176, %xor3A_1170 : vector<16xi1>, vector<16xi32>
      %broadcast_in_dim3A_1178 = vector.shape_cast %select_n3A_1177 : vector<16xi32> to vector<16x1xi32>
      %gather3A = vector.shape_cast %broadcast_in_dim3A_1178 : vector<16x1xi32> to vector<16xi32>
      %gather3A_1179 = tpu.dynamic_gather %add3A_1168[%gather3A] in [0] : vector<16xf32>, vector<16xi32> -> vector<16xf32>
      %add3A_1180 = arith.addf %add3A_1168, %gather3A_1179 : vector<16xf32>
      %xor3A_1181 = arith.constant 4 : i32
      %xor3A_1182 = vector.broadcast %xor3A_1181 : i32 to vector<16xi32>
      %xor3A_1183 = arith.xori %iota3A, %xor3A_1182 : vector<16xi32>
      %lt3A_1184 = arith.constant 0 : i32
      %lt3A_1185 = vector.broadcast %lt3A_1184 : i32 to vector<16xi32>
      %lt3A_1186 = arith.cmpi slt, %xor3A_1183, %lt3A_1185 : vector<16xi32>
      %add3A_1187 = arith.constant 16 : i32
      %add3A_1188 = vector.broadcast %add3A_1187 : i32 to vector<16xi32>
      %add3A_1189 = arith.addi %xor3A_1183, %add3A_1188 : vector<16xi32>
      %select_n3A_1190 = arith.select %lt3A_1186, %add3A_1189, %xor3A_1183 : vector<16xi1>, vector<16xi32>
      %broadcast_in_dim3A_1191 = vector.shape_cast %select_n3A_1190 : vector<16xi32> to vector<16x1xi32>
      %gather3A_1192 = vector.shape_cast %broadcast_in_dim3A_1191 : vector<16x1xi32> to vector<16xi32>
      %gather3A_1193 = tpu.dynamic_gather %add3A_1180[%gather3A_1192] in [0] : vector<16xf32>, vector<16xi32> -> vector<16xf32>
      %add3A_1194 = arith.addf %add3A_1180, %gather3A_1193 : vector<16xf32>
      %xor3A_1195 = arith.constant 2 : i32
      %xor3A_1196 = vector.broadcast %xor3A_1195 : i32 to vector<16xi32>
      %xor3A_1197 = arith.xori %iota3A, %xor3A_1196 : vector<16xi32>
      %lt3A_1198 = arith.constant 0 : i32
      %lt3A_1199 = vector.broadcast %lt3A_1198 : i32 to vector<16xi32>
      %lt3A_1200 = arith.cmpi slt, %xor3A_1197, %lt3A_1199 : vector<16xi32>
      %add3A_1201 = arith.constant 16 : i32
      %add3A_1202 = vector.broadcast %add3A_1201 : i32 to vector<16xi32>
      %add3A_1203 = arith.addi %xor3A_1197, %add3A_1202 : vector<16xi32>
      %select_n3A_1204 = arith.select %lt3A_1200, %add3A_1203, %xor3A_1197 : vector<16xi1>, vector<16xi32>
      %broadcast_in_dim3A_1205 = vector.shape_cast %select_n3A_1204 : vector<16xi32> to vector<16x1xi32>
      %gather3A_1206 = vector.shape_cast %broadcast_in_dim3A_1205 : vector<16x1xi32> to vector<16xi32>
      %gather3A_1207 = tpu.dynamic_gather %add3A_1194[%gather3A_1206] in [0] : vector<16xf32>, vector<16xi32> -> vector<16xf32>
      %add3A_1208 = arith.addf %add3A_1194, %gather3A_1207 : vector<16xf32>
      %xor3A_1209 = arith.constant 1 : i32
      %xor3A_1210 = vector.broadcast %xor3A_1209 : i32 to vector<16xi32>
      %xor3A_1211 = arith.xori %iota3A, %xor3A_1210 : vector<16xi32>
      %lt3A_1212 = arith.constant 0 : i32
      %lt3A_1213 = vector.broadcast %lt3A_1212 : i32 to vector<16xi32>
      %lt3A_1214 = arith.cmpi slt, %xor3A_1211, %lt3A_1213 : vector<16xi32>
      %add3A_1215 = arith.constant 16 : i32
      %add3A_1216 = vector.broadcast %add3A_1215 : i32 to vector<16xi32>
      %add3A_1217 = arith.addi %xor3A_1211, %add3A_1216 : vector<16xi32>
      %select_n3A_1218 = arith.select %lt3A_1214, %add3A_1217, %xor3A_1211 : vector<16xi1>, vector<16xi32>
      %broadcast_in_dim3A_1219 = vector.shape_cast %select_n3A_1218 : vector<16xi32> to vector<16x1xi32>
      %gather3A_1220 = vector.shape_cast %broadcast_in_dim3A_1219 : vector<16x1xi32> to vector<16xi32>
      %gather3A_1221 = tpu.dynamic_gather %add3A_1208[%gather3A_1220] in [0] : vector<16xf32>, vector<16xi32> -> vector<16xf32>
      %add3A_1222 = arith.addf %add3A_1208, %gather3A_1221 : vector<16xf32>
      %eq3A_1223 = arith.constant 0 : i32
      %eq3A_1224 = vector.broadcast %eq3A_1223 : i32 to vector<16xi32>
      %eq3A_1225 = arith.cmpi eq, %iota3A, %eq3A_1224 : vector<16xi32>
      %select_n3A_1226 = arith.select %eq3A_1225, %add3A_1222, %broadcast_in_dim3A_1094 : vector<16xi1>, vector<16xf32>
      %get3A_1227 = arith.constant 1 : i32
      %get3A_1228 = arith.index_cast %get3A_1227 : i32 to index
      %get3A_1229 = arith.constant 0 : index
      %get3A_1230 = tpu.vector_load %arg11[%get3A_1228, %get3A_1229] {strides = array<i32>} : memref<16x90xf32, #tpu.memory_space<vmem>>, vector<1x16xf32>,
      %get3A_1231 = vector.shape_cast %get3A_1230 : vector<1x16xf32> to vector<16xf32>
      %get3A_1232 = arith.constant 1 : i32
      %get3A_1233 = arith.index_cast %get3A_1232 : i32 to index
      %get3A_1234 = arith.constant 0 : index
      %get3A_1235 = tpu.vector_load %arg12[%get3A_1233, %get3A_1234] {strides = array<i32>} : memref<16x90xf32, #tpu.memory_space<vmem>>, vector<1x16xf32>,
      %get3A_1236 = vector.shape_cast %get3A_1235 : vector<1x16xf32> to vector<16xf32>
      %mul3A_1237 = arith.mulf %get3A_1231, %get3A_1236 : vector<16xf32>
      %get3A_1238 = arith.constant 1 : i32
      %get3A_1239 = arith.index_cast %get3A_1238 : i32 to index
      %get3A_1240 = arith.constant 16 : index
      %get3A_1241 = tpu.vector_load %arg11[%get3A_1239, %get3A_1240] {strides = array<i32>} : memref<16x90xf32, #tpu.memory_space<vmem>>, vector<1x16xf32>,
      %get3A_1242 = vector.shape_cast %get3A_1241 : vector<1x16xf32> to vector<16xf32>
      %get3A_1243 = arith.constant 1 : i32
      %get3A_1244 = arith.index_cast %get3A_1243 : i32 to index
      %get3A_1245 = arith.constant 16 : index
      %get3A_1246 = tpu.vector_load %arg12[%get3A_1244, %get3A_1245] {strides = array<i32>} : memref<16x90xf32, #tpu.memory_space<vmem>>, vector<1x16xf32>,
      %get3A_1247 = vector.shape_cast %get3A_1246 : vector<1x16xf32> to vector<16xf32>
      %mul3A_1248 = arith.mulf %get3A_1242, %get3A_1247 : vector<16xf32>
      %add3A_1249 = arith.addf %mul3A_1237, %mul3A_1248 : vector<16xf32>
      %get3A_1250 = arith.constant 1 : i32
      %get3A_1251 = arith.index_cast %get3A_1250 : i32 to index
      %get3A_1252 = arith.constant 32 : index
      %get3A_1253 = tpu.vector_load %arg11[%get3A_1251, %get3A_1252] {strides = array<i32>} : memref<16x90xf32, #tpu.memory_space<vmem>>, vector<1x16xf32>,
      %get3A_1254 = vector.shape_cast %get3A_1253 : vector<1x16xf32> to vector<16xf32>
      %get3A_1255 = arith.constant 1 : i32
      %get3A_1256 = arith.index_cast %get3A_1255 : i32 to index
      %get3A_1257 = arith.constant 32 : index
      %get3A_1258 = tpu.vector_load %arg12[%get3A_1256, %get3A_1257] {strides = array<i32>} : memref<16x90xf32, #tpu.memory_space<vmem>>, vector<1x16xf32>,
      %get3A_1259 = vector.shape_cast %get3A_1258 : vector<1x16xf32> to vector<16xf32>
      %mul3A_1260 = arith.mulf %get3A_1254, %get3A_1259 : vector<16xf32>
      %add3A_1261 = arith.addf %add3A_1249, %mul3A_1260 : vector<16xf32>
      %get3A_1262 = arith.constant 1 : i32
      %get3A_1263 = arith.index_cast %get3A_1262 : i32 to index
      %get3A_1264 = arith.constant 48 : index
      %get3A_1265 = tpu.vector_load %arg11[%get3A_1263, %get3A_1264] {strides = array<i32>} : memref<16x90xf32, #tpu.memory_space<vmem>>, vector<1x16xf32>,
      %get3A_1266 = vector.shape_cast %get3A_1265 : vector<1x16xf32> to vector<16xf32>
      %get3A_1267 = arith.constant 1 : i32
      %get3A_1268 = arith.index_cast %get3A_1267 : i32 to index
      %get3A_1269 = arith.constant 48 : index
      %get3A_1270 = tpu.vector_load %arg12[%get3A_1268, %get3A_1269] {strides = array<i32>} : memref<16x90xf32, #tpu.memory_space<vmem>>, vector<1x16xf32>,
      %get3A_1271 = vector.shape_cast %get3A_1270 : vector<1x16xf32> to vector<16xf32>
      %mul3A_1272 = arith.mulf %get3A_1266, %get3A_1271 : vector<16xf32>
      %add3A_1273 = arith.addf %add3A_1261, %mul3A_1272 : vector<16xf32>
      %get3A_1274 = arith.constant 1 : i32
      %get3A_1275 = arith.index_cast %get3A_1274 : i32 to index
      %get3A_1276 = arith.constant 64 : index
      %get3A_1277 = tpu.vector_load %arg11[%get3A_1275, %get3A_1276] {strides = array<i32>} : memref<16x90xf32, #tpu.memory_space<vmem>>, vector<1x16xf32>,
      %get3A_1278 = vector.shape_cast %get3A_1277 : vector<1x16xf32> to vector<16xf32>
      %get3A_1279 = arith.constant 1 : i32
      %get3A_1280 = arith.index_cast %get3A_1279 : i32 to index
      %get3A_1281 = arith.constant 64 : index
      %get3A_1282 = tpu.vector_load %arg12[%get3A_1280, %get3A_1281] {strides = array<i32>} : memref<16x90xf32, #tpu.memory_space<vmem>>, vector<1x16xf32>,
      %get3A_1283 = vector.shape_cast %get3A_1282 : vector<1x16xf32> to vector<16xf32>
      %mul3A_1284 = arith.mulf %get3A_1278, %get3A_1283 : vector<16xf32>
      %add3A_1285 = arith.addf %add3A_1273, %mul3A_1284 : vector<16xf32>
      %get3A_1286 = arith.constant 1 : i32
      %get3A_1287 = arith.index_cast %get3A_1286 : i32 to index
      %get3A_1288 = arith.constant 74 : index
      %get3A_1289 = tpu.vector_load %arg11[%get3A_1287, %get3A_1288] {strides = array<i32>} : memref<16x90xf32, #tpu.memory_space<vmem>>, vector<1x16xf32>,
      %get3A_1290 = vector.shape_cast %get3A_1289 : vector<1x16xf32> to vector<16xf32>
      %get3A_1291 = arith.constant 1 : i32
      %get3A_1292 = arith.index_cast %get3A_1291 : i32 to index
      %get3A_1293 = arith.constant 74 : index
      %get3A_1294 = tpu.vector_load %arg12[%get3A_1292, %get3A_1293] {strides = array<i32>} : memref<16x90xf32, #tpu.memory_space<vmem>>, vector<1x16xf32>,
      %get3A_1295 = vector.shape_cast %get3A_1294 : vector<1x16xf32> to vector<16xf32>
      %mul3A_1296 = arith.mulf %get3A_1290, %get3A_1295 : vector<16xf32>
      %jit3A_1297 = arith.constant 0.000000e+00 : f32
      %broadcast_in_dim3A_1298 = vector.broadcast %jit3A_1297 : f32 to vector<16xf32>
      %select_n3A_1299 = arith.select %ge3A_82, %mul3A_1296, %broadcast_in_dim3A_1298 : vector<16xi1>, vector<16xf32>
      %add3A_1300 = arith.addf %add3A_1285, %select_n3A_1299 : vector<16xf32>
      %xor3A_1301 = arith.constant 8 : i32
      %xor3A_1302 = vector.broadcast %xor3A_1301 : i32 to vector<16xi32>
      %xor3A_1303 = arith.xori %iota3A, %xor3A_1302 : vector<16xi32>
      %lt3A_1304 = arith.constant 0 : i32
      %lt3A_1305 = vector.broadcast %lt3A_1304 : i32 to vector<16xi32>
      %lt3A_1306 = arith.cmpi slt, %xor3A_1303, %lt3A_1305 : vector<16xi32>
      %add3A_1307 = arith.constant 16 : i32
      %add3A_1308 = vector.broadcast %add3A_1307 : i32 to vector<16xi32>
      %add3A_1309 = arith.addi %xor3A_1303, %add3A_1308 : vector<16xi32>
      %select_n3A_1310 = arith.select %lt3A_1306, %add3A_1309, %xor3A_1303 : vector<16xi1>, vector<16xi32>
      %broadcast_in_dim3A_1311 = vector.shape_cast %select_n3A_1310 : vector<16xi32> to vector<16x1xi32>
      %gather3A_1312 = vector.shape_cast %broadcast_in_dim3A_1311 : vector<16x1xi32> to vector<16xi32>
      %gather3A_1313 = tpu.dynamic_gather %add3A_1300[%gather3A_1312] in [0] : vector<16xf32>, vector<16xi32> -> vector<16xf32>
      %add3A_1314 = arith.addf %add3A_1300, %gather3A_1313 : vector<16xf32>
      %xor3A_1315 = arith.constant 4 : i32
      %xor3A_1316 = vector.broadcast %xor3A_1315 : i32 to vector<16xi32>
      %xor3A_1317 = arith.xori %iota3A, %xor3A_1316 : vector<16xi32>
      %lt3A_1318 = arith.constant 0 : i32
      %lt3A_1319 = vector.broadcast %lt3A_1318 : i32 to vector<16xi32>
      %lt3A_1320 = arith.cmpi slt, %xor3A_1317, %lt3A_1319 : vector<16xi32>
      %add3A_1321 = arith.constant 16 : i32
      %add3A_1322 = vector.broadcast %add3A_1321 : i32 to vector<16xi32>
      %add3A_1323 = arith.addi %xor3A_1317, %add3A_1322 : vector<16xi32>
      %select_n3A_1324 = arith.select %lt3A_1320, %add3A_1323, %xor3A_1317 : vector<16xi1>, vector<16xi32>
      %broadcast_in_dim3A_1325 = vector.shape_cast %select_n3A_1324 : vector<16xi32> to vector<16x1xi32>
      %gather3A_1326 = vector.shape_cast %broadcast_in_dim3A_1325 : vector<16x1xi32> to vector<16xi32>
      %gather3A_1327 = tpu.dynamic_gather %add3A_1314[%gather3A_1326] in [0] : vector<16xf32>, vector<16xi32> -> vector<16xf32>
      %add3A_1328 = arith.addf %add3A_1314, %gather3A_1327 : vector<16xf32>
      %xor3A_1329 = arith.constant 2 : i32
      %xor3A_1330 = vector.broadcast %xor3A_1329 : i32 to vector<16xi32>
      %xor3A_1331 = arith.xori %iota3A, %xor3A_1330 : vector<16xi32>
      %lt3A_1332 = arith.constant 0 : i32
      %lt3A_1333 = vector.broadcast %lt3A_1332 : i32 to vector<16xi32>
      %lt3A_1334 = arith.cmpi slt, %xor3A_1331, %lt3A_1333 : vector<16xi32>
      %add3A_1335 = arith.constant 16 : i32
      %add3A_1336 = vector.broadcast %add3A_1335 : i32 to vector<16xi32>
      %add3A_1337 = arith.addi %xor3A_1331, %add3A_1336 : vector<16xi32>
      %select_n3A_1338 = arith.select %lt3A_1334, %add3A_1337, %xor3A_1331 : vector<16xi1>, vector<16xi32>
      %broadcast_in_dim3A_1339 = vector.shape_cast %select_n3A_1338 : vector<16xi32> to vector<16x1xi32>
      %gather3A_1340 = vector.shape_cast %broadcast_in_dim3A_1339 : vector<16x1xi32> to vector<16xi32>
      %gather3A_1341 = tpu.dynamic_gather %add3A_1328[%gather3A_1340] in [0] : vector<16xf32>, vector<16xi32> -> vector<16xf32>
      %add3A_1342 = arith.addf %add3A_1328, %gather3A_1341 : vector<16xf32>
      %xor3A_1343 = arith.constant 1 : i32
      %xor3A_1344 = vector.broadcast %xor3A_1343 : i32 to vector<16xi32>
      %xor3A_1345 = arith.xori %iota3A, %xor3A_1344 : vector<16xi32>
      %lt3A_1346 = arith.constant 0 : i32
      %lt3A_1347 = vector.broadcast %lt3A_1346 : i32 to vector<16xi32>
      %lt3A_1348 = arith.cmpi slt, %xor3A_1345, %lt3A_1347 : vector<16xi32>
      %add3A_1349 = arith.constant 16 : i32
      %add3A_1350 = vector.broadcast %add3A_1349 : i32 to vector<16xi32>
      %add3A_1351 = arith.addi %xor3A_1345, %add3A_1350 : vector<16xi32>
      %select_n3A_1352 = arith.select %lt3A_1348, %add3A_1351, %xor3A_1345 : vector<16xi1>, vector<16xi32>
      %broadcast_in_dim3A_1353 = vector.shape_cast %select_n3A_1352 : vector<16xi32> to vector<16x1xi32>
      %gather3A_1354 = vector.shape_cast %broadcast_in_dim3A_1353 : vector<16x1xi32> to vector<16xi32>
      %gather3A_1355 = tpu.dynamic_gather %add3A_1342[%gather3A_1354] in [0] : vector<16xf32>, vector<16xi32> -> vector<16xf32>
      %add3A_1356 = arith.addf %add3A_1342, %gather3A_1355 : vector<16xf32>
      %eq3A_1357 = arith.constant 1 : i32
      %eq3A_1358 = vector.broadcast %eq3A_1357 : i32 to vector<16xi32>
      %eq3A_1359 = arith.cmpi eq, %iota3A, %eq3A_1358 : vector<16xi32>
      %select_n3A_1360 = arith.select %eq3A_1359, %add3A_1356, %select_n3A_1226 : vector<16xi1>, vector<16xf32>
      %get3A_1361 = arith.constant 2 : i32
      %get3A_1362 = arith.index_cast %get3A_1361 : i32 to index
      %get3A_1363 = arith.constant 0 : index
      %get3A_1364 = tpu.vector_load %arg11[%get3A_1362, %get3A_1363] {strides = array<i32>} : memref<16x90xf32, #tpu.memory_space<vmem>>, vector<1x16xf32>,
      %get3A_1365 = vector.shape_cast %get3A_1364 : vector<1x16xf32> to vector<16xf32>
      %get3A_1366 = arith.constant 2 : i32
      %get3A_1367 = arith.index_cast %get3A_1366 : i32 to index
      %get3A_1368 = arith.constant 0 : index
      %get3A_1369 = tpu.vector_load %arg12[%get3A_1367, %get3A_1368] {strides = array<i32>} : memref<16x90xf32, #tpu.memory_space<vmem>>, vector<1x16xf32>,
      %get3A_1370 = vector.shape_cast %get3A_1369 : vector<1x16xf32> to vector<16xf32>
      %mul3A_1371 = arith.mulf %get3A_1365, %get3A_1370 : vector<16xf32>
      %get3A_1372 = arith.constant 2 : i32
      %get3A_1373 = arith.index_cast %get3A_1372 : i32 to index
      %get3A_1374 = arith.constant 16 : index
      %get3A_1375 = tpu.vector_load %arg11[%get3A_1373, %get3A_1374] {strides = array<i32>} : memref<16x90xf32, #tpu.memory_space<vmem>>, vector<1x16xf32>,
      %get3A_1376 = vector.shape_cast %get3A_1375 : vector<1x16xf32> to vector<16xf32>
      %get3A_1377 = arith.constant 2 : i32
      %get3A_1378 = arith.index_cast %get3A_1377 : i32 to index
      %get3A_1379 = arith.constant 16 : index
      %get3A_1380 = tpu.vector_load %arg12[%get3A_1378, %get3A_1379] {strides = array<i32>} : memref<16x90xf32, #tpu.memory_space<vmem>>, vector<1x16xf32>,
      %get3A_1381 = vector.shape_cast %get3A_1380 : vector<1x16xf32> to vector<16xf32>
      %mul3A_1382 = arith.mulf %get3A_1376, %get3A_1381 : vector<16xf32>
      %add3A_1383 = arith.addf %mul3A_1371, %mul3A_1382 : vector<16xf32>
      %get3A_1384 = arith.constant 2 : i32
      %get3A_1385 = arith.index_cast %get3A_1384 : i32 to index
      %get3A_1386 = arith.constant 32 : index
      %get3A_1387 = tpu.vector_load %arg11[%get3A_1385, %get3A_1386] {strides = array<i32>} : memref<16x90xf32, #tpu.memory_space<vmem>>, vector<1x16xf32>,
      %get3A_1388 = vector.shape_cast %get3A_1387 : vector<1x16xf32> to vector<16xf32>
      %get3A_1389 = arith.constant 2 : i32
      %get3A_1390 = arith.index_cast %get3A_1389 : i32 to index
      %get3A_1391 = arith.constant 32 : index
      %get3A_1392 = tpu.vector_load %arg12[%get3A_1390, %get3A_1391] {strides = array<i32>} : memref<16x90xf32, #tpu.memory_space<vmem>>, vector<1x16xf32>,
      %get3A_1393 = vector.shape_cast %get3A_1392 : vector<1x16xf32> to vector<16xf32>
      %mul3A_1394 = arith.mulf %get3A_1388, %get3A_1393 : vector<16xf32>
      %add3A_1395 = arith.addf %add3A_1383, %mul3A_1394 : vector<16xf32>
      %get3A_1396 = arith.constant 2 : i32
      %get3A_1397 = arith.index_cast %get3A_1396 : i32 to index
      %get3A_1398 = arith.constant 48 : index
      %get3A_1399 = tpu.vector_load %arg11[%get3A_1397, %get3A_1398] {strides = array<i32>} : memref<16x90xf32, #tpu.memory_space<vmem>>, vector<1x16xf32>,
      %get3A_1400 = vector.shape_cast %get3A_1399 : vector<1x16xf32> to vector<16xf32>
      %get3A_1401 = arith.constant 2 : i32
      %get3A_1402 = arith.index_cast %get3A_1401 : i32 to index
      %get3A_1403 = arith.constant 48 : index
      %get3A_1404 = tpu.vector_load %arg12[%get3A_1402, %get3A_1403] {strides = array<i32>} : memref<16x90xf32, #tpu.memory_space<vmem>>, vector<1x16xf32>,
      %get3A_1405 = vector.shape_cast %get3A_1404 : vector<1x16xf32> to vector<16xf32>
      %mul3A_1406 = arith.mulf %get3A_1400, %get3A_1405 : vector<16xf32>
      %add3A_1407 = arith.addf %add3A_1395, %mul3A_1406 : vector<16xf32>
      %get3A_1408 = arith.constant 2 : i32
      %get3A_1409 = arith.index_cast %get3A_1408 : i32 to index
      %get3A_1410 = arith.constant 64 : index
      %get3A_1411 = tpu.vector_load %arg11[%get3A_1409, %get3A_1410] {strides = array<i32>} : memref<16x90xf32, #tpu.memory_space<vmem>>, vector<1x16xf32>,
      %get3A_1412 = vector.shape_cast %get3A_1411 : vector<1x16xf32> to vector<16xf32>
      %get3A_1413 = arith.constant 2 : i32
      %get3A_1414 = arith.index_cast %get3A_1413 : i32 to index
      %get3A_1415 = arith.constant 64 : index
      %get3A_1416 = tpu.vector_load %arg12[%get3A_1414, %get3A_1415] {strides = array<i32>} : memref<16x90xf32, #tpu.memory_space<vmem>>, vector<1x16xf32>,
      %get3A_1417 = vector.shape_cast %get3A_1416 : vector<1x16xf32> to vector<16xf32>
      %mul3A_1418 = arith.mulf %get3A_1412, %get3A_1417 : vector<16xf32>
      %add3A_1419 = arith.addf %add3A_1407, %mul3A_1418 : vector<16xf32>
      %get3A_1420 = arith.constant 2 : i32
      %get3A_1421 = arith.index_cast %get3A_1420 : i32 to index
      %get3A_1422 = arith.constant 74 : index
      %get3A_1423 = tpu.vector_load %arg11[%get3A_1421, %get3A_1422] {strides = array<i32>} : memref<16x90xf32, #tpu.memory_space<vmem>>, vector<1x16xf32>,
      %get3A_1424 = vector.shape_cast %get3A_1423 : vector<1x16xf32> to vector<16xf32>
      %get3A_1425 = arith.constant 2 : i32
      %get3A_1426 = arith.index_cast %get3A_1425 : i32 to index
      %get3A_1427 = arith.constant 74 : index
      %get3A_1428 = tpu.vector_load %arg12[%get3A_1426, %get3A_1427] {strides = array<i32>} : memref<16x90xf32, #tpu.memory_space<vmem>>, vector<1x16xf32>,
      %get3A_1429 = vector.shape_cast %get3A_1428 : vector<1x16xf32> to vector<16xf32>
      %mul3A_1430 = arith.mulf %get3A_1424, %get3A_1429 : vector<16xf32>
      %jit3A_1431 = arith.constant 0.000000e+00 : f32
      %broadcast_in_dim3A_1432 = vector.broadcast %jit3A_1431 : f32 to vector<16xf32>
      %select_n3A_1433 = arith.select %ge3A_82, %mul3A_1430, %broadcast_in_dim3A_1432 : vector<16xi1>, vector<16xf32>
      %add3A_1434 = arith.addf %add3A_1419, %select_n3A_1433 : vector<16xf32>
      %xor3A_1435 = arith.constant 8 : i32
      %xor3A_1436 = vector.broadcast %xor3A_1435 : i32 to vector<16xi32>
      %xor3A_1437 = arith.xori %iota3A, %xor3A_1436 : vector<16xi32>
      %lt3A_1438 = arith.constant 0 : i32
      %lt3A_1439 = vector.broadcast %lt3A_1438 : i32 to vector<16xi32>
      %lt3A_1440 = arith.cmpi slt, %xor3A_1437, %lt3A_1439 : vector<16xi32>
      %add3A_1441 = arith.constant 16 : i32
      %add3A_1442 = vector.broadcast %add3A_1441 : i32 to vector<16xi32>
      %add3A_1443 = arith.addi %xor3A_1437, %add3A_1442 : vector<16xi32>
      %select_n3A_1444 = arith.select %lt3A_1440, %add3A_1443, %xor3A_1437 : vector<16xi1>, vector<16xi32>
      %broadcast_in_dim3A_1445 = vector.shape_cast %select_n3A_1444 : vector<16xi32> to vector<16x1xi32>
      %gather3A_1446 = vector.shape_cast %broadcast_in_dim3A_1445 : vector<16x1xi32> to vector<16xi32>
      %gather3A_1447 = tpu.dynamic_gather %add3A_1434[%gather3A_1446] in [0] : vector<16xf32>, vector<16xi32> -> vector<16xf32>
      %add3A_1448 = arith.addf %add3A_1434, %gather3A_1447 : vector<16xf32>
      %xor3A_1449 = arith.constant 4 : i32
      %xor3A_1450 = vector.broadcast %xor3A_1449 : i32 to vector<16xi32>
      %xor3A_1451 = arith.xori %iota3A, %xor3A_1450 : vector<16xi32>
      %lt3A_1452 = arith.constant 0 : i32
      %lt3A_1453 = vector.broadcast %lt3A_1452 : i32 to vector<16xi32>
      %lt3A_1454 = arith.cmpi slt, %xor3A_1451, %lt3A_1453 : vector<16xi32>
      %add3A_1455 = arith.constant 16 : i32
      %add3A_1456 = vector.broadcast %add3A_1455 : i32 to vector<16xi32>
      %add3A_1457 = arith.addi %xor3A_1451, %add3A_1456 : vector<16xi32>
      %select_n3A_1458 = arith.select %lt3A_1454, %add3A_1457, %xor3A_1451 : vector<16xi1>, vector<16xi32>
      %broadcast_in_dim3A_1459 = vector.shape_cast %select_n3A_1458 : vector<16xi32> to vector<16x1xi32>
      %gather3A_1460 = vector.shape_cast %broadcast_in_dim3A_1459 : vector<16x1xi32> to vector<16xi32>
      %gather3A_1461 = tpu.dynamic_gather %add3A_1448[%gather3A_1460] in [0] : vector<16xf32>, vector<16xi32> -> vector<16xf32>
      %add3A_1462 = arith.addf %add3A_1448, %gather3A_1461 : vector<16xf32>
      %xor3A_1463 = arith.constant 2 : i32
      %xor3A_1464 = vector.broadcast %xor3A_1463 : i32 to vector<16xi32>
      %xor3A_1465 = arith.xori %iota3A, %xor3A_1464 : vector<16xi32>
      %lt3A_1466 = arith.constant 0 : i32
      %lt3A_1467 = vector.broadcast %lt3A_1466 : i32 to vector<16xi32>
      %lt3A_1468 = arith.cmpi slt, %xor3A_1465, %lt3A_1467 : vector<16xi32>
      %add3A_1469 = arith.constant 16 : i32
      %add3A_1470 = vector.broadcast %add3A_1469 : i32 to vector<16xi32>
      %add3A_1471 = arith.addi %xor3A_1465, %add3A_1470 : vector<16xi32>
      %select_n3A_1472 = arith.select %lt3A_1468, %add3A_1471, %xor3A_1465 : vector<16xi1>, vector<16xi32>
      %broadcast_in_dim3A_1473 = vector.shape_cast %select_n3A_1472 : vector<16xi32> to vector<16x1xi32>
      %gather3A_1474 = vector.shape_cast %broadcast_in_dim3A_1473 : vector<16x1xi32> to vector<16xi32>
      %gather3A_1475 = tpu.dynamic_gather %add3A_1462[%gather3A_1474] in [0] : vector<16xf32>, vector<16xi32> -> vector<16xf32>
      %add3A_1476 = arith.addf %add3A_1462, %gather3A_1475 : vector<16xf32>
      %xor3A_1477 = arith.constant 1 : i32
      %xor3A_1478 = vector.broadcast %xor3A_1477 : i32 to vector<16xi32>
      %xor3A_1479 = arith.xori %iota3A, %xor3A_1478 : vector<16xi32>
      %lt3A_1480 = arith.constant 0 : i32
      %lt3A_1481 = vector.broadcast %lt3A_1480 : i32 to vector<16xi32>
      %lt3A_1482 = arith.cmpi slt, %xor3A_1479, %lt3A_1481 : vector<16xi32>
      %add3A_1483 = arith.constant 16 : i32
      %add3A_1484 = vector.broadcast %add3A_1483 : i32 to vector<16xi32>
      %add3A_1485 = arith.addi %xor3A_1479, %add3A_1484 : vector<16xi32>
      %select_n3A_1486 = arith.select %lt3A_1482, %add3A_1485, %xor3A_1479 : vector<16xi1>, vector<16xi32>
      %broadcast_in_dim3A_1487 = vector.shape_cast %select_n3A_1486 : vector<16xi32> to vector<16x1xi32>
      %gather3A_1488 = vector.shape_cast %broadcast_in_dim3A_1487 : vector<16x1xi32> to vector<16xi32>
      %gather3A_1489 = tpu.dynamic_gather %add3A_1476[%gather3A_1488] in [0] : vector<16xf32>, vector<16xi32> -> vector<16xf32>
      %add3A_1490 = arith.addf %add3A_1476, %gather3A_1489 : vector<16xf32>
      %eq3A_1491 = arith.constant 2 : i32
      %eq3A_1492 = vector.broadcast %eq3A_1491 : i32 to vector<16xi32>
      %eq3A_1493 = arith.cmpi eq, %iota3A, %eq3A_1492 : vector<16xi32>
      %select_n3A_1494 = arith.select %eq3A_1493, %add3A_1490, %select_n3A_1360 : vector<16xi1>, vector<16xf32>
      %get3A_1495 = arith.constant 3 : i32
      %get3A_1496 = arith.index_cast %get3A_1495 : i32 to index
      %get3A_1497 = arith.constant 0 : index
      %get3A_1498 = tpu.vector_load %arg11[%get3A_1496, %get3A_1497] {strides = array<i32>} : memref<16x90xf32, #tpu.memory_space<vmem>>, vector<1x16xf32>,
      %get3A_1499 = vector.shape_cast %get3A_1498 : vector<1x16xf32> to vector<16xf32>
      %get3A_1500 = arith.constant 3 : i32
      %get3A_1501 = arith.index_cast %get3A_1500 : i32 to index
      %get3A_1502 = arith.constant 0 : index
      %get3A_1503 = tpu.vector_load %arg12[%get3A_1501, %get3A_1502] {strides = array<i32>} : memref<16x90xf32, #tpu.memory_space<vmem>>, vector<1x16xf32>,
      %get3A_1504 = vector.shape_cast %get3A_1503 : vector<1x16xf32> to vector<16xf32>
      %mul3A_1505 = arith.mulf %get3A_1499, %get3A_1504 : vector<16xf32>
      %get3A_1506 = arith.constant 3 : i32
      %get3A_1507 = arith.index_cast %get3A_1506 : i32 to index
      %get3A_1508 = arith.constant 16 : index
      %get3A_1509 = tpu.vector_load %arg11[%get3A_1507, %get3A_1508] {strides = array<i32>} : memref<16x90xf32, #tpu.memory_space<vmem>>, vector<1x16xf32>,
      %get3A_1510 = vector.shape_cast %get3A_1509 : vector<1x16xf32> to vector<16xf32>
      %get3A_1511 = arith.constant 3 : i32
      %get3A_1512 = arith.index_cast %get3A_1511 : i32 to index
      %get3A_1513 = arith.constant 16 : index
      %get3A_1514 = tpu.vector_load %arg12[%get3A_1512, %get3A_1513] {strides = array<i32>} : memref<16x90xf32, #tpu.memory_space<vmem>>, vector<1x16xf32>,
      %get3A_1515 = vector.shape_cast %get3A_1514 : vector<1x16xf32> to vector<16xf32>
      %mul3A_1516 = arith.mulf %get3A_1510, %get3A_1515 : vector<16xf32>
      %add3A_1517 = arith.addf %mul3A_1505, %mul3A_1516 : vector<16xf32>
      %get3A_1518 = arith.constant 3 : i32
      %get3A_1519 = arith.index_cast %get3A_1518 : i32 to index
      %get3A_1520 = arith.constant 32 : index
      %get3A_1521 = tpu.vector_load %arg11[%get3A_1519, %get3A_1520] {strides = array<i32>} : memref<16x90xf32, #tpu.memory_space<vmem>>, vector<1x16xf32>,
      %get3A_1522 = vector.shape_cast %get3A_1521 : vector<1x16xf32> to vector<16xf32>
      %get3A_1523 = arith.constant 3 : i32
      %get3A_1524 = arith.index_cast %get3A_1523 : i32 to index
      %get3A_1525 = arith.constant 32 : index
      %get3A_1526 = tpu.vector_load %arg12[%get3A_1524, %get3A_1525] {strides = array<i32>} : memref<16x90xf32, #tpu.memory_space<vmem>>, vector<1x16xf32>,
      %get3A_1527 = vector.shape_cast %get3A_1526 : vector<1x16xf32> to vector<16xf32>
      %mul3A_1528 = arith.mulf %get3A_1522, %get3A_1527 : vector<16xf32>
      %add3A_1529 = arith.addf %add3A_1517, %mul3A_1528 : vector<16xf32>
      %get3A_1530 = arith.constant 3 : i32
      %get3A_1531 = arith.index_cast %get3A_1530 : i32 to index
      %get3A_1532 = arith.constant 48 : index
      %get3A_1533 = tpu.vector_load %arg11[%get3A_1531, %get3A_1532] {strides = array<i32>} : memref<16x90xf32, #tpu.memory_space<vmem>>, vector<1x16xf32>,
      %get3A_1534 = vector.shape_cast %get3A_1533 : vector<1x16xf32> to vector<16xf32>
      %get3A_1535 = arith.constant 3 : i32
      %get3A_1536 = arith.index_cast %get3A_1535 : i32 to index
      %get3A_1537 = arith.constant 48 : index
      %get3A_1538 = tpu.vector_load %arg12[%get3A_1536, %get3A_1537] {strides = array<i32>} : memref<16x90xf32, #tpu.memory_space<vmem>>, vector<1x16xf32>,
      %get3A_1539 = vector.shape_cast %get3A_1538 : vector<1x16xf32> to vector<16xf32>
      %mul3A_1540 = arith.mulf %get3A_1534, %get3A_1539 : vector<16xf32>
      %add3A_1541 = arith.addf %add3A_1529, %mul3A_1540 : vector<16xf32>
      %get3A_1542 = arith.constant 3 : i32
      %get3A_1543 = arith.index_cast %get3A_1542 : i32 to index
      %get3A_1544 = arith.constant 64 : index
      %get3A_1545 = tpu.vector_load %arg11[%get3A_1543, %get3A_1544] {strides = array<i32>} : memref<16x90xf32, #tpu.memory_space<vmem>>, vector<1x16xf32>,
      %get3A_1546 = vector.shape_cast %get3A_1545 : vector<1x16xf32> to vector<16xf32>
      %get3A_1547 = arith.constant 3 : i32
      %get3A_1548 = arith.index_cast %get3A_1547 : i32 to index
      %get3A_1549 = arith.constant 64 : index
      %get3A_1550 = tpu.vector_load %arg12[%get3A_1548, %get3A_1549] {strides = array<i32>} : memref<16x90xf32, #tpu.memory_space<vmem>>, vector<1x16xf32>,
      %get3A_1551 = vector.shape_cast %get3A_1550 : vector<1x16xf32> to vector<16xf32>
      %mul3A_1552 = arith.mulf %get3A_1546, %get3A_1551 : vector<16xf32>
      %add3A_1553 = arith.addf %add3A_1541, %mul3A_1552 : vector<16xf32>
      %get3A_1554 = arith.constant 3 : i32
      %get3A_1555 = arith.index_cast %get3A_1554 : i32 to index
      %get3A_1556 = arith.constant 74 : index
      %get3A_1557 = tpu.vector_load %arg11[%get3A_1555, %get3A_1556] {strides = array<i32>} : memref<16x90xf32, #tpu.memory_space<vmem>>, vector<1x16xf32>,
      %get3A_1558 = vector.shape_cast %get3A_1557 : vector<1x16xf32> to vector<16xf32>
      %get3A_1559 = arith.constant 3 : i32
      %get3A_1560 = arith.index_cast %get3A_1559 : i32 to index
      %get3A_1561 = arith.constant 74 : index
      %get3A_1562 = tpu.vector_load %arg12[%get3A_1560, %get3A_1561] {strides = array<i32>} : memref<16x90xf32, #tpu.memory_space<vmem>>, vector<1x16xf32>,
      %get3A_1563 = vector.shape_cast %get3A_1562 : vector<1x16xf32> to vector<16xf32>
      %mul3A_1564 = arith.mulf %get3A_1558, %get3A_1563 : vector<16xf32>
      %jit3A_1565 = arith.constant 0.000000e+00 : f32
      %broadcast_in_dim3A_1566 = vector.broadcast %jit3A_1565 : f32 to vector<16xf32>
      %select_n3A_1567 = arith.select %ge3A_82, %mul3A_1564, %broadcast_in_dim3A_1566 : vector<16xi1>, vector<16xf32>
      %add3A_1568 = arith.addf %add3A_1553, %select_n3A_1567 : vector<16xf32>
      %xor3A_1569 = arith.constant 8 : i32
      %xor3A_1570 = vector.broadcast %xor3A_1569 : i32 to vector<16xi32>
      %xor3A_1571 = arith.xori %iota3A, %xor3A_1570 : vector<16xi32>
      %lt3A_1572 = arith.constant 0 : i32
      %lt3A_1573 = vector.broadcast %lt3A_1572 : i32 to vector<16xi32>
      %lt3A_1574 = arith.cmpi slt, %xor3A_1571, %lt3A_1573 : vector<16xi32>
      %add3A_1575 = arith.constant 16 : i32
      %add3A_1576 = vector.broadcast %add3A_1575 : i32 to vector<16xi32>
      %add3A_1577 = arith.addi %xor3A_1571, %add3A_1576 : vector<16xi32>
      %select_n3A_1578 = arith.select %lt3A_1574, %add3A_1577, %xor3A_1571 : vector<16xi1>, vector<16xi32>
      %broadcast_in_dim3A_1579 = vector.shape_cast %select_n3A_1578 : vector<16xi32> to vector<16x1xi32>
      %gather3A_1580 = vector.shape_cast %broadcast_in_dim3A_1579 : vector<16x1xi32> to vector<16xi32>
      %gather3A_1581 = tpu.dynamic_gather %add3A_1568[%gather3A_1580] in [0] : vector<16xf32>, vector<16xi32> -> vector<16xf32>
      %add3A_1582 = arith.addf %add3A_1568, %gather3A_1581 : vector<16xf32>
      %xor3A_1583 = arith.constant 4 : i32
      %xor3A_1584 = vector.broadcast %xor3A_1583 : i32 to vector<16xi32>
      %xor3A_1585 = arith.xori %iota3A, %xor3A_1584 : vector<16xi32>
      %lt3A_1586 = arith.constant 0 : i32
      %lt3A_1587 = vector.broadcast %lt3A_1586 : i32 to vector<16xi32>
      %lt3A_1588 = arith.cmpi slt, %xor3A_1585, %lt3A_1587 : vector<16xi32>
      %add3A_1589 = arith.constant 16 : i32
      %add3A_1590 = vector.broadcast %add3A_1589 : i32 to vector<16xi32>
      %add3A_1591 = arith.addi %xor3A_1585, %add3A_1590 : vector<16xi32>
      %select_n3A_1592 = arith.select %lt3A_1588, %add3A_1591, %xor3A_1585 : vector<16xi1>, vector<16xi32>
      %broadcast_in_dim3A_1593 = vector.shape_cast %select_n3A_1592 : vector<16xi32> to vector<16x1xi32>
      %gather3A_1594 = vector.shape_cast %broadcast_in_dim3A_1593 : vector<16x1xi32> to vector<16xi32>
      %gather3A_1595 = tpu.dynamic_gather %add3A_1582[%gather3A_1594] in [0] : vector<16xf32>, vector<16xi32> -> vector<16xf32>
      %add3A_1596 = arith.addf %add3A_1582, %gather3A_1595 : vector<16xf32>
      %xor3A_1597 = arith.constant 2 : i32
      %xor3A_1598 = vector.broadcast %xor3A_1597 : i32 to vector<16xi32>
      %xor3A_1599 = arith.xori %iota3A, %xor3A_1598 : vector<16xi32>
      %lt3A_1600 = arith.constant 0 : i32
      %lt3A_1601 = vector.broadcast %lt3A_1600 : i32 to vector<16xi32>
      %lt3A_1602 = arith.cmpi slt, %xor3A_1599, %lt3A_1601 : vector<16xi32>
      %add3A_1603 = arith.constant 16 : i32
      %add3A_1604 = vector.broadcast %add3A_1603 : i32 to vector<16xi32>
      %add3A_1605 = arith.addi %xor3A_1599, %add3A_1604 : vector<16xi32>
      %select_n3A_1606 = arith.select %lt3A_1602, %add3A_1605, %xor3A_1599 : vector<16xi1>, vector<16xi32>
      %broadcast_in_dim3A_1607 = vector.shape_cast %select_n3A_1606 : vector<16xi32> to vector<16x1xi32>
      %gather3A_1608 = vector.shape_cast %broadcast_in_dim3A_1607 : vector<16x1xi32> to vector<16xi32>
      %gather3A_1609 = tpu.dynamic_gather %add3A_1596[%gather3A_1608] in [0] : vector<16xf32>, vector<16xi32> -> vector<16xf32>
      %add3A_1610 = arith.addf %add3A_1596, %gather3A_1609 : vector<16xf32>
      %xor3A_1611 = arith.constant 1 : i32
      %xor3A_1612 = vector.broadcast %xor3A_1611 : i32 to vector<16xi32>
      %xor3A_1613 = arith.xori %iota3A, %xor3A_1612 : vector<16xi32>
      %lt3A_1614 = arith.constant 0 : i32
      %lt3A_1615 = vector.broadcast %lt3A_1614 : i32 to vector<16xi32>
      %lt3A_1616 = arith.cmpi slt, %xor3A_1613, %lt3A_1615 : vector<16xi32>
      %add3A_1617 = arith.constant 16 : i32
      %add3A_1618 = vector.broadcast %add3A_1617 : i32 to vector<16xi32>
      %add3A_1619 = arith.addi %xor3A_1613, %add3A_1618 : vector<16xi32>
      %select_n3A_1620 = arith.select %lt3A_1616, %add3A_1619, %xor3A_1613 : vector<16xi1>, vector<16xi32>
      %broadcast_in_dim3A_1621 = vector.shape_cast %select_n3A_1620 : vector<16xi32> to vector<16x1xi32>
      %gather3A_1622 = vector.shape_cast %broadcast_in_dim3A_1621 : vector<16x1xi32> to vector<16xi32>
      %gather3A_1623 = tpu.dynamic_gather %add3A_1610[%gather3A_1622] in [0] : vector<16xf32>, vector<16xi32> -> vector<16xf32>
      %add3A_1624 = arith.addf %add3A_1610, %gather3A_1623 : vector<16xf32>
      %eq3A_1625 = arith.constant 3 : i32
      %eq3A_1626 = vector.broadcast %eq3A_1625 : i32 to vector<16xi32>
      %eq3A_1627 = arith.cmpi eq, %iota3A, %eq3A_1626 : vector<16xi32>
      %select_n3A_1628 = arith.select %eq3A_1627, %add3A_1624, %select_n3A_1494 : vector<16xi1>, vector<16xf32>
      %get3A_1629 = arith.constant 4 : i32
      %get3A_1630 = arith.index_cast %get3A_1629 : i32 to index
      %get3A_1631 = arith.constant 0 : index
      %get3A_1632 = tpu.vector_load %arg11[%get3A_1630, %get3A_1631] {strides = array<i32>} : memref<16x90xf32, #tpu.memory_space<vmem>>, vector<1x16xf32>,
      %get3A_1633 = vector.shape_cast %get3A_1632 : vector<1x16xf32> to vector<16xf32>
      %get3A_1634 = arith.constant 4 : i32
      %get3A_1635 = arith.index_cast %get3A_1634 : i32 to index
      %get3A_1636 = arith.constant 0 : index
      %get3A_1637 = tpu.vector_load %arg12[%get3A_1635, %get3A_1636] {strides = array<i32>} : memref<16x90xf32, #tpu.memory_space<vmem>>, vector<1x16xf32>,
      %get3A_1638 = vector.shape_cast %get3A_1637 : vector<1x16xf32> to vector<16xf32>
      %mul3A_1639 = arith.mulf %get3A_1633, %get3A_1638 : vector<16xf32>
      %get3A_1640 = arith.constant 4 : i32
      %get3A_1641 = arith.index_cast %get3A_1640 : i32 to index
      %get3A_1642 = arith.constant 16 : index
      %get3A_1643 = tpu.vector_load %arg11[%get3A_1641, %get3A_1642] {strides = array<i32>} : memref<16x90xf32, #tpu.memory_space<vmem>>, vector<1x16xf32>,
      %get3A_1644 = vector.shape_cast %get3A_1643 : vector<1x16xf32> to vector<16xf32>
      %get3A_1645 = arith.constant 4 : i32
      %get3A_1646 = arith.index_cast %get3A_1645 : i32 to index
      %get3A_1647 = arith.constant 16 : index
      %get3A_1648 = tpu.vector_load %arg12[%get3A_1646, %get3A_1647] {strides = array<i32>} : memref<16x90xf32, #tpu.memory_space<vmem>>, vector<1x16xf32>,
      %get3A_1649 = vector.shape_cast %get3A_1648 : vector<1x16xf32> to vector<16xf32>
      %mul3A_1650 = arith.mulf %get3A_1644, %get3A_1649 : vector<16xf32>
      %add3A_1651 = arith.addf %mul3A_1639, %mul3A_1650 : vector<16xf32>
      %get3A_1652 = arith.constant 4 : i32
      %get3A_1653 = arith.index_cast %get3A_1652 : i32 to index
      %get3A_1654 = arith.constant 32 : index
      %get3A_1655 = tpu.vector_load %arg11[%get3A_1653, %get3A_1654] {strides = array<i32>} : memref<16x90xf32, #tpu.memory_space<vmem>>, vector<1x16xf32>,
      %get3A_1656 = vector.shape_cast %get3A_1655 : vector<1x16xf32> to vector<16xf32>
      %get3A_1657 = arith.constant 4 : i32
      %get3A_1658 = arith.index_cast %get3A_1657 : i32 to index
      %get3A_1659 = arith.constant 32 : index
      %get3A_1660 = tpu.vector_load %arg12[%get3A_1658, %get3A_1659] {strides = array<i32>} : memref<16x90xf32, #tpu.memory_space<vmem>>, vector<1x16xf32>,
      %get3A_1661 = vector.shape_cast %get3A_1660 : vector<1x16xf32> to vector<16xf32>
      %mul3A_1662 = arith.mulf %get3A_1656, %get3A_1661 : vector<16xf32>
      %add3A_1663 = arith.addf %add3A_1651, %mul3A_1662 : vector<16xf32>
      %get3A_1664 = arith.constant 4 : i32
      %get3A_1665 = arith.index_cast %get3A_1664 : i32 to index
      %get3A_1666 = arith.constant 48 : index
      %get3A_1667 = tpu.vector_load %arg11[%get3A_1665, %get3A_1666] {strides = array<i32>} : memref<16x90xf32, #tpu.memory_space<vmem>>, vector<1x16xf32>,
      %get3A_1668 = vector.shape_cast %get3A_1667 : vector<1x16xf32> to vector<16xf32>
      %get3A_1669 = arith.constant 4 : i32
      %get3A_1670 = arith.index_cast %get3A_1669 : i32 to index
      %get3A_1671 = arith.constant 48 : index
      %get3A_1672 = tpu.vector_load %arg12[%get3A_1670, %get3A_1671] {strides = array<i32>} : memref<16x90xf32, #tpu.memory_space<vmem>>, vector<1x16xf32>,
      %get3A_1673 = vector.shape_cast %get3A_1672 : vector<1x16xf32> to vector<16xf32>
      %mul3A_1674 = arith.mulf %get3A_1668, %get3A_1673 : vector<16xf32>
      %add3A_1675 = arith.addf %add3A_1663, %mul3A_1674 : vector<16xf32>
      %get3A_1676 = arith.constant 4 : i32
      %get3A_1677 = arith.index_cast %get3A_1676 : i32 to index
      %get3A_1678 = arith.constant 64 : index
      %get3A_1679 = tpu.vector_load %arg11[%get3A_1677, %get3A_1678] {strides = array<i32>} : memref<16x90xf32, #tpu.memory_space<vmem>>, vector<1x16xf32>,
      %get3A_1680 = vector.shape_cast %get3A_1679 : vector<1x16xf32> to vector<16xf32>
      %get3A_1681 = arith.constant 4 : i32
      %get3A_1682 = arith.index_cast %get3A_1681 : i32 to index
      %get3A_1683 = arith.constant 64 : index
      %get3A_1684 = tpu.vector_load %arg12[%get3A_1682, %get3A_1683] {strides = array<i32>} : memref<16x90xf32, #tpu.memory_space<vmem>>, vector<1x16xf32>,
      %get3A_1685 = vector.shape_cast %get3A_1684 : vector<1x16xf32> to vector<16xf32>
      %mul3A_1686 = arith.mulf %get3A_1680, %get3A_1685 : vector<16xf32>
      %add3A_1687 = arith.addf %add3A_1675, %mul3A_1686 : vector<16xf32>
      %get3A_1688 = arith.constant 4 : i32
      %get3A_1689 = arith.index_cast %get3A_1688 : i32 to index
      %get3A_1690 = arith.constant 74 : index
      %get3A_1691 = tpu.vector_load %arg11[%get3A_1689, %get3A_1690] {strides = array<i32>} : memref<16x90xf32, #tpu.memory_space<vmem>>, vector<1x16xf32>,
      %get3A_1692 = vector.shape_cast %get3A_1691 : vector<1x16xf32> to vector<16xf32>
      %get3A_1693 = arith.constant 4 : i32
      %get3A_1694 = arith.index_cast %get3A_1693 : i32 to index
      %get3A_1695 = arith.constant 74 : index
      %get3A_1696 = tpu.vector_load %arg12[%get3A_1694, %get3A_1695] {strides = array<i32>} : memref<16x90xf32, #tpu.memory_space<vmem>>, vector<1x16xf32>,
      %get3A_1697 = vector.shape_cast %get3A_1696 : vector<1x16xf32> to vector<16xf32>
      %mul3A_1698 = arith.mulf %get3A_1692, %get3A_1697 : vector<16xf32>
      %jit3A_1699 = arith.constant 0.000000e+00 : f32
      %broadcast_in_dim3A_1700 = vector.broadcast %jit3A_1699 : f32 to vector<16xf32>
      %select_n3A_1701 = arith.select %ge3A_82, %mul3A_1698, %broadcast_in_dim3A_1700 : vector<16xi1>, vector<16xf32>
      %add3A_1702 = arith.addf %add3A_1687, %select_n3A_1701 : vector<16xf32>
      %xor3A_1703 = arith.constant 8 : i32
      %xor3A_1704 = vector.broadcast %xor3A_1703 : i32 to vector<16xi32>
      %xor3A_1705 = arith.xori %iota3A, %xor3A_1704 : vector<16xi32>
      %lt3A_1706 = arith.constant 0 : i32
      %lt3A_1707 = vector.broadcast %lt3A_1706 : i32 to vector<16xi32>
      %lt3A_1708 = arith.cmpi slt, %xor3A_1705, %lt3A_1707 : vector<16xi32>
      %add3A_1709 = arith.constant 16 : i32
      %add3A_1710 = vector.broadcast %add3A_1709 : i32 to vector<16xi32>
      %add3A_1711 = arith.addi %xor3A_1705, %add3A_1710 : vector<16xi32>
      %select_n3A_1712 = arith.select %lt3A_1708, %add3A_1711, %xor3A_1705 : vector<16xi1>, vector<16xi32>
      %broadcast_in_dim3A_1713 = vector.shape_cast %select_n3A_1712 : vector<16xi32> to vector<16x1xi32>
      %gather3A_1714 = vector.shape_cast %broadcast_in_dim3A_1713 : vector<16x1xi32> to vector<16xi32>
      %gather3A_1715 = tpu.dynamic_gather %add3A_1702[%gather3A_1714] in [0] : vector<16xf32>, vector<16xi32> -> vector<16xf32>
      %add3A_1716 = arith.addf %add3A_1702, %gather3A_1715 : vector<16xf32>
      %xor3A_1717 = arith.constant 4 : i32
      %xor3A_1718 = vector.broadcast %xor3A_1717 : i32 to vector<16xi32>
      %xor3A_1719 = arith.xori %iota3A, %xor3A_1718 : vector<16xi32>
      %lt3A_1720 = arith.constant 0 : i32
      %lt3A_1721 = vector.broadcast %lt3A_1720 : i32 to vector<16xi32>
      %lt3A_1722 = arith.cmpi slt, %xor3A_1719, %lt3A_1721 : vector<16xi32>
      %add3A_1723 = arith.constant 16 : i32
      %add3A_1724 = vector.broadcast %add3A_1723 : i32 to vector<16xi32>
      %add3A_1725 = arith.addi %xor3A_1719, %add3A_1724 : vector<16xi32>
      %select_n3A_1726 = arith.select %lt3A_1722, %add3A_1725, %xor3A_1719 : vector<16xi1>, vector<16xi32>
      %broadcast_in_dim3A_1727 = vector.shape_cast %select_n3A_1726 : vector<16xi32> to vector<16x1xi32>
      %gather3A_1728 = vector.shape_cast %broadcast_in_dim3A_1727 : vector<16x1xi32> to vector<16xi32>
      %gather3A_1729 = tpu.dynamic_gather %add3A_1716[%gather3A_1728] in [0] : vector<16xf32>, vector<16xi32> -> vector<16xf32>
      %add3A_1730 = arith.addf %add3A_1716, %gather3A_1729 : vector<16xf32>
      %xor3A_1731 = arith.constant 2 : i32
      %xor3A_1732 = vector.broadcast %xor3A_1731 : i32 to vector<16xi32>
      %xor3A_1733 = arith.xori %iota3A, %xor3A_1732 : vector<16xi32>
      %lt3A_1734 = arith.constant 0 : i32
      %lt3A_1735 = vector.broadcast %lt3A_1734 : i32 to vector<16xi32>
      %lt3A_1736 = arith.cmpi slt, %xor3A_1733, %lt3A_1735 : vector<16xi32>
      %add3A_1737 = arith.constant 16 : i32
      %add3A_1738 = vector.broadcast %add3A_1737 : i32 to vector<16xi32>
      %add3A_1739 = arith.addi %xor3A_1733, %add3A_1738 : vector<16xi32>
      %select_n3A_1740 = arith.select %lt3A_1736, %add3A_1739, %xor3A_1733 : vector<16xi1>, vector<16xi32>
      %broadcast_in_dim3A_1741 = vector.shape_cast %select_n3A_1740 : vector<16xi32> to vector<16x1xi32>
      %gather3A_1742 = vector.shape_cast %broadcast_in_dim3A_1741 : vector<16x1xi32> to vector<16xi32>
      %gather3A_1743 = tpu.dynamic_gather %add3A_1730[%gather3A_1742] in [0] : vector<16xf32>, vector<16xi32> -> vector<16xf32>
      %add3A_1744 = arith.addf %add3A_1730, %gather3A_1743 : vector<16xf32>
      %xor3A_1745 = arith.constant 1 : i32
      %xor3A_1746 = vector.broadcast %xor3A_1745 : i32 to vector<16xi32>
      %xor3A_1747 = arith.xori %iota3A, %xor3A_1746 : vector<16xi32>
      %lt3A_1748 = arith.constant 0 : i32
      %lt3A_1749 = vector.broadcast %lt3A_1748 : i32 to vector<16xi32>
      %lt3A_1750 = arith.cmpi slt, %xor3A_1747, %lt3A_1749 : vector<16xi32>
      %add3A_1751 = arith.constant 16 : i32
      %add3A_1752 = vector.broadcast %add3A_1751 : i32 to vector<16xi32>
      %add3A_1753 = arith.addi %xor3A_1747, %add3A_1752 : vector<16xi32>
      %select_n3A_1754 = arith.select %lt3A_1750, %add3A_1753, %xor3A_1747 : vector<16xi1>, vector<16xi32>
      %broadcast_in_dim3A_1755 = vector.shape_cast %select_n3A_1754 : vector<16xi32> to vector<16x1xi32>
      %gather3A_1756 = vector.shape_cast %broadcast_in_dim3A_1755 : vector<16x1xi32> to vector<16xi32>
      %gather3A_1757 = tpu.dynamic_gather %add3A_1744[%gather3A_1756] in [0] : vector<16xf32>, vector<16xi32> -> vector<16xf32>
      %add3A_1758 = arith.addf %add3A_1744, %gather3A_1757 : vector<16xf32>
      %eq3A_1759 = arith.constant 4 : i32
      %eq3A_1760 = vector.broadcast %eq3A_1759 : i32 to vector<16xi32>
      %eq3A_1761 = arith.cmpi eq, %iota3A, %eq3A_1760 : vector<16xi32>
      %select_n3A_1762 = arith.select %eq3A_1761, %add3A_1758, %select_n3A_1628 : vector<16xi1>, vector<16xf32>
      %get3A_1763 = arith.constant 5 : i32
      %get3A_1764 = arith.index_cast %get3A_1763 : i32 to index
      %get3A_1765 = arith.constant 0 : index
      %get3A_1766 = tpu.vector_load %arg11[%get3A_1764, %get3A_1765] {strides = array<i32>} : memref<16x90xf32, #tpu.memory_space<vmem>>, vector<1x16xf32>,
      %get3A_1767 = vector.shape_cast %get3A_1766 : vector<1x16xf32> to vector<16xf32>
      %get3A_1768 = arith.constant 5 : i32
      %get3A_1769 = arith.index_cast %get3A_1768 : i32 to index
      %get3A_1770 = arith.constant 0 : index
      %get3A_1771 = tpu.vector_load %arg12[%get3A_1769, %get3A_1770] {strides = array<i32>} : memref<16x90xf32, #tpu.memory_space<vmem>>, vector<1x16xf32>,
      %get3A_1772 = vector.shape_cast %get3A_1771 : vector<1x16xf32> to vector<16xf32>
      %mul3A_1773 = arith.mulf %get3A_1767, %get3A_1772 : vector<16xf32>
      %get3A_1774 = arith.constant 5 : i32
      %get3A_1775 = arith.index_cast %get3A_1774 : i32 to index
      %get3A_1776 = arith.constant 16 : index
      %get3A_1777 = tpu.vector_load %arg11[%get3A_1775, %get3A_1776] {strides = array<i32>} : memref<16x90xf32, #tpu.memory_space<vmem>>, vector<1x16xf32>,
      %get3A_1778 = vector.shape_cast %get3A_1777 : vector<1x16xf32> to vector<16xf32>
      %get3A_1779 = arith.constant 5 : i32
      %get3A_1780 = arith.index_cast %get3A_1779 : i32 to index
      %get3A_1781 = arith.constant 16 : index
      %get3A_1782 = tpu.vector_load %arg12[%get3A_1780, %get3A_1781] {strides = array<i32>} : memref<16x90xf32, #tpu.memory_space<vmem>>, vector<1x16xf32>,
      %get3A_1783 = vector.shape_cast %get3A_1782 : vector<1x16xf32> to vector<16xf32>
      %mul3A_1784 = arith.mulf %get3A_1778, %get3A_1783 : vector<16xf32>
      %add3A_1785 = arith.addf %mul3A_1773, %mul3A_1784 : vector<16xf32>
      %get3A_1786 = arith.constant 5 : i32
      %get3A_1787 = arith.index_cast %get3A_1786 : i32 to index
      %get3A_1788 = arith.constant 32 : index
      %get3A_1789 = tpu.vector_load %arg11[%get3A_1787, %get3A_1788] {strides = array<i32>} : memref<16x90xf32, #tpu.memory_space<vmem>>, vector<1x16xf32>,
      %get3A_1790 = vector.shape_cast %get3A_1789 : vector<1x16xf32> to vector<16xf32>
      %get3A_1791 = arith.constant 5 : i32
      %get3A_1792 = arith.index_cast %get3A_1791 : i32 to index
      %get3A_1793 = arith.constant 32 : index
      %get3A_1794 = tpu.vector_load %arg12[%get3A_1792, %get3A_1793] {strides = array<i32>} : memref<16x90xf32, #tpu.memory_space<vmem>>, vector<1x16xf32>,
      %get3A_1795 = vector.shape_cast %get3A_1794 : vector<1x16xf32> to vector<16xf32>
      %mul3A_1796 = arith.mulf %get3A_1790, %get3A_1795 : vector<16xf32>
      %add3A_1797 = arith.addf %add3A_1785, %mul3A_1796 : vector<16xf32>
      %get3A_1798 = arith.constant 5 : i32
      %get3A_1799 = arith.index_cast %get3A_1798 : i32 to index
      %get3A_1800 = arith.constant 48 : index
      %get3A_1801 = tpu.vector_load %arg11[%get3A_1799, %get3A_1800] {strides = array<i32>} : memref<16x90xf32, #tpu.memory_space<vmem>>, vector<1x16xf32>,
      %get3A_1802 = vector.shape_cast %get3A_1801 : vector<1x16xf32> to vector<16xf32>
      %get3A_1803 = arith.constant 5 : i32
      %get3A_1804 = arith.index_cast %get3A_1803 : i32 to index
      %get3A_1805 = arith.constant 48 : index
      %get3A_1806 = tpu.vector_load %arg12[%get3A_1804, %get3A_1805] {strides = array<i32>} : memref<16x90xf32, #tpu.memory_space<vmem>>, vector<1x16xf32>,
      %get3A_1807 = vector.shape_cast %get3A_1806 : vector<1x16xf32> to vector<16xf32>
      %mul3A_1808 = arith.mulf %get3A_1802, %get3A_1807 : vector<16xf32>
      %add3A_1809 = arith.addf %add3A_1797, %mul3A_1808 : vector<16xf32>
      %get3A_1810 = arith.constant 5 : i32
      %get3A_1811 = arith.index_cast %get3A_1810 : i32 to index
      %get3A_1812 = arith.constant 64 : index
      %get3A_1813 = tpu.vector_load %arg11[%get3A_1811, %get3A_1812] {strides = array<i32>} : memref<16x90xf32, #tpu.memory_space<vmem>>, vector<1x16xf32>,
      %get3A_1814 = vector.shape_cast %get3A_1813 : vector<1x16xf32> to vector<16xf32>
      %get3A_1815 = arith.constant 5 : i32
      %get3A_1816 = arith.index_cast %get3A_1815 : i32 to index
      %get3A_1817 = arith.constant 64 : index
      %get3A_1818 = tpu.vector_load %arg12[%get3A_1816, %get3A_1817] {strides = array<i32>} : memref<16x90xf32, #tpu.memory_space<vmem>>, vector<1x16xf32>,
      %get3A_1819 = vector.shape_cast %get3A_1818 : vector<1x16xf32> to vector<16xf32>
      %mul3A_1820 = arith.mulf %get3A_1814, %get3A_1819 : vector<16xf32>
      %add3A_1821 = arith.addf %add3A_1809, %mul3A_1820 : vector<16xf32>
      %get3A_1822 = arith.constant 5 : i32
      %get3A_1823 = arith.index_cast %get3A_1822 : i32 to index
      %get3A_1824 = arith.constant 74 : index
      %get3A_1825 = tpu.vector_load %arg11[%get3A_1823, %get3A_1824] {strides = array<i32>} : memref<16x90xf32, #tpu.memory_space<vmem>>, vector<1x16xf32>,
      %get3A_1826 = vector.shape_cast %get3A_1825 : vector<1x16xf32> to vector<16xf32>
      %get3A_1827 = arith.constant 5 : i32
      %get3A_1828 = arith.index_cast %get3A_1827 : i32 to index
      %get3A_1829 = arith.constant 74 : index
      %get3A_1830 = tpu.vector_load %arg12[%get3A_1828, %get3A_1829] {strides = array<i32>} : memref<16x90xf32, #tpu.memory_space<vmem>>, vector<1x16xf32>,
      %get3A_1831 = vector.shape_cast %get3A_1830 : vector<1x16xf32> to vector<16xf32>
      %mul3A_1832 = arith.mulf %get3A_1826, %get3A_1831 : vector<16xf32>
      %jit3A_1833 = arith.constant 0.000000e+00 : f32
      %broadcast_in_dim3A_1834 = vector.broadcast %jit3A_1833 : f32 to vector<16xf32>
      %select_n3A_1835 = arith.select %ge3A_82, %mul3A_1832, %broadcast_in_dim3A_1834 : vector<16xi1>, vector<16xf32>
      %add3A_1836 = arith.addf %add3A_1821, %select_n3A_1835 : vector<16xf32>
      %xor3A_1837 = arith.constant 8 : i32
      %xor3A_1838 = vector.broadcast %xor3A_1837 : i32 to vector<16xi32>
      %xor3A_1839 = arith.xori %iota3A, %xor3A_1838 : vector<16xi32>
      %lt3A_1840 = arith.constant 0 : i32
      %lt3A_1841 = vector.broadcast %lt3A_1840 : i32 to vector<16xi32>
      %lt3A_1842 = arith.cmpi slt, %xor3A_1839, %lt3A_1841 : vector<16xi32>
      %add3A_1843 = arith.constant 16 : i32
      %add3A_1844 = vector.broadcast %add3A_1843 : i32 to vector<16xi32>
      %add3A_1845 = arith.addi %xor3A_1839, %add3A_1844 : vector<16xi32>
      %select_n3A_1846 = arith.select %lt3A_1842, %add3A_1845, %xor3A_1839 : vector<16xi1>, vector<16xi32>
      %broadcast_in_dim3A_1847 = vector.shape_cast %select_n3A_1846 : vector<16xi32> to vector<16x1xi32>
      %gather3A_1848 = vector.shape_cast %broadcast_in_dim3A_1847 : vector<16x1xi32> to vector<16xi32>
      %gather3A_1849 = tpu.dynamic_gather %add3A_1836[%gather3A_1848] in [0] : vector<16xf32>, vector<16xi32> -> vector<16xf32>
      %add3A_1850 = arith.addf %add3A_1836, %gather3A_1849 : vector<16xf32>
      %xor3A_1851 = arith.constant 4 : i32
      %xor3A_1852 = vector.broadcast %xor3A_1851 : i32 to vector<16xi32>
      %xor3A_1853 = arith.xori %iota3A, %xor3A_1852 : vector<16xi32>
      %lt3A_1854 = arith.constant 0 : i32
      %lt3A_1855 = vector.broadcast %lt3A_1854 : i32 to vector<16xi32>
      %lt3A_1856 = arith.cmpi slt, %xor3A_1853, %lt3A_1855 : vector<16xi32>
      %add3A_1857 = arith.constant 16 : i32
      %add3A_1858 = vector.broadcast %add3A_1857 : i32 to vector<16xi32>
      %add3A_1859 = arith.addi %xor3A_1853, %add3A_1858 : vector<16xi32>
      %select_n3A_1860 = arith.select %lt3A_1856, %add3A_1859, %xor3A_1853 : vector<16xi1>, vector<16xi32>
      %broadcast_in_dim3A_1861 = vector.shape_cast %select_n3A_1860 : vector<16xi32> to vector<16x1xi32>
      %gather3A_1862 = vector.shape_cast %broadcast_in_dim3A_1861 : vector<16x1xi32> to vector<16xi32>
      %gather3A_1863 = tpu.dynamic_gather %add3A_1850[%gather3A_1862] in [0] : vector<16xf32>, vector<16xi32> -> vector<16xf32>
      %add3A_1864 = arith.addf %add3A_1850, %gather3A_1863 : vector<16xf32>
      %xor3A_1865 = arith.constant 2 : i32
      %xor3A_1866 = vector.broadcast %xor3A_1865 : i32 to vector<16xi32>
      %xor3A_1867 = arith.xori %iota3A, %xor3A_1866 : vector<16xi32>
      %lt3A_1868 = arith.constant 0 : i32
      %lt3A_1869 = vector.broadcast %lt3A_1868 : i32 to vector<16xi32>
      %lt3A_1870 = arith.cmpi slt, %xor3A_1867, %lt3A_1869 : vector<16xi32>
      %add3A_1871 = arith.constant 16 : i32
      %add3A_1872 = vector.broadcast %add3A_1871 : i32 to vector<16xi32>
      %add3A_1873 = arith.addi %xor3A_1867, %add3A_1872 : vector<16xi32>
      %select_n3A_1874 = arith.select %lt3A_1870, %add3A_1873, %xor3A_1867 : vector<16xi1>, vector<16xi32>
      %broadcast_in_dim3A_1875 = vector.shape_cast %select_n3A_1874 : vector<16xi32> to vector<16x1xi32>
      %gather3A_1876 = vector.shape_cast %broadcast_in_dim3A_1875 : vector<16x1xi32> to vector<16xi32>
      %gather3A_1877 = tpu.dynamic_gather %add3A_1864[%gather3A_1876] in [0] : vector<16xf32>, vector<16xi32> -> vector<16xf32>
      %add3A_1878 = arith.addf %add3A_1864, %gather3A_1877 : vector<16xf32>
      %xor3A_1879 = arith.constant 1 : i32
      %xor3A_1880 = vector.broadcast %xor3A_1879 : i32 to vector<16xi32>
      %xor3A_1881 = arith.xori %iota3A, %xor3A_1880 : vector<16xi32>
      %lt3A_1882 = arith.constant 0 : i32
      %lt3A_1883 = vector.broadcast %lt3A_1882 : i32 to vector<16xi32>
      %lt3A_1884 = arith.cmpi slt, %xor3A_1881, %lt3A_1883 : vector<16xi32>
      %add3A_1885 = arith.constant 16 : i32
      %add3A_1886 = vector.broadcast %add3A_1885 : i32 to vector<16xi32>
      %add3A_1887 = arith.addi %xor3A_1881, %add3A_1886 : vector<16xi32>
      %select_n3A_1888 = arith.select %lt3A_1884, %add3A_1887, %xor3A_1881 : vector<16xi1>, vector<16xi32>
      %broadcast_in_dim3A_1889 = vector.shape_cast %select_n3A_1888 : vector<16xi32> to vector<16x1xi32>
      %gather3A_1890 = vector.shape_cast %broadcast_in_dim3A_1889 : vector<16x1xi32> to vector<16xi32>
      %gather3A_1891 = tpu.dynamic_gather %add3A_1878[%gather3A_1890] in [0] : vector<16xf32>, vector<16xi32> -> vector<16xf32>
      %add3A_1892 = arith.addf %add3A_1878, %gather3A_1891 : vector<16xf32>
      %eq3A_1893 = arith.constant 5 : i32
      %eq3A_1894 = vector.broadcast %eq3A_1893 : i32 to vector<16xi32>
      %eq3A_1895 = arith.cmpi eq, %iota3A, %eq3A_1894 : vector<16xi32>
      %select_n3A_1896 = arith.select %eq3A_1895, %add3A_1892, %select_n3A_1762 : vector<16xi1>, vector<16xf32>
      %get3A_1897 = arith.constant 6 : i32
      %get3A_1898 = arith.index_cast %get3A_1897 : i32 to index
      %get3A_1899 = arith.constant 0 : index
      %get3A_1900 = tpu.vector_load %arg11[%get3A_1898, %get3A_1899] {strides = array<i32>} : memref<16x90xf32, #tpu.memory_space<vmem>>, vector<1x16xf32>,
      %get3A_1901 = vector.shape_cast %get3A_1900 : vector<1x16xf32> to vector<16xf32>
      %get3A_1902 = arith.constant 6 : i32
      %get3A_1903 = arith.index_cast %get3A_1902 : i32 to index
      %get3A_1904 = arith.constant 0 : index
      %get3A_1905 = tpu.vector_load %arg12[%get3A_1903, %get3A_1904] {strides = array<i32>} : memref<16x90xf32, #tpu.memory_space<vmem>>, vector<1x16xf32>,
      %get3A_1906 = vector.shape_cast %get3A_1905 : vector<1x16xf32> to vector<16xf32>
      %mul3A_1907 = arith.mulf %get3A_1901, %get3A_1906 : vector<16xf32>
      %get3A_1908 = arith.constant 6 : i32
      %get3A_1909 = arith.index_cast %get3A_1908 : i32 to index
      %get3A_1910 = arith.constant 16 : index
      %get3A_1911 = tpu.vector_load %arg11[%get3A_1909, %get3A_1910] {strides = array<i32>} : memref<16x90xf32, #tpu.memory_space<vmem>>, vector<1x16xf32>,
      %get3A_1912 = vector.shape_cast %get3A_1911 : vector<1x16xf32> to vector<16xf32>
      %get3A_1913 = arith.constant 6 : i32
      %get3A_1914 = arith.index_cast %get3A_1913 : i32 to index
      %get3A_1915 = arith.constant 16 : index
      %get3A_1916 = tpu.vector_load %arg12[%get3A_1914, %get3A_1915] {strides = array<i32>} : memref<16x90xf32, #tpu.memory_space<vmem>>, vector<1x16xf32>,
      %get3A_1917 = vector.shape_cast %get3A_1916 : vector<1x16xf32> to vector<16xf32>
      %mul3A_1918 = arith.mulf %get3A_1912, %get3A_1917 : vector<16xf32>
      %add3A_1919 = arith.addf %mul3A_1907, %mul3A_1918 : vector<16xf32>
      %get3A_1920 = arith.constant 6 : i32
      %get3A_1921 = arith.index_cast %get3A_1920 : i32 to index
      %get3A_1922 = arith.constant 32 : index
      %get3A_1923 = tpu.vector_load %arg11[%get3A_1921, %get3A_1922] {strides = array<i32>} : memref<16x90xf32, #tpu.memory_space<vmem>>, vector<1x16xf32>,
      %get3A_1924 = vector.shape_cast %get3A_1923 : vector<1x16xf32> to vector<16xf32>
      %get3A_1925 = arith.constant 6 : i32
      %get3A_1926 = arith.index_cast %get3A_1925 : i32 to index
      %get3A_1927 = arith.constant 32 : index
      %get3A_1928 = tpu.vector_load %arg12[%get3A_1926, %get3A_1927] {strides = array<i32>} : memref<16x90xf32, #tpu.memory_space<vmem>>, vector<1x16xf32>,
      %get3A_1929 = vector.shape_cast %get3A_1928 : vector<1x16xf32> to vector<16xf32>
      %mul3A_1930 = arith.mulf %get3A_1924, %get3A_1929 : vector<16xf32>
      %add3A_1931 = arith.addf %add3A_1919, %mul3A_1930 : vector<16xf32>
      %get3A_1932 = arith.constant 6 : i32
      %get3A_1933 = arith.index_cast %get3A_1932 : i32 to index
      %get3A_1934 = arith.constant 48 : index
      %get3A_1935 = tpu.vector_load %arg11[%get3A_1933, %get3A_1934] {strides = array<i32>} : memref<16x90xf32, #tpu.memory_space<vmem>>, vector<1x16xf32>,
      %get3A_1936 = vector.shape_cast %get3A_1935 : vector<1x16xf32> to vector<16xf32>
      %get3A_1937 = arith.constant 6 : i32
      %get3A_1938 = arith.index_cast %get3A_1937 : i32 to index
      %get3A_1939 = arith.constant 48 : index
      %get3A_1940 = tpu.vector_load %arg12[%get3A_1938, %get3A_1939] {strides = array<i32>} : memref<16x90xf32, #tpu.memory_space<vmem>>, vector<1x16xf32>,
      %get3A_1941 = vector.shape_cast %get3A_1940 : vector<1x16xf32> to vector<16xf32>
      %mul3A_1942 = arith.mulf %get3A_1936, %get3A_1941 : vector<16xf32>
      %add3A_1943 = arith.addf %add3A_1931, %mul3A_1942 : vector<16xf32>
      %get3A_1944 = arith.constant 6 : i32
      %get3A_1945 = arith.index_cast %get3A_1944 : i32 to index
      %get3A_1946 = arith.constant 64 : index
      %get3A_1947 = tpu.vector_load %arg11[%get3A_1945, %get3A_1946] {strides = array<i32>} : memref<16x90xf32, #tpu.memory_space<vmem>>, vector<1x16xf32>,
      %get3A_1948 = vector.shape_cast %get3A_1947 : vector<1x16xf32> to vector<16xf32>
      %get3A_1949 = arith.constant 6 : i32
      %get3A_1950 = arith.index_cast %get3A_1949 : i32 to index
      %get3A_1951 = arith.constant 64 : index
      %get3A_1952 = tpu.vector_load %arg12[%get3A_1950, %get3A_1951] {strides = array<i32>} : memref<16x90xf32, #tpu.memory_space<vmem>>, vector<1x16xf32>,
      %get3A_1953 = vector.shape_cast %get3A_1952 : vector<1x16xf32> to vector<16xf32>
      %mul3A_1954 = arith.mulf %get3A_1948, %get3A_1953 : vector<16xf32>
      %add3A_1955 = arith.addf %add3A_1943, %mul3A_1954 : vector<16xf32>
      %get3A_1956 = arith.constant 6 : i32
      %get3A_1957 = arith.index_cast %get3A_1956 : i32 to index
      %get3A_1958 = arith.constant 74 : index
      %get3A_1959 = tpu.vector_load %arg11[%get3A_1957, %get3A_1958] {strides = array<i32>} : memref<16x90xf32, #tpu.memory_space<vmem>>, vector<1x16xf32>,
      %get3A_1960 = vector.shape_cast %get3A_1959 : vector<1x16xf32> to vector<16xf32>
      %get3A_1961 = arith.constant 6 : i32
      %get3A_1962 = arith.index_cast %get3A_1961 : i32 to index
      %get3A_1963 = arith.constant 74 : index
      %get3A_1964 = tpu.vector_load %arg12[%get3A_1962, %get3A_1963] {strides = array<i32>} : memref<16x90xf32, #tpu.memory_space<vmem>>, vector<1x16xf32>,
      %get3A_1965 = vector.shape_cast %get3A_1964 : vector<1x16xf32> to vector<16xf32>
      %mul3A_1966 = arith.mulf %get3A_1960, %get3A_1965 : vector<16xf32>
      %jit3A_1967 = arith.constant 0.000000e+00 : f32
      %broadcast_in_dim3A_1968 = vector.broadcast %jit3A_1967 : f32 to vector<16xf32>
      %select_n3A_1969 = arith.select %ge3A_82, %mul3A_1966, %broadcast_in_dim3A_1968 : vector<16xi1>, vector<16xf32>
      %add3A_1970 = arith.addf %add3A_1955, %select_n3A_1969 : vector<16xf32>
      %xor3A_1971 = arith.constant 8 : i32
      %xor3A_1972 = vector.broadcast %xor3A_1971 : i32 to vector<16xi32>
      %xor3A_1973 = arith.xori %iota3A, %xor3A_1972 : vector<16xi32>
      %lt3A_1974 = arith.constant 0 : i32
      %lt3A_1975 = vector.broadcast %lt3A_1974 : i32 to vector<16xi32>
      %lt3A_1976 = arith.cmpi slt, %xor3A_1973, %lt3A_1975 : vector<16xi32>
      %add3A_1977 = arith.constant 16 : i32
      %add3A_1978 = vector.broadcast %add3A_1977 : i32 to vector<16xi32>
      %add3A_1979 = arith.addi %xor3A_1973, %add3A_1978 : vector<16xi32>
      %select_n3A_1980 = arith.select %lt3A_1976, %add3A_1979, %xor3A_1973 : vector<16xi1>, vector<16xi32>
      %broadcast_in_dim3A_1981 = vector.shape_cast %select_n3A_1980 : vector<16xi32> to vector<16x1xi32>
      %gather3A_1982 = vector.shape_cast %broadcast_in_dim3A_1981 : vector<16x1xi32> to vector<16xi32>
      %gather3A_1983 = tpu.dynamic_gather %add3A_1970[%gather3A_1982] in [0] : vector<16xf32>, vector<16xi32> -> vector<16xf32>
      %add3A_1984 = arith.addf %add3A_1970, %gather3A_1983 : vector<16xf32>
      %xor3A_1985 = arith.constant 4 : i32
      %xor3A_1986 = vector.broadcast %xor3A_1985 : i32 to vector<16xi32>
      %xor3A_1987 = arith.xori %iota3A, %xor3A_1986 : vector<16xi32>
      %lt3A_1988 = arith.constant 0 : i32
      %lt3A_1989 = vector.broadcast %lt3A_1988 : i32 to vector<16xi32>
      %lt3A_1990 = arith.cmpi slt, %xor3A_1987, %lt3A_1989 : vector<16xi32>
      %add3A_1991 = arith.constant 16 : i32
      %add3A_1992 = vector.broadcast %add3A_1991 : i32 to vector<16xi32>
      %add3A_1993 = arith.addi %xor3A_1987, %add3A_1992 : vector<16xi32>
      %select_n3A_1994 = arith.select %lt3A_1990, %add3A_1993, %xor3A_1987 : vector<16xi1>, vector<16xi32>
      %broadcast_in_dim3A_1995 = vector.shape_cast %select_n3A_1994 : vector<16xi32> to vector<16x1xi32>
      %gather3A_1996 = vector.shape_cast %broadcast_in_dim3A_1995 : vector<16x1xi32> to vector<16xi32>
      %gather3A_1997 = tpu.dynamic_gather %add3A_1984[%gather3A_1996] in [0] : vector<16xf32>, vector<16xi32> -> vector<16xf32>
      %add3A_1998 = arith.addf %add3A_1984, %gather3A_1997 : vector<16xf32>
      %xor3A_1999 = arith.constant 2 : i32
      %xor3A_2000 = vector.broadcast %xor3A_1999 : i32 to vector<16xi32>
      %xor3A_2001 = arith.xori %iota3A, %xor3A_2000 : vector<16xi32>
      %lt3A_2002 = arith.constant 0 : i32
      %lt3A_2003 = vector.broadcast %lt3A_2002 : i32 to vector<16xi32>
      %lt3A_2004 = arith.cmpi slt, %xor3A_2001, %lt3A_2003 : vector<16xi32>
      %add3A_2005 = arith.constant 16 : i32
      %add3A_2006 = vector.broadcast %add3A_2005 : i32 to vector<16xi32>
      %add3A_2007 = arith.addi %xor3A_2001, %add3A_2006 : vector<16xi32>
      %select_n3A_2008 = arith.select %lt3A_2004, %add3A_2007, %xor3A_2001 : vector<16xi1>, vector<16xi32>
      %broadcast_in_dim3A_2009 = vector.shape_cast %select_n3A_2008 : vector<16xi32> to vector<16x1xi32>
      %gather3A_2010 = vector.shape_cast %broadcast_in_dim3A_2009 : vector<16x1xi32> to vector<16xi32>
      %gather3A_2011 = tpu.dynamic_gather %add3A_1998[%gather3A_2010] in [0] : vector<16xf32>, vector<16xi32> -> vector<16xf32>
      %add3A_2012 = arith.addf %add3A_1998, %gather3A_2011 : vector<16xf32>
      %xor3A_2013 = arith.constant 1 : i32
      %xor3A_2014 = vector.broadcast %xor3A_2013 : i32 to vector<16xi32>
      %xor3A_2015 = arith.xori %iota3A, %xor3A_2014 : vector<16xi32>
      %lt3A_2016 = arith.constant 0 : i32
      %lt3A_2017 = vector.broadcast %lt3A_2016 : i32 to vector<16xi32>
      %lt3A_2018 = arith.cmpi slt, %xor3A_2015, %lt3A_2017 : vector<16xi32>
      %add3A_2019 = arith.constant 16 : i32
      %add3A_2020 = vector.broadcast %add3A_2019 : i32 to vector<16xi32>
      %add3A_2021 = arith.addi %xor3A_2015, %add3A_2020 : vector<16xi32>
      %select_n3A_2022 = arith.select %lt3A_2018, %add3A_2021, %xor3A_2015 : vector<16xi1>, vector<16xi32>
      %broadcast_in_dim3A_2023 = vector.shape_cast %select_n3A_2022 : vector<16xi32> to vector<16x1xi32>
      %gather3A_2024 = vector.shape_cast %broadcast_in_dim3A_2023 : vector<16x1xi32> to vector<16xi32>
      %gather3A_2025 = tpu.dynamic_gather %add3A_2012[%gather3A_2024] in [0] : vector<16xf32>, vector<16xi32> -> vector<16xf32>
      %add3A_2026 = arith.addf %add3A_2012, %gather3A_2025 : vector<16xf32>
      %eq3A_2027 = arith.constant 6 : i32
      %eq3A_2028 = vector.broadcast %eq3A_2027 : i32 to vector<16xi32>
      %eq3A_2029 = arith.cmpi eq, %iota3A, %eq3A_2028 : vector<16xi32>
      %select_n3A_2030 = arith.select %eq3A_2029, %add3A_2026, %select_n3A_1896 : vector<16xi1>, vector<16xf32>
      %get3A_2031 = arith.constant 7 : i32
      %get3A_2032 = arith.index_cast %get3A_2031 : i32 to index
      %get3A_2033 = arith.constant 0 : index
      %get3A_2034 = tpu.vector_load %arg11[%get3A_2032, %get3A_2033] {strides = array<i32>} : memref<16x90xf32, #tpu.memory_space<vmem>>, vector<1x16xf32>,
      %get3A_2035 = vector.shape_cast %get3A_2034 : vector<1x16xf32> to vector<16xf32>
      %get3A_2036 = arith.constant 7 : i32
      %get3A_2037 = arith.index_cast %get3A_2036 : i32 to index
      %get3A_2038 = arith.constant 0 : index
      %get3A_2039 = tpu.vector_load %arg12[%get3A_2037, %get3A_2038] {strides = array<i32>} : memref<16x90xf32, #tpu.memory_space<vmem>>, vector<1x16xf32>,
      %get3A_2040 = vector.shape_cast %get3A_2039 : vector<1x16xf32> to vector<16xf32>
      %mul3A_2041 = arith.mulf %get3A_2035, %get3A_2040 : vector<16xf32>
      %get3A_2042 = arith.constant 7 : i32
      %get3A_2043 = arith.index_cast %get3A_2042 : i32 to index
      %get3A_2044 = arith.constant 16 : index
      %get3A_2045 = tpu.vector_load %arg11[%get3A_2043, %get3A_2044] {strides = array<i32>} : memref<16x90xf32, #tpu.memory_space<vmem>>, vector<1x16xf32>,
      %get3A_2046 = vector.shape_cast %get3A_2045 : vector<1x16xf32> to vector<16xf32>
      %get3A_2047 = arith.constant 7 : i32
      %get3A_2048 = arith.index_cast %get3A_2047 : i32 to index
      %get3A_2049 = arith.constant 16 : index
      %get3A_2050 = tpu.vector_load %arg12[%get3A_2048, %get3A_2049] {strides = array<i32>} : memref<16x90xf32, #tpu.memory_space<vmem>>, vector<1x16xf32>,
      %get3A_2051 = vector.shape_cast %get3A_2050 : vector<1x16xf32> to vector<16xf32>
      %mul3A_2052 = arith.mulf %get3A_2046, %get3A_2051 : vector<16xf32>
      %add3A_2053 = arith.addf %mul3A_2041, %mul3A_2052 : vector<16xf32>
      %get3A_2054 = arith.constant 7 : i32
      %get3A_2055 = arith.index_cast %get3A_2054 : i32 to index
      %get3A_2056 = arith.constant 32 : index
      %get3A_2057 = tpu.vector_load %arg11[%get3A_2055, %get3A_2056] {strides = array<i32>} : memref<16x90xf32, #tpu.memory_space<vmem>>, vector<1x16xf32>,
      %get3A_2058 = vector.shape_cast %get3A_2057 : vector<1x16xf32> to vector<16xf32>
      %get3A_2059 = arith.constant 7 : i32
      %get3A_2060 = arith.index_cast %get3A_2059 : i32 to index
      %get3A_2061 = arith.constant 32 : index
      %get3A_2062 = tpu.vector_load %arg12[%get3A_2060, %get3A_2061] {strides = array<i32>} : memref<16x90xf32, #tpu.memory_space<vmem>>, vector<1x16xf32>,
      %get3A_2063 = vector.shape_cast %get3A_2062 : vector<1x16xf32> to vector<16xf32>
      %mul3A_2064 = arith.mulf %get3A_2058, %get3A_2063 : vector<16xf32>
      %add3A_2065 = arith.addf %add3A_2053, %mul3A_2064 : vector<16xf32>
      %get3A_2066 = arith.constant 7 : i32
      %get3A_2067 = arith.index_cast %get3A_2066 : i32 to index
      %get3A_2068 = arith.constant 48 : index
      %get3A_2069 = tpu.vector_load %arg11[%get3A_2067, %get3A_2068] {strides = array<i32>} : memref<16x90xf32, #tpu.memory_space<vmem>>, vector<1x16xf32>,
      %get3A_2070 = vector.shape_cast %get3A_2069 : vector<1x16xf32> to vector<16xf32>
      %get3A_2071 = arith.constant 7 : i32
      %get3A_2072 = arith.index_cast %get3A_2071 : i32 to index
      %get3A_2073 = arith.constant 48 : index
      %get3A_2074 = tpu.vector_load %arg12[%get3A_2072, %get3A_2073] {strides = array<i32>} : memref<16x90xf32, #tpu.memory_space<vmem>>, vector<1x16xf32>,
      %get3A_2075 = vector.shape_cast %get3A_2074 : vector<1x16xf32> to vector<16xf32>
      %mul3A_2076 = arith.mulf %get3A_2070, %get3A_2075 : vector<16xf32>
      %add3A_2077 = arith.addf %add3A_2065, %mul3A_2076 : vector<16xf32>
      %get3A_2078 = arith.constant 7 : i32
      %get3A_2079 = arith.index_cast %get3A_2078 : i32 to index
      %get3A_2080 = arith.constant 64 : index
      %get3A_2081 = tpu.vector_load %arg11[%get3A_2079, %get3A_2080] {strides = array<i32>} : memref<16x90xf32, #tpu.memory_space<vmem>>, vector<1x16xf32>,
      %get3A_2082 = vector.shape_cast %get3A_2081 : vector<1x16xf32> to vector<16xf32>
      %get3A_2083 = arith.constant 7 : i32
      %get3A_2084 = arith.index_cast %get3A_2083 : i32 to index
      %get3A_2085 = arith.constant 64 : index
      %get3A_2086 = tpu.vector_load %arg12[%get3A_2084, %get3A_2085] {strides = array<i32>} : memref<16x90xf32, #tpu.memory_space<vmem>>, vector<1x16xf32>,
      %get3A_2087 = vector.shape_cast %get3A_2086 : vector<1x16xf32> to vector<16xf32>
      %mul3A_2088 = arith.mulf %get3A_2082, %get3A_2087 : vector<16xf32>
      %add3A_2089 = arith.addf %add3A_2077, %mul3A_2088 : vector<16xf32>
      %get3A_2090 = arith.constant 7 : i32
      %get3A_2091 = arith.index_cast %get3A_2090 : i32 to index
      %get3A_2092 = arith.constant 74 : index
      %get3A_2093 = tpu.vector_load %arg11[%get3A_2091, %get3A_2092] {strides = array<i32>} : memref<16x90xf32, #tpu.memory_space<vmem>>, vector<1x16xf32>,
      %get3A_2094 = vector.shape_cast %get3A_2093 : vector<1x16xf32> to vector<16xf32>
      %get3A_2095 = arith.constant 7 : i32
      %get3A_2096 = arith.index_cast %get3A_2095 : i32 to index
      %get3A_2097 = arith.constant 74 : index
      %get3A_2098 = tpu.vector_load %arg12[%get3A_2096, %get3A_2097] {strides = array<i32>} : memref<16x90xf32, #tpu.memory_space<vmem>>, vector<1x16xf32>,
      %get3A_2099 = vector.shape_cast %get3A_2098 : vector<1x16xf32> to vector<16xf32>
      %mul3A_2100 = arith.mulf %get3A_2094, %get3A_2099 : vector<16xf32>
      %jit3A_2101 = arith.constant 0.000000e+00 : f32
      %broadcast_in_dim3A_2102 = vector.broadcast %jit3A_2101 : f32 to vector<16xf32>
      %select_n3A_2103 = arith.select %ge3A_82, %mul3A_2100, %broadcast_in_dim3A_2102 : vector<16xi1>, vector<16xf32>
      %add3A_2104 = arith.addf %add3A_2089, %select_n3A_2103 : vector<16xf32>
      %xor3A_2105 = arith.constant 8 : i32
      %xor3A_2106 = vector.broadcast %xor3A_2105 : i32 to vector<16xi32>
      %xor3A_2107 = arith.xori %iota3A, %xor3A_2106 : vector<16xi32>
      %lt3A_2108 = arith.constant 0 : i32
      %lt3A_2109 = vector.broadcast %lt3A_2108 : i32 to vector<16xi32>
      %lt3A_2110 = arith.cmpi slt, %xor3A_2107, %lt3A_2109 : vector<16xi32>
      %add3A_2111 = arith.constant 16 : i32
      %add3A_2112 = vector.broadcast %add3A_2111 : i32 to vector<16xi32>
      %add3A_2113 = arith.addi %xor3A_2107, %add3A_2112 : vector<16xi32>
      %select_n3A_2114 = arith.select %lt3A_2110, %add3A_2113, %xor3A_2107 : vector<16xi1>, vector<16xi32>
      %broadcast_in_dim3A_2115 = vector.shape_cast %select_n3A_2114 : vector<16xi32> to vector<16x1xi32>
      %gather3A_2116 = vector.shape_cast %broadcast_in_dim3A_2115 : vector<16x1xi32> to vector<16xi32>
      %gather3A_2117 = tpu.dynamic_gather %add3A_2104[%gather3A_2116] in [0] : vector<16xf32>, vector<16xi32> -> vector<16xf32>
      %add3A_2118 = arith.addf %add3A_2104, %gather3A_2117 : vector<16xf32>
      %xor3A_2119 = arith.constant 4 : i32
      %xor3A_2120 = vector.broadcast %xor3A_2119 : i32 to vector<16xi32>
      %xor3A_2121 = arith.xori %iota3A, %xor3A_2120 : vector<16xi32>
      %lt3A_2122 = arith.constant 0 : i32
      %lt3A_2123 = vector.broadcast %lt3A_2122 : i32 to vector<16xi32>
      %lt3A_2124 = arith.cmpi slt, %xor3A_2121, %lt3A_2123 : vector<16xi32>
      %add3A_2125 = arith.constant 16 : i32
      %add3A_2126 = vector.broadcast %add3A_2125 : i32 to vector<16xi32>
      %add3A_2127 = arith.addi %xor3A_2121, %add3A_2126 : vector<16xi32>
      %select_n3A_2128 = arith.select %lt3A_2124, %add3A_2127, %xor3A_2121 : vector<16xi1>, vector<16xi32>
      %broadcast_in_dim3A_2129 = vector.shape_cast %select_n3A_2128 : vector<16xi32> to vector<16x1xi32>
      %gather3A_2130 = vector.shape_cast %broadcast_in_dim3A_2129 : vector<16x1xi32> to vector<16xi32>
      %gather3A_2131 = tpu.dynamic_gather %add3A_2118[%gather3A_2130] in [0] : vector<16xf32>, vector<16xi32> -> vector<16xf32>
      %add3A_2132 = arith.addf %add3A_2118, %gather3A_2131 : vector<16xf32>
      %xor3A_2133 = arith.constant 2 : i32
      %xor3A_2134 = vector.broadcast %xor3A_2133 : i32 to vector<16xi32>
      %xor3A_2135 = arith.xori %iota3A, %xor3A_2134 : vector<16xi32>
      %lt3A_2136 = arith.constant 0 : i32
      %lt3A_2137 = vector.broadcast %lt3A_2136 : i32 to vector<16xi32>
      %lt3A_2138 = arith.cmpi slt, %xor3A_2135, %lt3A_2137 : vector<16xi32>
      %add3A_2139 = arith.constant 16 : i32
      %add3A_2140 = vector.broadcast %add3A_2139 : i32 to vector<16xi32>
      %add3A_2141 = arith.addi %xor3A_2135, %add3A_2140 : vector<16xi32>
      %select_n3A_2142 = arith.select %lt3A_2138, %add3A_2141, %xor3A_2135 : vector<16xi1>, vector<16xi32>
      %broadcast_in_dim3A_2143 = vector.shape_cast %select_n3A_2142 : vector<16xi32> to vector<16x1xi32>
      %gather3A_2144 = vector.shape_cast %broadcast_in_dim3A_2143 : vector<16x1xi32> to vector<16xi32>
      %gather3A_2145 = tpu.dynamic_gather %add3A_2132[%gather3A_2144] in [0] : vector<16xf32>, vector<16xi32> -> vector<16xf32>
      %add3A_2146 = arith.addf %add3A_2132, %gather3A_2145 : vector<16xf32>
      %xor3A_2147 = arith.constant 1 : i32
      %xor3A_2148 = vector.broadcast %xor3A_2147 : i32 to vector<16xi32>
      %xor3A_2149 = arith.xori %iota3A, %xor3A_2148 : vector<16xi32>
      %lt3A_2150 = arith.constant 0 : i32
      %lt3A_2151 = vector.broadcast %lt3A_2150 : i32 to vector<16xi32>
      %lt3A_2152 = arith.cmpi slt, %xor3A_2149, %lt3A_2151 : vector<16xi32>
      %add3A_2153 = arith.constant 16 : i32
      %add3A_2154 = vector.broadcast %add3A_2153 : i32 to vector<16xi32>
      %add3A_2155 = arith.addi %xor3A_2149, %add3A_2154 : vector<16xi32>
      %select_n3A_2156 = arith.select %lt3A_2152, %add3A_2155, %xor3A_2149 : vector<16xi1>, vector<16xi32>
      %broadcast_in_dim3A_2157 = vector.shape_cast %select_n3A_2156 : vector<16xi32> to vector<16x1xi32>
      %gather3A_2158 = vector.shape_cast %broadcast_in_dim3A_2157 : vector<16x1xi32> to vector<16xi32>
      %gather3A_2159 = tpu.dynamic_gather %add3A_2146[%gather3A_2158] in [0] : vector<16xf32>, vector<16xi32> -> vector<16xf32>
      %add3A_2160 = arith.addf %add3A_2146, %gather3A_2159 : vector<16xf32>
      %eq3A_2161 = arith.constant 7 : i32
      %eq3A_2162 = vector.broadcast %eq3A_2161 : i32 to vector<16xi32>
      %eq3A_2163 = arith.cmpi eq, %iota3A, %eq3A_2162 : vector<16xi32>
      %select_n3A_2164 = arith.select %eq3A_2163, %add3A_2160, %select_n3A_2030 : vector<16xi1>, vector<16xf32>
      %get3A_2165 = arith.constant 8 : i32
      %get3A_2166 = arith.index_cast %get3A_2165 : i32 to index
      %get3A_2167 = arith.constant 0 : index
      %get3A_2168 = tpu.vector_load %arg11[%get3A_2166, %get3A_2167] {strides = array<i32>} : memref<16x90xf32, #tpu.memory_space<vmem>>, vector<1x16xf32>,
      %get3A_2169 = vector.shape_cast %get3A_2168 : vector<1x16xf32> to vector<16xf32>
      %get3A_2170 = arith.constant 8 : i32
      %get3A_2171 = arith.index_cast %get3A_2170 : i32 to index
      %get3A_2172 = arith.constant 0 : index
      %get3A_2173 = tpu.vector_load %arg12[%get3A_2171, %get3A_2172] {strides = array<i32>} : memref<16x90xf32, #tpu.memory_space<vmem>>, vector<1x16xf32>,
      %get3A_2174 = vector.shape_cast %get3A_2173 : vector<1x16xf32> to vector<16xf32>
      %mul3A_2175 = arith.mulf %get3A_2169, %get3A_2174 : vector<16xf32>
      %get3A_2176 = arith.constant 8 : i32
      %get3A_2177 = arith.index_cast %get3A_2176 : i32 to index
      %get3A_2178 = arith.constant 16 : index
      %get3A_2179 = tpu.vector_load %arg11[%get3A_2177, %get3A_2178] {strides = array<i32>} : memref<16x90xf32, #tpu.memory_space<vmem>>, vector<1x16xf32>,
      %get3A_2180 = vector.shape_cast %get3A_2179 : vector<1x16xf32> to vector<16xf32>
      %get3A_2181 = arith.constant 8 : i32
      %get3A_2182 = arith.index_cast %get3A_2181 : i32 to index
      %get3A_2183 = arith.constant 16 : index
      %get3A_2184 = tpu.vector_load %arg12[%get3A_2182, %get3A_2183] {strides = array<i32>} : memref<16x90xf32, #tpu.memory_space<vmem>>, vector<1x16xf32>,
      %get3A_2185 = vector.shape_cast %get3A_2184 : vector<1x16xf32> to vector<16xf32>
      %mul3A_2186 = arith.mulf %get3A_2180, %get3A_2185 : vector<16xf32>
      %add3A_2187 = arith.addf %mul3A_2175, %mul3A_2186 : vector<16xf32>
      %get3A_2188 = arith.constant 8 : i32
      %get3A_2189 = arith.index_cast %get3A_2188 : i32 to index
      %get3A_2190 = arith.constant 32 : index
      %get3A_2191 = tpu.vector_load %arg11[%get3A_2189, %get3A_2190] {strides = array<i32>} : memref<16x90xf32, #tpu.memory_space<vmem>>, vector<1x16xf32>,
      %get3A_2192 = vector.shape_cast %get3A_2191 : vector<1x16xf32> to vector<16xf32>
      %get3A_2193 = arith.constant 8 : i32
      %get3A_2194 = arith.index_cast %get3A_2193 : i32 to index
      %get3A_2195 = arith.constant 32 : index
      %get3A_2196 = tpu.vector_load %arg12[%get3A_2194, %get3A_2195] {strides = array<i32>} : memref<16x90xf32, #tpu.memory_space<vmem>>, vector<1x16xf32>,
      %get3A_2197 = vector.shape_cast %get3A_2196 : vector<1x16xf32> to vector<16xf32>
      %mul3A_2198 = arith.mulf %get3A_2192, %get3A_2197 : vector<16xf32>
      %add3A_2199 = arith.addf %add3A_2187, %mul3A_2198 : vector<16xf32>
      %get3A_2200 = arith.constant 8 : i32
      %get3A_2201 = arith.index_cast %get3A_2200 : i32 to index
      %get3A_2202 = arith.constant 48 : index
      %get3A_2203 = tpu.vector_load %arg11[%get3A_2201, %get3A_2202] {strides = array<i32>} : memref<16x90xf32, #tpu.memory_space<vmem>>, vector<1x16xf32>,
      %get3A_2204 = vector.shape_cast %get3A_2203 : vector<1x16xf32> to vector<16xf32>
      %get3A_2205 = arith.constant 8 : i32
      %get3A_2206 = arith.index_cast %get3A_2205 : i32 to index
      %get3A_2207 = arith.constant 48 : index
      %get3A_2208 = tpu.vector_load %arg12[%get3A_2206, %get3A_2207] {strides = array<i32>} : memref<16x90xf32, #tpu.memory_space<vmem>>, vector<1x16xf32>,
      %get3A_2209 = vector.shape_cast %get3A_2208 : vector<1x16xf32> to vector<16xf32>
      %mul3A_2210 = arith.mulf %get3A_2204, %get3A_2209 : vector<16xf32>
      %add3A_2211 = arith.addf %add3A_2199, %mul3A_2210 : vector<16xf32>
      %get3A_2212 = arith.constant 8 : i32
      %get3A_2213 = arith.index_cast %get3A_2212 : i32 to index
      %get3A_2214 = arith.constant 64 : index
      %get3A_2215 = tpu.vector_load %arg11[%get3A_2213, %get3A_2214] {strides = array<i32>} : memref<16x90xf32, #tpu.memory_space<vmem>>, vector<1x16xf32>,
      %get3A_2216 = vector.shape_cast %get3A_2215 : vector<1x16xf32> to vector<16xf32>
      %get3A_2217 = arith.constant 8 : i32
      %get3A_2218 = arith.index_cast %get3A_2217 : i32 to index
      %get3A_2219 = arith.constant 64 : index
      %get3A_2220 = tpu.vector_load %arg12[%get3A_2218, %get3A_2219] {strides = array<i32>} : memref<16x90xf32, #tpu.memory_space<vmem>>, vector<1x16xf32>,
      %get3A_2221 = vector.shape_cast %get3A_2220 : vector<1x16xf32> to vector<16xf32>
      %mul3A_2222 = arith.mulf %get3A_2216, %get3A_2221 : vector<16xf32>
      %add3A_2223 = arith.addf %add3A_2211, %mul3A_2222 : vector<16xf32>
      %get3A_2224 = arith.constant 8 : i32
      %get3A_2225 = arith.index_cast %get3A_2224 : i32 to index
      %get3A_2226 = arith.constant 74 : index
      %get3A_2227 = tpu.vector_load %arg11[%get3A_2225, %get3A_2226] {strides = array<i32>} : memref<16x90xf32, #tpu.memory_space<vmem>>, vector<1x16xf32>,
      %get3A_2228 = vector.shape_cast %get3A_2227 : vector<1x16xf32> to vector<16xf32>
      %get3A_2229 = arith.constant 8 : i32
      %get3A_2230 = arith.index_cast %get3A_2229 : i32 to index
      %get3A_2231 = arith.constant 74 : index
      %get3A_2232 = tpu.vector_load %arg12[%get3A_2230, %get3A_2231] {strides = array<i32>} : memref<16x90xf32, #tpu.memory_space<vmem>>, vector<1x16xf32>,
      %get3A_2233 = vector.shape_cast %get3A_2232 : vector<1x16xf32> to vector<16xf32>
      %mul3A_2234 = arith.mulf %get3A_2228, %get3A_2233 : vector<16xf32>
      %jit3A_2235 = arith.constant 0.000000e+00 : f32
      %broadcast_in_dim3A_2236 = vector.broadcast %jit3A_2235 : f32 to vector<16xf32>
      %select_n3A_2237 = arith.select %ge3A_82, %mul3A_2234, %broadcast_in_dim3A_2236 : vector<16xi1>, vector<16xf32>
      %add3A_2238 = arith.addf %add3A_2223, %select_n3A_2237 : vector<16xf32>
      %xor3A_2239 = arith.constant 8 : i32
      %xor3A_2240 = vector.broadcast %xor3A_2239 : i32 to vector<16xi32>
      %xor3A_2241 = arith.xori %iota3A, %xor3A_2240 : vector<16xi32>
      %lt3A_2242 = arith.constant 0 : i32
      %lt3A_2243 = vector.broadcast %lt3A_2242 : i32 to vector<16xi32>
      %lt3A_2244 = arith.cmpi slt, %xor3A_2241, %lt3A_2243 : vector<16xi32>
      %add3A_2245 = arith.constant 16 : i32
      %add3A_2246 = vector.broadcast %add3A_2245 : i32 to vector<16xi32>
      %add3A_2247 = arith.addi %xor3A_2241, %add3A_2246 : vector<16xi32>
      %select_n3A_2248 = arith.select %lt3A_2244, %add3A_2247, %xor3A_2241 : vector<16xi1>, vector<16xi32>
      %broadcast_in_dim3A_2249 = vector.shape_cast %select_n3A_2248 : vector<16xi32> to vector<16x1xi32>
      %gather3A_2250 = vector.shape_cast %broadcast_in_dim3A_2249 : vector<16x1xi32> to vector<16xi32>
      %gather3A_2251 = tpu.dynamic_gather %add3A_2238[%gather3A_2250] in [0] : vector<16xf32>, vector<16xi32> -> vector<16xf32>
      %add3A_2252 = arith.addf %add3A_2238, %gather3A_2251 : vector<16xf32>
      %xor3A_2253 = arith.constant 4 : i32
      %xor3A_2254 = vector.broadcast %xor3A_2253 : i32 to vector<16xi32>
      %xor3A_2255 = arith.xori %iota3A, %xor3A_2254 : vector<16xi32>
      %lt3A_2256 = arith.constant 0 : i32
      %lt3A_2257 = vector.broadcast %lt3A_2256 : i32 to vector<16xi32>
      %lt3A_2258 = arith.cmpi slt, %xor3A_2255, %lt3A_2257 : vector<16xi32>
      %add3A_2259 = arith.constant 16 : i32
      %add3A_2260 = vector.broadcast %add3A_2259 : i32 to vector<16xi32>
      %add3A_2261 = arith.addi %xor3A_2255, %add3A_2260 : vector<16xi32>
      %select_n3A_2262 = arith.select %lt3A_2258, %add3A_2261, %xor3A_2255 : vector<16xi1>, vector<16xi32>
      %broadcast_in_dim3A_2263 = vector.shape_cast %select_n3A_2262 : vector<16xi32> to vector<16x1xi32>
      %gather3A_2264 = vector.shape_cast %broadcast_in_dim3A_2263 : vector<16x1xi32> to vector<16xi32>
      %gather3A_2265 = tpu.dynamic_gather %add3A_2252[%gather3A_2264] in [0] : vector<16xf32>, vector<16xi32> -> vector<16xf32>
      %add3A_2266 = arith.addf %add3A_2252, %gather3A_2265 : vector<16xf32>
      %xor3A_2267 = arith.constant 2 : i32
      %xor3A_2268 = vector.broadcast %xor3A_2267 : i32 to vector<16xi32>
      %xor3A_2269 = arith.xori %iota3A, %xor3A_2268 : vector<16xi32>
      %lt3A_2270 = arith.constant 0 : i32
      %lt3A_2271 = vector.broadcast %lt3A_2270 : i32 to vector<16xi32>
      %lt3A_2272 = arith.cmpi slt, %xor3A_2269, %lt3A_2271 : vector<16xi32>
      %add3A_2273 = arith.constant 16 : i32
      %add3A_2274 = vector.broadcast %add3A_2273 : i32 to vector<16xi32>
      %add3A_2275 = arith.addi %xor3A_2269, %add3A_2274 : vector<16xi32>
      %select_n3A_2276 = arith.select %lt3A_2272, %add3A_2275, %xor3A_2269 : vector<16xi1>, vector<16xi32>
      %broadcast_in_dim3A_2277 = vector.shape_cast %select_n3A_2276 : vector<16xi32> to vector<16x1xi32>
      %gather3A_2278 = vector.shape_cast %broadcast_in_dim3A_2277 : vector<16x1xi32> to vector<16xi32>
      %gather3A_2279 = tpu.dynamic_gather %add3A_2266[%gather3A_2278] in [0] : vector<16xf32>, vector<16xi32> -> vector<16xf32>
      %add3A_2280 = arith.addf %add3A_2266, %gather3A_2279 : vector<16xf32>
      %xor3A_2281 = arith.constant 1 : i32
      %xor3A_2282 = vector.broadcast %xor3A_2281 : i32 to vector<16xi32>
      %xor3A_2283 = arith.xori %iota3A, %xor3A_2282 : vector<16xi32>
      %lt3A_2284 = arith.constant 0 : i32
      %lt3A_2285 = vector.broadcast %lt3A_2284 : i32 to vector<16xi32>
      %lt3A_2286 = arith.cmpi slt, %xor3A_2283, %lt3A_2285 : vector<16xi32>
      %add3A_2287 = arith.constant 16 : i32
      %add3A_2288 = vector.broadcast %add3A_2287 : i32 to vector<16xi32>
      %add3A_2289 = arith.addi %xor3A_2283, %add3A_2288 : vector<16xi32>
      %select_n3A_2290 = arith.select %lt3A_2286, %add3A_2289, %xor3A_2283 : vector<16xi1>, vector<16xi32>
      %broadcast_in_dim3A_2291 = vector.shape_cast %select_n3A_2290 : vector<16xi32> to vector<16x1xi32>
      %gather3A_2292 = vector.shape_cast %broadcast_in_dim3A_2291 : vector<16x1xi32> to vector<16xi32>
      %gather3A_2293 = tpu.dynamic_gather %add3A_2280[%gather3A_2292] in [0] : vector<16xf32>, vector<16xi32> -> vector<16xf32>
      %add3A_2294 = arith.addf %add3A_2280, %gather3A_2293 : vector<16xf32>
      %eq3A_2295 = arith.constant 8 : i32
      %eq3A_2296 = vector.broadcast %eq3A_2295 : i32 to vector<16xi32>
      %eq3A_2297 = arith.cmpi eq, %iota3A, %eq3A_2296 : vector<16xi32>
      %select_n3A_2298 = arith.select %eq3A_2297, %add3A_2294, %select_n3A_2164 : vector<16xi1>, vector<16xf32>
      %get3A_2299 = arith.constant 9 : i32
      %get3A_2300 = arith.index_cast %get3A_2299 : i32 to index
      %get3A_2301 = arith.constant 0 : index
      %get3A_2302 = tpu.vector_load %arg11[%get3A_2300, %get3A_2301] {strides = array<i32>} : memref<16x90xf32, #tpu.memory_space<vmem>>, vector<1x16xf32>,
      %get3A_2303 = vector.shape_cast %get3A_2302 : vector<1x16xf32> to vector<16xf32>
      %get3A_2304 = arith.constant 9 : i32
      %get3A_2305 = arith.index_cast %get3A_2304 : i32 to index
      %get3A_2306 = arith.constant 0 : index
      %get3A_2307 = tpu.vector_load %arg12[%get3A_2305, %get3A_2306] {strides = array<i32>} : memref<16x90xf32, #tpu.memory_space<vmem>>, vector<1x16xf32>,
      %get3A_2308 = vector.shape_cast %get3A_2307 : vector<1x16xf32> to vector<16xf32>
      %mul3A_2309 = arith.mulf %get3A_2303, %get3A_2308 : vector<16xf32>
      %get3A_2310 = arith.constant 9 : i32
      %get3A_2311 = arith.index_cast %get3A_2310 : i32 to index
      %get3A_2312 = arith.constant 16 : index
      %get3A_2313 = tpu.vector_load %arg11[%get3A_2311, %get3A_2312] {strides = array<i32>} : memref<16x90xf32, #tpu.memory_space<vmem>>, vector<1x16xf32>,
      %get3A_2314 = vector.shape_cast %get3A_2313 : vector<1x16xf32> to vector<16xf32>
      %get3A_2315 = arith.constant 9 : i32
      %get3A_2316 = arith.index_cast %get3A_2315 : i32 to index
      %get3A_2317 = arith.constant 16 : index
      %get3A_2318 = tpu.vector_load %arg12[%get3A_2316, %get3A_2317] {strides = array<i32>} : memref<16x90xf32, #tpu.memory_space<vmem>>, vector<1x16xf32>,
      %get3A_2319 = vector.shape_cast %get3A_2318 : vector<1x16xf32> to vector<16xf32>
      %mul3A_2320 = arith.mulf %get3A_2314, %get3A_2319 : vector<16xf32>
      %add3A_2321 = arith.addf %mul3A_2309, %mul3A_2320 : vector<16xf32>
      %get3A_2322 = arith.constant 9 : i32
      %get3A_2323 = arith.index_cast %get3A_2322 : i32 to index
      %get3A_2324 = arith.constant 32 : index
      %get3A_2325 = tpu.vector_load %arg11[%get3A_2323, %get3A_2324] {strides = array<i32>} : memref<16x90xf32, #tpu.memory_space<vmem>>, vector<1x16xf32>,
      %get3A_2326 = vector.shape_cast %get3A_2325 : vector<1x16xf32> to vector<16xf32>
      %get3A_2327 = arith.constant 9 : i32
      %get3A_2328 = arith.index_cast %get3A_2327 : i32 to index
      %get3A_2329 = arith.constant 32 : index
      %get3A_2330 = tpu.vector_load %arg12[%get3A_2328, %get3A_2329] {strides = array<i32>} : memref<16x90xf32, #tpu.memory_space<vmem>>, vector<1x16xf32>,
      %get3A_2331 = vector.shape_cast %get3A_2330 : vector<1x16xf32> to vector<16xf32>
      %mul3A_2332 = arith.mulf %get3A_2326, %get3A_2331 : vector<16xf32>
      %add3A_2333 = arith.addf %add3A_2321, %mul3A_2332 : vector<16xf32>
      %get3A_2334 = arith.constant 9 : i32
      %get3A_2335 = arith.index_cast %get3A_2334 : i32 to index
      %get3A_2336 = arith.constant 48 : index
      %get3A_2337 = tpu.vector_load %arg11[%get3A_2335, %get3A_2336] {strides = array<i32>} : memref<16x90xf32, #tpu.memory_space<vmem>>, vector<1x16xf32>,
      %get3A_2338 = vector.shape_cast %get3A_2337 : vector<1x16xf32> to vector<16xf32>
      %get3A_2339 = arith.constant 9 : i32
      %get3A_2340 = arith.index_cast %get3A_2339 : i32 to index
      %get3A_2341 = arith.constant 48 : index
      %get3A_2342 = tpu.vector_load %arg12[%get3A_2340, %get3A_2341] {strides = array<i32>} : memref<16x90xf32, #tpu.memory_space<vmem>>, vector<1x16xf32>,
      %get3A_2343 = vector.shape_cast %get3A_2342 : vector<1x16xf32> to vector<16xf32>
      %mul3A_2344 = arith.mulf %get3A_2338, %get3A_2343 : vector<16xf32>
      %add3A_2345 = arith.addf %add3A_2333, %mul3A_2344 : vector<16xf32>
      %get3A_2346 = arith.constant 9 : i32
      %get3A_2347 = arith.index_cast %get3A_2346 : i32 to index
      %get3A_2348 = arith.constant 64 : index
      %get3A_2349 = tpu.vector_load %arg11[%get3A_2347, %get3A_2348] {strides = array<i32>} : memref<16x90xf32, #tpu.memory_space<vmem>>, vector<1x16xf32>,
      %get3A_2350 = vector.shape_cast %get3A_2349 : vector<1x16xf32> to vector<16xf32>
      %get3A_2351 = arith.constant 9 : i32
      %get3A_2352 = arith.index_cast %get3A_2351 : i32 to index
      %get3A_2353 = arith.constant 64 : index
      %get3A_2354 = tpu.vector_load %arg12[%get3A_2352, %get3A_2353] {strides = array<i32>} : memref<16x90xf32, #tpu.memory_space<vmem>>, vector<1x16xf32>,
      %get3A_2355 = vector.shape_cast %get3A_2354 : vector<1x16xf32> to vector<16xf32>
      %mul3A_2356 = arith.mulf %get3A_2350, %get3A_2355 : vector<16xf32>
      %add3A_2357 = arith.addf %add3A_2345, %mul3A_2356 : vector<16xf32>
      %get3A_2358 = arith.constant 9 : i32
      %get3A_2359 = arith.index_cast %get3A_2358 : i32 to index
      %get3A_2360 = arith.constant 74 : index
      %get3A_2361 = tpu.vector_load %arg11[%get3A_2359, %get3A_2360] {strides = array<i32>} : memref<16x90xf32, #tpu.memory_space<vmem>>, vector<1x16xf32>,
      %get3A_2362 = vector.shape_cast %get3A_2361 : vector<1x16xf32> to vector<16xf32>
      %get3A_2363 = arith.constant 9 : i32
      %get3A_2364 = arith.index_cast %get3A_2363 : i32 to index
      %get3A_2365 = arith.constant 74 : index
      %get3A_2366 = tpu.vector_load %arg12[%get3A_2364, %get3A_2365] {strides = array<i32>} : memref<16x90xf32, #tpu.memory_space<vmem>>, vector<1x16xf32>,
      %get3A_2367 = vector.shape_cast %get3A_2366 : vector<1x16xf32> to vector<16xf32>
      %mul3A_2368 = arith.mulf %get3A_2362, %get3A_2367 : vector<16xf32>
      %jit3A_2369 = arith.constant 0.000000e+00 : f32
      %broadcast_in_dim3A_2370 = vector.broadcast %jit3A_2369 : f32 to vector<16xf32>
      %select_n3A_2371 = arith.select %ge3A_82, %mul3A_2368, %broadcast_in_dim3A_2370 : vector<16xi1>, vector<16xf32>
      %add3A_2372 = arith.addf %add3A_2357, %select_n3A_2371 : vector<16xf32>
      %xor3A_2373 = arith.constant 8 : i32
      %xor3A_2374 = vector.broadcast %xor3A_2373 : i32 to vector<16xi32>
      %xor3A_2375 = arith.xori %iota3A, %xor3A_2374 : vector<16xi32>
      %lt3A_2376 = arith.constant 0 : i32
      %lt3A_2377 = vector.broadcast %lt3A_2376 : i32 to vector<16xi32>
      %lt3A_2378 = arith.cmpi slt, %xor3A_2375, %lt3A_2377 : vector<16xi32>
      %add3A_2379 = arith.constant 16 : i32
      %add3A_2380 = vector.broadcast %add3A_2379 : i32 to vector<16xi32>
      %add3A_2381 = arith.addi %xor3A_2375, %add3A_2380 : vector<16xi32>
      %select_n3A_2382 = arith.select %lt3A_2378, %add3A_2381, %xor3A_2375 : vector<16xi1>, vector<16xi32>
      %broadcast_in_dim3A_2383 = vector.shape_cast %select_n3A_2382 : vector<16xi32> to vector<16x1xi32>
      %gather3A_2384 = vector.shape_cast %broadcast_in_dim3A_2383 : vector<16x1xi32> to vector<16xi32>
      %gather3A_2385 = tpu.dynamic_gather %add3A_2372[%gather3A_2384] in [0] : vector<16xf32>, vector<16xi32> -> vector<16xf32>
      %add3A_2386 = arith.addf %add3A_2372, %gather3A_2385 : vector<16xf32>
      %xor3A_2387 = arith.constant 4 : i32
      %xor3A_2388 = vector.broadcast %xor3A_2387 : i32 to vector<16xi32>
      %xor3A_2389 = arith.xori %iota3A, %xor3A_2388 : vector<16xi32>
      %lt3A_2390 = arith.constant 0 : i32
      %lt3A_2391 = vector.broadcast %lt3A_2390 : i32 to vector<16xi32>
      %lt3A_2392 = arith.cmpi slt, %xor3A_2389, %lt3A_2391 : vector<16xi32>
      %add3A_2393 = arith.constant 16 : i32
      %add3A_2394 = vector.broadcast %add3A_2393 : i32 to vector<16xi32>
      %add3A_2395 = arith.addi %xor3A_2389, %add3A_2394 : vector<16xi32>
      %select_n3A_2396 = arith.select %lt3A_2392, %add3A_2395, %xor3A_2389 : vector<16xi1>, vector<16xi32>
      %broadcast_in_dim3A_2397 = vector.shape_cast %select_n3A_2396 : vector<16xi32> to vector<16x1xi32>
      %gather3A_2398 = vector.shape_cast %broadcast_in_dim3A_2397 : vector<16x1xi32> to vector<16xi32>
      %gather3A_2399 = tpu.dynamic_gather %add3A_2386[%gather3A_2398] in [0] : vector<16xf32>, vector<16xi32> -> vector<16xf32>
      %add3A_2400 = arith.addf %add3A_2386, %gather3A_2399 : vector<16xf32>
      %xor3A_2401 = arith.constant 2 : i32
      %xor3A_2402 = vector.broadcast %xor3A_2401 : i32 to vector<16xi32>
      %xor3A_2403 = arith.xori %iota3A, %xor3A_2402 : vector<16xi32>
      %lt3A_2404 = arith.constant 0 : i32
      %lt3A_2405 = vector.broadcast %lt3A_2404 : i32 to vector<16xi32>
      %lt3A_2406 = arith.cmpi slt, %xor3A_2403, %lt3A_2405 : vector<16xi32>
      %add3A_2407 = arith.constant 16 : i32
      %add3A_2408 = vector.broadcast %add3A_2407 : i32 to vector<16xi32>
      %add3A_2409 = arith.addi %xor3A_2403, %add3A_2408 : vector<16xi32>
      %select_n3A_2410 = arith.select %lt3A_2406, %add3A_2409, %xor3A_2403 : vector<16xi1>, vector<16xi32>
      %broadcast_in_dim3A_2411 = vector.shape_cast %select_n3A_2410 : vector<16xi32> to vector<16x1xi32>
      %gather3A_2412 = vector.shape_cast %broadcast_in_dim3A_2411 : vector<16x1xi32> to vector<16xi32>
      %gather3A_2413 = tpu.dynamic_gather %add3A_2400[%gather3A_2412] in [0] : vector<16xf32>, vector<16xi32> -> vector<16xf32>
      %add3A_2414 = arith.addf %add3A_2400, %gather3A_2413 : vector<16xf32>
      %xor3A_2415 = arith.constant 1 : i32
      %xor3A_2416 = vector.broadcast %xor3A_2415 : i32 to vector<16xi32>
      %xor3A_2417 = arith.xori %iota3A, %xor3A_2416 : vector<16xi32>
      %lt3A_2418 = arith.constant 0 : i32
      %lt3A_2419 = vector.broadcast %lt3A_2418 : i32 to vector<16xi32>
      %lt3A_2420 = arith.cmpi slt, %xor3A_2417, %lt3A_2419 : vector<16xi32>
      %add3A_2421 = arith.constant 16 : i32
      %add3A_2422 = vector.broadcast %add3A_2421 : i32 to vector<16xi32>
      %add3A_2423 = arith.addi %xor3A_2417, %add3A_2422 : vector<16xi32>
      %select_n3A_2424 = arith.select %lt3A_2420, %add3A_2423, %xor3A_2417 : vector<16xi1>, vector<16xi32>
      %broadcast_in_dim3A_2425 = vector.shape_cast %select_n3A_2424 : vector<16xi32> to vector<16x1xi32>
      %gather3A_2426 = vector.shape_cast %broadcast_in_dim3A_2425 : vector<16x1xi32> to vector<16xi32>
      %gather3A_2427 = tpu.dynamic_gather %add3A_2414[%gather3A_2426] in [0] : vector<16xf32>, vector<16xi32> -> vector<16xf32>
      %add3A_2428 = arith.addf %add3A_2414, %gather3A_2427 : vector<16xf32>
      %eq3A_2429 = arith.constant 9 : i32
      %eq3A_2430 = vector.broadcast %eq3A_2429 : i32 to vector<16xi32>
      %eq3A_2431 = arith.cmpi eq, %iota3A, %eq3A_2430 : vector<16xi32>
      %select_n3A_2432 = arith.select %eq3A_2431, %add3A_2428, %select_n3A_2298 : vector<16xi1>, vector<16xf32>
      %get3A_2433 = arith.constant 10 : i32
      %get3A_2434 = arith.index_cast %get3A_2433 : i32 to index
      %get3A_2435 = arith.constant 0 : index
      %get3A_2436 = tpu.vector_load %arg11[%get3A_2434, %get3A_2435] {strides = array<i32>} : memref<16x90xf32, #tpu.memory_space<vmem>>, vector<1x16xf32>,
      %get3A_2437 = vector.shape_cast %get3A_2436 : vector<1x16xf32> to vector<16xf32>
      %get3A_2438 = arith.constant 10 : i32
      %get3A_2439 = arith.index_cast %get3A_2438 : i32 to index
      %get3A_2440 = arith.constant 0 : index
      %get3A_2441 = tpu.vector_load %arg12[%get3A_2439, %get3A_2440] {strides = array<i32>} : memref<16x90xf32, #tpu.memory_space<vmem>>, vector<1x16xf32>,
      %get3A_2442 = vector.shape_cast %get3A_2441 : vector<1x16xf32> to vector<16xf32>
      %mul3A_2443 = arith.mulf %get3A_2437, %get3A_2442 : vector<16xf32>
      %get3A_2444 = arith.constant 10 : i32
      %get3A_2445 = arith.index_cast %get3A_2444 : i32 to index
      %get3A_2446 = arith.constant 16 : index
      %get3A_2447 = tpu.vector_load %arg11[%get3A_2445, %get3A_2446] {strides = array<i32>} : memref<16x90xf32, #tpu.memory_space<vmem>>, vector<1x16xf32>,
      %get3A_2448 = vector.shape_cast %get3A_2447 : vector<1x16xf32> to vector<16xf32>
      %get3A_2449 = arith.constant 10 : i32
      %get3A_2450 = arith.index_cast %get3A_2449 : i32 to index
      %get3A_2451 = arith.constant 16 : index
      %get3A_2452 = tpu.vector_load %arg12[%get3A_2450, %get3A_2451] {strides = array<i32>} : memref<16x90xf32, #tpu.memory_space<vmem>>, vector<1x16xf32>,
      %get3A_2453 = vector.shape_cast %get3A_2452 : vector<1x16xf32> to vector<16xf32>
      %mul3A_2454 = arith.mulf %get3A_2448, %get3A_2453 : vector<16xf32>
      %add3A_2455 = arith.addf %mul3A_2443, %mul3A_2454 : vector<16xf32>
      %get3A_2456 = arith.constant 10 : i32
      %get3A_2457 = arith.index_cast %get3A_2456 : i32 to index
      %get3A_2458 = arith.constant 32 : index
      %get3A_2459 = tpu.vector_load %arg11[%get3A_2457, %get3A_2458] {strides = array<i32>} : memref<16x90xf32, #tpu.memory_space<vmem>>, vector<1x16xf32>,
      %get3A_2460 = vector.shape_cast %get3A_2459 : vector<1x16xf32> to vector<16xf32>
      %get3A_2461 = arith.constant 10 : i32
      %get3A_2462 = arith.index_cast %get3A_2461 : i32 to index
      %get3A_2463 = arith.constant 32 : index
      %get3A_2464 = tpu.vector_load %arg12[%get3A_2462, %get3A_2463] {strides = array<i32>} : memref<16x90xf32, #tpu.memory_space<vmem>>, vector<1x16xf32>,
      %get3A_2465 = vector.shape_cast %get3A_2464 : vector<1x16xf32> to vector<16xf32>
      %mul3A_2466 = arith.mulf %get3A_2460, %get3A_2465 : vector<16xf32>
      %add3A_2467 = arith.addf %add3A_2455, %mul3A_2466 : vector<16xf32>
      %get3A_2468 = arith.constant 10 : i32
      %get3A_2469 = arith.index_cast %get3A_2468 : i32 to index
      %get3A_2470 = arith.constant 48 : index
      %get3A_2471 = tpu.vector_load %arg11[%get3A_2469, %get3A_2470] {strides = array<i32>} : memref<16x90xf32, #tpu.memory_space<vmem>>, vector<1x16xf32>,
      %get3A_2472 = vector.shape_cast %get3A_2471 : vector<1x16xf32> to vector<16xf32>
      %get3A_2473 = arith.constant 10 : i32
      %get3A_2474 = arith.index_cast %get3A_2473 : i32 to index
      %get3A_2475 = arith.constant 48 : index
      %get3A_2476 = tpu.vector_load %arg12[%get3A_2474, %get3A_2475] {strides = array<i32>} : memref<16x90xf32, #tpu.memory_space<vmem>>, vector<1x16xf32>,
      %get3A_2477 = vector.shape_cast %get3A_2476 : vector<1x16xf32> to vector<16xf32>
      %mul3A_2478 = arith.mulf %get3A_2472, %get3A_2477 : vector<16xf32>
      %add3A_2479 = arith.addf %add3A_2467, %mul3A_2478 : vector<16xf32>
      %get3A_2480 = arith.constant 10 : i32
      %get3A_2481 = arith.index_cast %get3A_2480 : i32 to index
      %get3A_2482 = arith.constant 64 : index
      %get3A_2483 = tpu.vector_load %arg11[%get3A_2481, %get3A_2482] {strides = array<i32>} : memref<16x90xf32, #tpu.memory_space<vmem>>, vector<1x16xf32>,
      %get3A_2484 = vector.shape_cast %get3A_2483 : vector<1x16xf32> to vector<16xf32>
      %get3A_2485 = arith.constant 10 : i32
      %get3A_2486 = arith.index_cast %get3A_2485 : i32 to index
      %get3A_2487 = arith.constant 64 : index
      %get3A_2488 = tpu.vector_load %arg12[%get3A_2486, %get3A_2487] {strides = array<i32>} : memref<16x90xf32, #tpu.memory_space<vmem>>, vector<1x16xf32>,
      %get3A_2489 = vector.shape_cast %get3A_2488 : vector<1x16xf32> to vector<16xf32>
      %mul3A_2490 = arith.mulf %get3A_2484, %get3A_2489 : vector<16xf32>
      %add3A_2491 = arith.addf %add3A_2479, %mul3A_2490 : vector<16xf32>
      %get3A_2492 = arith.constant 10 : i32
      %get3A_2493 = arith.index_cast %get3A_2492 : i32 to index
      %get3A_2494 = arith.constant 74 : index
      %get3A_2495 = tpu.vector_load %arg11[%get3A_2493, %get3A_2494] {strides = array<i32>} : memref<16x90xf32, #tpu.memory_space<vmem>>, vector<1x16xf32>,
      %get3A_2496 = vector.shape_cast %get3A_2495 : vector<1x16xf32> to vector<16xf32>
      %get3A_2497 = arith.constant 10 : i32
      %get3A_2498 = arith.index_cast %get3A_2497 : i32 to index
      %get3A_2499 = arith.constant 74 : index
      %get3A_2500 = tpu.vector_load %arg12[%get3A_2498, %get3A_2499] {strides = array<i32>} : memref<16x90xf32, #tpu.memory_space<vmem>>, vector<1x16xf32>,
      %get3A_2501 = vector.shape_cast %get3A_2500 : vector<1x16xf32> to vector<16xf32>
      %mul3A_2502 = arith.mulf %get3A_2496, %get3A_2501 : vector<16xf32>
      %jit3A_2503 = arith.constant 0.000000e+00 : f32
      %broadcast_in_dim3A_2504 = vector.broadcast %jit3A_2503 : f32 to vector<16xf32>
      %select_n3A_2505 = arith.select %ge3A_82, %mul3A_2502, %broadcast_in_dim3A_2504 : vector<16xi1>, vector<16xf32>
      %add3A_2506 = arith.addf %add3A_2491, %select_n3A_2505 : vector<16xf32>
      %xor3A_2507 = arith.constant 8 : i32
      %xor3A_2508 = vector.broadcast %xor3A_2507 : i32 to vector<16xi32>
      %xor3A_2509 = arith.xori %iota3A, %xor3A_2508 : vector<16xi32>
      %lt3A_2510 = arith.constant 0 : i32
      %lt3A_2511 = vector.broadcast %lt3A_2510 : i32 to vector<16xi32>
      %lt3A_2512 = arith.cmpi slt, %xor3A_2509, %lt3A_2511 : vector<16xi32>
      %add3A_2513 = arith.constant 16 : i32
      %add3A_2514 = vector.broadcast %add3A_2513 : i32 to vector<16xi32>
      %add3A_2515 = arith.addi %xor3A_2509, %add3A_2514 : vector<16xi32>
      %select_n3A_2516 = arith.select %lt3A_2512, %add3A_2515, %xor3A_2509 : vector<16xi1>, vector<16xi32>
      %broadcast_in_dim3A_2517 = vector.shape_cast %select_n3A_2516 : vector<16xi32> to vector<16x1xi32>
      %gather3A_2518 = vector.shape_cast %broadcast_in_dim3A_2517 : vector<16x1xi32> to vector<16xi32>
      %gather3A_2519 = tpu.dynamic_gather %add3A_2506[%gather3A_2518] in [0] : vector<16xf32>, vector<16xi32> -> vector<16xf32>
      %add3A_2520 = arith.addf %add3A_2506, %gather3A_2519 : vector<16xf32>
      %xor3A_2521 = arith.constant 4 : i32
      %xor3A_2522 = vector.broadcast %xor3A_2521 : i32 to vector<16xi32>
      %xor3A_2523 = arith.xori %iota3A, %xor3A_2522 : vector<16xi32>
      %lt3A_2524 = arith.constant 0 : i32
      %lt3A_2525 = vector.broadcast %lt3A_2524 : i32 to vector<16xi32>
      %lt3A_2526 = arith.cmpi slt, %xor3A_2523, %lt3A_2525 : vector<16xi32>
      %add3A_2527 = arith.constant 16 : i32
      %add3A_2528 = vector.broadcast %add3A_2527 : i32 to vector<16xi32>
      %add3A_2529 = arith.addi %xor3A_2523, %add3A_2528 : vector<16xi32>
      %select_n3A_2530 = arith.select %lt3A_2526, %add3A_2529, %xor3A_2523 : vector<16xi1>, vector<16xi32>
      %broadcast_in_dim3A_2531 = vector.shape_cast %select_n3A_2530 : vector<16xi32> to vector<16x1xi32>
      %gather3A_2532 = vector.shape_cast %broadcast_in_dim3A_2531 : vector<16x1xi32> to vector<16xi32>
      %gather3A_2533 = tpu.dynamic_gather %add3A_2520[%gather3A_2532] in [0] : vector<16xf32>, vector<16xi32> -> vector<16xf32>
      %add3A_2534 = arith.addf %add3A_2520, %gather3A_2533 : vector<16xf32>
      %xor3A_2535 = arith.constant 2 : i32
      %xor3A_2536 = vector.broadcast %xor3A_2535 : i32 to vector<16xi32>
      %xor3A_2537 = arith.xori %iota3A, %xor3A_2536 : vector<16xi32>
      %lt3A_2538 = arith.constant 0 : i32
      %lt3A_2539 = vector.broadcast %lt3A_2538 : i32 to vector<16xi32>
      %lt3A_2540 = arith.cmpi slt, %xor3A_2537, %lt3A_2539 : vector<16xi32>
      %add3A_2541 = arith.constant 16 : i32
      %add3A_2542 = vector.broadcast %add3A_2541 : i32 to vector<16xi32>
      %add3A_2543 = arith.addi %xor3A_2537, %add3A_2542 : vector<16xi32>
      %select_n3A_2544 = arith.select %lt3A_2540, %add3A_2543, %xor3A_2537 : vector<16xi1>, vector<16xi32>
      %broadcast_in_dim3A_2545 = vector.shape_cast %select_n3A_2544 : vector<16xi32> to vector<16x1xi32>
      %gather3A_2546 = vector.shape_cast %broadcast_in_dim3A_2545 : vector<16x1xi32> to vector<16xi32>
      %gather3A_2547 = tpu.dynamic_gather %add3A_2534[%gather3A_2546] in [0] : vector<16xf32>, vector<16xi32> -> vector<16xf32>
      %add3A_2548 = arith.addf %add3A_2534, %gather3A_2547 : vector<16xf32>
      %xor3A_2549 = arith.constant 1 : i32
      %xor3A_2550 = vector.broadcast %xor3A_2549 : i32 to vector<16xi32>
      %xor3A_2551 = arith.xori %iota3A, %xor3A_2550 : vector<16xi32>
      %lt3A_2552 = arith.constant 0 : i32
      %lt3A_2553 = vector.broadcast %lt3A_2552 : i32 to vector<16xi32>
      %lt3A_2554 = arith.cmpi slt, %xor3A_2551, %lt3A_2553 : vector<16xi32>
      %add3A_2555 = arith.constant 16 : i32
      %add3A_2556 = vector.broadcast %add3A_2555 : i32 to vector<16xi32>
      %add3A_2557 = arith.addi %xor3A_2551, %add3A_2556 : vector<16xi32>
      %select_n3A_2558 = arith.select %lt3A_2554, %add3A_2557, %xor3A_2551 : vector<16xi1>, vector<16xi32>
      %broadcast_in_dim3A_2559 = vector.shape_cast %select_n3A_2558 : vector<16xi32> to vector<16x1xi32>
      %gather3A_2560 = vector.shape_cast %broadcast_in_dim3A_2559 : vector<16x1xi32> to vector<16xi32>
      %gather3A_2561 = tpu.dynamic_gather %add3A_2548[%gather3A_2560] in [0] : vector<16xf32>, vector<16xi32> -> vector<16xf32>
      %add3A_2562 = arith.addf %add3A_2548, %gather3A_2561 : vector<16xf32>
      %eq3A_2563 = arith.constant 10 : i32
      %eq3A_2564 = vector.broadcast %eq3A_2563 : i32 to vector<16xi32>
      %eq3A_2565 = arith.cmpi eq, %iota3A, %eq3A_2564 : vector<16xi32>
      %select_n3A_2566 = arith.select %eq3A_2565, %add3A_2562, %select_n3A_2432 : vector<16xi1>, vector<16xf32>
      %get3A_2567 = arith.constant 11 : i32
      %get3A_2568 = arith.index_cast %get3A_2567 : i32 to index
      %get3A_2569 = arith.constant 0 : index
      %get3A_2570 = tpu.vector_load %arg11[%get3A_2568, %get3A_2569] {strides = array<i32>} : memref<16x90xf32, #tpu.memory_space<vmem>>, vector<1x16xf32>,
      %get3A_2571 = vector.shape_cast %get3A_2570 : vector<1x16xf32> to vector<16xf32>
      %get3A_2572 = arith.constant 11 : i32
      %get3A_2573 = arith.index_cast %get3A_2572 : i32 to index
      %get3A_2574 = arith.constant 0 : index
      %get3A_2575 = tpu.vector_load %arg12[%get3A_2573, %get3A_2574] {strides = array<i32>} : memref<16x90xf32, #tpu.memory_space<vmem>>, vector<1x16xf32>,
      %get3A_2576 = vector.shape_cast %get3A_2575 : vector<1x16xf32> to vector<16xf32>
      %mul3A_2577 = arith.mulf %get3A_2571, %get3A_2576 : vector<16xf32>
      %get3A_2578 = arith.constant 11 : i32
      %get3A_2579 = arith.index_cast %get3A_2578 : i32 to index
      %get3A_2580 = arith.constant 16 : index
      %get3A_2581 = tpu.vector_load %arg11[%get3A_2579, %get3A_2580] {strides = array<i32>} : memref<16x90xf32, #tpu.memory_space<vmem>>, vector<1x16xf32>,
      %get3A_2582 = vector.shape_cast %get3A_2581 : vector<1x16xf32> to vector<16xf32>
      %get3A_2583 = arith.constant 11 : i32
      %get3A_2584 = arith.index_cast %get3A_2583 : i32 to index
      %get3A_2585 = arith.constant 16 : index
      %get3A_2586 = tpu.vector_load %arg12[%get3A_2584, %get3A_2585] {strides = array<i32>} : memref<16x90xf32, #tpu.memory_space<vmem>>, vector<1x16xf32>,
      %get3A_2587 = vector.shape_cast %get3A_2586 : vector<1x16xf32> to vector<16xf32>
      %mul3A_2588 = arith.mulf %get3A_2582, %get3A_2587 : vector<16xf32>
      %add3A_2589 = arith.addf %mul3A_2577, %mul3A_2588 : vector<16xf32>
      %get3A_2590 = arith.constant 11 : i32
      %get3A_2591 = arith.index_cast %get3A_2590 : i32 to index
      %get3A_2592 = arith.constant 32 : index
      %get3A_2593 = tpu.vector_load %arg11[%get3A_2591, %get3A_2592] {strides = array<i32>} : memref<16x90xf32, #tpu.memory_space<vmem>>, vector<1x16xf32>,
      %get3A_2594 = vector.shape_cast %get3A_2593 : vector<1x16xf32> to vector<16xf32>
      %get3A_2595 = arith.constant 11 : i32
      %get3A_2596 = arith.index_cast %get3A_2595 : i32 to index
      %get3A_2597 = arith.constant 32 : index
      %get3A_2598 = tpu.vector_load %arg12[%get3A_2596, %get3A_2597] {strides = array<i32>} : memref<16x90xf32, #tpu.memory_space<vmem>>, vector<1x16xf32>,
      %get3A_2599 = vector.shape_cast %get3A_2598 : vector<1x16xf32> to vector<16xf32>
      %mul3A_2600 = arith.mulf %get3A_2594, %get3A_2599 : vector<16xf32>
      %add3A_2601 = arith.addf %add3A_2589, %mul3A_2600 : vector<16xf32>
      %get3A_2602 = arith.constant 11 : i32
      %get3A_2603 = arith.index_cast %get3A_2602 : i32 to index
      %get3A_2604 = arith.constant 48 : index
      %get3A_2605 = tpu.vector_load %arg11[%get3A_2603, %get3A_2604] {strides = array<i32>} : memref<16x90xf32, #tpu.memory_space<vmem>>, vector<1x16xf32>,
      %get3A_2606 = vector.shape_cast %get3A_2605 : vector<1x16xf32> to vector<16xf32>
      %get3A_2607 = arith.constant 11 : i32
      %get3A_2608 = arith.index_cast %get3A_2607 : i32 to index
      %get3A_2609 = arith.constant 48 : index
      %get3A_2610 = tpu.vector_load %arg12[%get3A_2608, %get3A_2609] {strides = array<i32>} : memref<16x90xf32, #tpu.memory_space<vmem>>, vector<1x16xf32>,
      %get3A_2611 = vector.shape_cast %get3A_2610 : vector<1x16xf32> to vector<16xf32>
      %mul3A_2612 = arith.mulf %get3A_2606, %get3A_2611 : vector<16xf32>
      %add3A_2613 = arith.addf %add3A_2601, %mul3A_2612 : vector<16xf32>
      %get3A_2614 = arith.constant 11 : i32
      %get3A_2615 = arith.index_cast %get3A_2614 : i32 to index
      %get3A_2616 = arith.constant 64 : index
      %get3A_2617 = tpu.vector_load %arg11[%get3A_2615, %get3A_2616] {strides = array<i32>} : memref<16x90xf32, #tpu.memory_space<vmem>>, vector<1x16xf32>,
      %get3A_2618 = vector.shape_cast %get3A_2617 : vector<1x16xf32> to vector<16xf32>
      %get3A_2619 = arith.constant 11 : i32
      %get3A_2620 = arith.index_cast %get3A_2619 : i32 to index
      %get3A_2621 = arith.constant 64 : index
      %get3A_2622 = tpu.vector_load %arg12[%get3A_2620, %get3A_2621] {strides = array<i32>} : memref<16x90xf32, #tpu.memory_space<vmem>>, vector<1x16xf32>,
      %get3A_2623 = vector.shape_cast %get3A_2622 : vector<1x16xf32> to vector<16xf32>
      %mul3A_2624 = arith.mulf %get3A_2618, %get3A_2623 : vector<16xf32>
      %add3A_2625 = arith.addf %add3A_2613, %mul3A_2624 : vector<16xf32>
      %get3A_2626 = arith.constant 11 : i32
      %get3A_2627 = arith.index_cast %get3A_2626 : i32 to index
      %get3A_2628 = arith.constant 74 : index
      %get3A_2629 = tpu.vector_load %arg11[%get3A_2627, %get3A_2628] {strides = array<i32>} : memref<16x90xf32, #tpu.memory_space<vmem>>, vector<1x16xf32>,
      %get3A_2630 = vector.shape_cast %get3A_2629 : vector<1x16xf32> to vector<16xf32>
      %get3A_2631 = arith.constant 11 : i32
      %get3A_2632 = arith.index_cast %get3A_2631 : i32 to index
      %get3A_2633 = arith.constant 74 : index
      %get3A_2634 = tpu.vector_load %arg12[%get3A_2632, %get3A_2633] {strides = array<i32>} : memref<16x90xf32, #tpu.memory_space<vmem>>, vector<1x16xf32>,
      %get3A_2635 = vector.shape_cast %get3A_2634 : vector<1x16xf32> to vector<16xf32>
      %mul3A_2636 = arith.mulf %get3A_2630, %get3A_2635 : vector<16xf32>
      %jit3A_2637 = arith.constant 0.000000e+00 : f32
      %broadcast_in_dim3A_2638 = vector.broadcast %jit3A_2637 : f32 to vector<16xf32>
      %select_n3A_2639 = arith.select %ge3A_82, %mul3A_2636, %broadcast_in_dim3A_2638 : vector<16xi1>, vector<16xf32>
      %add3A_2640 = arith.addf %add3A_2625, %select_n3A_2639 : vector<16xf32>
      %xor3A_2641 = arith.constant 8 : i32
      %xor3A_2642 = vector.broadcast %xor3A_2641 : i32 to vector<16xi32>
      %xor3A_2643 = arith.xori %iota3A, %xor3A_2642 : vector<16xi32>
      %lt3A_2644 = arith.constant 0 : i32
      %lt3A_2645 = vector.broadcast %lt3A_2644 : i32 to vector<16xi32>
      %lt3A_2646 = arith.cmpi slt, %xor3A_2643, %lt3A_2645 : vector<16xi32>
      %add3A_2647 = arith.constant 16 : i32
      %add3A_2648 = vector.broadcast %add3A_2647 : i32 to vector<16xi32>
      %add3A_2649 = arith.addi %xor3A_2643, %add3A_2648 : vector<16xi32>
      %select_n3A_2650 = arith.select %lt3A_2646, %add3A_2649, %xor3A_2643 : vector<16xi1>, vector<16xi32>
      %broadcast_in_dim3A_2651 = vector.shape_cast %select_n3A_2650 : vector<16xi32> to vector<16x1xi32>
      %gather3A_2652 = vector.shape_cast %broadcast_in_dim3A_2651 : vector<16x1xi32> to vector<16xi32>
      %gather3A_2653 = tpu.dynamic_gather %add3A_2640[%gather3A_2652] in [0] : vector<16xf32>, vector<16xi32> -> vector<16xf32>
      %add3A_2654 = arith.addf %add3A_2640, %gather3A_2653 : vector<16xf32>
      %xor3A_2655 = arith.constant 4 : i32
      %xor3A_2656 = vector.broadcast %xor3A_2655 : i32 to vector<16xi32>
      %xor3A_2657 = arith.xori %iota3A, %xor3A_2656 : vector<16xi32>
      %lt3A_2658 = arith.constant 0 : i32
      %lt3A_2659 = vector.broadcast %lt3A_2658 : i32 to vector<16xi32>
      %lt3A_2660 = arith.cmpi slt, %xor3A_2657, %lt3A_2659 : vector<16xi32>
      %add3A_2661 = arith.constant 16 : i32
      %add3A_2662 = vector.broadcast %add3A_2661 : i32 to vector<16xi32>
      %add3A_2663 = arith.addi %xor3A_2657, %add3A_2662 : vector<16xi32>
      %select_n3A_2664 = arith.select %lt3A_2660, %add3A_2663, %xor3A_2657 : vector<16xi1>, vector<16xi32>
      %broadcast_in_dim3A_2665 = vector.shape_cast %select_n3A_2664 : vector<16xi32> to vector<16x1xi32>
      %gather3A_2666 = vector.shape_cast %broadcast_in_dim3A_2665 : vector<16x1xi32> to vector<16xi32>
      %gather3A_2667 = tpu.dynamic_gather %add3A_2654[%gather3A_2666] in [0] : vector<16xf32>, vector<16xi32> -> vector<16xf32>
      %add3A_2668 = arith.addf %add3A_2654, %gather3A_2667 : vector<16xf32>
      %xor3A_2669 = arith.constant 2 : i32
      %xor3A_2670 = vector.broadcast %xor3A_2669 : i32 to vector<16xi32>
      %xor3A_2671 = arith.xori %iota3A, %xor3A_2670 : vector<16xi32>
      %lt3A_2672 = arith.constant 0 : i32
      %lt3A_2673 = vector.broadcast %lt3A_2672 : i32 to vector<16xi32>
      %lt3A_2674 = arith.cmpi slt, %xor3A_2671, %lt3A_2673 : vector<16xi32>
      %add3A_2675 = arith.constant 16 : i32
      %add3A_2676 = vector.broadcast %add3A_2675 : i32 to vector<16xi32>
      %add3A_2677 = arith.addi %xor3A_2671, %add3A_2676 : vector<16xi32>
      %select_n3A_2678 = arith.select %lt3A_2674, %add3A_2677, %xor3A_2671 : vector<16xi1>, vector<16xi32>
      %broadcast_in_dim3A_2679 = vector.shape_cast %select_n3A_2678 : vector<16xi32> to vector<16x1xi32>
      %gather3A_2680 = vector.shape_cast %broadcast_in_dim3A_2679 : vector<16x1xi32> to vector<16xi32>
      %gather3A_2681 = tpu.dynamic_gather %add3A_2668[%gather3A_2680] in [0] : vector<16xf32>, vector<16xi32> -> vector<16xf32>
      %add3A_2682 = arith.addf %add3A_2668, %gather3A_2681 : vector<16xf32>
      %xor3A_2683 = arith.constant 1 : i32
      %xor3A_2684 = vector.broadcast %xor3A_2683 : i32 to vector<16xi32>
      %xor3A_2685 = arith.xori %iota3A, %xor3A_2684 : vector<16xi32>
      %lt3A_2686 = arith.constant 0 : i32
      %lt3A_2687 = vector.broadcast %lt3A_2686 : i32 to vector<16xi32>
      %lt3A_2688 = arith.cmpi slt, %xor3A_2685, %lt3A_2687 : vector<16xi32>
      %add3A_2689 = arith.constant 16 : i32
      %add3A_2690 = vector.broadcast %add3A_2689 : i32 to vector<16xi32>
      %add3A_2691 = arith.addi %xor3A_2685, %add3A_2690 : vector<16xi32>
      %select_n3A_2692 = arith.select %lt3A_2688, %add3A_2691, %xor3A_2685 : vector<16xi1>, vector<16xi32>
      %broadcast_in_dim3A_2693 = vector.shape_cast %select_n3A_2692 : vector<16xi32> to vector<16x1xi32>
      %gather3A_2694 = vector.shape_cast %broadcast_in_dim3A_2693 : vector<16x1xi32> to vector<16xi32>
      %gather3A_2695 = tpu.dynamic_gather %add3A_2682[%gather3A_2694] in [0] : vector<16xf32>, vector<16xi32> -> vector<16xf32>
      %add3A_2696 = arith.addf %add3A_2682, %gather3A_2695 : vector<16xf32>
      %eq3A_2697 = arith.constant 11 : i32
      %eq3A_2698 = vector.broadcast %eq3A_2697 : i32 to vector<16xi32>
      %eq3A_2699 = arith.cmpi eq, %iota3A, %eq3A_2698 : vector<16xi32>
      %select_n3A_2700 = arith.select %eq3A_2699, %add3A_2696, %select_n3A_2566 : vector<16xi1>, vector<16xf32>
      %get3A_2701 = arith.constant 12 : i32
      %get3A_2702 = arith.index_cast %get3A_2701 : i32 to index
      %get3A_2703 = arith.constant 0 : index
      %get3A_2704 = tpu.vector_load %arg11[%get3A_2702, %get3A_2703] {strides = array<i32>} : memref<16x90xf32, #tpu.memory_space<vmem>>, vector<1x16xf32>,
      %get3A_2705 = vector.shape_cast %get3A_2704 : vector<1x16xf32> to vector<16xf32>
      %get3A_2706 = arith.constant 12 : i32
      %get3A_2707 = arith.index_cast %get3A_2706 : i32 to index
      %get3A_2708 = arith.constant 0 : index
      %get3A_2709 = tpu.vector_load %arg12[%get3A_2707, %get3A_2708] {strides = array<i32>} : memref<16x90xf32, #tpu.memory_space<vmem>>, vector<1x16xf32>,
      %get3A_2710 = vector.shape_cast %get3A_2709 : vector<1x16xf32> to vector<16xf32>
      %mul3A_2711 = arith.mulf %get3A_2705, %get3A_2710 : vector<16xf32>
      %get3A_2712 = arith.constant 12 : i32
      %get3A_2713 = arith.index_cast %get3A_2712 : i32 to index
      %get3A_2714 = arith.constant 16 : index
      %get3A_2715 = tpu.vector_load %arg11[%get3A_2713, %get3A_2714] {strides = array<i32>} : memref<16x90xf32, #tpu.memory_space<vmem>>, vector<1x16xf32>,
      %get3A_2716 = vector.shape_cast %get3A_2715 : vector<1x16xf32> to vector<16xf32>
      %get3A_2717 = arith.constant 12 : i32
      %get3A_2718 = arith.index_cast %get3A_2717 : i32 to index
      %get3A_2719 = arith.constant 16 : index
      %get3A_2720 = tpu.vector_load %arg12[%get3A_2718, %get3A_2719] {strides = array<i32>} : memref<16x90xf32, #tpu.memory_space<vmem>>, vector<1x16xf32>,
      %get3A_2721 = vector.shape_cast %get3A_2720 : vector<1x16xf32> to vector<16xf32>
      %mul3A_2722 = arith.mulf %get3A_2716, %get3A_2721 : vector<16xf32>
      %add3A_2723 = arith.addf %mul3A_2711, %mul3A_2722 : vector<16xf32>
      %get3A_2724 = arith.constant 12 : i32
      %get3A_2725 = arith.index_cast %get3A_2724 : i32 to index
      %get3A_2726 = arith.constant 32 : index
      %get3A_2727 = tpu.vector_load %arg11[%get3A_2725, %get3A_2726] {strides = array<i32>} : memref<16x90xf32, #tpu.memory_space<vmem>>, vector<1x16xf32>,
      %get3A_2728 = vector.shape_cast %get3A_2727 : vector<1x16xf32> to vector<16xf32>
      %get3A_2729 = arith.constant 12 : i32
      %get3A_2730 = arith.index_cast %get3A_2729 : i32 to index
      %get3A_2731 = arith.constant 32 : index
      %get3A_2732 = tpu.vector_load %arg12[%get3A_2730, %get3A_2731] {strides = array<i32>} : memref<16x90xf32, #tpu.memory_space<vmem>>, vector<1x16xf32>,
      %get3A_2733 = vector.shape_cast %get3A_2732 : vector<1x16xf32> to vector<16xf32>
      %mul3A_2734 = arith.mulf %get3A_2728, %get3A_2733 : vector<16xf32>
      %add3A_2735 = arith.addf %add3A_2723, %mul3A_2734 : vector<16xf32>
      %get3A_2736 = arith.constant 12 : i32
      %get3A_2737 = arith.index_cast %get3A_2736 : i32 to index
      %get3A_2738 = arith.constant 48 : index
      %get3A_2739 = tpu.vector_load %arg11[%get3A_2737, %get3A_2738] {strides = array<i32>} : memref<16x90xf32, #tpu.memory_space<vmem>>, vector<1x16xf32>,
      %get3A_2740 = vector.shape_cast %get3A_2739 : vector<1x16xf32> to vector<16xf32>
      %get3A_2741 = arith.constant 12 : i32
      %get3A_2742 = arith.index_cast %get3A_2741 : i32 to index
      %get3A_2743 = arith.constant 48 : index
      %get3A_2744 = tpu.vector_load %arg12[%get3A_2742, %get3A_2743] {strides = array<i32>} : memref<16x90xf32, #tpu.memory_space<vmem>>, vector<1x16xf32>,
      %get3A_2745 = vector.shape_cast %get3A_2744 : vector<1x16xf32> to vector<16xf32>
      %mul3A_2746 = arith.mulf %get3A_2740, %get3A_2745 : vector<16xf32>
      %add3A_2747 = arith.addf %add3A_2735, %mul3A_2746 : vector<16xf32>
      %get3A_2748 = arith.constant 12 : i32
      %get3A_2749 = arith.index_cast %get3A_2748 : i32 to index
      %get3A_2750 = arith.constant 64 : index
      %get3A_2751 = tpu.vector_load %arg11[%get3A_2749, %get3A_2750] {strides = array<i32>} : memref<16x90xf32, #tpu.memory_space<vmem>>, vector<1x16xf32>,
      %get3A_2752 = vector.shape_cast %get3A_2751 : vector<1x16xf32> to vector<16xf32>
      %get3A_2753 = arith.constant 12 : i32
      %get3A_2754 = arith.index_cast %get3A_2753 : i32 to index
      %get3A_2755 = arith.constant 64 : index
      %get3A_2756 = tpu.vector_load %arg12[%get3A_2754, %get3A_2755] {strides = array<i32>} : memref<16x90xf32, #tpu.memory_space<vmem>>, vector<1x16xf32>,
      %get3A_2757 = vector.shape_cast %get3A_2756 : vector<1x16xf32> to vector<16xf32>
      %mul3A_2758 = arith.mulf %get3A_2752, %get3A_2757 : vector<16xf32>
      %add3A_2759 = arith.addf %add3A_2747, %mul3A_2758 : vector<16xf32>
      %get3A_2760 = arith.constant 12 : i32
      %get3A_2761 = arith.index_cast %get3A_2760 : i32 to index
      %get3A_2762 = arith.constant 74 : index
      %get3A_2763 = tpu.vector_load %arg11[%get3A_2761, %get3A_2762] {strides = array<i32>} : memref<16x90xf32, #tpu.memory_space<vmem>>, vector<1x16xf32>,
      %get3A_2764 = vector.shape_cast %get3A_2763 : vector<1x16xf32> to vector<16xf32>
      %get3A_2765 = arith.constant 12 : i32
      %get3A_2766 = arith.index_cast %get3A_2765 : i32 to index
      %get3A_2767 = arith.constant 74 : index
      %get3A_2768 = tpu.vector_load %arg12[%get3A_2766, %get3A_2767] {strides = array<i32>} : memref<16x90xf32, #tpu.memory_space<vmem>>, vector<1x16xf32>,
      %get3A_2769 = vector.shape_cast %get3A_2768 : vector<1x16xf32> to vector<16xf32>
      %mul3A_2770 = arith.mulf %get3A_2764, %get3A_2769 : vector<16xf32>
      %jit3A_2771 = arith.constant 0.000000e+00 : f32
      %broadcast_in_dim3A_2772 = vector.broadcast %jit3A_2771 : f32 to vector<16xf32>
      %select_n3A_2773 = arith.select %ge3A_82, %mul3A_2770, %broadcast_in_dim3A_2772 : vector<16xi1>, vector<16xf32>
      %add3A_2774 = arith.addf %add3A_2759, %select_n3A_2773 : vector<16xf32>
      %xor3A_2775 = arith.constant 8 : i32
      %xor3A_2776 = vector.broadcast %xor3A_2775 : i32 to vector<16xi32>
      %xor3A_2777 = arith.xori %iota3A, %xor3A_2776 : vector<16xi32>
      %lt3A_2778 = arith.constant 0 : i32
      %lt3A_2779 = vector.broadcast %lt3A_2778 : i32 to vector<16xi32>
      %lt3A_2780 = arith.cmpi slt, %xor3A_2777, %lt3A_2779 : vector<16xi32>
      %add3A_2781 = arith.constant 16 : i32
      %add3A_2782 = vector.broadcast %add3A_2781 : i32 to vector<16xi32>
      %add3A_2783 = arith.addi %xor3A_2777, %add3A_2782 : vector<16xi32>
      %select_n3A_2784 = arith.select %lt3A_2780, %add3A_2783, %xor3A_2777 : vector<16xi1>, vector<16xi32>
      %broadcast_in_dim3A_2785 = vector.shape_cast %select_n3A_2784 : vector<16xi32> to vector<16x1xi32>
      %gather3A_2786 = vector.shape_cast %broadcast_in_dim3A_2785 : vector<16x1xi32> to vector<16xi32>
      %gather3A_2787 = tpu.dynamic_gather %add3A_2774[%gather3A_2786] in [0] : vector<16xf32>, vector<16xi32> -> vector<16xf32>
      %add3A_2788 = arith.addf %add3A_2774, %gather3A_2787 : vector<16xf32>
      %xor3A_2789 = arith.constant 4 : i32
      %xor3A_2790 = vector.broadcast %xor3A_2789 : i32 to vector<16xi32>
      %xor3A_2791 = arith.xori %iota3A, %xor3A_2790 : vector<16xi32>
      %lt3A_2792 = arith.constant 0 : i32
      %lt3A_2793 = vector.broadcast %lt3A_2792 : i32 to vector<16xi32>
      %lt3A_2794 = arith.cmpi slt, %xor3A_2791, %lt3A_2793 : vector<16xi32>
      %add3A_2795 = arith.constant 16 : i32
      %add3A_2796 = vector.broadcast %add3A_2795 : i32 to vector<16xi32>
      %add3A_2797 = arith.addi %xor3A_2791, %add3A_2796 : vector<16xi32>
      %select_n3A_2798 = arith.select %lt3A_2794, %add3A_2797, %xor3A_2791 : vector<16xi1>, vector<16xi32>
      %broadcast_in_dim3A_2799 = vector.shape_cast %select_n3A_2798 : vector<16xi32> to vector<16x1xi32>
      %gather3A_2800 = vector.shape_cast %broadcast_in_dim3A_2799 : vector<16x1xi32> to vector<16xi32>
      %gather3A_2801 = tpu.dynamic_gather %add3A_2788[%gather3A_2800] in [0] : vector<16xf32>, vector<16xi32> -> vector<16xf32>
      %add3A_2802 = arith.addf %add3A_2788, %gather3A_2801 : vector<16xf32>
      %xor3A_2803 = arith.constant 2 : i32
      %xor3A_2804 = vector.broadcast %xor3A_2803 : i32 to vector<16xi32>
      %xor3A_2805 = arith.xori %iota3A, %xor3A_2804 : vector<16xi32>
      %lt3A_2806 = arith.constant 0 : i32
      %lt3A_2807 = vector.broadcast %lt3A_2806 : i32 to vector<16xi32>
      %lt3A_2808 = arith.cmpi slt, %xor3A_2805, %lt3A_2807 : vector<16xi32>
      %add3A_2809 = arith.constant 16 : i32
      %add3A_2810 = vector.broadcast %add3A_2809 : i32 to vector<16xi32>
      %add3A_2811 = arith.addi %xor3A_2805, %add3A_2810 : vector<16xi32>
      %select_n3A_2812 = arith.select %lt3A_2808, %add3A_2811, %xor3A_2805 : vector<16xi1>, vector<16xi32>
      %broadcast_in_dim3A_2813 = vector.shape_cast %select_n3A_2812 : vector<16xi32> to vector<16x1xi32>
      %gather3A_2814 = vector.shape_cast %broadcast_in_dim3A_2813 : vector<16x1xi32> to vector<16xi32>
      %gather3A_2815 = tpu.dynamic_gather %add3A_2802[%gather3A_2814] in [0] : vector<16xf32>, vector<16xi32> -> vector<16xf32>
      %add3A_2816 = arith.addf %add3A_2802, %gather3A_2815 : vector<16xf32>
      %xor3A_2817 = arith.constant 1 : i32
      %xor3A_2818 = vector.broadcast %xor3A_2817 : i32 to vector<16xi32>
      %xor3A_2819 = arith.xori %iota3A, %xor3A_2818 : vector<16xi32>
      %lt3A_2820 = arith.constant 0 : i32
      %lt3A_2821 = vector.broadcast %lt3A_2820 : i32 to vector<16xi32>
      %lt3A_2822 = arith.cmpi slt, %xor3A_2819, %lt3A_2821 : vector<16xi32>
      %add3A_2823 = arith.constant 16 : i32
      %add3A_2824 = vector.broadcast %add3A_2823 : i32 to vector<16xi32>
      %add3A_2825 = arith.addi %xor3A_2819, %add3A_2824 : vector<16xi32>
      %select_n3A_2826 = arith.select %lt3A_2822, %add3A_2825, %xor3A_2819 : vector<16xi1>, vector<16xi32>
      %broadcast_in_dim3A_2827 = vector.shape_cast %select_n3A_2826 : vector<16xi32> to vector<16x1xi32>
      %gather3A_2828 = vector.shape_cast %broadcast_in_dim3A_2827 : vector<16x1xi32> to vector<16xi32>
      %gather3A_2829 = tpu.dynamic_gather %add3A_2816[%gather3A_2828] in [0] : vector<16xf32>, vector<16xi32> -> vector<16xf32>
      %add3A_2830 = arith.addf %add3A_2816, %gather3A_2829 : vector<16xf32>
      %eq3A_2831 = arith.constant 12 : i32
      %eq3A_2832 = vector.broadcast %eq3A_2831 : i32 to vector<16xi32>
      %eq3A_2833 = arith.cmpi eq, %iota3A, %eq3A_2832 : vector<16xi32>
      %select_n3A_2834 = arith.select %eq3A_2833, %add3A_2830, %select_n3A_2700 : vector<16xi1>, vector<16xf32>
      %get3A_2835 = arith.constant 13 : i32
      %get3A_2836 = arith.index_cast %get3A_2835 : i32 to index
      %get3A_2837 = arith.constant 0 : index
      %get3A_2838 = tpu.vector_load %arg11[%get3A_2836, %get3A_2837] {strides = array<i32>} : memref<16x90xf32, #tpu.memory_space<vmem>>, vector<1x16xf32>,
      %get3A_2839 = vector.shape_cast %get3A_2838 : vector<1x16xf32> to vector<16xf32>
      %get3A_2840 = arith.constant 13 : i32
      %get3A_2841 = arith.index_cast %get3A_2840 : i32 to index
      %get3A_2842 = arith.constant 0 : index
      %get3A_2843 = tpu.vector_load %arg12[%get3A_2841, %get3A_2842] {strides = array<i32>} : memref<16x90xf32, #tpu.memory_space<vmem>>, vector<1x16xf32>,
      %get3A_2844 = vector.shape_cast %get3A_2843 : vector<1x16xf32> to vector<16xf32>
      %mul3A_2845 = arith.mulf %get3A_2839, %get3A_2844 : vector<16xf32>
      %get3A_2846 = arith.constant 13 : i32
      %get3A_2847 = arith.index_cast %get3A_2846 : i32 to index
      %get3A_2848 = arith.constant 16 : index
      %get3A_2849 = tpu.vector_load %arg11[%get3A_2847, %get3A_2848] {strides = array<i32>} : memref<16x90xf32, #tpu.memory_space<vmem>>, vector<1x16xf32>,
      %get3A_2850 = vector.shape_cast %get3A_2849 : vector<1x16xf32> to vector<16xf32>
      %get3A_2851 = arith.constant 13 : i32
      %get3A_2852 = arith.index_cast %get3A_2851 : i32 to index
      %get3A_2853 = arith.constant 16 : index
      %get3A_2854 = tpu.vector_load %arg12[%get3A_2852, %get3A_2853] {strides = array<i32>} : memref<16x90xf32, #tpu.memory_space<vmem>>, vector<1x16xf32>,
      %get3A_2855 = vector.shape_cast %get3A_2854 : vector<1x16xf32> to vector<16xf32>
      %mul3A_2856 = arith.mulf %get3A_2850, %get3A_2855 : vector<16xf32>
      %add3A_2857 = arith.addf %mul3A_2845, %mul3A_2856 : vector<16xf32>
      %get3A_2858 = arith.constant 13 : i32
      %get3A_2859 = arith.index_cast %get3A_2858 : i32 to index
      %get3A_2860 = arith.constant 32 : index
      %get3A_2861 = tpu.vector_load %arg11[%get3A_2859, %get3A_2860] {strides = array<i32>} : memref<16x90xf32, #tpu.memory_space<vmem>>, vector<1x16xf32>,
      %get3A_2862 = vector.shape_cast %get3A_2861 : vector<1x16xf32> to vector<16xf32>
      %get3A_2863 = arith.constant 13 : i32
      %get3A_2864 = arith.index_cast %get3A_2863 : i32 to index
      %get3A_2865 = arith.constant 32 : index
      %get3A_2866 = tpu.vector_load %arg12[%get3A_2864, %get3A_2865] {strides = array<i32>} : memref<16x90xf32, #tpu.memory_space<vmem>>, vector<1x16xf32>,
      %get3A_2867 = vector.shape_cast %get3A_2866 : vector<1x16xf32> to vector<16xf32>
      %mul3A_2868 = arith.mulf %get3A_2862, %get3A_2867 : vector<16xf32>
      %add3A_2869 = arith.addf %add3A_2857, %mul3A_2868 : vector<16xf32>
      %get3A_2870 = arith.constant 13 : i32
      %get3A_2871 = arith.index_cast %get3A_2870 : i32 to index
      %get3A_2872 = arith.constant 48 : index
      %get3A_2873 = tpu.vector_load %arg11[%get3A_2871, %get3A_2872] {strides = array<i32>} : memref<16x90xf32, #tpu.memory_space<vmem>>, vector<1x16xf32>,
      %get3A_2874 = vector.shape_cast %get3A_2873 : vector<1x16xf32> to vector<16xf32>
      %get3A_2875 = arith.constant 13 : i32
      %get3A_2876 = arith.index_cast %get3A_2875 : i32 to index
      %get3A_2877 = arith.constant 48 : index
      %get3A_2878 = tpu.vector_load %arg12[%get3A_2876, %get3A_2877] {strides = array<i32>} : memref<16x90xf32, #tpu.memory_space<vmem>>, vector<1x16xf32>,
      %get3A_2879 = vector.shape_cast %get3A_2878 : vector<1x16xf32> to vector<16xf32>
      %mul3A_2880 = arith.mulf %get3A_2874, %get3A_2879 : vector<16xf32>
      %add3A_2881 = arith.addf %add3A_2869, %mul3A_2880 : vector<16xf32>
      %get3A_2882 = arith.constant 13 : i32
      %get3A_2883 = arith.index_cast %get3A_2882 : i32 to index
      %get3A_2884 = arith.constant 64 : index
      %get3A_2885 = tpu.vector_load %arg11[%get3A_2883, %get3A_2884] {strides = array<i32>} : memref<16x90xf32, #tpu.memory_space<vmem>>, vector<1x16xf32>,
      %get3A_2886 = vector.shape_cast %get3A_2885 : vector<1x16xf32> to vector<16xf32>
      %get3A_2887 = arith.constant 13 : i32
      %get3A_2888 = arith.index_cast %get3A_2887 : i32 to index
      %get3A_2889 = arith.constant 64 : index
      %get3A_2890 = tpu.vector_load %arg12[%get3A_2888, %get3A_2889] {strides = array<i32>} : memref<16x90xf32, #tpu.memory_space<vmem>>, vector<1x16xf32>,
      %get3A_2891 = vector.shape_cast %get3A_2890 : vector<1x16xf32> to vector<16xf32>
      %mul3A_2892 = arith.mulf %get3A_2886, %get3A_2891 : vector<16xf32>
      %add3A_2893 = arith.addf %add3A_2881, %mul3A_2892 : vector<16xf32>
      %get3A_2894 = arith.constant 13 : i32
      %get3A_2895 = arith.index_cast %get3A_2894 : i32 to index
      %get3A_2896 = arith.constant 74 : index
      %get3A_2897 = tpu.vector_load %arg11[%get3A_2895, %get3A_2896] {strides = array<i32>} : memref<16x90xf32, #tpu.memory_space<vmem>>, vector<1x16xf32>,
      %get3A_2898 = vector.shape_cast %get3A_2897 : vector<1x16xf32> to vector<16xf32>
      %get3A_2899 = arith.constant 13 : i32
      %get3A_2900 = arith.index_cast %get3A_2899 : i32 to index
      %get3A_2901 = arith.constant 74 : index
      %get3A_2902 = tpu.vector_load %arg12[%get3A_2900, %get3A_2901] {strides = array<i32>} : memref<16x90xf32, #tpu.memory_space<vmem>>, vector<1x16xf32>,
      %get3A_2903 = vector.shape_cast %get3A_2902 : vector<1x16xf32> to vector<16xf32>
      %mul3A_2904 = arith.mulf %get3A_2898, %get3A_2903 : vector<16xf32>
      %jit3A_2905 = arith.constant 0.000000e+00 : f32
      %broadcast_in_dim3A_2906 = vector.broadcast %jit3A_2905 : f32 to vector<16xf32>
      %select_n3A_2907 = arith.select %ge3A_82, %mul3A_2904, %broadcast_in_dim3A_2906 : vector<16xi1>, vector<16xf32>
      %add3A_2908 = arith.addf %add3A_2893, %select_n3A_2907 : vector<16xf32>
      %xor3A_2909 = arith.constant 8 : i32
      %xor3A_2910 = vector.broadcast %xor3A_2909 : i32 to vector<16xi32>
      %xor3A_2911 = arith.xori %iota3A, %xor3A_2910 : vector<16xi32>
      %lt3A_2912 = arith.constant 0 : i32
      %lt3A_2913 = vector.broadcast %lt3A_2912 : i32 to vector<16xi32>
      %lt3A_2914 = arith.cmpi slt, %xor3A_2911, %lt3A_2913 : vector<16xi32>
      %add3A_2915 = arith.constant 16 : i32
      %add3A_2916 = vector.broadcast %add3A_2915 : i32 to vector<16xi32>
      %add3A_2917 = arith.addi %xor3A_2911, %add3A_2916 : vector<16xi32>
      %select_n3A_2918 = arith.select %lt3A_2914, %add3A_2917, %xor3A_2911 : vector<16xi1>, vector<16xi32>
      %broadcast_in_dim3A_2919 = vector.shape_cast %select_n3A_2918 : vector<16xi32> to vector<16x1xi32>
      %gather3A_2920 = vector.shape_cast %broadcast_in_dim3A_2919 : vector<16x1xi32> to vector<16xi32>
      %gather3A_2921 = tpu.dynamic_gather %add3A_2908[%gather3A_2920] in [0] : vector<16xf32>, vector<16xi32> -> vector<16xf32>
      %add3A_2922 = arith.addf %add3A_2908, %gather3A_2921 : vector<16xf32>
      %xor3A_2923 = arith.constant 4 : i32
      %xor3A_2924 = vector.broadcast %xor3A_2923 : i32 to vector<16xi32>
      %xor3A_2925 = arith.xori %iota3A, %xor3A_2924 : vector<16xi32>
      %lt3A_2926 = arith.constant 0 : i32
      %lt3A_2927 = vector.broadcast %lt3A_2926 : i32 to vector<16xi32>
      %lt3A_2928 = arith.cmpi slt, %xor3A_2925, %lt3A_2927 : vector<16xi32>
      %add3A_2929 = arith.constant 16 : i32
      %add3A_2930 = vector.broadcast %add3A_2929 : i32 to vector<16xi32>
      %add3A_2931 = arith.addi %xor3A_2925, %add3A_2930 : vector<16xi32>
      %select_n3A_2932 = arith.select %lt3A_2928, %add3A_2931, %xor3A_2925 : vector<16xi1>, vector<16xi32>
      %broadcast_in_dim3A_2933 = vector.shape_cast %select_n3A_2932 : vector<16xi32> to vector<16x1xi32>
      %gather3A_2934 = vector.shape_cast %broadcast_in_dim3A_2933 : vector<16x1xi32> to vector<16xi32>
      %gather3A_2935 = tpu.dynamic_gather %add3A_2922[%gather3A_2934] in [0] : vector<16xf32>, vector<16xi32> -> vector<16xf32>
      %add3A_2936 = arith.addf %add3A_2922, %gather3A_2935 : vector<16xf32>
      %xor3A_2937 = arith.constant 2 : i32
      %xor3A_2938 = vector.broadcast %xor3A_2937 : i32 to vector<16xi32>
      %xor3A_2939 = arith.xori %iota3A, %xor3A_2938 : vector<16xi32>
      %lt3A_2940 = arith.constant 0 : i32
      %lt3A_2941 = vector.broadcast %lt3A_2940 : i32 to vector<16xi32>
      %lt3A_2942 = arith.cmpi slt, %xor3A_2939, %lt3A_2941 : vector<16xi32>
      %add3A_2943 = arith.constant 16 : i32
      %add3A_2944 = vector.broadcast %add3A_2943 : i32 to vector<16xi32>
      %add3A_2945 = arith.addi %xor3A_2939, %add3A_2944 : vector<16xi32>
      %select_n3A_2946 = arith.select %lt3A_2942, %add3A_2945, %xor3A_2939 : vector<16xi1>, vector<16xi32>
      %broadcast_in_dim3A_2947 = vector.shape_cast %select_n3A_2946 : vector<16xi32> to vector<16x1xi32>
      %gather3A_2948 = vector.shape_cast %broadcast_in_dim3A_2947 : vector<16x1xi32> to vector<16xi32>
      %gather3A_2949 = tpu.dynamic_gather %add3A_2936[%gather3A_2948] in [0] : vector<16xf32>, vector<16xi32> -> vector<16xf32>
      %add3A_2950 = arith.addf %add3A_2936, %gather3A_2949 : vector<16xf32>
      %xor3A_2951 = arith.constant 1 : i32
      %xor3A_2952 = vector.broadcast %xor3A_2951 : i32 to vector<16xi32>
      %xor3A_2953 = arith.xori %iota3A, %xor3A_2952 : vector<16xi32>
      %lt3A_2954 = arith.constant 0 : i32
      %lt3A_2955 = vector.broadcast %lt3A_2954 : i32 to vector<16xi32>
      %lt3A_2956 = arith.cmpi slt, %xor3A_2953, %lt3A_2955 : vector<16xi32>
      %add3A_2957 = arith.constant 16 : i32
      %add3A_2958 = vector.broadcast %add3A_2957 : i32 to vector<16xi32>
      %add3A_2959 = arith.addi %xor3A_2953, %add3A_2958 : vector<16xi32>
      %select_n3A_2960 = arith.select %lt3A_2956, %add3A_2959, %xor3A_2953 : vector<16xi1>, vector<16xi32>
      %broadcast_in_dim3A_2961 = vector.shape_cast %select_n3A_2960 : vector<16xi32> to vector<16x1xi32>
      %gather3A_2962 = vector.shape_cast %broadcast_in_dim3A_2961 : vector<16x1xi32> to vector<16xi32>
      %gather3A_2963 = tpu.dynamic_gather %add3A_2950[%gather3A_2962] in [0] : vector<16xf32>, vector<16xi32> -> vector<16xf32>
      %add3A_2964 = arith.addf %add3A_2950, %gather3A_2963 : vector<16xf32>
      %eq3A_2965 = arith.constant 13 : i32
      %eq3A_2966 = vector.broadcast %eq3A_2965 : i32 to vector<16xi32>
      %eq3A_2967 = arith.cmpi eq, %iota3A, %eq3A_2966 : vector<16xi32>
      %select_n3A_2968 = arith.select %eq3A_2967, %add3A_2964, %select_n3A_2834 : vector<16xi1>, vector<16xf32>
      %get3A_2969 = arith.constant 14 : i32
      %get3A_2970 = arith.index_cast %get3A_2969 : i32 to index
      %get3A_2971 = arith.constant 0 : index
      %get3A_2972 = tpu.vector_load %arg11[%get3A_2970, %get3A_2971] {strides = array<i32>} : memref<16x90xf32, #tpu.memory_space<vmem>>, vector<1x16xf32>,
      %get3A_2973 = vector.shape_cast %get3A_2972 : vector<1x16xf32> to vector<16xf32>
      %get3A_2974 = arith.constant 14 : i32
      %get3A_2975 = arith.index_cast %get3A_2974 : i32 to index
      %get3A_2976 = arith.constant 0 : index
      %get3A_2977 = tpu.vector_load %arg12[%get3A_2975, %get3A_2976] {strides = array<i32>} : memref<16x90xf32, #tpu.memory_space<vmem>>, vector<1x16xf32>,
      %get3A_2978 = vector.shape_cast %get3A_2977 : vector<1x16xf32> to vector<16xf32>
      %mul3A_2979 = arith.mulf %get3A_2973, %get3A_2978 : vector<16xf32>
      %get3A_2980 = arith.constant 14 : i32
      %get3A_2981 = arith.index_cast %get3A_2980 : i32 to index
      %get3A_2982 = arith.constant 16 : index
      %get3A_2983 = tpu.vector_load %arg11[%get3A_2981, %get3A_2982] {strides = array<i32>} : memref<16x90xf32, #tpu.memory_space<vmem>>, vector<1x16xf32>,
      %get3A_2984 = vector.shape_cast %get3A_2983 : vector<1x16xf32> to vector<16xf32>
      %get3A_2985 = arith.constant 14 : i32
      %get3A_2986 = arith.index_cast %get3A_2985 : i32 to index
      %get3A_2987 = arith.constant 16 : index
      %get3A_2988 = tpu.vector_load %arg12[%get3A_2986, %get3A_2987] {strides = array<i32>} : memref<16x90xf32, #tpu.memory_space<vmem>>, vector<1x16xf32>,
      %get3A_2989 = vector.shape_cast %get3A_2988 : vector<1x16xf32> to vector<16xf32>
      %mul3A_2990 = arith.mulf %get3A_2984, %get3A_2989 : vector<16xf32>
      %add3A_2991 = arith.addf %mul3A_2979, %mul3A_2990 : vector<16xf32>
      %get3A_2992 = arith.constant 14 : i32
      %get3A_2993 = arith.index_cast %get3A_2992 : i32 to index
      %get3A_2994 = arith.constant 32 : index
      %get3A_2995 = tpu.vector_load %arg11[%get3A_2993, %get3A_2994] {strides = array<i32>} : memref<16x90xf32, #tpu.memory_space<vmem>>, vector<1x16xf32>,
      %get3A_2996 = vector.shape_cast %get3A_2995 : vector<1x16xf32> to vector<16xf32>
      %get3A_2997 = arith.constant 14 : i32
      %get3A_2998 = arith.index_cast %get3A_2997 : i32 to index
      %get3A_2999 = arith.constant 32 : index
      %get3A_3000 = tpu.vector_load %arg12[%get3A_2998, %get3A_2999] {strides = array<i32>} : memref<16x90xf32, #tpu.memory_space<vmem>>, vector<1x16xf32>,
      %get3A_3001 = vector.shape_cast %get3A_3000 : vector<1x16xf32> to vector<16xf32>
      %mul3A_3002 = arith.mulf %get3A_2996, %get3A_3001 : vector<16xf32>
      %add3A_3003 = arith.addf %add3A_2991, %mul3A_3002 : vector<16xf32>
      %get3A_3004 = arith.constant 14 : i32
      %get3A_3005 = arith.index_cast %get3A_3004 : i32 to index
      %get3A_3006 = arith.constant 48 : index
      %get3A_3007 = tpu.vector_load %arg11[%get3A_3005, %get3A_3006] {strides = array<i32>} : memref<16x90xf32, #tpu.memory_space<vmem>>, vector<1x16xf32>,
      %get3A_3008 = vector.shape_cast %get3A_3007 : vector<1x16xf32> to vector<16xf32>
      %get3A_3009 = arith.constant 14 : i32
      %get3A_3010 = arith.index_cast %get3A_3009 : i32 to index
      %get3A_3011 = arith.constant 48 : index
      %get3A_3012 = tpu.vector_load %arg12[%get3A_3010, %get3A_3011] {strides = array<i32>} : memref<16x90xf32, #tpu.memory_space<vmem>>, vector<1x16xf32>,
      %get3A_3013 = vector.shape_cast %get3A_3012 : vector<1x16xf32> to vector<16xf32>
      %mul3A_3014 = arith.mulf %get3A_3008, %get3A_3013 : vector<16xf32>
      %add3A_3015 = arith.addf %add3A_3003, %mul3A_3014 : vector<16xf32>
      %get3A_3016 = arith.constant 14 : i32
      %get3A_3017 = arith.index_cast %get3A_3016 : i32 to index
      %get3A_3018 = arith.constant 64 : index
      %get3A_3019 = tpu.vector_load %arg11[%get3A_3017, %get3A_3018] {strides = array<i32>} : memref<16x90xf32, #tpu.memory_space<vmem>>, vector<1x16xf32>,
      %get3A_3020 = vector.shape_cast %get3A_3019 : vector<1x16xf32> to vector<16xf32>
      %get3A_3021 = arith.constant 14 : i32
      %get3A_3022 = arith.index_cast %get3A_3021 : i32 to index
      %get3A_3023 = arith.constant 64 : index
      %get3A_3024 = tpu.vector_load %arg12[%get3A_3022, %get3A_3023] {strides = array<i32>} : memref<16x90xf32, #tpu.memory_space<vmem>>, vector<1x16xf32>,
      %get3A_3025 = vector.shape_cast %get3A_3024 : vector<1x16xf32> to vector<16xf32>
      %mul3A_3026 = arith.mulf %get3A_3020, %get3A_3025 : vector<16xf32>
      %add3A_3027 = arith.addf %add3A_3015, %mul3A_3026 : vector<16xf32>
      %get3A_3028 = arith.constant 14 : i32
      %get3A_3029 = arith.index_cast %get3A_3028 : i32 to index
      %get3A_3030 = arith.constant 74 : index
      %get3A_3031 = tpu.vector_load %arg11[%get3A_3029, %get3A_3030] {strides = array<i32>} : memref<16x90xf32, #tpu.memory_space<vmem>>, vector<1x16xf32>,
      %get3A_3032 = vector.shape_cast %get3A_3031 : vector<1x16xf32> to vector<16xf32>
      %get3A_3033 = arith.constant 14 : i32
      %get3A_3034 = arith.index_cast %get3A_3033 : i32 to index
      %get3A_3035 = arith.constant 74 : index
      %get3A_3036 = tpu.vector_load %arg12[%get3A_3034, %get3A_3035] {strides = array<i32>} : memref<16x90xf32, #tpu.memory_space<vmem>>, vector<1x16xf32>,
      %get3A_3037 = vector.shape_cast %get3A_3036 : vector<1x16xf32> to vector<16xf32>
      %mul3A_3038 = arith.mulf %get3A_3032, %get3A_3037 : vector<16xf32>
      %jit3A_3039 = arith.constant 0.000000e+00 : f32
      %broadcast_in_dim3A_3040 = vector.broadcast %jit3A_3039 : f32 to vector<16xf32>
      %select_n3A_3041 = arith.select %ge3A_82, %mul3A_3038, %broadcast_in_dim3A_3040 : vector<16xi1>, vector<16xf32>
      %add3A_3042 = arith.addf %add3A_3027, %select_n3A_3041 : vector<16xf32>
      %xor3A_3043 = arith.constant 8 : i32
      %xor3A_3044 = vector.broadcast %xor3A_3043 : i32 to vector<16xi32>
      %xor3A_3045 = arith.xori %iota3A, %xor3A_3044 : vector<16xi32>
      %lt3A_3046 = arith.constant 0 : i32
      %lt3A_3047 = vector.broadcast %lt3A_3046 : i32 to vector<16xi32>
      %lt3A_3048 = arith.cmpi slt, %xor3A_3045, %lt3A_3047 : vector<16xi32>
      %add3A_3049 = arith.constant 16 : i32
      %add3A_3050 = vector.broadcast %add3A_3049 : i32 to vector<16xi32>
      %add3A_3051 = arith.addi %xor3A_3045, %add3A_3050 : vector<16xi32>
      %select_n3A_3052 = arith.select %lt3A_3048, %add3A_3051, %xor3A_3045 : vector<16xi1>, vector<16xi32>
      %broadcast_in_dim3A_3053 = vector.shape_cast %select_n3A_3052 : vector<16xi32> to vector<16x1xi32>
      %gather3A_3054 = vector.shape_cast %broadcast_in_dim3A_3053 : vector<16x1xi32> to vector<16xi32>
      %gather3A_3055 = tpu.dynamic_gather %add3A_3042[%gather3A_3054] in [0] : vector<16xf32>, vector<16xi32> -> vector<16xf32>
      %add3A_3056 = arith.addf %add3A_3042, %gather3A_3055 : vector<16xf32>
      %xor3A_3057 = arith.constant 4 : i32
      %xor3A_3058 = vector.broadcast %xor3A_3057 : i32 to vector<16xi32>
      %xor3A_3059 = arith.xori %iota3A, %xor3A_3058 : vector<16xi32>
      %lt3A_3060 = arith.constant 0 : i32
      %lt3A_3061 = vector.broadcast %lt3A_3060 : i32 to vector<16xi32>
      %lt3A_3062 = arith.cmpi slt, %xor3A_3059, %lt3A_3061 : vector<16xi32>
      %add3A_3063 = arith.constant 16 : i32
      %add3A_3064 = vector.broadcast %add3A_3063 : i32 to vector<16xi32>
      %add3A_3065 = arith.addi %xor3A_3059, %add3A_3064 : vector<16xi32>
      %select_n3A_3066 = arith.select %lt3A_3062, %add3A_3065, %xor3A_3059 : vector<16xi1>, vector<16xi32>
      %broadcast_in_dim3A_3067 = vector.shape_cast %select_n3A_3066 : vector<16xi32> to vector<16x1xi32>
      %gather3A_3068 = vector.shape_cast %broadcast_in_dim3A_3067 : vector<16x1xi32> to vector<16xi32>
      %gather3A_3069 = tpu.dynamic_gather %add3A_3056[%gather3A_3068] in [0] : vector<16xf32>, vector<16xi32> -> vector<16xf32>
      %add3A_3070 = arith.addf %add3A_3056, %gather3A_3069 : vector<16xf32>
      %xor3A_3071 = arith.constant 2 : i32
      %xor3A_3072 = vector.broadcast %xor3A_3071 : i32 to vector<16xi32>
      %xor3A_3073 = arith.xori %iota3A, %xor3A_3072 : vector<16xi32>
      %lt3A_3074 = arith.constant 0 : i32
      %lt3A_3075 = vector.broadcast %lt3A_3074 : i32 to vector<16xi32>
      %lt3A_3076 = arith.cmpi slt, %xor3A_3073, %lt3A_3075 : vector<16xi32>
      %add3A_3077 = arith.constant 16 : i32
      %add3A_3078 = vector.broadcast %add3A_3077 : i32 to vector<16xi32>
      %add3A_3079 = arith.addi %xor3A_3073, %add3A_3078 : vector<16xi32>
      %select_n3A_3080 = arith.select %lt3A_3076, %add3A_3079, %xor3A_3073 : vector<16xi1>, vector<16xi32>
      %broadcast_in_dim3A_3081 = vector.shape_cast %select_n3A_3080 : vector<16xi32> to vector<16x1xi32>
      %gather3A_3082 = vector.shape_cast %broadcast_in_dim3A_3081 : vector<16x1xi32> to vector<16xi32>
      %gather3A_3083 = tpu.dynamic_gather %add3A_3070[%gather3A_3082] in [0] : vector<16xf32>, vector<16xi32> -> vector<16xf32>
      %add3A_3084 = arith.addf %add3A_3070, %gather3A_3083 : vector<16xf32>
      %xor3A_3085 = arith.constant 1 : i32
      %xor3A_3086 = vector.broadcast %xor3A_3085 : i32 to vector<16xi32>
      %xor3A_3087 = arith.xori %iota3A, %xor3A_3086 : vector<16xi32>
      %lt3A_3088 = arith.constant 0 : i32
      %lt3A_3089 = vector.broadcast %lt3A_3088 : i32 to vector<16xi32>
      %lt3A_3090 = arith.cmpi slt, %xor3A_3087, %lt3A_3089 : vector<16xi32>
      %add3A_3091 = arith.constant 16 : i32
      %add3A_3092 = vector.broadcast %add3A_3091 : i32 to vector<16xi32>
      %add3A_3093 = arith.addi %xor3A_3087, %add3A_3092 : vector<16xi32>
      %select_n3A_3094 = arith.select %lt3A_3090, %add3A_3093, %xor3A_3087 : vector<16xi1>, vector<16xi32>
      %broadcast_in_dim3A_3095 = vector.shape_cast %select_n3A_3094 : vector<16xi32> to vector<16x1xi32>
      %gather3A_3096 = vector.shape_cast %broadcast_in_dim3A_3095 : vector<16x1xi32> to vector<16xi32>
      %gather3A_3097 = tpu.dynamic_gather %add3A_3084[%gather3A_3096] in [0] : vector<16xf32>, vector<16xi32> -> vector<16xf32>
      %add3A_3098 = arith.addf %add3A_3084, %gather3A_3097 : vector<16xf32>
      %eq3A_3099 = arith.constant 14 : i32
      %eq3A_3100 = vector.broadcast %eq3A_3099 : i32 to vector<16xi32>
      %eq3A_3101 = arith.cmpi eq, %iota3A, %eq3A_3100 : vector<16xi32>
      %select_n3A_3102 = arith.select %eq3A_3101, %add3A_3098, %select_n3A_2968 : vector<16xi1>, vector<16xf32>
      %get3A_3103 = arith.constant 15 : i32
      %get3A_3104 = arith.index_cast %get3A_3103 : i32 to index
      %get3A_3105 = arith.constant 0 : index
      %get3A_3106 = tpu.vector_load %arg11[%get3A_3104, %get3A_3105] {strides = array<i32>} : memref<16x90xf32, #tpu.memory_space<vmem>>, vector<1x16xf32>,
      %get3A_3107 = vector.shape_cast %get3A_3106 : vector<1x16xf32> to vector<16xf32>
      %get3A_3108 = arith.constant 15 : i32
      %get3A_3109 = arith.index_cast %get3A_3108 : i32 to index
      %get3A_3110 = arith.constant 0 : index
      %get3A_3111 = tpu.vector_load %arg12[%get3A_3109, %get3A_3110] {strides = array<i32>} : memref<16x90xf32, #tpu.memory_space<vmem>>, vector<1x16xf32>,
      %get3A_3112 = vector.shape_cast %get3A_3111 : vector<1x16xf32> to vector<16xf32>
      %mul3A_3113 = arith.mulf %get3A_3107, %get3A_3112 : vector<16xf32>
      %get3A_3114 = arith.constant 15 : i32
      %get3A_3115 = arith.index_cast %get3A_3114 : i32 to index
      %get3A_3116 = arith.constant 16 : index
      %get3A_3117 = tpu.vector_load %arg11[%get3A_3115, %get3A_3116] {strides = array<i32>} : memref<16x90xf32, #tpu.memory_space<vmem>>, vector<1x16xf32>,
      %get3A_3118 = vector.shape_cast %get3A_3117 : vector<1x16xf32> to vector<16xf32>
      %get3A_3119 = arith.constant 15 : i32
      %get3A_3120 = arith.index_cast %get3A_3119 : i32 to index
      %get3A_3121 = arith.constant 16 : index
      %get3A_3122 = tpu.vector_load %arg12[%get3A_3120, %get3A_3121] {strides = array<i32>} : memref<16x90xf32, #tpu.memory_space<vmem>>, vector<1x16xf32>,
      %get3A_3123 = vector.shape_cast %get3A_3122 : vector<1x16xf32> to vector<16xf32>
      %mul3A_3124 = arith.mulf %get3A_3118, %get3A_3123 : vector<16xf32>
      %add3A_3125 = arith.addf %mul3A_3113, %mul3A_3124 : vector<16xf32>
      %get3A_3126 = arith.constant 15 : i32
      %get3A_3127 = arith.index_cast %get3A_3126 : i32 to index
      %get3A_3128 = arith.constant 32 : index
      %get3A_3129 = tpu.vector_load %arg11[%get3A_3127, %get3A_3128] {strides = array<i32>} : memref<16x90xf32, #tpu.memory_space<vmem>>, vector<1x16xf32>,
      %get3A_3130 = vector.shape_cast %get3A_3129 : vector<1x16xf32> to vector<16xf32>
      %get3A_3131 = arith.constant 15 : i32
      %get3A_3132 = arith.index_cast %get3A_3131 : i32 to index
      %get3A_3133 = arith.constant 32 : index
      %get3A_3134 = tpu.vector_load %arg12[%get3A_3132, %get3A_3133] {strides = array<i32>} : memref<16x90xf32, #tpu.memory_space<vmem>>, vector<1x16xf32>,
      %get3A_3135 = vector.shape_cast %get3A_3134 : vector<1x16xf32> to vector<16xf32>
      %mul3A_3136 = arith.mulf %get3A_3130, %get3A_3135 : vector<16xf32>
      %add3A_3137 = arith.addf %add3A_3125, %mul3A_3136 : vector<16xf32>
      %get3A_3138 = arith.constant 15 : i32
      %get3A_3139 = arith.index_cast %get3A_3138 : i32 to index
      %get3A_3140 = arith.constant 48 : index
      %get3A_3141 = tpu.vector_load %arg11[%get3A_3139, %get3A_3140] {strides = array<i32>} : memref<16x90xf32, #tpu.memory_space<vmem>>, vector<1x16xf32>,
      %get3A_3142 = vector.shape_cast %get3A_3141 : vector<1x16xf32> to vector<16xf32>
      %get3A_3143 = arith.constant 15 : i32
      %get3A_3144 = arith.index_cast %get3A_3143 : i32 to index
      %get3A_3145 = arith.constant 48 : index
      %get3A_3146 = tpu.vector_load %arg12[%get3A_3144, %get3A_3145] {strides = array<i32>} : memref<16x90xf32, #tpu.memory_space<vmem>>, vector<1x16xf32>,
      %get3A_3147 = vector.shape_cast %get3A_3146 : vector<1x16xf32> to vector<16xf32>
      %mul3A_3148 = arith.mulf %get3A_3142, %get3A_3147 : vector<16xf32>
      %add3A_3149 = arith.addf %add3A_3137, %mul3A_3148 : vector<16xf32>
      %get3A_3150 = arith.constant 15 : i32
      %get3A_3151 = arith.index_cast %get3A_3150 : i32 to index
      %get3A_3152 = arith.constant 64 : index
      %get3A_3153 = tpu.vector_load %arg11[%get3A_3151, %get3A_3152] {strides = array<i32>} : memref<16x90xf32, #tpu.memory_space<vmem>>, vector<1x16xf32>,
      %get3A_3154 = vector.shape_cast %get3A_3153 : vector<1x16xf32> to vector<16xf32>
      %get3A_3155 = arith.constant 15 : i32
      %get3A_3156 = arith.index_cast %get3A_3155 : i32 to index
      %get3A_3157 = arith.constant 64 : index
      %get3A_3158 = tpu.vector_load %arg12[%get3A_3156, %get3A_3157] {strides = array<i32>} : memref<16x90xf32, #tpu.memory_space<vmem>>, vector<1x16xf32>,
      %get3A_3159 = vector.shape_cast %get3A_3158 : vector<1x16xf32> to vector<16xf32>
      %mul3A_3160 = arith.mulf %get3A_3154, %get3A_3159 : vector<16xf32>
      %add3A_3161 = arith.addf %add3A_3149, %mul3A_3160 : vector<16xf32>
      %get3A_3162 = arith.constant 15 : i32
      %get3A_3163 = arith.index_cast %get3A_3162 : i32 to index
      %get3A_3164 = arith.constant 74 : index
      %get3A_3165 = tpu.vector_load %arg11[%get3A_3163, %get3A_3164] {strides = array<i32>} : memref<16x90xf32, #tpu.memory_space<vmem>>, vector<1x16xf32>,
      %get3A_3166 = vector.shape_cast %get3A_3165 : vector<1x16xf32> to vector<16xf32>
      %get3A_3167 = arith.constant 15 : i32
      %get3A_3168 = arith.index_cast %get3A_3167 : i32 to index
      %get3A_3169 = arith.constant 74 : index
      %get3A_3170 = tpu.vector_load %arg12[%get3A_3168, %get3A_3169] {strides = array<i32>} : memref<16x90xf32, #tpu.memory_space<vmem>>, vector<1x16xf32>,
      %get3A_3171 = vector.shape_cast %get3A_3170 : vector<1x16xf32> to vector<16xf32>
      %mul3A_3172 = arith.mulf %get3A_3166, %get3A_3171 : vector<16xf32>
      %jit3A_3173 = arith.constant 0.000000e+00 : f32
      %broadcast_in_dim3A_3174 = vector.broadcast %jit3A_3173 : f32 to vector<16xf32>
      %select_n3A_3175 = arith.select %ge3A_82, %mul3A_3172, %broadcast_in_dim3A_3174 : vector<16xi1>, vector<16xf32>
      %add3A_3176 = arith.addf %add3A_3161, %select_n3A_3175 : vector<16xf32>
      %xor3A_3177 = arith.constant 8 : i32
      %xor3A_3178 = vector.broadcast %xor3A_3177 : i32 to vector<16xi32>
      %xor3A_3179 = arith.xori %iota3A, %xor3A_3178 : vector<16xi32>
      %lt3A_3180 = arith.constant 0 : i32
      %lt3A_3181 = vector.broadcast %lt3A_3180 : i32 to vector<16xi32>
      %lt3A_3182 = arith.cmpi slt, %xor3A_3179, %lt3A_3181 : vector<16xi32>
      %add3A_3183 = arith.constant 16 : i32
      %add3A_3184 = vector.broadcast %add3A_3183 : i32 to vector<16xi32>
      %add3A_3185 = arith.addi %xor3A_3179, %add3A_3184 : vector<16xi32>
      %select_n3A_3186 = arith.select %lt3A_3182, %add3A_3185, %xor3A_3179 : vector<16xi1>, vector<16xi32>
      %broadcast_in_dim3A_3187 = vector.shape_cast %select_n3A_3186 : vector<16xi32> to vector<16x1xi32>
      %gather3A_3188 = vector.shape_cast %broadcast_in_dim3A_3187 : vector<16x1xi32> to vector<16xi32>
      %gather3A_3189 = tpu.dynamic_gather %add3A_3176[%gather3A_3188] in [0] : vector<16xf32>, vector<16xi32> -> vector<16xf32>
      %add3A_3190 = arith.addf %add3A_3176, %gather3A_3189 : vector<16xf32>
      %xor3A_3191 = arith.constant 4 : i32
      %xor3A_3192 = vector.broadcast %xor3A_3191 : i32 to vector<16xi32>
      %xor3A_3193 = arith.xori %iota3A, %xor3A_3192 : vector<16xi32>
      %lt3A_3194 = arith.constant 0 : i32
      %lt3A_3195 = vector.broadcast %lt3A_3194 : i32 to vector<16xi32>
      %lt3A_3196 = arith.cmpi slt, %xor3A_3193, %lt3A_3195 : vector<16xi32>
      %add3A_3197 = arith.constant 16 : i32
      %add3A_3198 = vector.broadcast %add3A_3197 : i32 to vector<16xi32>
      %add3A_3199 = arith.addi %xor3A_3193, %add3A_3198 : vector<16xi32>
      %select_n3A_3200 = arith.select %lt3A_3196, %add3A_3199, %xor3A_3193 : vector<16xi1>, vector<16xi32>
      %broadcast_in_dim3A_3201 = vector.shape_cast %select_n3A_3200 : vector<16xi32> to vector<16x1xi32>
      %gather3A_3202 = vector.shape_cast %broadcast_in_dim3A_3201 : vector<16x1xi32> to vector<16xi32>
      %gather3A_3203 = tpu.dynamic_gather %add3A_3190[%gather3A_3202] in [0] : vector<16xf32>, vector<16xi32> -> vector<16xf32>
      %add3A_3204 = arith.addf %add3A_3190, %gather3A_3203 : vector<16xf32>
      %xor3A_3205 = arith.constant 2 : i32
      %xor3A_3206 = vector.broadcast %xor3A_3205 : i32 to vector<16xi32>
      %xor3A_3207 = arith.xori %iota3A, %xor3A_3206 : vector<16xi32>
      %lt3A_3208 = arith.constant 0 : i32
      %lt3A_3209 = vector.broadcast %lt3A_3208 : i32 to vector<16xi32>
      %lt3A_3210 = arith.cmpi slt, %xor3A_3207, %lt3A_3209 : vector<16xi32>
      %add3A_3211 = arith.constant 16 : i32
      %add3A_3212 = vector.broadcast %add3A_3211 : i32 to vector<16xi32>
      %add3A_3213 = arith.addi %xor3A_3207, %add3A_3212 : vector<16xi32>
      %select_n3A_3214 = arith.select %lt3A_3210, %add3A_3213, %xor3A_3207 : vector<16xi1>, vector<16xi32>
      %broadcast_in_dim3A_3215 = vector.shape_cast %select_n3A_3214 : vector<16xi32> to vector<16x1xi32>
      %gather3A_3216 = vector.shape_cast %broadcast_in_dim3A_3215 : vector<16x1xi32> to vector<16xi32>
      %gather3A_3217 = tpu.dynamic_gather %add3A_3204[%gather3A_3216] in [0] : vector<16xf32>, vector<16xi32> -> vector<16xf32>
      %add3A_3218 = arith.addf %add3A_3204, %gather3A_3217 : vector<16xf32>
      %xor3A_3219 = arith.constant 1 : i32
      %xor3A_3220 = vector.broadcast %xor3A_3219 : i32 to vector<16xi32>
      %xor3A_3221 = arith.xori %iota3A, %xor3A_3220 : vector<16xi32>
      %lt3A_3222 = arith.constant 0 : i32
      %lt3A_3223 = vector.broadcast %lt3A_3222 : i32 to vector<16xi32>
      %lt3A_3224 = arith.cmpi slt, %xor3A_3221, %lt3A_3223 : vector<16xi32>
      %add3A_3225 = arith.constant 16 : i32
      %add3A_3226 = vector.broadcast %add3A_3225 : i32 to vector<16xi32>
      %add3A_3227 = arith.addi %xor3A_3221, %add3A_3226 : vector<16xi32>
      %select_n3A_3228 = arith.select %lt3A_3224, %add3A_3227, %xor3A_3221 : vector<16xi1>, vector<16xi32>
      %broadcast_in_dim3A_3229 = vector.shape_cast %select_n3A_3228 : vector<16xi32> to vector<16x1xi32>
      %gather3A_3230 = vector.shape_cast %broadcast_in_dim3A_3229 : vector<16x1xi32> to vector<16xi32>
      %gather3A_3231 = tpu.dynamic_gather %add3A_3218[%gather3A_3230] in [0] : vector<16xf32>, vector<16xi32> -> vector<16xf32>
      %add3A_3232 = arith.addf %add3A_3218, %gather3A_3231 : vector<16xf32>
      %eq3A_3233 = arith.constant 15 : i32
      %eq3A_3234 = vector.broadcast %eq3A_3233 : i32 to vector<16xi32>
      %eq3A_3235 = arith.cmpi eq, %iota3A, %eq3A_3234 : vector<16xi32>
      %select_n3A_3236 = arith.select %eq3A_3235, %add3A_3232, %select_n3A_3102 : vector<16xi1>, vector<16xf32>
      %mul3A_3237 = arith.constant 16 : i32
      %mul3A_3238 = arith.muli %scan3A_159, %mul3A_3237 : i32
      %swap3A = arith.index_cast %mul3A_3238 : i32 to index
      %swap3A_3239 = tpu.vector_load %arg15[%swap3A] {strides = array<i32>} : memref<512xf32, #tpu.memory_space<vmem>>, vector<16xf32>,
      %swap3A_3240 = vector.shape_cast %swap3A_3239 : vector<16xf32> to vector<16xf32>
      %swap3A_3241 = vector.shape_cast %select_n3A_3236 : vector<16xf32> to vector<16xf32>
      tpu.vector_store %arg15[%swap3A], %swap3A_3241 {strides = array<i32>} : memref<512xf32, #tpu.memory_space<vmem>>, vector<16xf32>,
      %scan3A_3242 = arith.constant 0 : i32
      scf.yield %scan3A_3242 : i32
    }
    %scan3A_88 = arith.constant 32 : i32
    %dma_wait3A = arith.constant 0 : i32
    %dma_wait3A_89 = arith.constant 0 : i32
    %dma_wait3A_90 = tpu.memref_slice %arg13[%dma_wait3A_89] : memref<512xf32, #tpu.memory_space<vmem>> -> memref<128xf32, #tpu.memory_space<vmem>>
    %dma_wait3A_91 = arith.constant 0 : i32
    %dma_wait3A_92 = tpu.memref_slice %arg9[%dma_wait3A, %dma_wait3A_91] : memref<4x128xi32, #tpu.memory_space<vmem>> -> memref<1x128xi32, #tpu.memory_space<vmem>>
    %dma_wait3A_93 = tpu.memref_squeeze %dma_wait3A_92 : memref<1x128xi32, #tpu.memory_space<vmem>> -> memref<128xi32, #tpu.memory_space<vmem>>
    %dma_wait3A_94 = arith.constant 0 : i32
    %dma_wait3A_95 = tpu.memref_slice %arg6[%dma_wait3A_94] : memref<1000000xf32, #tpu.memory_space<hbm>> -> memref<1000000xf32, #tpu.memory_space<hbm>>
    tpu.wait_indirect_dma semaphore(%arg18 : memref<!tpu.dma_semaphore, #tpu.memory_space<semaphore_mem>>) src(%dma_wait3A_95 : memref<1000000xf32, #tpu.memory_space<hbm>>) dst(%dma_wait3A_90 : memref<128xf32, #tpu.memory_space<vmem>>)
    %dma_wait3A_96 = arith.constant 0 : i32
    %dma_wait3A_97 = arith.constant 0 : i32
    %dma_wait3A_98 = tpu.memref_slice %arg14[%dma_wait3A_97] : memref<512xf32, #tpu.memory_space<vmem>> -> memref<128xf32, #tpu.memory_space<vmem>>
    %dma_wait3A_99 = arith.constant 0 : i32
    %dma_wait3A_100 = tpu.memref_slice %arg10[%dma_wait3A_96, %dma_wait3A_99] : memref<4x128xi32, #tpu.memory_space<vmem>> -> memref<1x128xi32, #tpu.memory_space<vmem>>
    %dma_wait3A_101 = tpu.memref_squeeze %dma_wait3A_100 : memref<1x128xi32, #tpu.memory_space<vmem>> -> memref<128xi32, #tpu.memory_space<vmem>>
    %dma_wait3A_102 = arith.constant 0 : i32
    %dma_wait3A_103 = tpu.memref_slice %arg7[%dma_wait3A_102] : memref<100000xf32, #tpu.memory_space<hbm>> -> memref<100000xf32, #tpu.memory_space<hbm>>
    tpu.wait_indirect_dma semaphore(%arg18 : memref<!tpu.dma_semaphore, #tpu.memory_space<semaphore_mem>>) src(%dma_wait3A_103 : memref<100000xf32, #tpu.memory_space<hbm>>) dst(%dma_wait3A_98 : memref<128xf32, #tpu.memory_space<vmem>>)
    %dma_wait3A_104 = arith.constant 1 : i32
    %dma_wait3A_105 = arith.constant 128 : i32
    %dma_wait3A_106 = tpu.memref_slice %arg13[%dma_wait3A_105] : memref<512xf32, #tpu.memory_space<vmem>> -> memref<128xf32, #tpu.memory_space<vmem>>
    %dma_wait3A_107 = arith.constant 0 : i32
    %dma_wait3A_108 = tpu.memref_slice %arg9[%dma_wait3A_104, %dma_wait3A_107] : memref<4x128xi32, #tpu.memory_space<vmem>> -> memref<1x128xi32, #tpu.memory_space<vmem>>
    %dma_wait3A_109 = tpu.memref_squeeze %dma_wait3A_108 : memref<1x128xi32, #tpu.memory_space<vmem>> -> memref<128xi32, #tpu.memory_space<vmem>>
    %dma_wait3A_110 = arith.constant 0 : i32
    %dma_wait3A_111 = tpu.memref_slice %arg6[%dma_wait3A_110] : memref<1000000xf32, #tpu.memory_space<hbm>> -> memref<1000000xf32, #tpu.memory_space<hbm>>
    tpu.wait_indirect_dma semaphore(%arg18 : memref<!tpu.dma_semaphore, #tpu.memory_space<semaphore_mem>>) src(%dma_wait3A_111 : memref<1000000xf32, #tpu.memory_space<hbm>>) dst(%dma_wait3A_106 : memref<128xf32, #tpu.memory_space<vmem>>)
    %dma_wait3A_112 = arith.constant 1 : i32
    %dma_wait3A_113 = arith.constant 128 : i32
    %dma_wait3A_114 = tpu.memref_slice %arg14[%dma_wait3A_113] : memref<512xf32, #tpu.memory_space<vmem>> -> memref<128xf32, #tpu.memory_space<vmem>>
    %dma_wait3A_115 = arith.constant 0 : i32
    %dma_wait3A_116 = tpu.memref_slice %arg10[%dma_wait3A_112, %dma_wait3A_115] : memref<4x128xi32, #tpu.memory_space<vmem>> -> memref<1x128xi32, #tpu.memory_space<vmem>>
    %dma_wait3A_117 = tpu.memref_squeeze %dma_wait3A_116 : memref<1x128xi32, #tpu.memory_space<vmem>> -> memref<128xi32, #tpu.memory_space<vmem>>
    %dma_wait3A_118 = arith.constant 0 : i32
    %dma_wait3A_119 = tpu.memref_slice %arg7[%dma_wait3A_118] : memref<100000xf32, #tpu.memory_space<hbm>> -> memref<100000xf32, #tpu.memory_space<hbm>>
    tpu.wait_indirect_dma semaphore(%arg18 : memref<!tpu.dma_semaphore, #tpu.memory_space<semaphore_mem>>) src(%dma_wait3A_119 : memref<100000xf32, #tpu.memory_space<hbm>>) dst(%dma_wait3A_114 : memref<128xf32, #tpu.memory_space<vmem>>)
    %dma_wait3A_120 = arith.constant 2 : i32
    %dma_wait3A_121 = arith.constant 256 : i32
    %dma_wait3A_122 = tpu.memref_slice %arg13[%dma_wait3A_121] : memref<512xf32, #tpu.memory_space<vmem>> -> memref<128xf32, #tpu.memory_space<vmem>>
    %dma_wait3A_123 = arith.constant 0 : i32
    %dma_wait3A_124 = tpu.memref_slice %arg9[%dma_wait3A_120, %dma_wait3A_123] : memref<4x128xi32, #tpu.memory_space<vmem>> -> memref<1x128xi32, #tpu.memory_space<vmem>>
    %dma_wait3A_125 = tpu.memref_squeeze %dma_wait3A_124 : memref<1x128xi32, #tpu.memory_space<vmem>> -> memref<128xi32, #tpu.memory_space<vmem>>
    %dma_wait3A_126 = arith.constant 0 : i32
    %dma_wait3A_127 = tpu.memref_slice %arg6[%dma_wait3A_126] : memref<1000000xf32, #tpu.memory_space<hbm>> -> memref<1000000xf32, #tpu.memory_space<hbm>>
    tpu.wait_indirect_dma semaphore(%arg18 : memref<!tpu.dma_semaphore, #tpu.memory_space<semaphore_mem>>) src(%dma_wait3A_127 : memref<1000000xf32, #tpu.memory_space<hbm>>) dst(%dma_wait3A_122 : memref<128xf32, #tpu.memory_space<vmem>>)
    %dma_wait3A_128 = arith.constant 2 : i32
    %dma_wait3A_129 = arith.constant 256 : i32
    %dma_wait3A_130 = tpu.memref_slice %arg14[%dma_wait3A_129] : memref<512xf32, #tpu.memory_space<vmem>> -> memref<128xf32, #tpu.memory_space<vmem>>
    %dma_wait3A_131 = arith.constant 0 : i32
    %dma_wait3A_132 = tpu.memref_slice %arg10[%dma_wait3A_128, %dma_wait3A_131] : memref<4x128xi32, #tpu.memory_space<vmem>> -> memref<1x128xi32, #tpu.memory_space<vmem>>
    %dma_wait3A_133 = tpu.memref_squeeze %dma_wait3A_132 : memref<1x128xi32, #tpu.memory_space<vmem>> -> memref<128xi32, #tpu.memory_space<vmem>>
    %dma_wait3A_134 = arith.constant 0 : i32
    %dma_wait3A_135 = tpu.memref_slice %arg7[%dma_wait3A_134] : memref<100000xf32, #tpu.memory_space<hbm>> -> memref<100000xf32, #tpu.memory_space<hbm>>
    tpu.wait_indirect_dma semaphore(%arg18 : memref<!tpu.dma_semaphore, #tpu.memory_space<semaphore_mem>>) src(%dma_wait3A_135 : memref<100000xf32, #tpu.memory_space<hbm>>) dst(%dma_wait3A_130 : memref<128xf32, #tpu.memory_space<vmem>>)
    %dma_wait3A_136 = arith.constant 3 : i32
    %dma_wait3A_137 = arith.constant 384 : i32
    %dma_wait3A_138 = tpu.memref_slice %arg13[%dma_wait3A_137] : memref<512xf32, #tpu.memory_space<vmem>> -> memref<128xf32, #tpu.memory_space<vmem>>
    %dma_wait3A_139 = arith.constant 0 : i32
    %dma_wait3A_140 = tpu.memref_slice %arg9[%dma_wait3A_136, %dma_wait3A_139] : memref<4x128xi32, #tpu.memory_space<vmem>> -> memref<1x128xi32, #tpu.memory_space<vmem>>
    %dma_wait3A_141 = tpu.memref_squeeze %dma_wait3A_140 : memref<1x128xi32, #tpu.memory_space<vmem>> -> memref<128xi32, #tpu.memory_space<vmem>>
    %dma_wait3A_142 = arith.constant 0 : i32
    %dma_wait3A_143 = tpu.memref_slice %arg6[%dma_wait3A_142] : memref<1000000xf32, #tpu.memory_space<hbm>> -> memref<1000000xf32, #tpu.memory_space<hbm>>
    tpu.wait_indirect_dma semaphore(%arg18 : memref<!tpu.dma_semaphore, #tpu.memory_space<semaphore_mem>>) src(%dma_wait3A_143 : memref<1000000xf32, #tpu.memory_space<hbm>>) dst(%dma_wait3A_138 : memref<128xf32, #tpu.memory_space<vmem>>)
    %dma_wait3A_144 = arith.constant 3 : i32
    %dma_wait3A_145 = arith.constant 384 : i32
    %dma_wait3A_146 = tpu.memref_slice %arg14[%dma_wait3A_145] : memref<512xf32, #tpu.memory_space<vmem>> -> memref<128xf32, #tpu.memory_space<vmem>>
    %dma_wait3A_147 = arith.constant 0 : i32
    %dma_wait3A_148 = tpu.memref_slice %arg10[%dma_wait3A_144, %dma_wait3A_147] : memref<4x128xi32, #tpu.memory_space<vmem>> -> memref<1x128xi32, #tpu.memory_space<vmem>>
    %dma_wait3A_149 = tpu.memref_squeeze %dma_wait3A_148 : memref<1x128xi32, #tpu.memory_space<vmem>> -> memref<128xi32, #tpu.memory_space<vmem>>
    %dma_wait3A_150 = arith.constant 0 : i32
    %dma_wait3A_151 = tpu.memref_slice %arg7[%dma_wait3A_150] : memref<100000xf32, #tpu.memory_space<hbm>> -> memref<100000xf32, #tpu.memory_space<hbm>>
    tpu.wait_indirect_dma semaphore(%arg18 : memref<!tpu.dma_semaphore, #tpu.memory_space<semaphore_mem>>) src(%dma_wait3A_151 : memref<100000xf32, #tpu.memory_space<hbm>>) dst(%dma_wait3A_146 : memref<128xf32, #tpu.memory_space<vmem>>)
    %scan3A_152 = arith.constant 0 : i32
    %scan3A_153 = arith.constant 0 : i32
    %scan3A_154 = arith.constant 32 : i32
    %scan3A_155 = arith.addi %scan3A_153, %scan3A_154 : i32
    %scan3A_156 = arith.constant 4 : i32
    %scan3A_157 = scf.for %scan3A_159 = %scan3A_153 to %scan3A_155 step %scan3A_156 iter_args(%scan3A_160 = %scan3A_152) -> (i32)  : i32 {
      %mul3A_161 = arith.constant 16 : i32
      %mul3A_162 = arith.muli %scan3A_159, %mul3A_161 : i32
      %get3A = arith.index_cast %mul3A_162 : i32 to index
      %get3A_163 = tpu.vector_load %arg15[%get3A] {strides = array<i32>} : memref<512xf32, #tpu.memory_space<vmem>>, vector<16xf32>,
      %get3A_164 = vector.shape_cast %get3A_163 : vector<16xf32> to vector<16xf32>
      %get3A_165 = arith.index_cast %mul3A_162 : i32 to index
      %get3A_166 = tpu.vector_load %arg13[%get3A_165] {strides = array<i32>} : memref<512xf32, #tpu.memory_space<vmem>>, vector<16xf32>,
      %get3A_167 = vector.shape_cast %get3A_166 : vector<16xf32> to vector<16xf32>
      %add3A_168 = arith.addf %get3A_164, %get3A_167 : vector<16xf32>
      %get3A_169 = arith.index_cast %mul3A_162 : i32 to index
      %get3A_170 = tpu.vector_load %arg14[%get3A_169] {strides = array<i32>} : memref<512xf32, #tpu.memory_space<vmem>>, vector<16xf32>,
      %get3A_171 = vector.shape_cast %get3A_170 : vector<16xf32> to vector<16xf32>
      %add3A_172 = arith.addf %add3A_168, %get3A_171 : vector<16xf32>
      %add3A_173 = arith.constant 3.500000e+00 : f32
      %add3A_174 = vector.broadcast %add3A_173 : f32 to vector<16xf32>
      %add3A_175 = arith.addf %add3A_172, %add3A_174 : vector<16xf32>
      %swap3A = arith.index_cast %mul3A_162 : i32 to index
      %swap3A_176 = tpu.vector_load %arg15[%swap3A] {strides = array<i32>} : memref<512xf32, #tpu.memory_space<vmem>>, vector<16xf32>,
      %swap3A_177 = vector.shape_cast %swap3A_176 : vector<16xf32> to vector<16xf32>
      %swap3A_178 = vector.shape_cast %add3A_175 : vector<16xf32> to vector<16xf32>
      tpu.vector_store %arg15[%swap3A], %swap3A_178 {strides = array<i32>} : memref<512xf32, #tpu.memory_space<vmem>>, vector<16xf32>,
      %scan3A_179 = arith.constant 0 : i32
      %scan3A_180 = arith.constant 1 : i32
      %scan3A_181 = arith.addi %scan3A_159, %scan3A_180 : i32
      %mul3A_182 = arith.constant 16 : i32
      %mul3A_183 = arith.muli %scan3A_181, %mul3A_182 : i32
      %get3A_184 = arith.index_cast %mul3A_183 : i32 to index
      %get3A_185 = tpu.vector_load %arg15[%get3A_184] {strides = array<i32>} : memref<512xf32, #tpu.memory_space<vmem>>, vector<16xf32>,
      %get3A_186 = vector.shape_cast %get3A_185 : vector<16xf32> to vector<16xf32>
      %get3A_187 = arith.index_cast %mul3A_183 : i32 to index
      %get3A_188 = tpu.vector_load %arg13[%get3A_187] {strides = array<i32>} : memref<512xf32, #tpu.memory_space<vmem>>, vector<16xf32>,
      %get3A_189 = vector.shape_cast %get3A_188 : vector<16xf32> to vector<16xf32>
      %add3A_190 = arith.addf %get3A_186, %get3A_189 : vector<16xf32>
      %get3A_191 = arith.index_cast %mul3A_183 : i32 to index
      %get3A_192 = tpu.vector_load %arg14[%get3A_191] {strides = array<i32>} : memref<512xf32, #tpu.memory_space<vmem>>, vector<16xf32>,
      %get3A_193 = vector.shape_cast %get3A_192 : vector<16xf32> to vector<16xf32>
      %add3A_194 = arith.addf %add3A_190, %get3A_193 : vector<16xf32>
      %add3A_195 = arith.constant 3.500000e+00 : f32
      %add3A_196 = vector.broadcast %add3A_195 : f32 to vector<16xf32>
      %add3A_197 = arith.addf %add3A_194, %add3A_196 : vector<16xf32>
      %swap3A_198 = arith.index_cast %mul3A_183 : i32 to index
      %swap3A_199 = tpu.vector_load %arg15[%swap3A_198] {strides = array<i32>} : memref<512xf32, #tpu.memory_space<vmem>>, vector<16xf32>,
      %swap3A_200 = vector.shape_cast %swap3A_199 : vector<16xf32> to vector<16xf32>
      %swap3A_201 = vector.shape_cast %add3A_197 : vector<16xf32> to vector<16xf32>
      tpu.vector_store %arg15[%swap3A_198], %swap3A_201 {strides = array<i32>} : memref<512xf32, #tpu.memory_space<vmem>>, vector<16xf32>,
      %scan3A_202 = arith.constant 0 : i32
      %scan3A_203 = arith.constant 2 : i32
      %scan3A_204 = arith.addi %scan3A_159, %scan3A_203 : i32
      %mul3A_205 = arith.constant 16 : i32
      %mul3A_206 = arith.muli %scan3A_204, %mul3A_205 : i32
      %get3A_207 = arith.index_cast %mul3A_206 : i32 to index
      %get3A_208 = tpu.vector_load %arg15[%get3A_207] {strides = array<i32>} : memref<512xf32, #tpu.memory_space<vmem>>, vector<16xf32>,
      %get3A_209 = vector.shape_cast %get3A_208 : vector<16xf32> to vector<16xf32>
      %get3A_210 = arith.index_cast %mul3A_206 : i32 to index
      %get3A_211 = tpu.vector_load %arg13[%get3A_210] {strides = array<i32>} : memref<512xf32, #tpu.memory_space<vmem>>, vector<16xf32>,
      %get3A_212 = vector.shape_cast %get3A_211 : vector<16xf32> to vector<16xf32>
      %add3A_213 = arith.addf %get3A_209, %get3A_212 : vector<16xf32>
      %get3A_214 = arith.index_cast %mul3A_206 : i32 to index
      %get3A_215 = tpu.vector_load %arg14[%get3A_214] {strides = array<i32>} : memref<512xf32, #tpu.memory_space<vmem>>, vector<16xf32>,
      %get3A_216 = vector.shape_cast %get3A_215 : vector<16xf32> to vector<16xf32>
      %add3A_217 = arith.addf %add3A_213, %get3A_216 : vector<16xf32>
      %add3A_218 = arith.constant 3.500000e+00 : f32
      %add3A_219 = vector.broadcast %add3A_218 : f32 to vector<16xf32>
      %add3A_220 = arith.addf %add3A_217, %add3A_219 : vector<16xf32>
      %swap3A_221 = arith.index_cast %mul3A_206 : i32 to index
      %swap3A_222 = tpu.vector_load %arg15[%swap3A_221] {strides = array<i32>} : memref<512xf32, #tpu.memory_space<vmem>>, vector<16xf32>,
      %swap3A_223 = vector.shape_cast %swap3A_222 : vector<16xf32> to vector<16xf32>
      %swap3A_224 = vector.shape_cast %add3A_220 : vector<16xf32> to vector<16xf32>
      tpu.vector_store %arg15[%swap3A_221], %swap3A_224 {strides = array<i32>} : memref<512xf32, #tpu.memory_space<vmem>>, vector<16xf32>,
      %scan3A_225 = arith.constant 0 : i32
      %scan3A_226 = arith.constant 3 : i32
      %scan3A_227 = arith.addi %scan3A_159, %scan3A_226 : i32
      %mul3A_228 = arith.constant 16 : i32
      %mul3A_229 = arith.muli %scan3A_227, %mul3A_228 : i32
      %get3A_230 = arith.index_cast %mul3A_229 : i32 to index
      %get3A_231 = tpu.vector_load %arg15[%get3A_230] {strides = array<i32>} : memref<512xf32, #tpu.memory_space<vmem>>, vector<16xf32>,
      %get3A_232 = vector.shape_cast %get3A_231 : vector<16xf32> to vector<16xf32>
      %get3A_233 = arith.index_cast %mul3A_229 : i32 to index
      %get3A_234 = tpu.vector_load %arg13[%get3A_233] {strides = array<i32>} : memref<512xf32, #tpu.memory_space<vmem>>, vector<16xf32>,
      %get3A_235 = vector.shape_cast %get3A_234 : vector<16xf32> to vector<16xf32>
      %add3A_236 = arith.addf %get3A_232, %get3A_235 : vector<16xf32>
      %get3A_237 = arith.index_cast %mul3A_229 : i32 to index
      %get3A_238 = tpu.vector_load %arg14[%get3A_237] {strides = array<i32>} : memref<512xf32, #tpu.memory_space<vmem>>, vector<16xf32>,
      %get3A_239 = vector.shape_cast %get3A_238 : vector<16xf32> to vector<16xf32>
      %add3A_240 = arith.addf %add3A_236, %get3A_239 : vector<16xf32>
      %add3A_241 = arith.constant 3.500000e+00 : f32
      %add3A_242 = vector.broadcast %add3A_241 : f32 to vector<16xf32>
      %add3A_243 = arith.addf %add3A_240, %add3A_242 : vector<16xf32>
      %swap3A_244 = arith.index_cast %mul3A_229 : i32 to index
      %swap3A_245 = tpu.vector_load %arg15[%swap3A_244] {strides = array<i32>} : memref<512xf32, #tpu.memory_space<vmem>>, vector<16xf32>,
      %swap3A_246 = vector.shape_cast %swap3A_245 : vector<16xf32> to vector<16xf32>
      %swap3A_247 = vector.shape_cast %add3A_243 : vector<16xf32> to vector<16xf32>
      tpu.vector_store %arg15[%swap3A_244], %swap3A_247 {strides = array<i32>} : memref<512xf32, #tpu.memory_space<vmem>>, vector<16xf32>,
      %scan3A_248 = arith.constant 0 : i32
      scf.yield %scan3A_248 : i32
    }
    %scan3A_158 = arith.constant 32 : i32
    "tpu.region"() ({
      %run_scoped3A_159 = tpu.sem_alloc : memref<!tpu.dma_semaphore, #tpu.memory_space<semaphore_mem>>
      %dma_start3A_160 = tpu.memref_slice %arg8[%mul3A_2] : memref<16384xf32, #tpu.memory_space<hbm>> -> memref<512xf32, #tpu.memory_space<hbm>>
      %dma_start3A_161 = tpu.memref_slice %arg8[%mul3A_2] : memref<16384xf32, #tpu.memory_space<hbm>> -> memref<512xf32, #tpu.memory_space<hbm>>
      tpu.enqueue_dma source(%arg15 : memref<512xf32, #tpu.memory_space<vmem>>) target(%dma_start3A_161 : memref<512xf32, #tpu.memory_space<hbm>>) target_semaphore(%run_scoped3A_159 : memref<!tpu.dma_semaphore, #tpu.memory_space<semaphore_mem>>)
      %dma_wait3A_162 = tpu.memref_slice %arg8[%mul3A_2] : memref<16384xf32, #tpu.memory_space<hbm>> -> memref<512xf32, #tpu.memory_space<hbm>>
      %dma_wait3A_163 = tpu.memref_slice %arg8[%mul3A_2] : memref<16384xf32, #tpu.memory_space<hbm>> -> memref<512xf32, #tpu.memory_space<hbm>>
      tpu.wait_dma2 semaphore(%run_scoped3A_159 : memref<!tpu.dma_semaphore, #tpu.memory_space<semaphore_mem>>) src(%arg15 : memref<512xf32, #tpu.memory_space<vmem>>) dst(%dma_wait3A_163 : memref<512xf32, #tpu.memory_space<hbm>>)
      tpu.yield
    }) : () -> ()
    return
  }
}

</mosaic_0001>

<sc_bundles>
// kernel: _lfm.3.cloned.1.call-start
scs
__scs_entry_jumppad:
0x0: {  	(pc) =	sbr.rel $0x88, $3  }
0x1: {  	(tag) =	ssettag $0x0;
	lr =	simm.s32 $0x1  }
0x2: {  	[smem:$0x3F9B] =	sst lr;
	_ =	strace $0xD0000000  }
0x3: {  	_ = 	snop  }
0x4: {  	_ = 	snop  }
0x5: {  	_ = 	snop  }
0x6: {  	_ = 	snop  }
0x7: {  	_ = 	snop  }
__scs_overlays_trampoline_lowered:
0x8: {  	[smem:$0x3FAA] =	sst s0  }
0x9: {  	[smem:$0x3FAB] =	sst s1  }
0xa: {  	[smem:$0x3FAC] =	sst s2  }
0xb: {  	[smem:$0x3FAD] =	sst s3  }
0xc: {  	[smem:$0x3FAE] =	sst s4  }
0xd: {  	[smem:$0x3FAF] =	sst s5  }
0xe: {  	[smem:$0x3FB0] =	sst s6  }
0xf: {  	[smem:$0x3FB1] =	sst s7  }
0x10: {  	[smem:$0x3FB2] =	sst s8  }
0x11: {  	[smem:$0x3FB3] =	sst s9;
	s0 =	simm.s32 @!p0 $0x0  }
0x12: {  	s1 =	sld [smem:$0x3F99];
	s0 =	simm.s32 @p0 $0x1  }
0x13: {  	[smem:$0x3FB4] =	sst s0;
	s0 =	simm.s32 @!p1 $0x0  }
0x14: {  	s2 =	sld [smem:$0x3F98];
	s0 =	simm.s32 @p1 $0x1  }
0x15: {  	[smem:$0x3FB5] =	sst s0;
	s0 =	simm.s32 @!p2 $0x0  }
0x16: {  	s3 =	sld [smem:$0x3FDB];
	s0 =	simm.s32 @p2 $0x1  }
0x17: {  	s4 =	simm.s32 $0x1BF5;
	[smem:$0x3FB7] =	sst s0  }
0x18: {  	s0 =	sld [smem:$0x3F9A];
	_ =	swait.ge [sflag:s4], $0x0  }
0x19: {  	s7 =	sld [smem:$0x3F9B]  }
0x1a: {  	s8 =	sadd.s32 $0xFFFFE003, lr  }
0x1b: {  	s9 =	sadd.s32 $0xFFFFFEF7, lr;
	s5 =	simm.s32 $0xFFFFFFFF;
	p2 =	slt.u32 s8, $0xFFFFF086  }
0x1c: {  	p1 =	slt.u32 s9, $0xF7A;
	s5 =	simm.s32 @!p2 $0x0  }
0x1d: {  	s5 =	simm.s32 @p1 $0x1;
	p0 =	seq.s32 s7, s2  }
0x1e: {  	s7 =	smul.u32 @!p0 $0xF7A, s2;
	p2 =	seq.s32 @!p0 s5, $0x0  }
0x1f: {  	s9 =	smul.u32 $0xF7A, s1;
	s8 =	simm.s32 @!p0 $0x1BF5;
	p2 =	por !p2, p0  }
0x20: {  	[sflag:s8] =	ssyncset.s32 @!p0 $0xFFFFF086;
	s6 =	sadd.s32 @!p0 s3, s7;
	s7 =	simm.s32 @!p0 $0x108  }
0x21: {  	s3 =	sadd.s32 s3, s9;
	s6 =	sadd.s32 @!p0 $0x88, s6;
	s7 =	simm.s32 @p2 $0x1082  }
0x22: {  	[simem:s7], [sflag:s8] =	dma.local @!p0 [hbm:s6], $0xF7A  }
0x23: {  	s9 =	sor.u32 $0xD0000000, s2;
	s6 =	simm.s32 $0x108;
	_ =	swait.ge @!p0 [sflag:s8], $0x0  }
0x24: {  	s3 =	sadd.s32 $0x88, s3;
	s6 =	simm.s32 @!p1 $0x1082;
	[sflag:s4] =	ssyncset.s32 $0xFFFFF086  }
0x25: {  	[simem:s6], [sflag:s4] =	dma.local [hbm:s3], $0xF7A  }
0x26: {  	[smem:$0x3F9B] =	sst s1;
	(tag) =	ssettag s2;
	_ =	strace s9  }
0x27: {  	s1 =	sld [smem:$0x3FAB]  }
0x28: {  	s2 =	sld [smem:$0x3FAC]  }
0x29: {  	s4 =	sld [smem:$0x3FAE]  }
0x2a: {  	p0 =	seq.s32 s5, $0x0;
	s5 =	sld [smem:$0x3FAF]  }
0x2b: {  	s6 =	sld [smem:$0x3FB0]  }
0x2c: {  	s7 =	sld [smem:$0x3FB1]  }
0x2d: {  	s3 =	simm.s32 $0x108;
	s8 =	sld [smem:$0x3FB2]  }
0x2e: {  	s3 =	simm.s32 @!p0 $0x1082;
	s9 =	sld [smem:$0x3FB3]  }
0x2f: {  	lr =	sadd.s32 s0, s3;
	s0 =	sld [smem:$0x3FAA]  }
0x30: {  	s3 =	sld [smem:$0x3FAD]  }
0x31: {  	[smem:$0x3FB6] =	sst s10  }
0x32: {  	s10 =	sld [smem:$0x3FB4];
	_ =	sdelay $0x3  }
0x33: {  	p0 =	seq.s32 s10, $0x1;
	s10 =	sld [smem:$0x3FB6];
	_ =	sdelay $0x3  }
0x34: {  	[smem:$0x3FB6] =	sst s10  }
0x35: {  	s10 =	sld [smem:$0x3FB5];
	_ =	sdelay $0x3  }
0x36: {  	p1 =	seq.s32 s10, $0x1;
	s10 =	sld [smem:$0x3FB6];
	_ =	sdelay $0x3  }
0x37: {  	[smem:$0x3FB6] =	sst s10  }
0x38: {  	s10 =	sld [smem:$0x3FB7]  }
0x39: {  	_ = 	snop;
	(pc) =	sbr.ind lr, $3  }
0x3a: {  	_ = 	snop  }
0x3b: {  	_ = 	snop  }
0x3c: {  	p2 =	seq.s32 s10, $0x1;
	s10 =	sld [smem:$0x3FB6]  }
0x3d: {  	_ =	shalt  }
0x3e: {  	_ =	shalt  }
0x3f: {  	_ =	shalt  }
0x40: {  	_ =	shalt  }
0x41: {  	_ =	shalt  }
0x42: {  	_ =	shalt  }
0x43: {  	_ =	shalt  }
0x44: {  	_ =	shalt  }
0x45: {  	_ =	shalt  }
0x46: {  	_ =	shalt  }
0x47: {  	_ =	shalt  }
0x48: {  	_ =	shalt  }
0x49: {  	_ =	shalt  }
0x4a: {  	_ =	shalt  }
0x4b: {  	_ =	shalt  }
0x4c: {  	_ =	shalt  }
0x4d: {  	_ =	shalt  }
0x4e: {  	_ =	shalt  }
0x4f: {  	_ =	shalt  }
0x50: {  	_ =	shalt  }
0x51: {  	_ =	shalt  }
0x52: {  	_ =	shalt  }
0x53: {  	_ =	shalt  }
0x54: {  	_ =	shalt  }
0x55: {  	_ =	shalt  }
0x56: {  	_ =	shalt  }
0x57: {  	_ =	shalt  }
0x58: {  	_ =	shalt  }
0x59: {  	_ =	shalt  }
0x5a: {  	_ =	shalt  }
0x5b: {  	_ =	shalt  }
0x5c: {  	_ =	shalt  }
0x5d: {  	_ =	shalt  }
0x5e: {  	_ =	shalt  }
0x5f: {  	_ =	shalt  }
0x60: {  	_ =	shalt  }
0x61: {  	_ =	shalt  }
0x62: {  	_ =	shalt  }
0x63: {  	_ =	shalt  }
0x64: {  	_ =	shalt  }
0x65: {  	_ =	shalt  }
0x66: {  	_ =	shalt  }
0x67: {  	_ =	shalt  }
0x68: {  	_ =	shalt  }
0x69: {  	_ =	shalt  }
0x6a: {  	_ =	shalt  }
0x6b: {  	_ =	shalt  }
0x6c: {  	_ =	shalt  }
0x6d: {  	_ =	shalt  }
0x6e: {  	_ =	shalt  }
0x6f: {  	_ =	shalt  }
0x70: {  	_ =	shalt  }
0x71: {  	_ =	shalt  }
0x72: {  	_ =	shalt  }
0x73: {  	_ =	shalt  }
0x74: {  	_ =	shalt  }
0x75: {  	_ =	shalt  }
0x76: {  	_ =	shalt  }
0x77: {  	_ =	shalt  }
0x78: {  	_ =	shalt  }
0x79: {  	_ =	shalt  }
0x7a: {  	_ =	shalt  }
0x7b: {  	_ =	shalt  }
0x7c: {  	_ =	shalt  }
0x7d: {  	_ =	shalt  }
0x7e: {  	_ =	shalt  }
0x7f: {  	_ =	shalt  }
0x80: {  	_ =	shalt  }
0x81: {  	_ =	shalt  }
0x82: {  	_ =	shalt  }
0x83: {  	_ =	shalt  }
0x84: {  	_ =	shalt  }
0x85: {  	_ =	shalt  }
0x86: {  	_ =	shalt  }
0x87: {  	_ =	shalt  }
.Lfunc_end0:
.L_simem_size_0:
called_computation_lowered:
.L_overlay_start_0:
0x88: {  	s2 =	sld [smem:$0x3FD9]  }
0x89: {  	s3 =	sld [smem:$0x3FFE];
	_ =	sdelay $0x1  }
0x8a: {  	s1 =	srdreg.scid  }
0x8b: {  	s0 =	sand.u32 $0x1, s1  }
0x8c: {  	s17 =	sshll.u32 s0, $0xA;
	s2 =	sadd.s32 s3, s2  }
0x8d: {  	s2 =	sadd.s32 s2, s17  }
0x8e: {  	[smem:$0x3FC2] =	sst s2  }
0x8f: {  	_ = 	snop  }
0x90: {  	s2 =	sld [smem:$0x3FC9]  }
0x91: {  	s18 =	sld [smem:$0x3FC8]  }
0x92: {  	s4 =	sld [smem:$0x3FC5]  }
0x93: {  	s5 =	sld [smem:$0x3FC4]  }
0x94: {  	s6 =	sld [smem:$0x3FD0];
	(tm) =	ssettm $0x1  }
0x95: {  	s7 =	sld [smem:$0x3FFB];
	_ =	sdelay $0x3  }
0x96: {  	_ =	strace s7  }
0x97: {  	s7 =	sld [smem:$0x3FFC];
	_ =	sdelay $0x3  }
0x98: {  	_ =	strace s7  }
0x99: {  	s7 =	sld [smem:$0x3FFD];
	_ =	sdelay $0x3  }
0x9a: {  	_ =	strace s7  }
0x9b: {  	_ =	strace $0x8FFFFFFF  }
0x9c: {  	s19 =	sld [smem:$0x3FDB];
	_ =	sdelay $0x1  }
0x9d: {  	s8 =	simm.s32 $_scs_section_size  }
0x9e: {  	s9 =	simm.s32 $_size__tile_overlayer_lowered;
	s10 =	simm.s32 $_tile_overlayer_lowered  }
0x9f: {  	s22 =	simm.s32 $0x1BFF;
	s21 =	sshll.u32 s10, $0x1;
	s7 =	sadd.s32 s8, s19  }
0xa0: {  	s11 =	simm.s32 $0x0;
	s20 =	sshll.u32 s9, $0x1;
	s9 =	sadd.s32 s21, s7  }
0xa1: {  	[timem:s11], [sflag:s22] =	dma.local [hbm:s9], s20  }
0xa2: {  	_ =	swait.ge [sflag:s22], s20  }
0xa3: {  	s8 =	ssub.s32 $0x0, s20;
	[sflag:s22] =	ssyncset.done $0x0  }
0xa4: {  	[sflag:s22] =	ssyncadd.s32 s8;
	_ =	sdelay $0x1  }
0xa5: {  	s23 =	simm.s32 $0x1B8B  }
0xa6: {  	_ =	swait.ge [sflag:s23], $0x1  }
0xa7: {  	[sflag:s23] =	ssyncset.done $0x0  }
0xa8: {  	s25 =	simm.s32 $0x1B8E;
	s24 =	sld [smem:$0x3FFE];
	[sflag:s23] =	ssyncadd.s32 $0xFFFFFFFF  }
0xa9: {  	s26 =	simm.s32 $execute0_lowered;
	[smem:$0x3FD2] =	sst s25  }
0xaa: {  	s9 =	sshll.u32 s26, $0x1;
	_ =	strace $0x80000046;
	[dreg:$0x1] =	wrdreg $0xFFFFFFFF  }
0xab: {  	s28 =	simm.s32 $_size_execute0_lowered;
	s7 =	sadd.s32 s7, s9;
	[dreg:$0x0] =	wrdreg $0x0  }
0xac: {  	s9 =	sshll.u32 s28, $0x1;
	[dreg:$0x2] =	wrdreg s7  }
0xad: {  	[dreg:$0x3] =	wrdreg s9  }
0xae: {  	[dreg:$0x4] =	wrdreg $0xC0  }
0xaf: {  	_ =	task [dreg:s11], $0x5FFFF  }
0xb0: {  	[dreg:$0x1] =	wrdreg $0xFFFFFFFF  }
0xb1: {  	[dreg:$0x0] =	wrdreg $0x60  }
0xb2: {  	[dreg:$0x2] =	wrdreg s2  }
0xb3: {  	[dreg:$0x3] =	wrdreg s18  }
0xb4: {  	[dreg:$0x4] =	wrdreg s24  }
0xb5: {  	[dreg:$0x5] =	wrdreg s4  }
0xb6: {  	[dreg:$0x6] =	wrdreg s5  }
0xb7: {  	[dreg:$0x7] =	wrdreg s6  }
0xb8: {  	[dreg:$0x8] =	wrdreg $0x9  }
0xb9: {  	_ =	task.clear_ibuf [dreg:s11], $0x9FFFF;
	_ =	strace $0x90000046  }
0xba: {  	s29 =	simm.s32 $0x9;
	_ =	strace $0x80000048  }
0xbb: {  	_ =	swait.ge [sflag:s29], $0x1  }
0xbc: {  	[sflag:s29] =	ssyncadd.s32 $0xFFFFFFFF  }
0xbd: {  	_ =	strace $0x90000048  }
0xbe: {  	_ =	sfence  }
0xbf: {  	s30 =	sld [smem:$0x0];
	_ =	sdelay $0x2  }
0xc0: {  	s31 =	sshll.u32 s1, $0xD;
	s1 =	sshrl.u32 s1, $0x2  }
0xc1: {  	s3 =	sand.u32 $0x4000, s31;
	s1 =	sadd.s32 s1, s30  }
0xc2: {  	s0 =	sor.u32 s3, s0;
	s1 =	sshll.u32 s1, $0x11  }
0xc3: {  	s0 =	sor.u32 s1, s0  }
0xc4: {  	s0 =	sadd.s32 $0x8F2B, s0  }
0xc5: {  	[sflag:s0] =	ssyncadd.remote.s32 $0x1  }
0xc6: {  	_ =	sfence.sel $0xFFFF  }
0xc7: {  	[dreg:$0x0] =	wrdreg $0xFFFFFFFF;
	(pc) =	sbr.abs _section_cstart, $3  }
0xc8: {  	[dreg:$0x1] =	wrdreg $0xFFFFFFFF  }
0xc9: {  	_ =	task.clear_ibuf [dreg:s11], $0x2FFFF;
	_ =	strace $0x9FFFFFFF  }
0xca: {  	(tm) =	ssettm $0x7FFFFFFF  }
0xcb: {  	_ =	shalt  }
tec
execute0_lowered:
.L_overlay_start_1:
0x0: {  	(tag) =	ssettag $0x1  }
0x1: {  	s13 =	rddreg [dreg:$0x0]  }
0x2: {  	s6 =	rddreg [dreg:$0x1]  }
0x3: {  	s5 =	rddreg [dreg:$0x2]  }
0x4: {  	s1 =	rddreg [dreg:$0x3]  }
0x5: {  	s2 =	rddreg [dreg:$0x4]  }
0x6: {  	s0 =	rddreg [dreg:$0x5];
	s3 =	simm.s32 $0x0  }
0x7: {  	s7 =	simm.s32 $0x400;
	[smem:$0x7FF] =	sst s3  }
0x8: {  	s26 =	simm.s32 $0xC00;
	_ =	strace $0x80000047;
	[dreg:$0x7] =	wrdreg s7  }
0x9: {  	s29 =	simm.s32 $0x480;
	[dreg:$0x8] =	wrdreg s26  }
0xa: {  	s31 =	simm.s32 $0xC80;
	[dreg:$0x9] =	wrdreg s29  }
0xb: {  	s9 =	simm.s32 $0x500;
	[dreg:$0xa] =	wrdreg s31  }
0xc: {  	s10 =	simm.s32 $0xD00;
	[dreg:$0xb] =	wrdreg s9  }
0xd: {  	s12 =	simm.s32 $0x580;
	[dreg:$0xc] =	wrdreg s10  }
0xe: {  	s14 =	simm.s32 $0xD80;
	[dreg:$0xd] =	wrdreg s12  }
0xf: {  	s15 =	simm.s32 $0x600;
	[dreg:$0xe] =	wrdreg s14  }
0x10: {  	s18 =	simm.s32 $0xE00;
	[dreg:$0xf] =	wrdreg s15  }
0x11: {  	s19 =	simm.s32 $0x680;
	[dreg:$0x10] =	wrdreg s18  }
0x12: {  	s20 =	simm.s32 $0xE80;
	[dreg:$0x11] =	wrdreg s19  }
0x13: {  	s21 =	simm.s32 $0x700;
	[dreg:$0x12] =	wrdreg s20  }
0x14: {  	s8 =	srdreg.scid;
	s22 =	simm.s32 $0xF00;
	[dreg:$0x13] =	wrdreg s21  }
0x15: {  	s11 =	stileid.u32;
	s24 =	simm.s32 $0x780;
	[dreg:$0x14] =	wrdreg s22  }
0x16: {  	s25 =	simm.s32 $0xF80;
	s28 =	simm.s32 $0x3;
	[dreg:$0x15] =	wrdreg s24  }
0x17: {  	s30 =	simm.s32 $0x0;
	[dreg:$0x16] =	wrdreg s25;
	s26 =	simm.s32 $0x800  }
0x18: {  	s4 =	sadd.s32 $0x186E00, s5;
	s14 =	simm.s32 $0x1000;
	[dreg:$0x17] =	wrdreg s26  }
0x19: {  	s5 =	sadd.s32 $0x400, s5;
	s29 =	simm.s32 $0x880;
	[dreg:$0x18] =	wrdreg s14  }
0x1a: {  	s8 =	sand.u32 $0x1, s8;
	s31 =	simm.s32 $0x1080;
	[dreg:$0x19] =	wrdreg s29  }
0x1b: {  	s17 =	sshll.u32 s11, $0x7;
	s18 =	simm.s32 $0x900;
	[dreg:$0x1a] =	wrdreg s31  }
0x1c: {  	v0 =	vimm.s32 $0x76543210;
	v1 =	vimm.s32 $0xFEDCBA98;
	s9 =	ssub.s32 $0x2, s8;
	s19 =	simm.s32 $0x980;
	[dreg:$0x1b] =	wrdreg s18  }
0x1d: {  	v2 =	vimm.s32 $0xBA98FEDC;
	v3 =	vimm.s32 $0x32107654;
	s8 =	sshll.u32 s8, $0x6;
	s20 =	simm.s32 $0x1180;
	[dreg:$0x1d] =	wrdreg s19  }
0x1e: {  	v4 =	vimm.s32 $0xDCFE98BA;
	v5 =	vimm.s32 $0x54761032;
	s21 =	simm.s32 $0xA00;
	s22 =	simm.s32 $0x1200;
	[dreg:$0x1e] =	wrdreg s20  }
0x1f: {  	v6 =	vimm.s32 $0xEFCDAB89;
	v7 =	vimm.s32 $0x67452301;
	s24 =	simm.s32 $0x1280;
	s25 =	simm.s32 $0xB00;
	[dreg:$0x1f] =	wrdreg s21  }
0x20: {  	vm0 =	vmmov $0x3f;
	vm1 =	vmmov $0x1;
	vm2 =	vmmov $0x3;
	s10 =	sshrl.u32 s9, $0x1;
	s15 =	sor.u32 s8, s17;
	[smem:$0x7F7] =	sst s22  }
0x21: {  	vm3 =	vmmov $0x7;
	vm4 =	vmmov $0xf;
	vm5 =	vmmov $0x1f;
	s18 =	simm.s32 $0x1100;
	s19 =	simm.s32 $0x80;
	[smem:$0x7F9] =	sst s24  }
0x22: {  	vm6 =	vmmov $0x7f;
	vm7 =	vmmov $0xff;
	vm8 =	vmmov $0x1ff;
	s20 =	simm.s32 $0x280;
	s21 =	simm.s32 $0x100;
	[smem:$0x7FA] =	sst s25  }
0x23: {  	vm9 =	vmmov $0x3ff;
	vm10 =	vmmov $0x7ff;
	vm11 =	vmmov $0xfff;
	s26 =	simm.s32 $0x1300;
	s22 =	simm.s32 $0x300;
	s29 =	simm.s32 $0xB80  }
0x24: {  	v0 =	vunpack.c.l.s4.s8 v0;
	v1 =	vunpack.c.l.s4.s8 v1;
	v2 =	vunpack.c.l.s4.s8 v2;
	s31 =	simm.s32 $0x1380;
	s24 =	simm.s32 $0x380;
	s25 =	simm.s32 $0x1  }
0x25: {  	v3 =	vunpack.c.l.s4.s8 v3;
	v4 =	vunpack.c.l.s4.s8 v4;
	v5 =	vunpack.c.l.s4.s8 v5;
	s16 =	ssub.s32 s9, s10;
	s7 =	sadd.s32 s13, s15;
	[dreg:$0x1c] =	wrdreg s18  }
0x26: {  	v6 =	vunpack.c.l.s4.s8 v6;
	v7 =	vunpack.c.l.s4.s8 v7;
	v2 =	vunpack.c.0.s8.s32 v2;
	s8 =	sadd.s32 s6, s15;
	s23 =	sor.u32 $0x10, s15;
	[smem:$0x7FB] =	sst s26  }
0x27: {  	v3 =	vunpack.c.0.s8.s32 v3;
	v4 =	vunpack.c.0.s8.s32 v4;
	v5 =	vunpack.c.0.s8.s32 v5;
	s12 =	sor.u32 $0x20, s15;
	s17 =	sor.u32 $0x30, s15;
	[smem:$0x7FC] =	sst s29  }
0x28: {  	v1 =	vunpack.c.0.s8.s32 v1;
	v6 =	vunpack.c.0.s8.s32 v6;
	v7 =	vunpack.c.0.s8.s32 v7;
	s15 =	sadd.s32 s0, s15;
	s18 =	simm.s32 $0x200;
	[smem:$0x7FD] =	sst s31  }
0x29: {  	vm12 =	vmmov $0x1fff;
	v0 =	vunpack.c.0.s8.s32 v0;
	s26 =	simm.s32 $0x2;
	s9 =	sadd.s32 s13, s23;
	s10 =	sadd.s32 s6, s23;
	v2 =	vcombine.low v3, v2  }
0x2a: {  	s11 =	sadd.s32 s13, s12;
	s12 =	sadd.s32 s6, s12;
	s13 =	sadd.s32 s13, s17;
	v3 =	vcombine.low v5, v4;
	v4 =	vcombine.low v7, v6;
	v1 =	vand.u32 $0xF, v1  }
0x2b: {  	vm13 =	vmmov $0x3fff;
	vm14 =	vmmov $0x7fff;
	s14 =	sadd.s32 s6, s17;
	s16 =	smax.u32 s16, $0x1;
	s23 =	simm.s32 $0xA80;
	v47 =	vcombine.low v1, v0  }
0x2c: {  	s17 =	simm.s32 $0x4;
	[smem:$0x7F8] =	sst s23;
	s23 =	simm.s32 $0x180;
	v1 =	vand.u32 $0xF, v2;
	v2 =	vand.u32 $0xF, v3;
	v3 =	vand.u32 $0xF, v4  }
.LBB2_1:
0x2d: {  	[tilespmem:s3], [sflag:$0x4] =	stream.linear.gather [hbm4b:s7+s3], $0x80, $0x38;
	[tilespmem:$0x1A00] =	vst v63  }
0x2e: {  	_ =	swait.ge [sflag:s17], $0x80  }
0x2f: {  	[sflag:s17] =	ssyncset.done $0x0  }
0x30: {  	[sflag:s17] =	ssyncadd.s32 $0xFFFFFF80  }
0x31: {  	[tilespmem:s18], [sflag:$0x4] =	stream.linear.gather [hbm4b:s8+s3], $0x80, $0x38;
	[tilespmem:$0x1A00] =	vst v63  }
0x32: {  	_ =	swait.ge [sflag:s17], $0x80  }
0x33: {  	[sflag:s17] =	ssyncset.done $0x0  }
0x34: {  	[sflag:s17] =	ssyncadd.s32 $0xFFFFFF80  }
0x35: {  	[tilespmem:s19], [sflag:$0x4] =	stream.linear.gather [hbm4b:s9+s3], $0x80, $0x38;
	[tilespmem:$0x1A00] =	vst v63  }
0x36: {  	_ =	swait.ge [sflag:s17], $0x80  }
0x37: {  	[sflag:s17] =	ssyncset.done $0x0  }
0x38: {  	[sflag:s17] =	ssyncadd.s32 $0xFFFFFF80  }
0x39: {  	[tilespmem:s20], [sflag:$0x4] =	stream.linear.gather [hbm4b:s10+s3], $0x80, $0x38;
	[tilespmem:$0x1A00] =	vst v63  }
0x3a: {  	_ =	swait.ge [sflag:s17], $0x80  }
0x3b: {  	[sflag:s17] =	ssyncset.done $0x0  }
0x3c: {  	[sflag:s17] =	ssyncadd.s32 $0xFFFFFF80  }
0x3d: {  	[tilespmem:s21], [sflag:$0x4] =	stream.linear.gather [hbm4b:s11+s3], $0x80, $0x38;
	[tilespmem:$0x1A00] =	vst v63  }
0x3e: {  	_ =	swait.ge [sflag:s17], $0x80  }
0x3f: {  	[sflag:s17] =	ssyncset.done $0x0  }
0x40: {  	[sflag:s17] =	ssyncadd.s32 $0xFFFFFF80  }
0x41: {  	[tilespmem:s22], [sflag:$0x4] =	stream.linear.gather [hbm4b:s12+s3], $0x80, $0x38;
	[tilespmem:$0x1A00] =	vst v63  }
0x42: {  	_ =	swait.ge [sflag:s17], $0x80  }
0x43: {  	[sflag:s17] =	ssyncset.done $0x0  }
0x44: {  	[sflag:s17] =	ssyncadd.s32 $0xFFFFFF80  }
0x45: {  	[tilespmem:s23], [sflag:$0x4] =	stream.linear.gather [hbm4b:s13+s3], $0x80, $0x38;
	[tilespmem:$0x1A00] =	vst v63  }
0x46: {  	_ =	swait.ge [sflag:s17], $0x80  }
0x47: {  	[sflag:s17] =	ssyncset.done $0x0  }
0x48: {  	[sflag:s17] =	ssyncadd.s32 $0xFFFFFF80  }
0x49: {  	[tilespmem:s24], [sflag:$0x4] =	stream.linear.gather [hbm4b:s14+s3], $0x80, $0x38;
	[tilespmem:$0x1A00] =	vst v63  }
0x4a: {  	_ =	swait.ge [sflag:s17], $0x80  }
0x4b: {  	[sflag:s17] =	ssyncset.done $0x0  }
0x4c: {  	s0 =	simm.s32 $0x1400;
	[sflag:s17] =	ssyncadd.s32 $0xFFFFFF80  }
0x4d: {  	[tilespmem:s0], [sflag:$0x3] =	stream.indirect.gather [hbm4b:s1+s19], $0x1, s3, s19, $0xb8;
	[tilespmem:$0x1A00] =	vst v63  }
0x4e: {  	s29 =	simm.s32 $0x1600  }
0x4f: {  	[tilespmem:s29], [sflag:$0x3] =	stream.indirect.gather [hbm4b:s2+s19], $0x1, s18, s19, $0xb8;
	[tilespmem:$0x1A00] =	vst v63  }
0x50: {  	s6 =	simm.s32 $0x1480  }
0x51: {  	[tilespmem:s6], [sflag:$0x3] =	stream.indirect.gather [hbm4b:s1+s19], $0x1, s19, s19, $0xb8;
	[tilespmem:$0x1A00] =	vst v63  }
0x52: {  	s29 =	simm.s32 $0x1680  }
0x53: {  	[tilespmem:s29], [sflag:$0x3] =	stream.indirect.gather [hbm4b:s2+s19], $0x1, s20, s19, $0xb8;
	[tilespmem:$0x1A00] =	vst v63  }
0x54: {  	s6 =	simm.s32 $0x1500  }
0x55: {  	[tilespmem:s6], [sflag:$0x3] =	stream.indirect.gather [hbm4b:s1+s19], $0x1, s21, s19, $0xb8;
	[tilespmem:$0x1A00] =	vst v63  }
0x56: {  	s29 =	simm.s32 $0x1700  }
0x57: {  	[tilespmem:s29], [sflag:$0x3] =	stream.indirect.gather [hbm4b:s2+s19], $0x1, s22, s19, $0xb8;
	[tilespmem:$0x1A00] =	vst v63  }
0x58: {  	s6 =	simm.s32 $0x1580  }
0x59: {  	[tilespmem:s6], [sflag:$0x3] =	stream.indirect.gather [hbm4b:s1+s19], $0x1, s23, s19, $0xb8;
	[tilespmem:$0x1A00] =	vst v63  }
0x5a: {  	s31 =	simm.s32 $0x0;
	s29 =	simm.s32 $0x1780  }
0x5b: {  	[tilespmem:s29], [sflag:$0x3] =	stream.indirect.gather [hbm4b:s2+s19], $0x1, s24, s19, $0xb8;
	[tilespmem:$0x1A00] =	vst v63  }
.LBB2_2:
0x5c: {  	s0 =	sshra.s32 s31, $0x2  }
0x5d: {  	v4 =	vld [tilespmem:s0+$0x0];
	_ =	sdelay $0x3  }
0x5e: {  	v6 =	vld [tilespmem:s0+$0x200]  }
0x5f: {  	v5 =	vshll.u32 v4, $0x4  }
0x60: {  	(v2sf) =	vpush v5, $0x0;
	_ =	sdelay $0x2  }
0x61: {  	v4 =	vshll.u32 v6, $0x4  }
0x62: {  	(v2sf) =	vpush v4, $0x0;
	_ =	sdelay $0x3  }
0x63: {  	(v2sf) =	vpush v5, $0x1;
	_ =	sdelay $0x3  }
0x64: {  	(v2sf) =	vpush v4, $0x1;
	_ =	sdelay $0x2  }
0x65: {  	s6 =	spop (v2sf)  }
0x66: {  	(v2sf) =	vpush v5, $0x2;
	s6 =	sand.u32 $0x1FFFFFF0, s6  }
0x67: {  	s29 =	rddreg [dreg:$0x7];
	s6 =	sadd.s32 s4, s6  }
0x68: {  	[tilespmem:s29], [sflag:$0x1] =	stream.linear.gather [hbm4b:s6+s3], $0x80, $0x38;
	[tilespmem:$0x1A00] =	vst v63  }
0x69: {  	s6 =	spop (v2sf)  }
0x6a: {  	(v2sf) =	vpush v4, $0x2;
	s6 =	sand.u32 $0x1FFFFFF0, s6  }
0x6b: {  	s29 =	rddreg [dreg:$0x8];
	s6 =	sadd.s32 s5, s6  }
0x6c: {  	[tilespmem:s29], [sflag:$0x2] =	stream.linear.gather [hbm4b:s6+s3], $0x80, $0x38;
	[tilespmem:$0x1A00] =	vst v63  }
0x6d: {  	s6 =	spop (v2sf)  }
0x6e: {  	(v2sf) =	vpush v5, $0x3;
	s6 =	sand.u32 $0x1FFFFFF0, s6  }
0x6f: {  	s29 =	rddreg [dreg:$0x9];
	s6 =	sadd.s32 s4, s6  }
0x70: {  	[tilespmem:s29], [sflag:$0x1] =	stream.linear.gather [hbm4b:s6+s3], $0x80, $0x38;
	[tilespmem:$0x1A00] =	vst v63  }
0x71: {  	s6 =	spop (v2sf)  }
0x72: {  	(v2sf) =	vpush v4, $0x3;
	s6 =	sand.u32 $0x1FFFFFF0, s6  }
0x73: {  	s29 =	rddreg [dreg:$0xa];
	s6 =	sadd.s32 s5, s6  }
0x74: {  	[tilespmem:s29], [sflag:$0x2] =	stream.linear.gather [hbm4b:s6+s3], $0x80, $0x38;
	[tilespmem:$0x1A00] =	vst v63  }
0x75: {  	s6 =	spop (v2sf)  }
0x76: {  	(v2sf) =	vpush v5, $0x4;
	s6 =	sand.u32 $0x1FFFFFF0, s6  }
0x77: {  	s29 =	rddreg [dreg:$0xb];
	s6 =	sadd.s32 s4, s6  }
0x78: {  	[tilespmem:s29], [sflag:$0x1] =	stream.linear.gather [hbm4b:s6+s3], $0x80, $0x38;
	[tilespmem:$0x1A00] =	vst v63  }
0x79: {  	s6 =	spop (v2sf)  }
0x7a: {  	(v2sf) =	vpush v4, $0x4;
	s6 =	sand.u32 $0x1FFFFFF0, s6  }
0x7b: {  	s29 =	rddreg [dreg:$0xc];
	s6 =	sadd.s32 s5, s6  }
0x7c: {  	[tilespmem:s29], [sflag:$0x2] =	stream.linear.gather [hbm4b:s6+s3], $0x80, $0x38;
	[tilespmem:$0x1A00] =	vst v63  }
0x7d: {  	s6 =	spop (v2sf)  }
0x7e: {  	(v2sf) =	vpush v5, $0x5;
	s6 =	sand.u32 $0x1FFFFFF0, s6  }
0x7f: {  	s29 =	rddreg [dreg:$0xd];
	s6 =	sadd.s32 s4, s6  }
0x80: {  	[tilespmem:s29], [sflag:$0x1] =	stream.linear.gather [hbm4b:s6+s3], $0x80, $0x38;
	[tilespmem:$0x1A00] =	vst v63  }
0x81: {  	s6 =	spop (v2sf)  }
0x82: {  	(v2sf) =	vpush v4, $0x5;
	s6 =	sand.u32 $0x1FFFFFF0, s6  }
0x83: {  	s29 =	rddreg [dreg:$0xe];
	s6 =	sadd.s32 s5, s6  }
0x84: {  	[tilespmem:s29], [sflag:$0x2] =	stream.linear.gather [hbm4b:s6+s3], $0x80, $0x38;
	[tilespmem:$0x1A00] =	vst v63  }
0x85: {  	s6 =	spop (v2sf)  }
0x86: {  	(v2sf) =	vpush v5, $0x6;
	s6 =	sand.u32 $0x1FFFFFF0, s6  }
0x87: {  	s29 =	rddreg [dreg:$0xf];
	s6 =	sadd.s32 s4, s6  }
0x88: {  	[tilespmem:s29], [sflag:$0x1] =	stream.linear.gather [hbm4b:s6+s3], $0x80, $0x38;
	[tilespmem:$0x1A00] =	vst v63  }
0x89: {  	s6 =	spop (v2sf)  }
0x8a: {  	(v2sf) =	vpush v4, $0x6;
	s6 =	sand.u32 $0x1FFFFFF0, s6  }
0x8b: {  	s29 =	rddreg [dreg:$0x10];
	s6 =	sadd.s32 s5, s6  }
0x8c: {  	[tilespmem:s29], [sflag:$0x2] =	stream.linear.gather [hbm4b:s6+s3], $0x80, $0x38;
	[tilespmem:$0x1A00] =	vst v63  }
0x8d: {  	s6 =	spop (v2sf)  }
0x8e: {  	(v2sf) =	vpush v5, $0x7;
	s6 =	sand.u32 $0x1FFFFFF0, s6  }
0x8f: {  	s29 =	rddreg [dreg:$0x11];
	s6 =	sadd.s32 s4, s6  }
0x90: {  	[tilespmem:s29], [sflag:$0x1] =	stream.linear.gather [hbm4b:s6+s3], $0x80, $0x38;
	[tilespmem:$0x1A00] =	vst v63  }
0x91: {  	s6 =	spop (v2sf)  }
0x92: {  	(v2sf) =	vpush v4, $0x7;
	s6 =	sand.u32 $0x1FFFFFF0, s6  }
0x93: {  	s29 =	rddreg [dreg:$0x12];
	s6 =	sadd.s32 s5, s6  }
0x94: {  	[tilespmem:s29], [sflag:$0x2] =	stream.linear.gather [hbm4b:s6+s3], $0x80, $0x38;
	[tilespmem:$0x1A00] =	vst v63  }
0x95: {  	s6 =	spop (v2sf)  }
0x96: {  	(v2sf) =	vpush v5, $0x8;
	s6 =	sand.u32 $0x1FFFFFF0, s6  }
0x97: {  	s29 =	rddreg [dreg:$0x13];
	s6 =	sadd.s32 s4, s6  }
0x98: {  	[tilespmem:s29], [sflag:$0x1] =	stream.linear.gather [hbm4b:s6+s3], $0x80, $0x38;
	[tilespmem:$0x1A00] =	vst v63  }
0x99: {  	s6 =	spop (v2sf)  }
0x9a: {  	(v2sf) =	vpush v4, $0x8;
	s6 =	sand.u32 $0x1FFFFFF0, s6  }
0x9b: {  	s29 =	rddreg [dreg:$0x14];
	s6 =	sadd.s32 s5, s6  }
0x9c: {  	[tilespmem:s29], [sflag:$0x2] =	stream.linear.gather [hbm4b:s6+s3], $0x80, $0x38;
	[tilespmem:$0x1A00] =	vst v63  }
0x9d: {  	s6 =	spop (v2sf)  }
0x9e: {  	(v2sf) =	vpush v5, $0x9;
	s6 =	sand.u32 $0x1FFFFFF0, s6  }
0x9f: {  	s29 =	rddreg [dreg:$0x15];
	s6 =	sadd.s32 s4, s6  }
0xa0: {  	[tilespmem:s29], [sflag:$0x1] =	stream.linear.gather [hbm4b:s6+s3], $0x80, $0x38;
	[tilespmem:$0x1A00] =	vst v63  }
0xa1: {  	s6 =	spop (v2sf)  }
0xa2: {  	(v2sf) =	vpush v4, $0x9;
	s6 =	sand.u32 $0x1FFFFFF0, s6  }
0xa3: {  	s29 =	rddreg [dreg:$0x16];
	s6 =	sadd.s32 s5, s6  }
0xa4: {  	[tilespmem:s29], [sflag:$0x2] =	stream.linear.gather [hbm4b:s6+s3], $0x80, $0x38;
	[tilespmem:$0x1A00] =	vst v63  }
0xa5: {  	s6 =	spop (v2sf)  }
0xa6: {  	(v2sf) =	vpush v5, $0xA;
	s6 =	sand.u32 $0x1FFFFFF0, s6  }
0xa7: {  	s29 =	rddreg [dreg:$0x17];
	s6 =	sadd.s32 s4, s6  }
0xa8: {  	[tilespmem:s29], [sflag:$0x1] =	stream.linear.gather [hbm4b:s6+s3], $0x80, $0x38;
	[tilespmem:$0x1A00] =	vst v63  }
0xa9: {  	s6 =	spop (v2sf)  }
0xaa: {  	(v2sf) =	vpush v4, $0xA;
	s6 =	sand.u32 $0x1FFFFFF0, s6  }
0xab: {  	s29 =	rddreg [dreg:$0x18];
	s6 =	sadd.s32 s5, s6  }
0xac: {  	[tilespmem:s29], [sflag:$0x2] =	stream.linear.gather [hbm4b:s6+s3], $0x80, $0x38;
	[tilespmem:$0x1A00] =	vst v63  }
0xad: {  	s6 =	spop (v2sf)  }
0xae: {  	(v2sf) =	vpush v5, $0xB;
	s6 =	sand.u32 $0x1FFFFFF0, s6  }
0xaf: {  	s29 =	rddreg [dreg:$0x19];
	s6 =	sadd.s32 s4, s6  }
0xb0: {  	[tilespmem:s29], [sflag:$0x1] =	stream.linear.gather [hbm4b:s6+s3], $0x80, $0x38;
	[tilespmem:$0x1A00] =	vst v63  }
0xb1: {  	s6 =	spop (v2sf)  }
0xb2: {  	(v2sf) =	vpush v4, $0xB;
	s6 =	sand.u32 $0x1FFFFFF0, s6  }
0xb3: {  	s29 =	rddreg [dreg:$0x1a];
	s6 =	sadd.s32 s5, s6  }
0xb4: {  	[tilespmem:s29], [sflag:$0x2] =	stream.linear.gather [hbm4b:s6+s3], $0x80, $0x38;
	[tilespmem:$0x1A00] =	vst v63  }
0xb5: {  	s6 =	spop (v2sf)  }
0xb6: {  	(v2sf) =	vpush v5, $0xC;
	s6 =	sand.u32 $0x1FFFFFF0, s6  }
0xb7: {  	s29 =	rddreg [dreg:$0x1b];
	s6 =	sadd.s32 s4, s6  }
0xb8: {  	[tilespmem:s29], [sflag:$0x1] =	stream.linear.gather [hbm4b:s6+s3], $0x80, $0x38;
	[tilespmem:$0x1A00] =	vst v63  }
0xb9: {  	s6 =	spop (v2sf)  }
0xba: {  	(v2sf) =	vpush v4, $0xC;
	s6 =	sand.u32 $0x1FFFFFF0, s6  }
0xbb: {  	s29 =	rddreg [dreg:$0x1c];
	s6 =	sadd.s32 s5, s6  }
0xbc: {  	[tilespmem:s29], [sflag:$0x2] =	stream.linear.gather [hbm4b:s6+s3], $0x80, $0x38;
	[tilespmem:$0x1A00] =	vst v63  }
0xbd: {  	s6 =	spop (v2sf)  }
0xbe: {  	(v2sf) =	vpush v5, $0xD;
	s6 =	sand.u32 $0x1FFFFFF0, s6  }
0xbf: {  	s29 =	rddreg [dreg:$0x1d];
	s6 =	sadd.s32 s4, s6  }
0xc0: {  	[tilespmem:s29], [sflag:$0x1] =	stream.linear.gather [hbm4b:s6+s3], $0x80, $0x38;
	[tilespmem:$0x1A00] =	vst v63  }
0xc1: {  	s6 =	spop (v2sf)  }
0xc2: {  	(v2sf) =	vpush v4, $0xD;
	s6 =	sand.u32 $0x1FFFFFF0, s6  }
0xc3: {  	s29 =	rddreg [dreg:$0x1e];
	s6 =	sadd.s32 s5, s6  }
0xc4: {  	[tilespmem:s29], [sflag:$0x2] =	stream.linear.gather [hbm4b:s6+s3], $0x80, $0x38;
	[tilespmem:$0x1A00] =	vst v63  }
0xc5: {  	s6 =	spop (v2sf)  }
0xc6: {  	(v2sf) =	vpush v5, $0xE;
	s6 =	sand.u32 $0x1FFFFFF0, s6  }
0xc7: {  	s29 =	rddreg [dreg:$0x1f];
	s6 =	sadd.s32 s4, s6  }
0xc8: {  	[tilespmem:s29], [sflag:$0x1] =	stream.linear.gather [hbm4b:s6+s3], $0x80, $0x38;
	[tilespmem:$0x1A00] =	vst v63  }
0xc9: {  	s6 =	spop (v2sf);
	s29 =	sld [smem:$0x7F7]  }
0xca: {  	(v2sf) =	vpush v4, $0xE;
	s6 =	sand.u32 $0x1FFFFFF0, s6  }
0xcb: {  	s6 =	sadd.s32 s5, s6  }
0xcc: {  	[tilespmem:s29], [sflag:$0x2] =	stream.linear.gather [hbm4b:s6+s3], $0x80, $0x38;
	[tilespmem:$0x1A00] =	vst v63  }
0xcd: {  	s6 =	spop (v2sf);
	s29 =	sld [smem:$0x7F8]  }
0xce: {  	(v2sf) =	vpush v5, $0xF;
	s6 =	sand.u32 $0x1FFFFFF0, s6  }
0xcf: {  	s6 =	sadd.s32 s4, s6  }
0xd0: {  	[tilespmem:s29], [sflag:$0x1] =	stream.linear.gather [hbm4b:s6+s3], $0x80, $0x38;
	[tilespmem:$0x1A00] =	vst v63  }
0xd1: {  	s6 =	spop (v2sf);
	s29 =	sld [smem:$0x7F9]  }
0xd2: {  	(v2sf) =	vpush v4, $0xF;
	s6 =	sand.u32 $0x1FFFFFF0, s6  }
0xd3: {  	s6 =	sadd.s32 s5, s6  }
0xd4: {  	[tilespmem:s29], [sflag:$0x2] =	stream.linear.gather [hbm4b:s6+s3], $0x80, $0x38;
	[tilespmem:$0x1A00] =	vst v63  }
0xd5: {  	s29 =	sld [smem:$0x7FA];
	s6 =	spop (v2sf)  }
0xd6: {  	s6 =	sand.u32 $0x1FFFFFF0, s6  }
0xd7: {  	s6 =	sadd.s32 s4, s6  }
0xd8: {  	[tilespmem:s29], [sflag:$0x1] =	stream.linear.gather [hbm4b:s6+s3], $0x80, $0x38;
	[tilespmem:$0x1A00] =	vst v63  }
0xd9: {  	s6 =	spop (v2sf);
	s29 =	sld [smem:$0x7FB]  }
0xda: {  	s6 =	sand.u32 $0x1FFFFFF0, s6  }
0xdb: {  	s6 =	sadd.s32 s5, s6  }
0xdc: {  	[tilespmem:s29], [sflag:$0x2] =	stream.linear.gather [hbm4b:s6+s3], $0x80, $0x38;
	[tilespmem:$0x1A00] =	vst v63  }
0xdd: {  	s6 =	spop (v2sf);
	s29 =	sld [smem:$0x7FC]  }
0xde: {  	s6 =	sand.u32 $0x1FFFFFF0, s6  }
0xdf: {  	s6 =	sadd.s32 s4, s6  }
0xe0: {  	[tilespmem:s29], [sflag:$0x1] =	stream.linear.gather [hbm4b:s6+s3], $0x80, $0x38;
	[tilespmem:$0x1A00] =	vst v63  }
0xe1: {  	s6 =	spop (v2sf);
	s29 =	sld [smem:$0x7FD]  }
0xe2: {  	s6 =	sand.u32 $0x1FFFFFF0, s6  }
0xe3: {  	s6 =	sadd.s32 s5, s6  }
0xe4: {  	[tilespmem:s29], [sflag:$0x2] =	stream.linear.gather [hbm4b:s6+s3], $0x80, $0x38;
	[tilespmem:$0x1A00] =	vst v63  }
0xe5: {  	_ =	swait.ge [sflag:s25], $0x80  }
0xe6: {  	[sflag:s25] =	ssyncset.done $0x0  }
0xe7: {  	[sflag:s25] =	ssyncadd.s32 $0xFFFFFF80  }
0xe8: {  	_ =	swait.ge [sflag:s26], $0x80  }
0xe9: {  	[sflag:s26] =	ssyncset.done $0x0  }
0xea: {  	[sflag:s26] =	ssyncadd.s32 $0xFFFFFF80  }
0xeb: {  	_ =	swait.ge [sflag:s25], $0x80  }
0xec: {  	[sflag:s25] =	ssyncset.done $0x0  }
0xed: {  	[sflag:s25] =	ssyncadd.s32 $0xFFFFFF80  }
0xee: {  	_ =	swait.ge [sflag:s26], $0x80  }
0xef: {  	[sflag:s26] =	ssyncset.done $0x0  }
0xf0: {  	[sflag:s26] =	ssyncadd.s32 $0xFFFFFF80  }
0xf1: {  	_ =	swait.ge [sflag:s25], $0x80  }
0xf2: {  	[sflag:s25] =	ssyncset.done $0x0  }
0xf3: {  	[sflag:s25] =	ssyncadd.s32 $0xFFFFFF80  }
0xf4: {  	_ =	swait.ge [sflag:s26], $0x80  }
0xf5: {  	[sflag:s26] =	ssyncset.done $0x0  }
0xf6: {  	[sflag:s26] =	ssyncadd.s32 $0xFFFFFF80  }
0xf7: {  	_ =	swait.ge [sflag:s25], $0x80  }
0xf8: {  	[sflag:s25] =	ssyncset.done $0x0  }
0xf9: {  	[sflag:s25] =	ssyncadd.s32 $0xFFFFFF80  }
0xfa: {  	_ =	swait.ge [sflag:s26], $0x80  }
0xfb: {  	[sflag:s26] =	ssyncset.done $0x0  }
0xfc: {  	[sflag:s26] =	ssyncadd.s32 $0xFFFFFF80  }
0xfd: {  	_ =	swait.ge [sflag:s25], $0x80  }
0xfe: {  	[sflag:s25] =	ssyncset.done $0x0  }
0xff: {  	[sflag:s25] =	ssyncadd.s32 $0xFFFFFF80  }
0x100: {  	_ =	swait.ge [sflag:s26], $0x80  }
0x101: {  	[sflag:s26] =	ssyncset.done $0x0  }
0x102: {  	[sflag:s26] =	ssyncadd.s32 $0xFFFFFF80  }
0x103: {  	_ =	swait.ge [sflag:s25], $0x80  }
0x104: {  	[sflag:s25] =	ssyncset.done $0x0  }
0x105: {  	[sflag:s25] =	ssyncadd.s32 $0xFFFFFF80  }
0x106: {  	_ =	swait.ge [sflag:s26], $0x80  }
0x107: {  	[sflag:s26] =	ssyncset.done $0x0  }
0x108: {  	[sflag:s26] =	ssyncadd.s32 $0xFFFFFF80  }
0x109: {  	_ =	swait.ge [sflag:s25], $0x80  }
0x10a: {  	[sflag:s25] =	ssyncset.done $0x0  }
0x10b: {  	[sflag:s25] =	ssyncadd.s32 $0xFFFFFF80  }
0x10c: {  	_ =	swait.ge [sflag:s26], $0x80  }
0x10d: {  	[sflag:s26] =	ssyncset.done $0x0  }
0x10e: {  	[sflag:s26] =	ssyncadd.s32 $0xFFFFFF80  }
0x10f: {  	_ =	swait.ge [sflag:s25], $0x80  }
0x110: {  	[sflag:s25] =	ssyncset.done $0x0  }
0x111: {  	[sflag:s25] =	ssyncadd.s32 $0xFFFFFF80  }
0x112: {  	_ =	swait.ge [sflag:s26], $0x80  }
0x113: {  	[sflag:s26] =	ssyncset.done $0x0  }
0x114: {  	[sflag:s26] =	ssyncadd.s32 $0xFFFFFF80  }
0x115: {  	_ =	swait.ge [sflag:s25], $0x80  }
0x116: {  	[sflag:s25] =	ssyncset.done $0x0  }
0x117: {  	[sflag:s25] =	ssyncadd.s32 $0xFFFFFF80  }
0x118: {  	_ =	swait.ge [sflag:s26], $0x80  }
0x119: {  	[sflag:s26] =	ssyncset.done $0x0  }
0x11a: {  	[sflag:s26] =	ssyncadd.s32 $0xFFFFFF80  }
0x11b: {  	_ =	swait.ge [sflag:s25], $0x80  }
0x11c: {  	[sflag:s25] =	ssyncset.done $0x0  }
0x11d: {  	[sflag:s25] =	ssyncadd.s32 $0xFFFFFF80  }
0x11e: {  	_ =	swait.ge [sflag:s26], $0x80  }
0x11f: {  	[sflag:s26] =	ssyncset.done $0x0  }
0x120: {  	[sflag:s26] =	ssyncadd.s32 $0xFFFFFF80  }
0x121: {  	_ =	swait.ge [sflag:s25], $0x80  }
0x122: {  	[sflag:s25] =	ssyncset.done $0x0  }
0x123: {  	[sflag:s25] =	ssyncadd.s32 $0xFFFFFF80  }
0x124: {  	_ =	swait.ge [sflag:s26], $0x80  }
0x125: {  	[sflag:s26] =	ssyncset.done $0x0  }
0x126: {  	[sflag:s26] =	ssyncadd.s32 $0xFFFFFF80  }
0x127: {  	_ =	swait.ge [sflag:s25], $0x80  }
0x128: {  	[sflag:s25] =	ssyncset.done $0x0  }
0x129: {  	[sflag:s25] =	ssyncadd.s32 $0xFFFFFF80  }
0x12a: {  	_ =	swait.ge [sflag:s26], $0x80  }
0x12b: {  	[sflag:s26] =	ssyncset.done $0x0  }
0x12c: {  	[sflag:s26] =	ssyncadd.s32 $0xFFFFFF80  }
0x12d: {  	_ =	swait.ge [sflag:s25], $0x80  }
0x12e: {  	[sflag:s25] =	ssyncset.done $0x0  }
0x12f: {  	[sflag:s25] =	ssyncadd.s32 $0xFFFFFF80  }
0x130: {  	_ =	swait.ge [sflag:s26], $0x80  }
0x131: {  	[sflag:s26] =	ssyncset.done $0x0  }
0x132: {  	[sflag:s26] =	ssyncadd.s32 $0xFFFFFF80  }
0x133: {  	_ =	swait.ge [sflag:s25], $0x80  }
0x134: {  	[sflag:s25] =	ssyncset.done $0x0  }
0x135: {  	[sflag:s25] =	ssyncadd.s32 $0xFFFFFF80  }
0x136: {  	_ =	swait.ge [sflag:s26], $0x80  }
0x137: {  	[sflag:s26] =	ssyncset.done $0x0  }
0x138: {  	[sflag:s26] =	ssyncadd.s32 $0xFFFFFF80  }
0x139: {  	_ =	swait.ge [sflag:s25], $0x80  }
0x13a: {  	[sflag:s25] =	ssyncset.done $0x0  }
0x13b: {  	[sflag:s25] =	ssyncadd.s32 $0xFFFFFF80  }
0x13c: {  	_ =	swait.ge [sflag:s26], $0x80  }
0x13d: {  	[sflag:s26] =	ssyncset.done $0x0  }
0x13e: {  	[sflag:s26] =	ssyncadd.s32 $0xFFFFFF80  }
0x13f: {  	_ =	swait.ge [sflag:s25], $0x80  }
0x140: {  	[sflag:s25] =	ssyncset.done $0x0  }
0x141: {  	[sflag:s25] =	ssyncadd.s32 $0xFFFFFF80  }
0x142: {  	_ =	swait.ge [sflag:s26], $0x80  }
0x143: {  	[sflag:s26] =	ssyncset.done $0x0  }
0x144: {  	[sflag:s26] =	ssyncadd.s32 $0xFFFFFF80  }
0x145: {  	v43 =	vld [tilespmem:$0xE40];
	_ =	sdelay $0x4  }
0x146: {  	[tilespmem:$0x1FDB0] =	vst v43;
	v43 =	vld [tilespmem:$0x6A0];
	_ =	sdelay $0x4  }
0x147: {  	[tilespmem:$0x1FDE0] =	vst v43;
	v43 =	vld [tilespmem:$0xEA0];
	_ =	sdelay $0x4  }
0x148: {  	[tilespmem:$0x1FDF0] =	vst v43;
	v43 =	vld [tilespmem:$0x6B0];
	_ =	sdelay $0x4  }
0x149: {  	[tilespmem:$0x1FE00] =	vst v43;
	v43 =	vld [tilespmem:$0xEB0];
	_ =	sdelay $0x4  }
0x14a: {  	[tilespmem:$0x1FE10] =	vst v43;
	v43 =	vld [tilespmem:$0x6C0];
	_ =	sdelay $0x4  }
0x14b: {  	[tilespmem:$0x1FE20] =	vst v43;
	v43 =	vld [tilespmem:$0xEC0];
	_ =	sdelay $0x4  }
0x14c: {  	[tilespmem:$0x1FE30] =	vst v43;
	v43 =	vld [tilespmem:$0x6CA];
	_ =	sdelay $0x4  }
0x14d: {  	[tilespmem:$0x1FE40] =	vst v43;
	v43 =	vld [tilespmem:$0xECA];
	_ =	sdelay $0x4  }
0x14e: {  	[tilespmem:$0x1FE50] =	vst v43;
	v43 =	vld [tilespmem:$0x700];
	_ =	sdelay $0x4  }
0x14f: {  	[tilespmem:$0x1FE60] =	vst v43;
	v43 =	vld [tilespmem:$0xF00];
	_ =	sdelay $0x4  }
0x150: {  	[tilespmem:$0x1FE70] =	vst v43;
	v43 =	vld [tilespmem:$0x710];
	_ =	sdelay $0x4  }
0x151: {  	[tilespmem:$0x1FE80] =	vst v43;
	v43 =	vld [tilespmem:$0xF10];
	_ =	sdelay $0x4  }
0x152: {  	[tilespmem:$0x1FE90] =	vst v43;
	v43 =	vld [tilespmem:$0x720];
	_ =	sdelay $0x4  }
0x153: {  	[tilespmem:$0x1FEA0] =	vst v43;
	v43 =	vld [tilespmem:$0xF20]  }
0x154: {  	v8 =	vld [tilespmem:$0x400]  }
0x155: {  	v9 =	vld [tilespmem:$0xC00]  }
0x156: {  	v14 =	vld [tilespmem:$0x410]  }
0x157: {  	v16 =	vld [tilespmem:$0xC10]  }
0x158: {  	[tilespmem:$0x1FEB0] =	vst v43;
	v43 =	vld [tilespmem:$0x730]  }
0x159: {  	v17 =	vld [tilespmem:$0x420]  }
0x15a: {  	v18 =	vld [tilespmem:$0xC20]  }
0x15b: {  	v20 =	vld [tilespmem:$0x430]  }
0x15c: {  	v25 =	vld [tilespmem:$0xC30]  }
0x15d: {  	[tilespmem:$0x1FF00] =	vst v43;
	v43 =	vld [tilespmem:$0xF30]  }
0x15e: {  	v27 =	vld [tilespmem:$0x440]  }
0x15f: {  	v28 =	vld [tilespmem:$0xC40]  }
0x160: {  	v34 =	vld [tilespmem:$0x44A]  }
0x161: {  	v52 =	vld [tilespmem:$0xC4A]  }
0x162: {  	[tilespmem:$0x1FF10] =	vst v43;
	v43 =	vld [tilespmem:$0x740]  }
0x163: {  	v33 =	vld [tilespmem:$0x480]  }
0x164: {  	v39 =	vld [tilespmem:$0xC80]  }
0x165: {  	v53 =	vld [tilespmem:$0x490]  }
0x166: {  	v54 =	vld [tilespmem:$0xC90]  }
0x167: {  	[tilespmem:$0x1FF40] =	vst v43;
	v43 =	vld [tilespmem:$0xF40]  }
0x168: {  	v55 =	vld [tilespmem:$0x4A0]  }
0x169: {  	v56 =	vld [tilespmem:$0xCA0]  }
0x16a: {  	v57 =	vld [tilespmem:$0x4B0]  }
0x16b: {  	v58 =	vld [tilespmem:$0xCB0]  }
0x16c: {  	[tilespmem:$0x1FF50] =	vst v43;
	v43 =	vld [tilespmem:$0x74A]  }
0x16d: {  	v59 =	vld [tilespmem:$0x4C0]  }
0x16e: {  	v60 =	vld [tilespmem:$0xCC0]  }
0x16f: {  	v61 =	vld [tilespmem:$0x4CA]  }
0x170: {  	v62 =	vld [tilespmem:$0xCCA]  }
0x171: {  	[tilespmem:$0x1FF60] =	vst v43;
	v43 =	vld [tilespmem:$0xF4A]  }
0x172: {  	v63 =	vld [tilespmem:$0x500]  }
0x173: {  	v0 =	vld [tilespmem:$0xD00]  }
0x174: {  	v32 =	vld [tilespmem:$0x510]  }
0x175: {  	v35 =	vld [tilespmem:$0xD10]  }
0x176: {  	[tilespmem:$0x1FF70] =	vst v43;
	v43 =	vld [tilespmem:$0x780]  }
0x177: {  	v36 =	vld [tilespmem:$0x520]  }
0x178: {  	v37 =	vld [tilespmem:$0xD20]  }
0x179: {  	v4 =	vld [tilespmem:$0x530]  }
0x17a: {  	v38 =	vld [tilespmem:$0xD30]  }
0x17b: {  	[tilespmem:$0x1FEC0] =	vst v43;
	v43 =	vld [tilespmem:$0xF80]  }
0x17c: {  	v49 =	vld [tilespmem:$0x540]  }
0x17d: {  	v41 =	vld [tilespmem:$0xD40]  }
0x17e: {  	v50 =	vld [tilespmem:$0x54A]  }
0x17f: {  	v42 =	vld [tilespmem:$0xD4A]  }
0x180: {  	[tilespmem:$0x1FED0] =	vst v43;
	v43 =	vld [tilespmem:$0x790]  }
0x181: {  	v40 =	vld [tilespmem:$0x580]  }
0x182: {  	v29 =	vld [tilespmem:$0xD80]  }
0x183: {  	v31 =	vld [tilespmem:$0x590]  }
0x184: {  	v21 =	vld [tilespmem:$0xD90]  }
0x185: {  	[tilespmem:$0x1FEE0] =	vst v43;
	v43 =	vld [tilespmem:$0xF90]  }
0x186: {  	v7 =	vld [tilespmem:$0x5A0]  }
0x187: {  	v10 =	vld [tilespmem:$0xDA0]  }
0x188: {  	v6 =	vld [tilespmem:$0x5B0]  }
0x189: {  	v5 =	vld [tilespmem:$0xDB0]  }
0x18a: {  	[tilespmem:$0x1FEF0] =	vst v43;
	v43 =	vld [tilespmem:$0x7A0]  }
0x18b: {  	v46 =	vld [tilespmem:$0x5C0]  }
0x18c: {  	v26 =	vld [tilespmem:$0xDC0]  }
0x18d: {  	v23 =	vld [tilespmem:$0x5CA]  }
0x18e: {  	v22 =	vld [tilespmem:$0xDCA]  }
0x18f: {  	[tilespmem:$0x1FF20] =	vst v43;
	v43 =	vld [tilespmem:$0xFA0]  }
0x190: {  	v24 =	vld [tilespmem:$0x600]  }
0x191: {  	v45 =	vld [tilespmem:$0xE00]  }
0x192: {  	v44 =	vld [tilespmem:$0x610]  }
0x193: {  	v48 =	vld [tilespmem:$0xE10]  }
0x194: {  	[tilespmem:$0x1FF30] =	vst v43;
	v43 =	vld [tilespmem:$0x7B0]  }
0x195: {  	v12 =	vld [tilespmem:$0x620]  }
0x196: {  	v11 =	vld [tilespmem:$0xE20]  }
0x197: {  	v13 =	vld [tilespmem:$0x630]  }
0x198: {  	v30 =	vld [tilespmem:$0x640]  }
0x199: {  	[tilespmem:$0x1FF80] =	vst v43;
	v43 =	vld [tilespmem:$0xFB0]  }
0x19a: {  	v19 =	vld [tilespmem:$0x64A]  }
0x19b: {  	v51 =	vld [tilespmem:$0xE30]  }
0x19c: {  	v15 =	vld [tilespmem:$0xE80]  }
0x19d: {  	[tilespmem:$0x1FDA0] =	vst v30;
	v30 =	vld [tilespmem:$0xE4A]  }
0x19e: {  	[tilespmem:$0x1FF90] =	vst v43;
	v43 =	vld [tilespmem:$0x7C0]  }
0x19f: {  	[tilespmem:$0x1FDC0] =	vst v19;
	v19 =	vld [tilespmem:$0x690]  }
0x1a0: {  	[tilespmem:$0x1FD90] =	vst v13;
	v13 =	vld [tilespmem:$0xE90]  }
0x1a1: {  	v8 =	vmul.f32 v9, v8;
	v9 =	vmul.f32 v16, v14;
	v16 =	vld [tilespmem:$0x7CA]  }
0x1a2: {  	v14 =	vld [tilespmem:$0x1000]  }
0x1a3: {  	[tilespmem:$0x1FFA0] =	vst v43;
	v43 =	vld [tilespmem:$0xFC0]  }
0x1a4: {  	v57 =	vmul.f32 v58, v57;
	v0 =	vmul.f32 v0, v63;
	v63 =	vld [tilespmem:$0x8CA]  }
0x1a5: {  	v32 =	vmul.f32 v35, v32;
	v37 =	vmul.f32 v37, v36;
	v36 =	vld [tilespmem:$0x1120]  }
0x1a6: {  	v8 =	vadd.f32 v9, v8;
	v9 =	vmul.f32 v25, v20;
	v25 =	vmul.f32 v39, v33;
	v33 =	vld [tilespmem:$0x810]  }
0x1a7: {  	v29 =	vmul.f32 v29, v40;
	v21 =	vmul.f32 v21, v31;
	v39 =	vld [tilespmem:$0x1010];
	v0 =	vadd.f32 v32, v0  }
0x1a8: {  	v4 =	vmul.f32 v38, v4;
	v20 =	vld [tilespmem:$0x1040];
	[tilespmem:$0x1FFB0] =	vst v43;
	v43 =	vmul.f32 v18, v17  }
0x1a9: {  	v7 =	vmul.f32 v10, v7;
	v21 =	vadd.f32 v21, v29;
	v29 =	vld [tilespmem:$0x1FD90];
	v0 =	vadd.f32 v37, v0  }
0x1aa: {  	v5 =	vmul.f32 v5, v6;
	v37 =	vld [tilespmem:$0x900];
	v8 =	vadd.f32 v43, v8;
	v43 =	vmul.f32 v54, v53  }
0x1ab: {  	v7 =	vadd.f32 v7, v21;
	[tilespmem:$0x1FDD0] =	vst v30;
	v30 =	vld [tilespmem:$0x680];
	v0 =	vadd.f32 v4, v0;
	v53 =	vmul.f32 v28, v27  }
0x1ac: {  	[tilespmem:$0x1FFC0] =	vst v16;
	v16 =	vld [tilespmem:$0x800];
	v54 =	vmul.f32 v56, v55;
	v8 =	vadd.f32 v9, v8;
	v17 =	vadd.f32 v43, v25  }
0x1ad: {  	v4 =	vmul.f32 v41, v49;
	v5 =	vadd.f32 v5, v7;
	v41 =	vld [tilespmem:$0x1100];
	v55 =	vmul.f32 v52, v34  }
0x1ae: {  	v22 =	vmul.f32 v22, v23;
	v49 =	vld [tilespmem:$0x1FDB0];
	v8 =	vadd.f32 v53, v8;
	v56 =	vadd.f32 v54, v17  }
0x1af: {  	v7 =	vmul.f32 v51, v29;
	v51 =	vld [tilespmem:$0x1FDC0];
	v0 =	vadd.f32 v4, v0;
	v58 =	vsel vm0, $0x0, v55  }
0x1b0: {  	v4 =	vld [tilespmem:$0x10CA];
	v43 =	vmul.f32 v60, v59;
	v8 =	vadd.f32 v58, v8;
	v9 =	vadd.f32 v57, v56  }
0x1b1: {  	v16 =	vmul.f32 v14, v16;
	v14 =	vld [tilespmem:$0xA30];
	v57 =	vmul.f32 v62, v61  }
0x1b2: {  	v21 =	vld [tilespmem:$0x1FE00];
	v9 =	vadd.f32 v43, v9;
	v58 =	vperm.xlane v8, v47  }
0x1b3: {  	v32 =	vsel vm0, $0x0, v22;
	v22 =	vld [tilespmem:$0x1FE10];
	v52 =	vsel vm0, $0x0, v57  }
0x1b4: {  	v29 =	vld [tilespmem:$0x1FE20];
	v60 =	vadd.f32 v8, v58;
	v9 =	vadd.f32 v52, v9  }
0x1b5: {  	v18 =	vld [tilespmem:$0xFCA]  }
0x1b6: {  	v27 =	vld [tilespmem:$0x820];
	v61 =	vperm.xlane v60, v1;
	v62 =	vperm.xlane v9, v47  }
0x1b7: {  	v34 =	vld [tilespmem:$0x1020];
	v58 =	vmul.f32 v42, v50  }
0x1b8: {  	v28 =	vld [tilespmem:$0x1030];
	v35 =	vadd.f32 v60, v61;
	v17 =	vadd.f32 v9, v62  }
0x1b9: {  	v25 =	vld [tilespmem:$0x830];
	v60 =	vmul.f32 v45, v24;
	v24 =	vmul.f32 v26, v46;
	v26 =	vsel vm0, $0x0, v58  }
0x1ba: {  	v33 =	vmul.f32 v39, v33;
	v59 =	vld [tilespmem:$0x84A];
	v0 =	vadd.f32 v26, v0  }
0x1bb: {  	v11 =	vmul.f32 v11, v12;
	v55 =	vld [tilespmem:$0x8C0];
	v43 =	vperm.xlane v17, v1;
	v5 =	vadd.f32 v24, v5  }
0x1bc: {  	v16 =	vadd.f32 v33, v16;
	v27 =	vmul.f32 v34, v27;
	v52 =	vld [tilespmem:$0x1FDD0];
	v50 =	vperm.xlane v0, v47  }
0x1bd: {  	v58 =	vld [tilespmem:$0x1FDE0];
	v10 =	vadd.f32 v17, v43;
	v17 =	vmul.f32 v48, v44;
	v5 =	vadd.f32 v32, v5  }
0x1be: {  	v16 =	vadd.f32 v27, v16;
	v40 =	vperm.xlane v35, v2;
	v48 =	vld [tilespmem:$0x1FDA0];
	v0 =	vadd.f32 v0, v50  }
0x1bf: {  	v45 =	vmul.f32 v13, v19;
	v6 =	vadd.f32 v17, v60;
	v60 =	vld [tilespmem:$0x1FDF0];
	v19 =	vperm.xlane v5, v47  }
0x1c0: {  	v31 =	vadd.f32 v35, v40;
	v35 =	vmul.f32 v15, v30;
	v40 =	vld [tilespmem:$0x1FE40];
	v38 =	vperm.xlane v0, v1  }
0x1c1: {  	v15 =	vmul.f32 v52, v51;
	v44 =	vld [tilespmem:$0x1FE50];
	v6 =	vadd.f32 v11, v6;
	v5 =	vadd.f32 v5, v19  }
0x1c2: {  	[tilespmem:$0x1FFD0] =	vst v18;
	v18 =	vld [tilespmem:$0x104A];
	v26 =	vperm.xlane v10, v2;
	v11 =	vadd.f32 v45, v35;
	v0 =	vadd.f32 v0, v38  }
0x1c3: {  	v30 =	vld [tilespmem:$0x1FE30];
	v6 =	vadd.f32 v7, v6;
	v7 =	vmul.f32 v49, v48;
	v45 =	vperm.xlane v5, v1  }
0x1c4: {  	v53 =	vld [tilespmem:$0x880];
	v23 =	vsel vm0, $0x0, v15;
	v10 =	vadd.f32 v10, v26;
	v12 =	vmul.f32 v60, v58  }
0x1c5: {  	v54 =	vld [tilespmem:$0x8B0];
	v38 =	vperm.xlane v0, v2;
	v6 =	vadd.f32 v7, v6;
	v60 =	vadd.f32 v5, v45  }
0x1c6: {  	v34 =	vld [tilespmem:$0xA4A];
	v7 =	vmul.f32 v44, v40;
	v11 =	vadd.f32 v12, v11;
	v12 =	vmul.f32 v22, v21  }
0x1c7: {  	v56 =	vld [tilespmem:$0x840];
	v0 =	vadd.f32 v0, v38;
	v6 =	vadd.f32 v23, v6;
	v44 =	vperm.xlane v60, v2  }
0x1c8: {  	[tilespmem:$0x1FFF0] =	vst v59;
	v59 =	vld [tilespmem:$0x890];
	v40 =	vperm.xlane v10, v3;
	v11 =	vadd.f32 v12, v11;
	v12 =	vmul.f32 v30, v29  }
0x1c9: {  	v27 =	vld [tilespmem:$0x1240];
	v48 =	vperm.xlane v6, v47;
	v13 =	vadd.f32 v60, v44;
	v60 =	vperm.xlane v0, v3  }
0x1ca: {  	v10 =	vadd.f32 v10, v40;
	v40 =	vld [tilespmem:$0x1FE70];
	v11 =	vadd.f32 v12, v11  }
0x1cb: {  	v5 =	vsel vm0, $0x0, v7;
	v12 =	vadd.f32 v6, v48;
	v23 =	vadd.f32 v0, v60;
	v0 =	vld [tilespmem:$0x1FE60]  }
0x1cc: {  	v25 =	vmul.f32 v28, v25;
	v28 =	vld [tilespmem:$0xA90];
	v30 =	vadd.f32 v5, v11  }
0x1cd: {  	v57 =	vld [tilespmem:$0x8A0];
	v45 =	vperm.xlane v12, v1  }
0x1ce: {  	v16 =	vadd.f32 v25, v16;
	v25 =	vld [tilespmem:$0x124A];
	v48 =	vperm.xlane v30, v47  }
0x1cf: {  	v29 =	vperm.xlane v31, v3;
	v22 =	vadd.f32 v12, v45;
	v45 =	vld [tilespmem:$0x1FE90]  }
0x1d0: {  	v19 =	vadd.f32 v30, v48;
	v44 =	vmul.f32 v40, v0;
	v0 =	vld [tilespmem:$0x1FE80]  }
0x1d1: {  	v8 =	vld [tilespmem:$0x1090];
	v15 =	vadd.f32 v31, v29  }
0x1d2: {  	v42 =	vld [tilespmem:$0x910];
	v38 =	vperm.xlane v19, v1  }
0x1d3: {  	[tilespmem:$0x1FFE0] =	vst v56;
	v56 =	vld [tilespmem:$0x1080];
	v10 =	vsel vm1, v15, v10  }
0x1d4: {  	v10 =	vsel vm2, v10, v23;
	v23 =	vadd.f32 v19, v38;
	v38 =	vld [tilespmem:$0x1FEB0]  }
0x1d5: {  	v48 =	vmul.f32 v45, v0;
	v0 =	vld [tilespmem:$0x1FEA0]  }
0x1d6: {  	v9 =	vld [tilespmem:$0x10A0]  }
0x1d7: {  	v61 =	vld [tilespmem:$0x10B0]  }
0x1d8: {  	v62 =	vld [tilespmem:$0x10C0]  }
0x1d9: {  	v40 =	vld [tilespmem:$0x1FED0]  }
0x1da: {  	v19 =	vmul.f32 v38, v0;
	v0 =	vld [tilespmem:$0x1FEC0]  }
0x1db: {  	v46 =	vld [tilespmem:$0x1110]  }
0x1dc: {  	v59 =	vmul.f32 v8, v59;
	v8 =	vld [tilespmem:$0xA40]  }
0x1dd: {  	v24 =	vld [tilespmem:$0x940];
	v26 =	vperm.xlane v22, v2  }
0x1de: {  	v15 =	vadd.f32 v48, v44;
	v44 =	vld [tilespmem:$0x1FEF0]  }
0x1df: {  	v22 =	vadd.f32 v22, v26;
	v26 =	vmul.f32 v40, v0;
	v0 =	vld [tilespmem:$0x1FEE0]  }
0x1e0: {  	v56 =	vmul.f32 v56, v53;
	v53 =	vld [tilespmem:$0x1FFE0];
	v7 =	vperm.xlane v13, v3  }
0x1e1: {  	v43 =	vld [tilespmem:$0x920]  }
0x1e2: {  	v32 =	vld [tilespmem:$0x930];
	v13 =	vadd.f32 v13, v7  }
0x1e3: {  	v45 =	vld [tilespmem:$0x1FF10]  }
0x1e4: {  	v30 =	vsel vm3, v10, v13;
	v13 =	vmul.f32 v44, v0;
	v0 =	vld [tilespmem:$0x1FF00]  }
0x1e5: {  	v51 =	vld [tilespmem:$0x114A]  }
0x1e6: {  	v52 =	vld [tilespmem:$0x980]  }
0x1e7: {  	v50 =	vld [tilespmem:$0x94A]  }
0x1e8: {  	v13 =	vadd.f32 v13, v26;
	v26 =	vld [tilespmem:$0x1FF30]  }
0x1e9: {  	v44 =	vmul.f32 v45, v0;
	v0 =	vld [tilespmem:$0x1FF20]  }
0x1ea: {  	v9 =	vmul.f32 v9, v57;
	v57 =	vld [tilespmem:$0x1FFF0]  }
0x1eb: {  	v17 =	vld [tilespmem:$0x990];
	v48 =	vperm.xlane v23, v2;
	v40 =	vadd.f32 v19, v15  }
0x1ec: {  	v20 =	vmul.f32 v20, v53;
	v53 =	vld [tilespmem:$0xAC0]  }
0x1ed: {  	v45 =	vadd.f32 v23, v48;
	v23 =	vadd.f32 v44, v40;
	v44 =	vld [tilespmem:$0x1FF50]  }
0x1ee: {  	v26 =	vmul.f32 v26, v0;
	v0 =	vld [tilespmem:$0x1FF40]  }
0x1ef: {  	v35 =	vld [tilespmem:$0x1130]  }
0x1f0: {  	v36 =	vmul.f32 v36, v43;
	v43 =	vld [tilespmem:$0x1300]  }
0x1f1: {  	v49 =	vld [tilespmem:$0x1140]  }
0x1f2: {  	v48 =	vld [tilespmem:$0x1FF70]  }
0x1f3: {  	v18 =	vmul.f32 v18, v57;
	v40 =	vmul.f32 v44, v0;
	v0 =	vld [tilespmem:$0x1FF60]  }
0x1f4: {  	v16 =	vadd.f32 v20, v16;
	v58 =	vld [tilespmem:$0x1180]  }
0x1f5: {  	v18 =	vsel vm0, $0x0, v18;
	v21 =	vld [tilespmem:$0x11B0]  }
0x1f6: {  	v16 =	vadd.f32 v18, v16;
	v18 =	vld [tilespmem:$0xAA0]  }
0x1f7: {  	v32 =	vmul.f32 v35, v32;
	v35 =	vld [tilespmem:$0x1310]  }
0x1f8: {  	v44 =	vmul.f32 v48, v0;
	v0 =	vld [tilespmem:$0x1FF80]  }
0x1f9: {  	v48 =	vld [tilespmem:$0x1FF90]  }
0x1fa: {  	v29 =	vld [tilespmem:$0x9CA]  }
0x1fb: {  	v31 =	vld [tilespmem:$0x11CA]  }
0x1fc: {  	v6 =	vld [tilespmem:$0x11A0]  }
0x1fd: {  	v60 =	vld [tilespmem:$0x9C0]  }
0x1fe: {  	v5 =	vld [tilespmem:$0x1190];
	v26 =	vadd.f32 v26, v13;
	v48 =	vmul.f32 v48, v0  }
0x1ff: {  	v0 =	vld [tilespmem:$0x1FFA0]  }
0x200: {  	v39 =	vadd.f32 v48, v26;
	v48 =	vld [tilespmem:$0x1FFB0]  }
0x201: {  	v11 =	vld [tilespmem:$0x9A0]  }
0x202: {  	v7 =	vld [tilespmem:$0x11C0]  }
0x203: {  	v12 =	vld [tilespmem:$0x9B0]  }
0x204: {  	v57 =	vperm.xlane v16, v47;
	v26 =	vld [tilespmem:$0x1FFD0]  }
0x205: {  	v48 =	vmul.f32 v48, v0;
	v0 =	vld [tilespmem:$0x1FFC0]  }
0x206: {  	v16 =	vadd.f32 v16, v57;
	v57 =	vmul.f32 v46, v42;
	v46 =	vld [tilespmem:$0xB00];
	v40 =	vadd.f32 v40, v23  }
0x207: {  	v54 =	vmul.f32 v61, v54;
	v31 =	vmul.f32 v31, v29;
	v29 =	vld [tilespmem:$0x13C0];
	v44 =	vsel vm0, $0x0, v44  }
0x208: {  	v10 =	vld [tilespmem:$0xA00];
	v5 =	vmul.f32 v5, v17;
	v33 =	vadd.f32 v44, v40;
	v44 =	vadd.f32 v59, v56  }
0x209: {  	v17 =	vld [tilespmem:$0x1330];
	v6 =	vmul.f32 v6, v11;
	v7 =	vmul.f32 v7, v60  }
0x20a: {  	v11 =	vld [tilespmem:$0x1340];
	v12 =	vmul.f32 v21, v12;
	v9 =	vadd.f32 v9, v44;
	v0 =	vmul.f32 v26, v0  }
0x20b: {  	v60 =	vld [tilespmem:$0x13B0];
	v38 =	vperm.xlane v22, v3;
	v59 =	vmul.f32 v62, v55;
	v39 =	vadd.f32 v48, v39  }
0x20c: {  	v21 =	vld [tilespmem:$0x134A];
	v9 =	vadd.f32 v54, v9;
	v48 =	vperm.xlane v33, v47;
	v0 =	vsel vm0, $0x0, v0  }
0x20d: {  	v4 =	vmul.f32 v4, v63;
	v38 =	vadd.f32 v22, v38;
	v40 =	vld [tilespmem:$0xA80];
	v0 =	vadd.f32 v0, v39  }
0x20e: {  	v44 =	vld [tilespmem:$0x1280];
	v9 =	vadd.f32 v59, v9;
	v33 =	vadd.f32 v33, v48  }
0x20f: {  	v4 =	vsel vm0, $0x0, v4;
	v54 =	vld [tilespmem:$0x12A0];
	v56 =	vperm.xlane v0, v47  }
0x210: {  	v30 =	vsel vm4, v30, v38;
	v38 =	vld [tilespmem:$0x12B0];
	v4 =	vadd.f32 v4, v9;
	v61 =	vperm.xlane v33, v1  }
0x211: {  	v8 =	vmul.f32 v27, v8;
	v9 =	vld [tilespmem:$0xAB0];
	v0 =	vadd.f32 v0, v56  }
0x212: {  	v24 =	vmul.f32 v49, v24;
	v26 =	vld [tilespmem:$0x1230];
	v33 =	vadd.f32 v33, v61;
	v61 =	vperm.xlane v4, v47  }
0x213: {  	v22 =	vld [tilespmem:$0x1210];
	v62 =	vperm.xlane v45, v3;
	v63 =	vperm.xlane v0, v1  }
0x214: {  	v15 =	vld [tilespmem:$0x1200];
	v44 =	vmul.f32 v44, v40;
	v54 =	vmul.f32 v54, v18;
	v4 =	vadd.f32 v4, v61  }
0x215: {  	v19 =	vld [tilespmem:$0xA10];
	v59 =	vperm.xlane v33, v2;
	v0 =	vadd.f32 v0, v63;
	v63 =	vperm.xlane v16, v1  }
0x216: {  	v13 =	vld [tilespmem:$0xA20];
	v20 =	vadd.f32 v45, v62;
	v9 =	vmul.f32 v38, v9;
	v61 =	vperm.xlane v4, v1  }
0x217: {  	v23 =	vld [tilespmem:$0x1220];
	v14 =	vmul.f32 v26, v14;
	v33 =	vadd.f32 v33, v59;
	v16 =	vadd.f32 v16, v63  }
0x218: {  	v55 =	vld [tilespmem:$0x12C0];
	v56 =	vmul.f32 v41, v37;
	v4 =	vadd.f32 v4, v61;
	v62 =	vperm.xlane v0, v2  }
0x219: {  	v45 =	vld [tilespmem:$0xB10];
	v20 =	vsel vm5, v30, v20;
	v59 =	vperm.xlane v33, v3;
	v63 =	vperm.xlane v16, v2  }
0x21a: {  	v48 =	vld [tilespmem:$0xACA];
	v30 =	vadd.f32 v57, v56;
	v42 =	vperm.xlane v4, v2;
	v0 =	vadd.f32 v0, v62  }
0x21b: {  	v39 =	vld [tilespmem:$0x1290];
	v61 =	vmul.f32 v58, v52;
	v33 =	vadd.f32 v33, v59;
	v16 =	vadd.f32 v16, v63  }
0x21c: {  	v41 =	vld [tilespmem:$0x12CA];
	v30 =	vadd.f32 v36, v30;
	v4 =	vadd.f32 v4, v42;
	v62 =	vperm.xlane v0, v3  }
0x21d: {  	v37 =	vld [tilespmem:$0xB30];
	v59 =	vmul.f32 v51, v50;
	v5 =	vadd.f32 v5, v61;
	v57 =	vperm.xlane v16, v3  }
0x21e: {  	v52 =	vld [tilespmem:$0xBA0];
	v56 =	vadd.f32 v32, v30;
	v0 =	vadd.f32 v0, v62;
	v62 =	vperm.xlane v4, v3  }
0x21f: {  	v36 =	vld [tilespmem:$0xB20];
	v20 =	vsel vm0, v20, v33;
	v5 =	vadd.f32 v6, v5;
	v16 =	vadd.f32 v16, v57  }
0x220: {  	v50 =	vld [tilespmem:$0x1390];
	v33 =	vsel vm0, $0x0, v59;
	v0 =	vsel vm6, v20, v0;
	v4 =	vadd.f32 v4, v62  }
0x221: {  	v30 =	vld [tilespmem:$0x1320];
	v5 =	vadd.f32 v12, v5;
	v20 =	vadd.f32 v24, v56;
	v0 =	vsel vm7, v0, v16  }
0x222: {  	v12 =	vld [tilespmem:$0x1380];
	v24 =	vmul.f32 v22, v19;
	v0 =	vsel vm8, v0, v4;
	v4 =	vmul.f32 v15, v10  }
0x223: {  	v49 =	vmul.f32 v39, v28;
	v51 =	vsel vm0, $0x0, v31;
	v20 =	vadd.f32 v33, v20;
	v33 =	vld [tilespmem:$0xB90]  }
0x224: {  	v61 =	vmul.f32 v43, v46;
	v32 =	vmul.f32 v23, v13;
	v15 =	vld [tilespmem:$0xB80];
	v4 =	vadd.f32 v24, v4  }
0x225: {  	v42 =	vld [tilespmem:$0xB40];
	v59 =	vmul.f32 v55, v53;
	v5 =	vadd.f32 v7, v5;
	v7 =	vadd.f32 v49, v44  }
0x226: {  	v31 =	vmul.f32 v30, v36;
	v36 =	vmul.f32 v41, v48;
	v56 =	vld [tilespmem:$0x13A0];
	v4 =	vadd.f32 v32, v4  }
0x227: {  	v58 =	vld [tilespmem:$0xBB0];
	v5 =	vadd.f32 v51, v5;
	v7 =	vadd.f32 v54, v7;
	v63 =	vperm.xlane v20, v47  }
0x228: {  	v57 =	vmul.f32 v25, v34;
	v62 =	vmul.f32 v35, v45;
	v34 =	vld [tilespmem:$0x13CA];
	v4 =	vadd.f32 v14, v4  }
0x229: {  	v16 =	vld [tilespmem:$0xB4A];
	v6 =	vadd.f32 v20, v63;
	v28 =	vmul.f32 v50, v33;
	v27 =	vmul.f32 v12, v15  }
0x22a: {  	v38 =	vmul.f32 v11, v42;
	v63 =	vld [tilespmem:$0xBC0];
	v4 =	vadd.f32 v8, v4;
	v8 =	vadd.f32 v62, v61  }
0x22b: {  	v7 =	vadd.f32 v9, v7;
	v32 =	vld [tilespmem:$0xBCA];
	v33 =	vmul.f32 v56, v52;
	v9 =	vadd.f32 v28, v27  }
0x22c: {  	v41 =	vsel vm0, $0x0, v36;
	v35 =	vmul.f32 v17, v37;
	v8 =	vadd.f32 v31, v8  }
0x22d: {  	v37 =	vmul.f32 v60, v58;
	v43 =	vperm.xlane v5, v47;
	v9 =	vadd.f32 v33, v9  }
0x22e: {  	v7 =	vadd.f32 v59, v7;
	v39 =	vmul.f32 v21, v16;
	v8 =	vadd.f32 v35, v8  }
0x22f: {  	v14 =	vsel vm0, $0x0, v57;
	v40 =	vmul.f32 v29, v63;
	v9 =	vadd.f32 v37, v9  }
0x230: {  	v42 =	vmul.f32 v34, v32;
	v4 =	vadd.f32 v14, v4;
	v8 =	vadd.f32 v38, v8  }
0x231: {  	v7 =	vadd.f32 v41, v7;
	v11 =	vsel vm0, $0x0, v39;
	v9 =	vadd.f32 v40, v9  }
0x232: {  	v10 =	vsel vm0, $0x0, v42;
	v44 =	vperm.xlane v4, v47;
	v8 =	vadd.f32 v11, v8  }
0x233: {  	v5 =	vadd.f32 v5, v43;
	v45 =	vperm.xlane v7, v47;
	v9 =	vadd.f32 v10, v9  }
0x234: {  	v46 =	vperm.xlane v6, v1;
	v4 =	vadd.f32 v4, v44;
	v48 =	vperm.xlane v8, v47  }
0x235: {  	v13 =	vperm.xlane v5, v1;
	v7 =	vadd.f32 v7, v45;
	v49 =	vperm.xlane v9, v47  }
0x236: {  	v6 =	vadd.f32 v6, v46;
	v50 =	vperm.xlane v4, v1;
	v8 =	vadd.f32 v8, v48  }
0x237: {  	v5 =	vadd.f32 v5, v13;
	v51 =	vperm.xlane v7, v1;
	v9 =	vadd.f32 v9, v49  }
0x238: {  	v52 =	vperm.xlane v6, v2;
	v4 =	vadd.f32 v4, v50;
	v53 =	vperm.xlane v8, v1  }
0x239: {  	v13 =	vperm.xlane v5, v2;
	v7 =	vadd.f32 v7, v51;
	v54 =	vperm.xlane v9, v1  }
0x23a: {  	v6 =	vadd.f32 v6, v52;
	v55 =	vperm.xlane v4, v2;
	v8 =	vadd.f32 v8, v53  }
0x23b: {  	v5 =	vadd.f32 v5, v13;
	v56 =	vperm.xlane v7, v2;
	v9 =	vadd.f32 v9, v54  }
0x23c: {  	v57 =	vperm.xlane v6, v3;
	v4 =	vadd.f32 v4, v55;
	v58 =	vperm.xlane v8, v2  }
0x23d: {  	v13 =	vperm.xlane v5, v3;
	v7 =	vadd.f32 v7, v56;
	v59 =	vperm.xlane v9, v2  }
0x23e: {  	v6 =	vadd.f32 v6, v57;
	v60 =	vperm.xlane v4, v3;
	v8 =	vadd.f32 v8, v58  }
0x23f: {  	v5 =	vadd.f32 v5, v13;
	v61 =	vperm.xlane v7, v3;
	v9 =	vadd.f32 v9, v59  }
0x240: {  	v0 =	vsel vm9, v0, v6;
	v4 =	vadd.f32 v4, v60;
	v62 =	vperm.xlane v8, v3  }
0x241: {  	p0 =	sne.s32 s31, $0x7C0;
	v0 =	vsel vm10, v0, v5;
	v5 =	vadd.f32 v7, v61;
	v63 =	vperm.xlane v9, v3  }
.Ltmp0:
0x242: {  	v0 =	vsel vm11, v0, v4;
	v4 =	vadd.f32 v8, v62;
	(pc) =	sbr.rel @p0 .LBB2_2-.Ltmp0, $4  }
0x243: {  	v0 =	vsel vm12, v0, v5;
	v5 =	vadd.f32 v9, v63  }
0x244: {  	v0 =	vsel vm13, v0, v4  }
0x245: {  	v0 =	vsel vm14, v0, v5  }
0x246: {  	s31 =	sadd.s32 $0x40, s31;
	[tilespmem:s0+$0x1800] =	vst v0  }
0x247: {  	_ =	swait.ge [sflag:s28], $0x80  }
0x248: {  	[sflag:s28] =	ssyncset.done $0x0  }
0x249: {  	[sflag:s28] =	ssyncadd.s32 $0xFFFFFF80  }
0x24a: {  	_ =	swait.ge [sflag:s28], $0x80  }
0x24b: {  	[sflag:s28] =	ssyncset.done $0x0  }
0x24c: {  	[sflag:s28] =	ssyncadd.s32 $0xFFFFFF80  }
0x24d: {  	_ =	swait.ge [sflag:s28], $0x80  }
0x24e: {  	[sflag:s28] =	ssyncset.done $0x0  }
0x24f: {  	[sflag:s28] =	ssyncadd.s32 $0xFFFFFF80  }
0x250: {  	_ =	swait.ge [sflag:s28], $0x80  }
0x251: {  	[sflag:s28] =	ssyncset.done $0x0  }
0x252: {  	[sflag:s28] =	ssyncadd.s32 $0xFFFFFF80  }
0x253: {  	_ =	swait.ge [sflag:s28], $0x80  }
0x254: {  	[sflag:s28] =	ssyncset.done $0x0  }
0x255: {  	[sflag:s28] =	ssyncadd.s32 $0xFFFFFF80  }
0x256: {  	_ =	swait.ge [sflag:s28], $0x80  }
0x257: {  	[sflag:s28] =	ssyncset.done $0x0  }
0x258: {  	[sflag:s28] =	ssyncadd.s32 $0xFFFFFF80  }
0x259: {  	_ =	swait.ge [sflag:s28], $0x80  }
0x25a: {  	[sflag:s28] =	ssyncset.done $0x0  }
0x25b: {  	[sflag:s28] =	ssyncadd.s32 $0xFFFFFF80  }
0x25c: {  	_ =	swait.ge [sflag:s28], $0x80  }
0x25d: {  	[sflag:s28] =	ssyncset.done $0x0  }
0x25e: {  	[sflag:s28] =	ssyncadd.s32 $0xFFFFFF80  }
0x25f: {  	v0 =	vld [tilespmem:$0x1800]  }
0x260: {  	v4 =	vld [tilespmem:$0x1400]  }
0x261: {  	v5 =	vld [tilespmem:$0x1600]  }
0x262: {  	v6 =	vld [tilespmem:$0x1810]  }
0x263: {  	v7 =	vld [tilespmem:$0x1410]  }
0x264: {  	v8 =	vld [tilespmem:$0x1610]  }
0x265: {  	v9 =	vld [tilespmem:$0x1820]  }
0x266: {  	v10 =	vld [tilespmem:$0x1420]  }
0x267: {  	v11 =	vld [tilespmem:$0x1620]  }
0x268: {  	v12 =	vld [tilespmem:$0x1830]  }
0x269: {  	v13 =	vld [tilespmem:$0x1430]  }
0x26a: {  	v14 =	vld [tilespmem:$0x1630]  }
0x26b: {  	v15 =	vld [tilespmem:$0x1840]  }
0x26c: {  	v16 =	vld [tilespmem:$0x1440]  }
0x26d: {  	v17 =	vld [tilespmem:$0x1640]  }
0x26e: {  	v18 =	vld [tilespmem:$0x1850]  }
0x26f: {  	v19 =	vld [tilespmem:$0x1450]  }
0x270: {  	v20 =	vld [tilespmem:$0x1650]  }
0x271: {  	v21 =	vld [tilespmem:$0x1860]  }
0x272: {  	v22 =	vld [tilespmem:$0x1460]  }
0x273: {  	v23 =	vld [tilespmem:$0x1660]  }
0x274: {  	v24 =	vld [tilespmem:$0x1870]  }
0x275: {  	v25 =	vld [tilespmem:$0x1470]  }
0x276: {  	v26 =	vld [tilespmem:$0x1670]  }
0x277: {  	v27 =	vld [tilespmem:$0x1880]  }
0x278: {  	v28 =	vld [tilespmem:$0x1480]  }
0x279: {  	v29 =	vld [tilespmem:$0x1680]  }
0x27a: {  	v30 =	vld [tilespmem:$0x1890]  }
0x27b: {  	v31 =	vld [tilespmem:$0x1490]  }
0x27c: {  	v32 =	vld [tilespmem:$0x1690]  }
0x27d: {  	v33 =	vld [tilespmem:$0x18A0]  }
0x27e: {  	v34 =	vld [tilespmem:$0x14A0]  }
0x27f: {  	v35 =	vld [tilespmem:$0x16A0]  }
0x280: {  	v36 =	vld [tilespmem:$0x18B0]  }
0x281: {  	v37 =	vld [tilespmem:$0x14B0]  }
0x282: {  	v38 =	vld [tilespmem:$0x16B0]  }
0x283: {  	v39 =	vld [tilespmem:$0x18C0]  }
0x284: {  	v40 =	vld [tilespmem:$0x14C0]  }
0x285: {  	v41 =	vld [tilespmem:$0x16C0]  }
0x286: {  	v42 =	vld [tilespmem:$0x18D0]  }
0x287: {  	v43 =	vld [tilespmem:$0x14D0]  }
0x288: {  	v44 =	vld [tilespmem:$0x16D0]  }
0x289: {  	v45 =	vld [tilespmem:$0x18E0]  }
0x28a: {  	v46 =	vld [tilespmem:$0x14E0]  }
0x28b: {  	v48 =	vld [tilespmem:$0x16E0]  }
0x28c: {  	v49 =	vld [tilespmem:$0x18F0]  }
0x28d: {  	v50 =	vld [tilespmem:$0x14F0]  }
0x28e: {  	v51 =	vld [tilespmem:$0x16F0]  }
0x28f: {  	v52 =	vld [tilespmem:$0x1900]  }
0x290: {  	v53 =	vld [tilespmem:$0x1500]  }
0x291: {  	v54 =	vld [tilespmem:$0x1700]  }
0x292: {  	v55 =	vld [tilespmem:$0x1910]  }
0x293: {  	v56 =	vld [tilespmem:$0x1510]  }
0x294: {  	v58 =	vld [tilespmem:$0x1540]  }
0x295: {  	v0 =	vadd.f32 v4, v0;
	v4 =	vld [tilespmem:$0x1710];
	v6 =	vadd.f32 v7, v6  }
0x296: {  	v7 =	vld [tilespmem:$0x1920];
	v61 =	vadd.f32 v13, v12;
	v62 =	vadd.f32 v16, v15  }
0x297: {  	v12 =	vld [tilespmem:$0x1930];
	v63 =	vadd.f32 v19, v18;
	v22 =	vadd.f32 v22, v21  }
0x298: {  	v16 =	vld [tilespmem:$0x1730];
	v25 =	vadd.f32 v25, v24;
	v57 =	vadd.f32 v28, v27  }
0x299: {  	v18 =	vld [tilespmem:$0x1940];
	v59 =	vadd.f32 v31, v30;
	v60 =	vadd.f32 v34, v33  }
0x29a: {  	v39 =	vadd.f32 v40, v39;
	v28 =	vld [tilespmem:$0x1750];
	v40 =	vadd.f32 v43, v42  }
0x29b: {  	v30 =	vld [tilespmem:$0x1960];
	v42 =	vadd.f32 v50, v49;
	v0 =	vadd.f32 v5, v0  }
0x29c: {  	v43 =	vld [tilespmem:$0x1760];
	v5 =	vadd.f32 v10, v9;
	v6 =	vadd.f32 v8, v6  }
0x29d: {  	v49 =	vld [tilespmem:$0x1770];
	v8 =	vadd.f32 v14, v61;
	v13 =	vadd.f32 v20, v63  }
0x29e: {  	v50 =	vld [tilespmem:$0x1980];
	v15 =	vadd.f32 v23, v22;
	v19 =	vadd.f32 v29, v57  }
0x29f: {  	v9 =	vld [tilespmem:$0x1520];
	v21 =	vadd.f32 v32, v59;
	v23 =	vadd.f32 v35, v60  }
0x2a0: {  	v10 =	vld [tilespmem:$0x1720];
	v27 =	vadd.f32 v41, v39;
	v41 =	vadd.f32 v46, v45  }
0x2a1: {  	v14 =	vld [tilespmem:$0x1530];
	v29 =	vadd.f32 v44, v40;
	v44 =	vadd.f32 v53, v52  }
0x2a2: {  	v22 =	vld [tilespmem:$0x1740];
	v33 =	vadd.f32 v51, v42;
	v46 =	vadd.f32 v56, v55  }
0x2a3: {  	v61 =	vld [tilespmem:$0x1950];
	v5 =	vadd.f32 v11, v5;
	v11 =	vadd.f32 v17, v62  }
0x2a4: {  	v63 =	vld [tilespmem:$0x1550];
	v17 =	vadd.f32 v26, v25;
	v62 =	vadd.f32 v37, v36  }
0x2a5: {  	v32 =	vld [tilespmem:$0x1560];
	v31 =	vadd.f32 v48, v41;
	v0 =	vadd.f32 $3.500000000e+00, v0  }
0x2a6: {  	v45 =	vld [tilespmem:$0x1970];
	v35 =	vadd.f32 v54, v44;
	v6 =	vadd.f32 $3.500000000e+00, v6  }
0x2a7: {  	v51 =	vld [tilespmem:$0x1580];
	v52 =	vadd.f32 $3.500000000e+00, v8;
	v56 =	vadd.f32 $3.500000000e+00, v13  }
0x2a8: {  	v55 =	vld [tilespmem:$0x1990];
	v26 =	vadd.f32 $3.500000000e+00, v21;
	v44 =	vadd.f32 $3.500000000e+00, v29;
	[tilespmem:$0x1800] =	vst v0  }
0x2a9: {  	v57 =	vld [tilespmem:$0x1590];
	v4 =	vadd.f32 v4, v46;
	v0 =	vadd.f32 $3.500000000e+00, v5;
	[tilespmem:$0x1810] =	vst v6  }
0x2aa: {  	v59 =	vld [tilespmem:$0x1790];
	v58 =	vadd.f32 v58, v18;
	v25 =	vadd.f32 v38, v62;
	[tilespmem:$0x1830] =	vst v52  }
0x2ab: {  	v42 =	vld [tilespmem:$0x15B0];
	v60 =	vadd.f32 $3.500000000e+00, v17;
	[tilespmem:$0x1820] =	vst v0;
	v0 =	vadd.f32 $3.500000000e+00, v11  }
0x2ac: {  	v48 =	vld [tilespmem:$0x1570];
	[tilespmem:$0x1850] =	vst v56;
	v5 =	vadd.f32 v9, v7;
	v53 =	vadd.f32 v14, v12  }
0x2ad: {  	v54 =	vld [tilespmem:$0x1780];
	v61 =	vadd.f32 v63, v61;
	[tilespmem:$0x1840] =	vst v0;
	v0 =	vadd.f32 $3.500000000e+00, v15  }
0x2ae: {  	v46 =	vld [tilespmem:$0x15C0];
	[tilespmem:$0x1890] =	vst v26;
	v12 =	vadd.f32 v22, v58;
	v30 =	vadd.f32 v32, v30  }
0x2af: {  	v62 =	vld [tilespmem:$0x19A0];
	v7 =	vadd.f32 v51, v50;
	[tilespmem:$0x1860] =	vst v0;
	v0 =	vadd.f32 $3.500000000e+00, v19  }
0x2b0: {  	[tilespmem:$0x18D0] =	vst v44;
	v52 =	vld [tilespmem:$0x15D0];
	v4 =	vadd.f32 $3.500000000e+00, v4;
	v40 =	vadd.f32 $3.500000000e+00, v25  }
0x2b1: {  	v56 =	vld [tilespmem:$0x15E0];
	v5 =	vadd.f32 v10, v5;
	[tilespmem:$0x1880] =	vst v0;
	v0 =	vadd.f32 $3.500000000e+00, v23  }
0x2b2: {  	v63 =	vld [tilespmem:$0x15A0];
	[tilespmem:$0x1870] =	vst v60;
	v8 =	vadd.f32 v16, v53;
	v14 =	vadd.f32 v28, v61  }
0x2b3: {  	v32 =	vld [tilespmem:$0x19B0];
	v41 =	vadd.f32 v48, v45;
	[tilespmem:$0x18A0] =	vst v0;
	v0 =	vadd.f32 $3.500000000e+00, v27  }
0x2b4: {  	v50 =	vld [tilespmem:$0x19D0];
	v18 =	vadd.f32 v43, v30;
	v48 =	vadd.f32 $3.500000000e+00, v33;
	[tilespmem:$0x1910] =	vst v4  }
0x2b5: {  	v28 =	vld [tilespmem:$0x17A0];
	v10 =	vadd.f32 v57, v55;
	[tilespmem:$0x18C0] =	vst v0;
	v0 =	vadd.f32 $3.500000000e+00, v31  }
0x2b6: {  	v43 =	vld [tilespmem:$0x17B0];
	v7 =	vadd.f32 v54, v7;
	[tilespmem:$0x18B0] =	vst v40;
	v20 =	vadd.f32 v49, v41  }
0x2b7: {  	v45 =	vld [tilespmem:$0x19C0];
	v51 =	vadd.f32 v59, v10;
	[tilespmem:$0x18E0] =	vst v0;
	v0 =	vadd.f32 $3.500000000e+00, v35  }
0x2b8: {  	v53 =	vld [tilespmem:$0x17D0];
	[tilespmem:$0x18F0] =	vst v48;
	v4 =	vadd.f32 $3.500000000e+00, v8;
	v54 =	vadd.f32 v42, v32  }
0x2b9: {  	v49 =	vld [tilespmem:$0x17C0];
	v9 =	vadd.f32 v52, v50;
	[tilespmem:$0x1900] =	vst v0;
	v0 =	vadd.f32 $3.500000000e+00, v5  }
0x2ba: {  	v57 =	vld [tilespmem:$0x19F0];
	[tilespmem:$0x1930] =	vst v4;
	v4 =	vadd.f32 $3.500000000e+00, v14;
	v6 =	vadd.f32 $3.500000000e+00, v51  }
0x2bb: {  	v59 =	vld [tilespmem:$0x15F0];
	v8 =	vadd.f32 v43, v54;
	[tilespmem:$0x1920] =	vst v0;
	v0 =	vadd.f32 $3.500000000e+00, v12  }
0x2bc: {  	v55 =	vld [tilespmem:$0x19E0];
	v58 =	vadd.f32 v46, v45;
	[tilespmem:$0x1950] =	vst v4;
	v4 =	vadd.f32 $3.500000000e+00, v20  }
0x2bd: {  	v5 =	vadd.f32 v63, v62;
	v62 =	vld [tilespmem:$0x17F0];
	[tilespmem:$0x1940] =	vst v0;
	v0 =	vadd.f32 $3.500000000e+00, v18  }
0x2be: {  	v60 =	vld [tilespmem:$0x17E0];
	[tilespmem:$0x1990] =	vst v6;
	v61 =	vadd.f32 v49, v58;
	v8 =	vadd.f32 $3.500000000e+00, v8  }
0x2bf: {  	v5 =	vadd.f32 v28, v5;
	[tilespmem:$0x1960] =	vst v0;
	v0 =	vadd.f32 $3.500000000e+00, v7  }
0x2c0: {  	[tilespmem:$0x1970] =	vst v4;
	v4 =	vadd.f32 v53, v9;
	v63 =	vadd.f32 v59, v57  }
0x2c1: {  	v5 =	vadd.f32 $3.500000000e+00, v5;
	[tilespmem:$0x1980] =	vst v0;
	v0 =	vadd.f32 v56, v55  }
0x2c2: {  	[tilespmem:$0x19B0] =	vst v8;
	v4 =	vadd.f32 $3.500000000e+00, v4;
	v6 =	vadd.f32 v62, v63  }
0x2c3: {  	[tilespmem:$0x19A0] =	vst v5;
	v5 =	vadd.f32 $3.500000000e+00, v61;
	v0 =	vadd.f32 v60, v0  }
0x2c4: {  	[tilespmem:$0x19D0] =	vst v4;
	v4 =	vadd.f32 $3.500000000e+00, v6  }
0x2c5: {  	s30 =	sadd.s32 $0x1, s30;
	[tilespmem:$0x19C0] =	vst v5;
	v0 =	vadd.f32 $3.500000000e+00, v0  }
0x2c6: {  	p0 =	sne.s32 s30, s16;
	[tilespmem:$0x19F0] =	vst v4  }
.Ltmp1:
0x2c7: {  	s0 =	simm.s32 $0x1800;
	[tilespmem:$0x19E0] =	vst v0;
	(pc) =	sbr.rel @p0 .LBB2_1-.Ltmp1, $4  }
0x2c8: {  	[hbm4b:s15+s3] =	stream.linear.scatter [tilespmem:s0], [sflag:$0x4], $0x200, $0x38;
	[tilespmem:$0x1A00] =	vst v63  }
0x2c9: {  	_ =	swait.ge [sflag:s17], $0x200  }
0x2ca: {  	[sflag:s17] =	ssyncset.done $0x0  }
0x2cb: {  	[sflag:s17] =	ssyncadd.s32 $0xFFFFFE00  }
0x2cc: {  	_ =	sfence.sel $0x180000  }
0x2cd: {  	[bflag:$0x0] =	sbarrier.arrive $0xFFFF  }
0x2ce: {  	_ =	strace $0x90000047  }
0x2cf: {  	s0 =	stileid.u32;
	[bflag:$0x2] =	sbarrier.arrive $0xFFFF  }
0x2d0: {  	p0 =	sne.s32 s0, $0x0;
	s0 =	rddreg [dreg:$0x6]  }
0x2d1: {  	s0 =	sadd.s32 @!p0 $0x100000, s0  }
0x2d2: {  	[sflag:s0] =	ssyncadd.tile.s32 @!p0 $0x1;
	_ =	shalt  }
.Lfunc_end2:
_tile_overlayer_lowered:
.L_overlay_start_2:
0x2d3: {  	(tag) =	ssettag $0x2  }
0x2d4: {  	s0 =	rddreg [dreg:$0x0];
	s2 =	stileid.u32  }
0x2d5: {  	s1 =	rddreg [dreg:$0x1];
	p0 =	sne.s32 s2, $0x0  }
0x2d6: {  	s3 =	rddreg [dreg:$0x2];
	[bflag:$0x3] =	sbarrier.arrive $0xFFFF;
	s2 =	simm.s32 @!p0 $0x1C04  }
0x2d7: {  	[timem:s3], [sflag:s2] =	dma.local @!p0 [hbm:s0], s1  }
0x2d8: {  	s0 =	simm.s32 @!p0 $0x4  }
0x2d9: {  	_ =	swait.ge @!p0 [sflag:s0], s1  }
0x2da: {  	s1 =	ssub.s32 @!p0 $0x0, s1;
	[sflag:s0] =	ssyncset.done @!p0 $0x0  }
0x2db: {  	[sflag:s0] =	ssyncadd.s32 @!p0 s1  }
0x2dc: {  	[bflag:$0x3] =	sbarrier.arrive $0xFFFF  }
0x2dd: {  	_ =	shalt  }

</sc_bundles>
